<compile_context>
chip_gen: v7x
topology: tpu7x:2x2x1
jax: 0.10.2.dev20260603
libtpu: 0.0.44.dev20260713+nightly
codegen_flags: <defaults>
</compile_context>

<pallas_src>
import functools

import jax
import jax.numpy as jnp
from jax import lax
from jax.experimental import pallas as pl
from jax.experimental.pallas import tpu as pltpu
from jax.experimental.pallas import tpu_sc as plsc

N = 10000
E = 320000
LANES = 128
ROWS = E // LANES
NC = 2
NS = 16
NW = NC * NS
RPW = 72
NEX = (ROWS - NW * RPW) // 8
TAIL = ROWS - NW * RPW - NEX * 8
MAXR = RPW + 8
NPAD = 10240
SEG = NPAD // NS
KIF = 8


def _sc_degrees_body(e2, degs, srcb, dstb, oneb, zb, deg_o, deg_i, sem):
  c = lax.axis_index("c")
  s = lax.axis_index("s")
  w = s * NC + c
  nrows = jnp.where(w < NEX, RPW + 8, jnp.where(w == NEX, RPW + TAIL, RPW))
  one16 = jnp.full((16,), 1.0, jnp.float32)
  zero16 = jnp.zeros((16,), jnp.float32)
  for k in range(LANES // 16):
    oneb[pl.ds(k * 16, 16)] = one16
  for k in range(SEG // 16):
    zb[pl.ds(k * 16, 16)] = zero16
  pltpu.sync_copy(zb, deg_o.at[pl.ds(s * SEG, SEG)])
  pltpu.sync_copy(zb, deg_i.at[pl.ds(s * SEG, SEG)])
  base = w * (RPW * LANES)
  pltpu.sync_copy(e2.at[0, pl.ds(base, RPW * LANES)], srcb.at[pl.ds(0, RPW * LANES)])
  pltpu.sync_copy(e2.at[1, pl.ds(base, RPW * LANES)], dstb.at[pl.ds(0, RPW * LANES)])

  @pl.when(w < NEX)
  def _():
    ebase = (NW * RPW + w * 8) * LANES
    pltpu.sync_copy(e2.at[0, pl.ds(ebase, 8 * LANES)], srcb.at[pl.ds(RPW * LANES, 8 * LANES)])
    pltpu.sync_copy(e2.at[1, pl.ds(ebase, 8 * LANES)], dstb.at[pl.ds(RPW * LANES, 8 * LANES)])

  @pl.when(w == NEX)
  def _():
    tbase = (NW * RPW + NEX * 8) * LANES
    pltpu.sync_copy(e2.at[0, pl.ds(tbase, TAIL * LANES)], srcb.at[pl.ds(RPW * LANES, TAIL * LANES)])
    pltpu.sync_copy(e2.at[1, pl.ds(tbase, TAIL * LANES)], dstb.at[pl.ds(RPW * LANES, TAIL * LANES)])

  plsc.subcore_barrier()

  def body(j, carry):
    @pl.when(j < nrows)
    def _():
      pltpu.async_copy(oneb, deg_o.at[srcb.at[pl.ds(j * LANES, LANES)]], sem, add=True)
      pltpu.async_copy(oneb, deg_i.at[dstb.at[pl.ds(j * LANES, LANES)]], sem, add=True)

    @pl.when((j >= KIF) & (j - KIF < nrows - KIF))
    def _():
      pltpu.make_async_copy(oneb, deg_o.at[srcb.at[pl.ds((j - KIF) * LANES, LANES)]], sem).wait()
      pltpu.make_async_copy(oneb, deg_i.at[dstb.at[pl.ds((j - KIF) * LANES, LANES)]], sem).wait()

    return carry

  lax.fori_loop(0, MAXR, body, 0)
  for t in range(KIF):
    jj = nrows - KIF + t
    pltpu.make_async_copy(oneb, deg_o.at[srcb.at[pl.ds(jj * LANES, LANES)]], sem).wait()
    pltpu.make_async_copy(oneb, deg_i.at[dstb.at[pl.ds(jj * LANES, LANES)]], sem).wait()

  plsc.subcore_barrier()
  pltpu.sync_copy(deg_o.at[pl.ds(s * SEG, SEG)], degs.at[c * 2, 0, pl.ds(s * SEG, SEG)])
  pltpu.sync_copy(deg_i.at[pl.ds(s * SEG, SEG)], degs.at[c * 2 + 1, 0, pl.ds(s * SEG, SEG)])


def _newton_rsqrt(d):
  dm = jnp.maximum(d, 1.0)
  i = plsc.bitcast(dm, jnp.int32)
  i = jnp.full((16,), 0x5F3759DF, jnp.int32) - lax.shift_right_logical(i, 1)
  y = plsc.bitcast(i, jnp.float32)
  half = dm * 0.5
  for _ in range(3):
    y = y * (1.5 - half * y * y)
  return jnp.where(d > 0, y, 0.0)


def _sc_scatter_body(e2, u2, degs, accp, srcb, dstb, msga, msgb, ga_loc, gb_loc,
                     useg_a, useg_b, d0a, d0b, gseg_a, gseg_b, zb, ga_sh, gb_sh,
                     acc_a, acc_b, sem):
  c = lax.axis_index("c")
  s = lax.axis_index("s")
  w = s * NC + c
  nrows = jnp.where(w < NEX, RPW + 8, jnp.where(w == NEX, RPW + TAIL, RPW))
  t0 = s * SEG
  zero16 = jnp.zeros((16,), jnp.float32)
  for k in range(SEG // 16):
    zb[pl.ds(k * 16, 16)] = zero16
  pltpu.sync_copy(zb, acc_a.at[pl.ds(t0, SEG)])
  pltpu.sync_copy(zb, acc_b.at[pl.ds(t0, SEG)])
  pltpu.sync_copy(u2.at[0, 0, pl.ds(t0, SEG)], useg_a)
  pltpu.sync_copy(u2.at[1, 0, pl.ds(t0, SEG)], useg_b)
  pltpu.sync_copy(degs.at[0, 0, pl.ds(t0, SEG)], d0a)
  pltpu.sync_copy(degs.at[2, 0, pl.ds(t0, SEG)], d0b)
  base = w * (RPW * LANES)
  pltpu.sync_copy(e2.at[0, pl.ds(base, RPW * LANES)], srcb.at[pl.ds(0, RPW * LANES)])
  pltpu.sync_copy(e2.at[1, pl.ds(base, RPW * LANES)], dstb.at[pl.ds(0, RPW * LANES)])

  @pl.when(w < NEX)
  def _():
    ebase = (NW * RPW + w * 8) * LANES
    pltpu.sync_copy(e2.at[0, pl.ds(ebase, 8 * LANES)], srcb.at[pl.ds(RPW * LANES, 8 * LANES)])
    pltpu.sync_copy(e2.at[1, pl.ds(ebase, 8 * LANES)], dstb.at[pl.ds(RPW * LANES, 8 * LANES)])

  @pl.when(w == NEX)
  def _():
    tbase = (NW * RPW + NEX * 8) * LANES
    pltpu.sync_copy(e2.at[0, pl.ds(tbase, TAIL * LANES)], srcb.at[pl.ds(RPW * LANES, TAIL * LANES)])
    pltpu.sync_copy(e2.at[1, pl.ds(tbase, TAIL * LANES)], dstb.at[pl.ds(RPW * LANES, TAIL * LANES)])

  for k in range(SEG // 16):
    sl = pl.ds(k * 16, 16)
    ns = _newton_rsqrt(d0a[sl] + d0b[sl])
    gseg_a[sl] = useg_a[sl] * ns
    gseg_b[sl] = useg_b[sl] * ns
  pltpu.sync_copy(gseg_a, ga_sh.at[pl.ds(t0, SEG)])
  pltpu.sync_copy(gseg_b, gb_sh.at[pl.ds(t0, SEG)])
  plsc.subcore_barrier()
  pltpu.sync_copy(ga_sh, ga_loc)
  pltpu.sync_copy(gb_sh, gb_loc)

  def gather_row(j):
    for k in range(LANES // 16):
      idx16 = srcb[pl.ds(j * LANES + k * 16, 16)]
      msga[j, pl.ds(k * 16, 16)] = plsc.load_gather(ga_loc, [idx16])
      msgb[j, pl.ds(k * 16, 16)] = plsc.load_gather(gb_loc, [idx16])

  def sbody(j, carry):
    @pl.when(j < nrows)
    def _():
      gather_row(j)
      pltpu.async_copy(msga.at[j], acc_a.at[dstb.at[pl.ds(j * LANES, LANES)]], sem, add=True)
      pltpu.async_copy(msgb.at[j], acc_b.at[dstb.at[pl.ds(j * LANES, LANES)]], sem, add=True)

    @pl.when((j >= KIF) & (j < nrows))
    def _():
      jj = j - KIF
      pltpu.make_async_copy(msga.at[jj], acc_a.at[dstb.at[pl.ds(jj * LANES, LANES)]], sem).wait()
      pltpu.make_async_copy(msgb.at[jj], acc_b.at[dstb.at[pl.ds(jj * LANES, LANES)]], sem).wait()

    return carry

  lax.fori_loop(0, MAXR, sbody, 0)
  for t in range(KIF):
    jj = nrows - KIF + t
    pltpu.make_async_copy(msga.at[jj], acc_a.at[dstb.at[pl.ds(jj * LANES, LANES)]], sem).wait()
    pltpu.make_async_copy(msgb.at[jj], acc_b.at[dstb.at[pl.ds(jj * LANES, LANES)]], sem).wait()

  plsc.subcore_barrier()
  pltpu.sync_copy(acc_a.at[pl.ds(t0, SEG)], accp.at[c * 2, 0, pl.ds(t0, SEG)])
  pltpu.sync_copy(acc_b.at[pl.ds(t0, SEG)], accp.at[c * 2 + 1, 0, pl.ds(t0, SEG)])


_sc_degrees = functools.partial(
    pl.kernel,
    out_type=jax.ShapeDtypeStruct((4, 1, NPAD), jnp.float32),
    mesh=plsc.VectorSubcoreMesh(
        core_axis_name="c", subcore_axis_name="s", num_cores=NC, num_subcores=NS
    ),
    compiler_params=pltpu.CompilerParams(needs_layout_passes=False),
    scratch_types=[
        pltpu.VMEM((MAXR * LANES,), jnp.int32),
        pltpu.VMEM((MAXR * LANES,), jnp.int32),
        pltpu.VMEM((LANES,), jnp.float32),
        pltpu.VMEM((SEG,), jnp.float32),
        pltpu.VMEM_SHARED((NPAD,), jnp.float32),
        pltpu.VMEM_SHARED((NPAD,), jnp.float32),
        pltpu.SemaphoreType.DMA,
    ],
)(_sc_degrees_body)


_sc_scatter = functools.partial(
    pl.kernel,
    out_type=jax.ShapeDtypeStruct((4, 1, NPAD), jnp.float32),
    mesh=plsc.VectorSubcoreMesh(
        core_axis_name="c", subcore_axis_name="s", num_cores=NC, num_subcores=NS
    ),
    compiler_params=pltpu.CompilerParams(needs_layout_passes=False),
    scratch_types=[
        pltpu.VMEM((MAXR * LANES,), jnp.int32),
        pltpu.VMEM((MAXR * LANES,), jnp.int32),
        pltpu.VMEM((MAXR, LANES), jnp.float32),
        pltpu.VMEM((MAXR, LANES), jnp.float32),
        pltpu.VMEM((NPAD,), jnp.float32),
        pltpu.VMEM((NPAD,), jnp.float32),
        pltpu.VMEM((SEG,), jnp.float32),
        pltpu.VMEM((SEG,), jnp.float32),
        pltpu.VMEM((SEG,), jnp.float32),
        pltpu.VMEM((SEG,), jnp.float32),
        pltpu.VMEM((SEG,), jnp.float32),
        pltpu.VMEM((SEG,), jnp.float32),
        pltpu.VMEM((SEG,), jnp.float32),
        pltpu.VMEM_SHARED((NPAD,), jnp.float32),
        pltpu.VMEM_SHARED((NPAD,), jnp.float32),
        pltpu.VMEM_SHARED((NPAD,), jnp.float32),
        pltpu.VMEM_SHARED((NPAD,), jnp.float32),
        pltpu.SemaphoreType.DMA,
    ],
)(_sc_scatter_body)


def _tc_u_body(x_ref, we_ref, fw_ref, wg_ref, cw_ref, u2_ref):
  v = jnp.concatenate(
      [
          jnp.dot(we_ref[...], fw_ref[...], preferred_element_type=jnp.float32),
          jnp.dot(wg_ref[...], cw_ref[...], preferred_element_type=jnp.float32),
      ],
      axis=1,
  )
  u_t = lax.dot_general(v, x_ref[...], (((0,), (1,)), ((), ())),
                        preferred_element_type=jnp.float32)
  u2_ref[...] = jnp.concatenate(
      [u_t, jnp.zeros((2, NPAD - N), jnp.float32)], axis=1
  )[:, None, :]


def _tc_final_body(accp_ref, degs_ref, be_ref, fw_ref, fb_ref, bg_ref, cw_ref,
                   cb_ref, out_ref):
  deg_i = degs_ref[1, 0, :] + degs_ref[3, 0, :]
  nd = jnp.where(deg_i > 0, lax.rsqrt(jnp.maximum(deg_i, 1.0)), 0.0)
  acc_a = accp_ref[0, 0, :] + accp_ref[2, 0, :]
  acc_b = accp_ref[1, 0, :] + accp_ref[3, 0, :]
  c_est = jnp.dot(be_ref[...][None, :], fw_ref[...],
                  preferred_element_type=jnp.float32)[0, 0] + fb_ref[0]
  c_gnn = jnp.dot(bg_ref[...][None, :], cw_ref[...],
                  preferred_element_type=jnp.float32)[0, 0] + cb_ref[0]
  out_ref[0, :] = acc_a * nd + c_est
  out_ref[1, :] = acc_b * nd + c_gnn


_tc_u = pl.pallas_call(
    _tc_u_body,
    out_shape=jax.ShapeDtypeStruct((2, 1, NPAD), jnp.float32),
)

_tc_final = pl.pallas_call(
    _tc_final_body,
    out_shape=jax.ShapeDtypeStruct((2, NPAD), jnp.float32),
)


def kernel(x, edge_index, W_est, b_est, fc_w, fc_b, W_gnn, b_gnn, cls_w, cls_b):
  e2 = edge_index
  u2 = _tc_u(x, W_est, fc_w, W_gnn, cls_w)
  degs = _sc_degrees(e2)
  accp = _sc_scatter(e2, u2, degs)
  out = _tc_final(accp, degs, b_est, fc_w, fc_b, b_gnn, cls_w, cls_b)
  y = out[1, :N, None]
  s = out[0, :N, None]
  return (y, s)

# --- scband reference (transcript-rebuilt; emitter-appended) ---
"""Pipeline reference for scband-fair-gnn-8375186227370 (READ-ONLY COPY).

The authoritative reference and input builder live on the scoring server;
editing this copy changes nothing except your own understanding.
"""

import jax, jax.numpy as jnp
import numpy as np

N = 10000
E = 320000
NFEAT = 128
NHID = 128


def _glorot(key, shape):
    lim = float(np.sqrt(6.0 / (shape[0] + shape[1])))
    return jax.random.uniform(key, shape, jnp.float32, -lim, lim)


def setup_inputs(seed: int = 0) -> dict:
    key = jax.random.key(seed)
    ks = jax.random.split(key, 10)
    x = jax.random.normal(ks[0], (N, NFEAT), dtype=jnp.float32)
    edge_index = jax.random.randint(ks[1], (2, E), 0, N, dtype=jnp.int32)
    # estimator = GCN(nfeat, nhid, nclass=1): GraphConv(nfeat,nhid) body + Linear(nhid,1) fc
    W_est = _glorot(ks[2], (NFEAT, NHID))
    b_est = jnp.zeros((NHID,), jnp.float32)
    lim = float(1.0 / np.sqrt(NHID))
    fc_w = jax.random.uniform(ks[3], (NHID, 1), jnp.float32, -lim, lim)
    fc_b = jnp.zeros((1,), jnp.float32)
    # GNN = GCN_Body(nfeat, nhid): single GraphConv(nfeat, nhid)
    W_gnn = _glorot(ks[4], (NFEAT, NHID))
    b_gnn = jnp.zeros((NHID,), jnp.float32)
    # classifier = Linear(nhid, 1)
    cls_w = jax.random.uniform(ks[5], (NHID, 1), jnp.float32, -lim, lim)
    cls_b = jnp.zeros((1,), jnp.float32)
    return {"x": x, "edge_index": edge_index, "W_est": W_est, "b_est": b_est,
            "fc_w": fc_w, "fc_b": fc_b, "W_gnn": W_gnn, "b_gnn": b_gnn,
            "cls_w": cls_w, "cls_b": cls_b}


def _graph_conv(x, src, dst, W, b, n):
    # DGL GraphConv with norm='both': out = D_in^{-1/2} A (D_out^{-1/2} X W) + b
    ones = jnp.ones((src.shape[0],), jnp.float32)
    deg_out = jnp.zeros((n,), jnp.float32).at[src].add(ones)
    deg_in = jnp.zeros((n,), jnp.float32).at[dst].add(ones)
    norm_src = jnp.where(deg_out > 0, jax.lax.rsqrt(jnp.maximum(deg_out, 1.0)), 0.0)
    norm_dst = jnp.where(deg_in > 0, jax.lax.rsqrt(jnp.maximum(deg_in, 1.0)), 0.0)
    xw = x @ W
    msg = jnp.take(xw, src, axis=0) * norm_src[src][:, None]
    agg = jnp.zeros((n, xw.shape[1]), xw.dtype).at[dst].add(msg)
    return agg * norm_dst[:, None] + b


def reference(x, edge_index, W_est, b_est, fc_w, fc_b, W_gnn, b_gnn, cls_w, cls_b):
    src = edge_index[0]
    dst = edge_index[1]
    n = x.shape[0]
    # s = estimator(g, x): GraphConv body (no nonlinearity in GCN_Body) then fc
    h_est = _graph_conv(x, src, dst, W_est, b_est, n)
    s = h_est @ fc_w + fc_b
    # z = GNN(g, x)
    z = _graph_conv(x, src, dst, W_gnn, b_gnn, n)
    # y = classifier(z)
    y = z @ cls_w + cls_b
    return (y, s)

if __name__ == "__main__":
    import jax
    _d = setup_inputs()
    print(jax.jit(kernel)(*tuple(_d.values())))

</pallas_src>

<mosaic_0001>
#map = affine_map<(d0, d1) -> (0, 0)>
#map1 = affine_map<(d0, d1) -> (0, 0, 0)>
module attributes {stable_mosaic.version = 14 : i64} {
  func.func @_sc_degrees_body(%arg0: i32, %arg1: i32, %arg2: memref<2x320000xi32, #tpu.memory_space<hbm>>, %arg3: memref<4x1x10240xf32, #tpu.memory_space<hbm>>, %arg4: memref<10240xi32, #tpu.memory_space<vmem>>, %arg5: memref<10240xi32, #tpu.memory_space<vmem>>, %arg6: memref<128xf32, #tpu.memory_space<vmem>>, %arg7: memref<640xf32, #tpu.memory_space<vmem>>, %arg8: memref<10240xf32, #tpu.memory_space<vmem_shared>>, %arg9: memref<10240xf32, #tpu.memory_space<vmem_shared>>, %arg10: memref<!tpu.dma_semaphore, #tpu.memory_space<semaphore_mem>>) attributes {dimension_semantics = [#tpu.dimension_semantics<core_parallel>, #tpu.dimension_semantics<subcore_parallel>], iteration_bounds = array<i64: 2, 16>, scalar_prefetch = 0 : i64, scratch_operands = 7 : i64, tpu.core_type = #tpu.core_type<sc_vector_subcore>, window_params = [{transform_indices = #map}, {transform_indices = #map1}]} {
    %mul3A = arith.constant 2 : i32
    %mul3A_0 = arith.muli %arg1, %mul3A : i32
    %add3A = arith.addi %mul3A_0, %arg0 : i32
    %lt3A = arith.constant 24 : i32
    %lt3A_1 = arith.cmpi slt, %add3A, %lt3A : i32
    %eq3A = arith.constant 24 : i32
    %eq3A_2 = arith.cmpi eq, %add3A, %eq3A : i32
    %jit3A = arith.constant 76 : i32
    %jit3A_3 = arith.constant 72 : i32
    %select_n3A = arith.select %eq3A_2, %jit3A, %jit3A_3 : i32
    %jit3A_4 = arith.constant 80 : i32
    %select_n3A_5 = arith.select %lt3A_1, %jit3A_4, %select_n3A : i32
    %broadcast_in_dim3A = arith.constant 1.000000e+00 : f32
    %broadcast_in_dim3A_6 = vector.broadcast %broadcast_in_dim3A : f32 to vector<16xf32>
    %broadcast_in_dim3A_7 = arith.constant 0.000000e+00 : f32
    %broadcast_in_dim3A_8 = vector.broadcast %broadcast_in_dim3A_7 : f32 to vector<16xf32>
    %swap3A = arith.constant 0 : index
    %swap3A_9 = tpu.vector_load %arg6[%swap3A] {strides = array<i32>} : memref<128xf32, #tpu.memory_space<vmem>>, vector<16xf32>,
    tpu.vector_store %arg6[%swap3A], %broadcast_in_dim3A_6 {strides = array<i32>} : memref<128xf32, #tpu.memory_space<vmem>>, vector<16xf32>,
    %swap3A_10 = arith.constant 16 : index
    %swap3A_11 = tpu.vector_load %arg6[%swap3A_10] {strides = array<i32>} : memref<128xf32, #tpu.memory_space<vmem>>, vector<16xf32>,
    tpu.vector_store %arg6[%swap3A_10], %broadcast_in_dim3A_6 {strides = array<i32>} : memref<128xf32, #tpu.memory_space<vmem>>, vector<16xf32>,
    %swap3A_12 = arith.constant 32 : index
    %swap3A_13 = tpu.vector_load %arg6[%swap3A_12] {strides = array<i32>} : memref<128xf32, #tpu.memory_space<vmem>>, vector<16xf32>,
    tpu.vector_store %arg6[%swap3A_12], %broadcast_in_dim3A_6 {strides = array<i32>} : memref<128xf32, #tpu.memory_space<vmem>>, vector<16xf32>,
    %swap3A_14 = arith.constant 48 : index
    %swap3A_15 = tpu.vector_load %arg6[%swap3A_14] {strides = array<i32>} : memref<128xf32, #tpu.memory_space<vmem>>, vector<16xf32>,
    tpu.vector_store %arg6[%swap3A_14], %broadcast_in_dim3A_6 {strides = array<i32>} : memref<128xf32, #tpu.memory_space<vmem>>, vector<16xf32>,
    %swap3A_16 = arith.constant 64 : index
    %swap3A_17 = tpu.vector_load %arg6[%swap3A_16] {strides = array<i32>} : memref<128xf32, #tpu.memory_space<vmem>>, vector<16xf32>,
    tpu.vector_store %arg6[%swap3A_16], %broadcast_in_dim3A_6 {strides = array<i32>} : memref<128xf32, #tpu.memory_space<vmem>>, vector<16xf32>,
    %swap3A_18 = arith.constant 80 : index
    %swap3A_19 = tpu.vector_load %arg6[%swap3A_18] {strides = array<i32>} : memref<128xf32, #tpu.memory_space<vmem>>, vector<16xf32>,
    tpu.vector_store %arg6[%swap3A_18], %broadcast_in_dim3A_6 {strides = array<i32>} : memref<128xf32, #tpu.memory_space<vmem>>, vector<16xf32>,
    %swap3A_20 = arith.constant 96 : index
    %swap3A_21 = tpu.vector_load %arg6[%swap3A_20] {strides = array<i32>} : memref<128xf32, #tpu.memory_space<vmem>>, vector<16xf32>,
    tpu.vector_store %arg6[%swap3A_20], %broadcast_in_dim3A_6 {strides = array<i32>} : memref<128xf32, #tpu.memory_space<vmem>>, vector<16xf32>,
    %swap3A_22 = arith.constant 112 : index
    %swap3A_23 = tpu.vector_load %arg6[%swap3A_22] {strides = array<i32>} : memref<128xf32, #tpu.memory_space<vmem>>, vector<16xf32>,
    tpu.vector_store %arg6[%swap3A_22], %broadcast_in_dim3A_6 {strides = array<i32>} : memref<128xf32, #tpu.memory_space<vmem>>, vector<16xf32>,
    %swap3A_24 = arith.constant 0 : index
    %swap3A_25 = tpu.vector_load %arg7[%swap3A_24] {strides = array<i32>} : memref<640xf32, #tpu.memory_space<vmem>>, vector<16xf32>,
    tpu.vector_store %arg7[%swap3A_24], %broadcast_in_dim3A_8 {strides = array<i32>} : memref<640xf32, #tpu.memory_space<vmem>>, vector<16xf32>,
    %swap3A_26 = arith.constant 16 : index
    %swap3A_27 = tpu.vector_load %arg7[%swap3A_26] {strides = array<i32>} : memref<640xf32, #tpu.memory_space<vmem>>, vector<16xf32>,
    tpu.vector_store %arg7[%swap3A_26], %broadcast_in_dim3A_8 {strides = array<i32>} : memref<640xf32, #tpu.memory_space<vmem>>, vector<16xf32>,
    %swap3A_28 = arith.constant 32 : index
    %swap3A_29 = tpu.vector_load %arg7[%swap3A_28] {strides = array<i32>} : memref<640xf32, #tpu.memory_space<vmem>>, vector<16xf32>,
    tpu.vector_store %arg7[%swap3A_28], %broadcast_in_dim3A_8 {strides = array<i32>} : memref<640xf32, #tpu.memory_space<vmem>>, vector<16xf32>,
    %swap3A_30 = arith.constant 48 : index
    %swap3A_31 = tpu.vector_load %arg7[%swap3A_30] {strides = array<i32>} : memref<640xf32, #tpu.memory_space<vmem>>, vector<16xf32>,
    tpu.vector_store %arg7[%swap3A_30], %broadcast_in_dim3A_8 {strides = array<i32>} : memref<640xf32, #tpu.memory_space<vmem>>, vector<16xf32>,
    %swap3A_32 = arith.constant 64 : index
    %swap3A_33 = tpu.vector_load %arg7[%swap3A_32] {strides = array<i32>} : memref<640xf32, #tpu.memory_space<vmem>>, vector<16xf32>,
    tpu.vector_store %arg7[%swap3A_32], %broadcast_in_dim3A_8 {strides = array<i32>} : memref<640xf32, #tpu.memory_space<vmem>>, vector<16xf32>,
    %swap3A_34 = arith.constant 80 : index
    %swap3A_35 = tpu.vector_load %arg7[%swap3A_34] {strides = array<i32>} : memref<640xf32, #tpu.memory_space<vmem>>, vector<16xf32>,
    tpu.vector_store %arg7[%swap3A_34], %broadcast_in_dim3A_8 {strides = array<i32>} : memref<640xf32, #tpu.memory_space<vmem>>, vector<16xf32>,
    %swap3A_36 = arith.constant 96 : index
    %swap3A_37 = tpu.vector_load %arg7[%swap3A_36] {strides = array<i32>} : memref<640xf32, #tpu.memory_space<vmem>>, vector<16xf32>,
    tpu.vector_store %arg7[%swap3A_36], %broadcast_in_dim3A_8 {strides = array<i32>} : memref<640xf32, #tpu.memory_space<vmem>>, vector<16xf32>,
    %swap3A_38 = arith.constant 112 : index
    %swap3A_39 = tpu.vector_load %arg7[%swap3A_38] {strides = array<i32>} : memref<640xf32, #tpu.memory_space<vmem>>, vector<16xf32>,
    tpu.vector_store %arg7[%swap3A_38], %broadcast_in_dim3A_8 {strides = array<i32>} : memref<640xf32, #tpu.memory_space<vmem>>, vector<16xf32>,
    %swap3A_40 = arith.constant 128 : index
    %swap3A_41 = tpu.vector_load %arg7[%swap3A_40] {strides = array<i32>} : memref<640xf32, #tpu.memory_space<vmem>>, vector<16xf32>,
    tpu.vector_store %arg7[%swap3A_40], %broadcast_in_dim3A_8 {strides = array<i32>} : memref<640xf32, #tpu.memory_space<vmem>>, vector<16xf32>,
    %swap3A_42 = arith.constant 144 : index
    %swap3A_43 = tpu.vector_load %arg7[%swap3A_42] {strides = array<i32>} : memref<640xf32, #tpu.memory_space<vmem>>, vector<16xf32>,
    tpu.vector_store %arg7[%swap3A_42], %broadcast_in_dim3A_8 {strides = array<i32>} : memref<640xf32, #tpu.memory_space<vmem>>, vector<16xf32>,
    %swap3A_44 = arith.constant 160 : index
    %swap3A_45 = tpu.vector_load %arg7[%swap3A_44] {strides = array<i32>} : memref<640xf32, #tpu.memory_space<vmem>>, vector<16xf32>,
    tpu.vector_store %arg7[%swap3A_44], %broadcast_in_dim3A_8 {strides = array<i32>} : memref<640xf32, #tpu.memory_space<vmem>>, vector<16xf32>,
    %swap3A_46 = arith.constant 176 : index
    %swap3A_47 = tpu.vector_load %arg7[%swap3A_46] {strides = array<i32>} : memref<640xf32, #tpu.memory_space<vmem>>, vector<16xf32>,
    tpu.vector_store %arg7[%swap3A_46], %broadcast_in_dim3A_8 {strides = array<i32>} : memref<640xf32, #tpu.memory_space<vmem>>, vector<16xf32>,
    %swap3A_48 = arith.constant 192 : index
    %swap3A_49 = tpu.vector_load %arg7[%swap3A_48] {strides = array<i32>} : memref<640xf32, #tpu.memory_space<vmem>>, vector<16xf32>,
    tpu.vector_store %arg7[%swap3A_48], %broadcast_in_dim3A_8 {strides = array<i32>} : memref<640xf32, #tpu.memory_space<vmem>>, vector<16xf32>,
    %swap3A_50 = arith.constant 208 : index
    %swap3A_51 = tpu.vector_load %arg7[%swap3A_50] {strides = array<i32>} : memref<640xf32, #tpu.memory_space<vmem>>, vector<16xf32>,
    tpu.vector_store %arg7[%swap3A_50], %broadcast_in_dim3A_8 {strides = array<i32>} : memref<640xf32, #tpu.memory_space<vmem>>, vector<16xf32>,
    %swap3A_52 = arith.constant 224 : index
    %swap3A_53 = tpu.vector_load %arg7[%swap3A_52] {strides = array<i32>} : memref<640xf32, #tpu.memory_space<vmem>>, vector<16xf32>,
    tpu.vector_store %arg7[%swap3A_52], %broadcast_in_dim3A_8 {strides = array<i32>} : memref<640xf32, #tpu.memory_space<vmem>>, vector<16xf32>,
    %swap3A_54 = arith.constant 240 : index
    %swap3A_55 = tpu.vector_load %arg7[%swap3A_54] {strides = array<i32>} : memref<640xf32, #tpu.memory_space<vmem>>, vector<16xf32>,
    tpu.vector_store %arg7[%swap3A_54], %broadcast_in_dim3A_8 {strides = array<i32>} : memref<640xf32, #tpu.memory_space<vmem>>, vector<16xf32>,
    %swap3A_56 = arith.constant 256 : index
    %swap3A_57 = tpu.vector_load %arg7[%swap3A_56] {strides = array<i32>} : memref<640xf32, #tpu.memory_space<vmem>>, vector<16xf32>,
    tpu.vector_store %arg7[%swap3A_56], %broadcast_in_dim3A_8 {strides = array<i32>} : memref<640xf32, #tpu.memory_space<vmem>>, vector<16xf32>,
    %swap3A_58 = arith.constant 272 : index
    %swap3A_59 = tpu.vector_load %arg7[%swap3A_58] {strides = array<i32>} : memref<640xf32, #tpu.memory_space<vmem>>, vector<16xf32>,
    tpu.vector_store %arg7[%swap3A_58], %broadcast_in_dim3A_8 {strides = array<i32>} : memref<640xf32, #tpu.memory_space<vmem>>, vector<16xf32>,
    %swap3A_60 = arith.constant 288 : index
    %swap3A_61 = tpu.vector_load %arg7[%swap3A_60] {strides = array<i32>} : memref<640xf32, #tpu.memory_space<vmem>>, vector<16xf32>,
    tpu.vector_store %arg7[%swap3A_60], %broadcast_in_dim3A_8 {strides = array<i32>} : memref<640xf32, #tpu.memory_space<vmem>>, vector<16xf32>,
    %swap3A_62 = arith.constant 304 : index
    %swap3A_63 = tpu.vector_load %arg7[%swap3A_62] {strides = array<i32>} : memref<640xf32, #tpu.memory_space<vmem>>, vector<16xf32>,
    tpu.vector_store %arg7[%swap3A_62], %broadcast_in_dim3A_8 {strides = array<i32>} : memref<640xf32, #tpu.memory_space<vmem>>, vector<16xf32>,
    %swap3A_64 = arith.constant 320 : index
    %swap3A_65 = tpu.vector_load %arg7[%swap3A_64] {strides = array<i32>} : memref<640xf32, #tpu.memory_space<vmem>>, vector<16xf32>,
    tpu.vector_store %arg7[%swap3A_64], %broadcast_in_dim3A_8 {strides = array<i32>} : memref<640xf32, #tpu.memory_space<vmem>>, vector<16xf32>,
    %swap3A_66 = arith.constant 336 : index
    %swap3A_67 = tpu.vector_load %arg7[%swap3A_66] {strides = array<i32>} : memref<640xf32, #tpu.memory_space<vmem>>, vector<16xf32>,
    tpu.vector_store %arg7[%swap3A_66], %broadcast_in_dim3A_8 {strides = array<i32>} : memref<640xf32, #tpu.memory_space<vmem>>, vector<16xf32>,
    %swap3A_68 = arith.constant 352 : index
    %swap3A_69 = tpu.vector_load %arg7[%swap3A_68] {strides = array<i32>} : memref<640xf32, #tpu.memory_space<vmem>>, vector<16xf32>,
    tpu.vector_store %arg7[%swap3A_68], %broadcast_in_dim3A_8 {strides = array<i32>} : memref<640xf32, #tpu.memory_space<vmem>>, vector<16xf32>,
    %swap3A_70 = arith.constant 368 : index
    %swap3A_71 = tpu.vector_load %arg7[%swap3A_70] {strides = array<i32>} : memref<640xf32, #tpu.memory_space<vmem>>, vector<16xf32>,
    tpu.vector_store %arg7[%swap3A_70], %broadcast_in_dim3A_8 {strides = array<i32>} : memref<640xf32, #tpu.memory_space<vmem>>, vector<16xf32>,
    %swap3A_72 = arith.constant 384 : index
    %swap3A_73 = tpu.vector_load %arg7[%swap3A_72] {strides = array<i32>} : memref<640xf32, #tpu.memory_space<vmem>>, vector<16xf32>,
    tpu.vector_store %arg7[%swap3A_72], %broadcast_in_dim3A_8 {strides = array<i32>} : memref<640xf32, #tpu.memory_space<vmem>>, vector<16xf32>,
    %swap3A_74 = arith.constant 400 : index
    %swap3A_75 = tpu.vector_load %arg7[%swap3A_74] {strides = array<i32>} : memref<640xf32, #tpu.memory_space<vmem>>, vector<16xf32>,
    tpu.vector_store %arg7[%swap3A_74], %broadcast_in_dim3A_8 {strides = array<i32>} : memref<640xf32, #tpu.memory_space<vmem>>, vector<16xf32>,
    %swap3A_76 = arith.constant 416 : index
    %swap3A_77 = tpu.vector_load %arg7[%swap3A_76] {strides = array<i32>} : memref<640xf32, #tpu.memory_space<vmem>>, vector<16xf32>,
    tpu.vector_store %arg7[%swap3A_76], %broadcast_in_dim3A_8 {strides = array<i32>} : memref<640xf32, #tpu.memory_space<vmem>>, vector<16xf32>,
    %swap3A_78 = arith.constant 432 : index
    %swap3A_79 = tpu.vector_load %arg7[%swap3A_78] {strides = array<i32>} : memref<640xf32, #tpu.memory_space<vmem>>, vector<16xf32>,
    tpu.vector_store %arg7[%swap3A_78], %broadcast_in_dim3A_8 {strides = array<i32>} : memref<640xf32, #tpu.memory_space<vmem>>, vector<16xf32>,
    %swap3A_80 = arith.constant 448 : index
    %swap3A_81 = tpu.vector_load %arg7[%swap3A_80] {strides = array<i32>} : memref<640xf32, #tpu.memory_space<vmem>>, vector<16xf32>,
    tpu.vector_store %arg7[%swap3A_80], %broadcast_in_dim3A_8 {strides = array<i32>} : memref<640xf32, #tpu.memory_space<vmem>>, vector<16xf32>,
    %swap3A_82 = arith.constant 464 : index
    %swap3A_83 = tpu.vector_load %arg7[%swap3A_82] {strides = array<i32>} : memref<640xf32, #tpu.memory_space<vmem>>, vector<16xf32>,
    tpu.vector_store %arg7[%swap3A_82], %broadcast_in_dim3A_8 {strides = array<i32>} : memref<640xf32, #tpu.memory_space<vmem>>, vector<16xf32>,
    %swap3A_84 = arith.constant 480 : index
    %swap3A_85 = tpu.vector_load %arg7[%swap3A_84] {strides = array<i32>} : memref<640xf32, #tpu.memory_space<vmem>>, vector<16xf32>,
    tpu.vector_store %arg7[%swap3A_84], %broadcast_in_dim3A_8 {strides = array<i32>} : memref<640xf32, #tpu.memory_space<vmem>>, vector<16xf32>,
    %swap3A_86 = arith.constant 496 : index
    %swap3A_87 = tpu.vector_load %arg7[%swap3A_86] {strides = array<i32>} : memref<640xf32, #tpu.memory_space<vmem>>, vector<16xf32>,
    tpu.vector_store %arg7[%swap3A_86], %broadcast_in_dim3A_8 {strides = array<i32>} : memref<640xf32, #tpu.memory_space<vmem>>, vector<16xf32>,
    %swap3A_88 = arith.constant 512 : index
    %swap3A_89 = tpu.vector_load %arg7[%swap3A_88] {strides = array<i32>} : memref<640xf32, #tpu.memory_space<vmem>>, vector<16xf32>,
    tpu.vector_store %arg7[%swap3A_88], %broadcast_in_dim3A_8 {strides = array<i32>} : memref<640xf32, #tpu.memory_space<vmem>>, vector<16xf32>,
    %swap3A_90 = arith.constant 528 : index
    %swap3A_91 = tpu.vector_load %arg7[%swap3A_90] {strides = array<i32>} : memref<640xf32, #tpu.memory_space<vmem>>, vector<16xf32>,
    tpu.vector_store %arg7[%swap3A_90], %broadcast_in_dim3A_8 {strides = array<i32>} : memref<640xf32, #tpu.memory_space<vmem>>, vector<16xf32>,
    %swap3A_92 = arith.constant 544 : index
    %swap3A_93 = tpu.vector_load %arg7[%swap3A_92] {strides = array<i32>} : memref<640xf32, #tpu.memory_space<vmem>>, vector<16xf32>,
    tpu.vector_store %arg7[%swap3A_92], %broadcast_in_dim3A_8 {strides = array<i32>} : memref<640xf32, #tpu.memory_space<vmem>>, vector<16xf32>,
    %swap3A_94 = arith.constant 560 : index
    %swap3A_95 = tpu.vector_load %arg7[%swap3A_94] {strides = array<i32>} : memref<640xf32, #tpu.memory_space<vmem>>, vector<16xf32>,
    tpu.vector_store %arg7[%swap3A_94], %broadcast_in_dim3A_8 {strides = array<i32>} : memref<640xf32, #tpu.memory_space<vmem>>, vector<16xf32>,
    %swap3A_96 = arith.constant 576 : index
    %swap3A_97 = tpu.vector_load %arg7[%swap3A_96] {strides = array<i32>} : memref<640xf32, #tpu.memory_space<vmem>>, vector<16xf32>,
    tpu.vector_store %arg7[%swap3A_96], %broadcast_in_dim3A_8 {strides = array<i32>} : memref<640xf32, #tpu.memory_space<vmem>>, vector<16xf32>,
    %swap3A_98 = arith.constant 592 : index
    %swap3A_99 = tpu.vector_load %arg7[%swap3A_98] {strides = array<i32>} : memref<640xf32, #tpu.memory_space<vmem>>, vector<16xf32>,
    tpu.vector_store %arg7[%swap3A_98], %broadcast_in_dim3A_8 {strides = array<i32>} : memref<640xf32, #tpu.memory_space<vmem>>, vector<16xf32>,
    %swap3A_100 = arith.constant 608 : index
    %swap3A_101 = tpu.vector_load %arg7[%swap3A_100] {strides = array<i32>} : memref<640xf32, #tpu.memory_space<vmem>>, vector<16xf32>,
    tpu.vector_store %arg7[%swap3A_100], %broadcast_in_dim3A_8 {strides = array<i32>} : memref<640xf32, #tpu.memory_space<vmem>>, vector<16xf32>,
    %swap3A_102 = arith.constant 624 : index
    %swap3A_103 = tpu.vector_load %arg7[%swap3A_102] {strides = array<i32>} : memref<640xf32, #tpu.memory_space<vmem>>, vector<16xf32>,
    tpu.vector_store %arg7[%swap3A_102], %broadcast_in_dim3A_8 {strides = array<i32>} : memref<640xf32, #tpu.memory_space<vmem>>, vector<16xf32>,
    %mul3A_104 = arith.constant 640 : i32
    %mul3A_105 = arith.muli %arg1, %mul3A_104 : i32
    "tpu.region"() ({
      %run_scoped3A_251 = tpu.sem_alloc : memref<!tpu.dma_semaphore, #tpu.memory_space<semaphore_mem>>
      %dma_start3A = tpu.memref_slice %arg8[%mul3A_105] : memref<10240xf32, #tpu.memory_space<vmem_shared>> -> memref<640xf32, #tpu.memory_space<vmem_shared>>
      %dma_start3A_252 = tpu.memref_slice %arg8[%mul3A_105] : memref<10240xf32, #tpu.memory_space<vmem_shared>> -> memref<640xf32, #tpu.memory_space<vmem_shared>>
      tpu.enqueue_dma source(%arg7 : memref<640xf32, #tpu.memory_space<vmem>>) target(%dma_start3A_252 : memref<640xf32, #tpu.memory_space<vmem_shared>>) target_semaphore(%run_scoped3A_251 : memref<!tpu.dma_semaphore, #tpu.memory_space<semaphore_mem>>)
      %dma_wait3A_253 = tpu.memref_slice %arg8[%mul3A_105] : memref<10240xf32, #tpu.memory_space<vmem_shared>> -> memref<640xf32, #tpu.memory_space<vmem_shared>>
      %dma_wait3A_254 = tpu.memref_slice %arg8[%mul3A_105] : memref<10240xf32, #tpu.memory_space<vmem_shared>> -> memref<640xf32, #tpu.memory_space<vmem_shared>>
      tpu.wait_dma2 semaphore(%run_scoped3A_251 : memref<!tpu.dma_semaphore, #tpu.memory_space<semaphore_mem>>) src(%arg7 : memref<640xf32, #tpu.memory_space<vmem>>) dst(%dma_wait3A_254 : memref<640xf32, #tpu.memory_space<vmem_shared>>)
      tpu.yield
    }) : () -> ()
    %mul3A_106 = arith.constant 640 : i32
    %mul3A_107 = arith.muli %arg1, %mul3A_106 : i32
    "tpu.region"() ({
      %run_scoped3A_251 = tpu.sem_alloc : memref<!tpu.dma_semaphore, #tpu.memory_space<semaphore_mem>>
      %dma_start3A = tpu.memref_slice %arg9[%mul3A_107] : memref<10240xf32, #tpu.memory_space<vmem_shared>> -> memref<640xf32, #tpu.memory_space<vmem_shared>>
      %dma_start3A_252 = tpu.memref_slice %arg9[%mul3A_107] : memref<10240xf32, #tpu.memory_space<vmem_shared>> -> memref<640xf32, #tpu.memory_space<vmem_shared>>
      tpu.enqueue_dma source(%arg7 : memref<640xf32, #tpu.memory_space<vmem>>) target(%dma_start3A_252 : memref<640xf32, #tpu.memory_space<vmem_shared>>) target_semaphore(%run_scoped3A_251 : memref<!tpu.dma_semaphore, #tpu.memory_space<semaphore_mem>>)
      %dma_wait3A_253 = tpu.memref_slice %arg9[%mul3A_107] : memref<10240xf32, #tpu.memory_space<vmem_shared>> -> memref<640xf32, #tpu.memory_space<vmem_shared>>
      %dma_wait3A_254 = tpu.memref_slice %arg9[%mul3A_107] : memref<10240xf32, #tpu.memory_space<vmem_shared>> -> memref<640xf32, #tpu.memory_space<vmem_shared>>
      tpu.wait_dma2 semaphore(%run_scoped3A_251 : memref<!tpu.dma_semaphore, #tpu.memory_space<semaphore_mem>>) src(%arg7 : memref<640xf32, #tpu.memory_space<vmem>>) dst(%dma_wait3A_254 : memref<640xf32, #tpu.memory_space<vmem_shared>>)
      tpu.yield
    }) : () -> ()
    %mul3A_108 = arith.constant 9216 : i32
    %mul3A_109 = arith.muli %add3A, %mul3A_108 : i32
    %run_scoped3A = arith.constant 0 : i32
    "tpu.region"() ({
      %run_scoped3A_251 = tpu.sem_alloc : memref<!tpu.dma_semaphore, #tpu.memory_space<semaphore_mem>>
      %dma_start3A = arith.constant 0 : i32
      %dma_start3A_252 = tpu.memref_slice %arg4[%dma_start3A] : memref<10240xi32, #tpu.memory_space<vmem>> -> memref<9216xi32, #tpu.memory_space<vmem>>
      %dma_start3A_253 = tpu.memref_slice %arg2[%run_scoped3A, %mul3A_109] : memref<2x320000xi32, #tpu.memory_space<hbm>> -> memref<1x9216xi32, #tpu.memory_space<hbm>>
      %dma_start3A_254 = tpu.memref_squeeze %dma_start3A_253 : memref<1x9216xi32, #tpu.memory_space<hbm>> -> memref<9216xi32, #tpu.memory_space<hbm>>
      %dma_start3A_255 = arith.constant 0 : i32
      %dma_start3A_256 = tpu.memref_slice %arg4[%dma_start3A_255] : memref<10240xi32, #tpu.memory_space<vmem>> -> memref<9216xi32, #tpu.memory_space<vmem>>
      %dma_start3A_257 = tpu.memref_slice %arg2[%run_scoped3A, %mul3A_109] : memref<2x320000xi32, #tpu.memory_space<hbm>> -> memref<1x9216xi32, #tpu.memory_space<hbm>>
      %dma_start3A_258 = tpu.memref_squeeze %dma_start3A_257 : memref<1x9216xi32, #tpu.memory_space<hbm>> -> memref<9216xi32, #tpu.memory_space<hbm>>
      tpu.enqueue_dma source(%dma_start3A_258 : memref<9216xi32, #tpu.memory_space<hbm>>) target(%dma_start3A_256 : memref<9216xi32, #tpu.memory_space<vmem>>) target_semaphore(%run_scoped3A_251 : memref<!tpu.dma_semaphore, #tpu.memory_space<semaphore_mem>>)
      %dma_wait3A_259 = arith.constant 0 : i32
      %dma_wait3A_260 = tpu.memref_slice %arg4[%dma_wait3A_259] : memref<10240xi32, #tpu.memory_space<vmem>> -> memref<9216xi32, #tpu.memory_space<vmem>>
      %dma_wait3A_261 = tpu.memref_slice %arg2[%run_scoped3A, %mul3A_109] : memref<2x320000xi32, #tpu.memory_space<hbm>> -> memref<1x9216xi32, #tpu.memory_space<hbm>>
      %dma_wait3A_262 = tpu.memref_squeeze %dma_wait3A_261 : memref<1x9216xi32, #tpu.memory_space<hbm>> -> memref<9216xi32, #tpu.memory_space<hbm>>
      %dma_wait3A_263 = arith.constant 0 : i32
      %dma_wait3A_264 = tpu.memref_slice %arg4[%dma_wait3A_263] : memref<10240xi32, #tpu.memory_space<vmem>> -> memref<9216xi32, #tpu.memory_space<vmem>>
      %dma_wait3A_265 = tpu.memref_slice %arg2[%run_scoped3A, %mul3A_109] : memref<2x320000xi32, #tpu.memory_space<hbm>> -> memref<1x9216xi32, #tpu.memory_space<hbm>>
      %dma_wait3A_266 = tpu.memref_squeeze %dma_wait3A_265 : memref<1x9216xi32, #tpu.memory_space<hbm>> -> memref<9216xi32, #tpu.memory_space<hbm>>
      tpu.wait_dma2 semaphore(%run_scoped3A_251 : memref<!tpu.dma_semaphore, #tpu.memory_space<semaphore_mem>>) src(%dma_wait3A_266 : memref<9216xi32, #tpu.memory_space<hbm>>) dst(%dma_wait3A_264 : memref<9216xi32, #tpu.memory_space<vmem>>)
      tpu.yield
    }) : () -> ()
    %run_scoped3A_110 = arith.constant 1 : i32
    "tpu.region"() ({
      %run_scoped3A_251 = tpu.sem_alloc : memref<!tpu.dma_semaphore, #tpu.memory_space<semaphore_mem>>
      %dma_start3A = arith.constant 0 : i32
      %dma_start3A_252 = tpu.memref_slice %arg5[%dma_start3A] : memref<10240xi32, #tpu.memory_space<vmem>> -> memref<9216xi32, #tpu.memory_space<vmem>>
      %dma_start3A_253 = tpu.memref_slice %arg2[%run_scoped3A_110, %mul3A_109] : memref<2x320000xi32, #tpu.memory_space<hbm>> -> memref<1x9216xi32, #tpu.memory_space<hbm>>
      %dma_start3A_254 = tpu.memref_squeeze %dma_start3A_253 : memref<1x9216xi32, #tpu.memory_space<hbm>> -> memref<9216xi32, #tpu.memory_space<hbm>>
      %dma_start3A_255 = arith.constant 0 : i32
      %dma_start3A_256 = tpu.memref_slice %arg5[%dma_start3A_255] : memref<10240xi32, #tpu.memory_space<vmem>> -> memref<9216xi32, #tpu.memory_space<vmem>>
      %dma_start3A_257 = tpu.memref_slice %arg2[%run_scoped3A_110, %mul3A_109] : memref<2x320000xi32, #tpu.memory_space<hbm>> -> memref<1x9216xi32, #tpu.memory_space<hbm>>
      %dma_start3A_258 = tpu.memref_squeeze %dma_start3A_257 : memref<1x9216xi32, #tpu.memory_space<hbm>> -> memref<9216xi32, #tpu.memory_space<hbm>>
      tpu.enqueue_dma source(%dma_start3A_258 : memref<9216xi32, #tpu.memory_space<hbm>>) target(%dma_start3A_256 : memref<9216xi32, #tpu.memory_space<vmem>>) target_semaphore(%run_scoped3A_251 : memref<!tpu.dma_semaphore, #tpu.memory_space<semaphore_mem>>)
      %dma_wait3A_259 = arith.constant 0 : i32
      %dma_wait3A_260 = tpu.memref_slice %arg5[%dma_wait3A_259] : memref<10240xi32, #tpu.memory_space<vmem>> -> memref<9216xi32, #tpu.memory_space<vmem>>
      %dma_wait3A_261 = tpu.memref_slice %arg2[%run_scoped3A_110, %mul3A_109] : memref<2x320000xi32, #tpu.memory_space<hbm>> -> memref<1x9216xi32, #tpu.memory_space<hbm>>
      %dma_wait3A_262 = tpu.memref_squeeze %dma_wait3A_261 : memref<1x9216xi32, #tpu.memory_space<hbm>> -> memref<9216xi32, #tpu.memory_space<hbm>>
      %dma_wait3A_263 = arith.constant 0 : i32
      %dma_wait3A_264 = tpu.memref_slice %arg5[%dma_wait3A_263] : memref<10240xi32, #tpu.memory_space<vmem>> -> memref<9216xi32, #tpu.memory_space<vmem>>
      %dma_wait3A_265 = tpu.memref_slice %arg2[%run_scoped3A_110, %mul3A_109] : memref<2x320000xi32, #tpu.memory_space<hbm>> -> memref<1x9216xi32, #tpu.memory_space<hbm>>
      %dma_wait3A_266 = tpu.memref_squeeze %dma_wait3A_265 : memref<1x9216xi32, #tpu.memory_space<hbm>> -> memref<9216xi32, #tpu.memory_space<hbm>>
      tpu.wait_dma2 semaphore(%run_scoped3A_251 : memref<!tpu.dma_semaphore, #tpu.memory_space<semaphore_mem>>) src(%dma_wait3A_266 : memref<9216xi32, #tpu.memory_space<hbm>>) dst(%dma_wait3A_264 : memref<9216xi32, #tpu.memory_space<vmem>>)
      tpu.yield
    }) : () -> ()
    %lt3A_111 = arith.constant 24 : i32
    %lt3A_112 = arith.cmpi slt, %add3A, %lt3A_111 : i32
    %convert_element_type3A = arith.extui %lt3A_112 : i1 to i32
    %cond3A = arith.constant 0 : i32
    %cond3A_113 = arith.cmpi ne, %convert_element_type3A, %cond3A : i32
    scf.if %cond3A_113 {
      %mul3A_251 = arith.constant 8 : i32
      %mul3A_252 = arith.muli %add3A, %mul3A_251 : i32
      %add3A_253 = arith.constant 2304 : i32
      %add3A_254 = arith.addi %add3A_253, %mul3A_252 : i32
      %mul3A_255 = arith.constant 128 : i32
      %mul3A_256 = arith.muli %add3A_254, %mul3A_255 : i32
      %run_scoped3A_257 = arith.constant 0 : i32
      "tpu.region"() ({
        %run_scoped3A_259 = tpu.sem_alloc : memref<!tpu.dma_semaphore, #tpu.memory_space<semaphore_mem>>
        %dma_start3A = arith.constant 9216 : i32
        %dma_start3A_260 = tpu.memref_slice %arg4[%dma_start3A] : memref<10240xi32, #tpu.memory_space<vmem>> -> memref<1024xi32, #tpu.memory_space<vmem>>
        %dma_start3A_261 = tpu.memref_slice %arg2[%run_scoped3A_257, %mul3A_256] : memref<2x320000xi32, #tpu.memory_space<hbm>> -> memref<1x1024xi32, #tpu.memory_space<hbm>>
        %dma_start3A_262 = tpu.memref_squeeze %dma_start3A_261 : memref<1x1024xi32, #tpu.memory_space<hbm>> -> memref<1024xi32, #tpu.memory_space<hbm>>
        %dma_start3A_263 = arith.constant 9216 : i32
        %dma_start3A_264 = tpu.memref_slice %arg4[%dma_start3A_263] : memref<10240xi32, #tpu.memory_space<vmem>> -> memref<1024xi32, #tpu.memory_space<vmem>>
        %dma_start3A_265 = tpu.memref_slice %arg2[%run_scoped3A_257, %mul3A_256] : memref<2x320000xi32, #tpu.memory_space<hbm>> -> memref<1x1024xi32, #tpu.memory_space<hbm>>
        %dma_start3A_266 = tpu.memref_squeeze %dma_start3A_265 : memref<1x1024xi32, #tpu.memory_space<hbm>> -> memref<1024xi32, #tpu.memory_space<hbm>>
        tpu.enqueue_dma source(%dma_start3A_266 : memref<1024xi32, #tpu.memory_space<hbm>>) target(%dma_start3A_264 : memref<1024xi32, #tpu.memory_space<vmem>>) target_semaphore(%run_scoped3A_259 : memref<!tpu.dma_semaphore, #tpu.memory_space<semaphore_mem>>)
        %dma_wait3A_267 = arith.constant 9216 : i32
        %dma_wait3A_268 = tpu.memref_slice %arg4[%dma_wait3A_267] : memref<10240xi32, #tpu.memory_space<vmem>> -> memref<1024xi32, #tpu.memory_space<vmem>>
        %dma_wait3A_269 = tpu.memref_slice %arg2[%run_scoped3A_257, %mul3A_256] : memref<2x320000xi32, #tpu.memory_space<hbm>> -> memref<1x1024xi32, #tpu.memory_space<hbm>>
        %dma_wait3A_270 = tpu.memref_squeeze %dma_wait3A_269 : memref<1x1024xi32, #tpu.memory_space<hbm>> -> memref<1024xi32, #tpu.memory_space<hbm>>
        %dma_wait3A_271 = arith.constant 9216 : i32
        %dma_wait3A_272 = tpu.memref_slice %arg4[%dma_wait3A_271] : memref<10240xi32, #tpu.memory_space<vmem>> -> memref<1024xi32, #tpu.memory_space<vmem>>
        %dma_wait3A_273 = tpu.memref_slice %arg2[%run_scoped3A_257, %mul3A_256] : memref<2x320000xi32, #tpu.memory_space<hbm>> -> memref<1x1024xi32, #tpu.memory_space<hbm>>
        %dma_wait3A_274 = tpu.memref_squeeze %dma_wait3A_273 : memref<1x1024xi32, #tpu.memory_space<hbm>> -> memref<1024xi32, #tpu.memory_space<hbm>>
        tpu.wait_dma2 semaphore(%run_scoped3A_259 : memref<!tpu.dma_semaphore, #tpu.memory_space<semaphore_mem>>) src(%dma_wait3A_274 : memref<1024xi32, #tpu.memory_space<hbm>>) dst(%dma_wait3A_272 : memref<1024xi32, #tpu.memory_space<vmem>>)
        tpu.yield
      }) : () -> ()
      %run_scoped3A_258 = arith.constant 1 : i32
      "tpu.region"() ({
        %run_scoped3A_259 = tpu.sem_alloc : memref<!tpu.dma_semaphore, #tpu.memory_space<semaphore_mem>>
        %dma_start3A = arith.constant 9216 : i32
        %dma_start3A_260 = tpu.memref_slice %arg5[%dma_start3A] : memref<10240xi32, #tpu.memory_space<vmem>> -> memref<1024xi32, #tpu.memory_space<vmem>>
        %dma_start3A_261 = tpu.memref_slice %arg2[%run_scoped3A_258, %mul3A_256] : memref<2x320000xi32, #tpu.memory_space<hbm>> -> memref<1x1024xi32, #tpu.memory_space<hbm>>
        %dma_start3A_262 = tpu.memref_squeeze %dma_start3A_261 : memref<1x1024xi32, #tpu.memory_space<hbm>> -> memref<1024xi32, #tpu.memory_space<hbm>>
        %dma_start3A_263 = arith.constant 9216 : i32
        %dma_start3A_264 = tpu.memref_slice %arg5[%dma_start3A_263] : memref<10240xi32, #tpu.memory_space<vmem>> -> memref<1024xi32, #tpu.memory_space<vmem>>
        %dma_start3A_265 = tpu.memref_slice %arg2[%run_scoped3A_258, %mul3A_256] : memref<2x320000xi32, #tpu.memory_space<hbm>> -> memref<1x1024xi32, #tpu.memory_space<hbm>>
        %dma_start3A_266 = tpu.memref_squeeze %dma_start3A_265 : memref<1x1024xi32, #tpu.memory_space<hbm>> -> memref<1024xi32, #tpu.memory_space<hbm>>
        tpu.enqueue_dma source(%dma_start3A_266 : memref<1024xi32, #tpu.memory_space<hbm>>) target(%dma_start3A_264 : memref<1024xi32, #tpu.memory_space<vmem>>) target_semaphore(%run_scoped3A_259 : memref<!tpu.dma_semaphore, #tpu.memory_space<semaphore_mem>>)
        %dma_wait3A_267 = arith.constant 9216 : i32
        %dma_wait3A_268 = tpu.memref_slice %arg5[%dma_wait3A_267] : memref<10240xi32, #tpu.memory_space<vmem>> -> memref<1024xi32, #tpu.memory_space<vmem>>
        %dma_wait3A_269 = tpu.memref_slice %arg2[%run_scoped3A_258, %mul3A_256] : memref<2x320000xi32, #tpu.memory_space<hbm>> -> memref<1x1024xi32, #tpu.memory_space<hbm>>
        %dma_wait3A_270 = tpu.memref_squeeze %dma_wait3A_269 : memref<1x1024xi32, #tpu.memory_space<hbm>> -> memref<1024xi32, #tpu.memory_space<hbm>>
        %dma_wait3A_271 = arith.constant 9216 : i32
        %dma_wait3A_272 = tpu.memref_slice %arg5[%dma_wait3A_271] : memref<10240xi32, #tpu.memory_space<vmem>> -> memref<1024xi32, #tpu.memory_space<vmem>>
        %dma_wait3A_273 = tpu.memref_slice %arg2[%run_scoped3A_258, %mul3A_256] : memref<2x320000xi32, #tpu.memory_space<hbm>> -> memref<1x1024xi32, #tpu.memory_space<hbm>>
        %dma_wait3A_274 = tpu.memref_squeeze %dma_wait3A_273 : memref<1x1024xi32, #tpu.memory_space<hbm>> -> memref<1024xi32, #tpu.memory_space<hbm>>
        tpu.wait_dma2 semaphore(%run_scoped3A_259 : memref<!tpu.dma_semaphore, #tpu.memory_space<semaphore_mem>>) src(%dma_wait3A_274 : memref<1024xi32, #tpu.memory_space<hbm>>) dst(%dma_wait3A_272 : memref<1024xi32, #tpu.memory_space<vmem>>)
        tpu.yield
      }) : () -> ()
    } else {
    }
    %eq3A_114 = arith.constant 24 : i32
    %eq3A_115 = arith.cmpi eq, %add3A, %eq3A_114 : i32
    %convert_element_type3A_116 = arith.extui %eq3A_115 : i1 to i32
    %cond3A_117 = arith.constant 0 : i32
    %cond3A_118 = arith.cmpi ne, %convert_element_type3A_116, %cond3A_117 : i32
    scf.if %cond3A_118 {
      %run_scoped3A_251 = arith.constant 0 : i32
      "tpu.region"() ({
        %run_scoped3A_253 = tpu.sem_alloc : memref<!tpu.dma_semaphore, #tpu.memory_space<semaphore_mem>>
        %dma_start3A = arith.constant 9216 : i32
        %dma_start3A_254 = tpu.memref_slice %arg4[%dma_start3A] : memref<10240xi32, #tpu.memory_space<vmem>> -> memref<512xi32, #tpu.memory_space<vmem>>
        %dma_start3A_255 = arith.constant 319488 : i32
        %dma_start3A_256 = tpu.memref_slice %arg2[%run_scoped3A_251, %dma_start3A_255] : memref<2x320000xi32, #tpu.memory_space<hbm>> -> memref<1x512xi32, #tpu.memory_space<hbm>>
        %dma_start3A_257 = tpu.memref_squeeze %dma_start3A_256 : memref<1x512xi32, #tpu.memory_space<hbm>> -> memref<512xi32, #tpu.memory_space<hbm>>
        %dma_start3A_258 = arith.constant 9216 : i32
        %dma_start3A_259 = tpu.memref_slice %arg4[%dma_start3A_258] : memref<10240xi32, #tpu.memory_space<vmem>> -> memref<512xi32, #tpu.memory_space<vmem>>
        %dma_start3A_260 = arith.constant 319488 : i32
        %dma_start3A_261 = tpu.memref_slice %arg2[%run_scoped3A_251, %dma_start3A_260] : memref<2x320000xi32, #tpu.memory_space<hbm>> -> memref<1x512xi32, #tpu.memory_space<hbm>>
        %dma_start3A_262 = tpu.memref_squeeze %dma_start3A_261 : memref<1x512xi32, #tpu.memory_space<hbm>> -> memref<512xi32, #tpu.memory_space<hbm>>
        tpu.enqueue_dma source(%dma_start3A_262 : memref<512xi32, #tpu.memory_space<hbm>>) target(%dma_start3A_259 : memref<512xi32, #tpu.memory_space<vmem>>) target_semaphore(%run_scoped3A_253 : memref<!tpu.dma_semaphore, #tpu.memory_space<semaphore_mem>>)
        %dma_wait3A_263 = arith.constant 9216 : i32
        %dma_wait3A_264 = tpu.memref_slice %arg4[%dma_wait3A_263] : memref<10240xi32, #tpu.memory_space<vmem>> -> memref<512xi32, #tpu.memory_space<vmem>>
        %dma_wait3A_265 = arith.constant 319488 : i32
        %dma_wait3A_266 = tpu.memref_slice %arg2[%run_scoped3A_251, %dma_wait3A_265] : memref<2x320000xi32, #tpu.memory_space<hbm>> -> memref<1x512xi32, #tpu.memory_space<hbm>>
        %dma_wait3A_267 = tpu.memref_squeeze %dma_wait3A_266 : memref<1x512xi32, #tpu.memory_space<hbm>> -> memref<512xi32, #tpu.memory_space<hbm>>
        %dma_wait3A_268 = arith.constant 9216 : i32
        %dma_wait3A_269 = tpu.memref_slice %arg4[%dma_wait3A_268] : memref<10240xi32, #tpu.memory_space<vmem>> -> memref<512xi32, #tpu.memory_space<vmem>>
        %dma_wait3A_270 = arith.constant 319488 : i32
        %dma_wait3A_271 = tpu.memref_slice %arg2[%run_scoped3A_251, %dma_wait3A_270] : memref<2x320000xi32, #tpu.memory_space<hbm>> -> memref<1x512xi32, #tpu.memory_space<hbm>>
        %dma_wait3A_272 = tpu.memref_squeeze %dma_wait3A_271 : memref<1x512xi32, #tpu.memory_space<hbm>> -> memref<512xi32, #tpu.memory_space<hbm>>
        tpu.wait_dma2 semaphore(%run_scoped3A_253 : memref<!tpu.dma_semaphore, #tpu.memory_space<semaphore_mem>>) src(%dma_wait3A_272 : memref<512xi32, #tpu.memory_space<hbm>>) dst(%dma_wait3A_269 : memref<512xi32, #tpu.memory_space<vmem>>)
        tpu.yield
      }) : () -> ()
      %run_scoped3A_252 = arith.constant 1 : i32
      "tpu.region"() ({
        %run_scoped3A_253 = tpu.sem_alloc : memref<!tpu.dma_semaphore, #tpu.memory_space<semaphore_mem>>
        %dma_start3A = arith.constant 9216 : i32
        %dma_start3A_254 = tpu.memref_slice %arg5[%dma_start3A] : memref<10240xi32, #tpu.memory_space<vmem>> -> memref<512xi32, #tpu.memory_space<vmem>>
        %dma_start3A_255 = arith.constant 319488 : i32
        %dma_start3A_256 = tpu.memref_slice %arg2[%run_scoped3A_252, %dma_start3A_255] : memref<2x320000xi32, #tpu.memory_space<hbm>> -> memref<1x512xi32, #tpu.memory_space<hbm>>
        %dma_start3A_257 = tpu.memref_squeeze %dma_start3A_256 : memref<1x512xi32, #tpu.memory_space<hbm>> -> memref<512xi32, #tpu.memory_space<hbm>>
        %dma_start3A_258 = arith.constant 9216 : i32
        %dma_start3A_259 = tpu.memref_slice %arg5[%dma_start3A_258] : memref<10240xi32, #tpu.memory_space<vmem>> -> memref<512xi32, #tpu.memory_space<vmem>>
        %dma_start3A_260 = arith.constant 319488 : i32
        %dma_start3A_261 = tpu.memref_slice %arg2[%run_scoped3A_252, %dma_start3A_260] : memref<2x320000xi32, #tpu.memory_space<hbm>> -> memref<1x512xi32, #tpu.memory_space<hbm>>
        %dma_start3A_262 = tpu.memref_squeeze %dma_start3A_261 : memref<1x512xi32, #tpu.memory_space<hbm>> -> memref<512xi32, #tpu.memory_space<hbm>>
        tpu.enqueue_dma source(%dma_start3A_262 : memref<512xi32, #tpu.memory_space<hbm>>) target(%dma_start3A_259 : memref<512xi32, #tpu.memory_space<vmem>>) target_semaphore(%run_scoped3A_253 : memref<!tpu.dma_semaphore, #tpu.memory_space<semaphore_mem>>)
        %dma_wait3A_263 = arith.constant 9216 : i32
        %dma_wait3A_264 = tpu.memref_slice %arg5[%dma_wait3A_263] : memref<10240xi32, #tpu.memory_space<vmem>> -> memref<512xi32, #tpu.memory_space<vmem>>
        %dma_wait3A_265 = arith.constant 319488 : i32
        %dma_wait3A_266 = tpu.memref_slice %arg2[%run_scoped3A_252, %dma_wait3A_265] : memref<2x320000xi32, #tpu.memory_space<hbm>> -> memref<1x512xi32, #tpu.memory_space<hbm>>
        %dma_wait3A_267 = tpu.memref_squeeze %dma_wait3A_266 : memref<1x512xi32, #tpu.memory_space<hbm>> -> memref<512xi32, #tpu.memory_space<hbm>>
        %dma_wait3A_268 = arith.constant 9216 : i32
        %dma_wait3A_269 = tpu.memref_slice %arg5[%dma_wait3A_268] : memref<10240xi32, #tpu.memory_space<vmem>> -> memref<512xi32, #tpu.memory_space<vmem>>
        %dma_wait3A_270 = arith.constant 319488 : i32
        %dma_wait3A_271 = tpu.memref_slice %arg2[%run_scoped3A_252, %dma_wait3A_270] : memref<2x320000xi32, #tpu.memory_space<hbm>> -> memref<1x512xi32, #tpu.memory_space<hbm>>
        %dma_wait3A_272 = tpu.memref_squeeze %dma_wait3A_271 : memref<1x512xi32, #tpu.memory_space<hbm>> -> memref<512xi32, #tpu.memory_space<hbm>>
        tpu.wait_dma2 semaphore(%run_scoped3A_253 : memref<!tpu.dma_semaphore, #tpu.memory_space<semaphore_mem>>) src(%dma_wait3A_272 : memref<512xi32, #tpu.memory_space<hbm>>) dst(%dma_wait3A_269 : memref<512xi32, #tpu.memory_space<vmem>>)
        tpu.yield
      }) : () -> ()
    } else {
    }
    %barrier3A = arith.constant 0 : index
    tpu.barrier barrier_id(%barrier3A)
    %scan3A = arith.constant 0 : i32
    %scan3A_119 = arith.constant 0 : i32
    %scan3A_120 = arith.constant 80 : i32
    %scan3A_121 = arith.addi %scan3A_119, %scan3A_120 : i32
    %scan3A_122 = arith.constant 1 : i32
    scf.for %scan3A_251 = %scan3A_119 to %scan3A_121 step %scan3A_122  : i32 {
      %lt3A_252 = arith.cmpi slt, %scan3A_251, %select_n3A_5 : i32
      %convert_element_type3A_253 = arith.extui %lt3A_252 : i1 to i32
      %cond3A_254 = arith.constant 0 : i32
      %cond3A_255 = arith.cmpi ne, %convert_element_type3A_253, %cond3A_254 : i32
      scf.if %cond3A_255 {
        %mul3A_265 = arith.constant 128 : i32
        %mul3A_266 = arith.muli %scan3A_251, %mul3A_265 : i32
        %dma_start3A = tpu.memref_slice %arg4[%mul3A_266] : memref<10240xi32, #tpu.memory_space<vmem>> -> memref<128xi32, #tpu.memory_space<vmem>>
        %dma_start3A_267 = arith.constant 0 : i32
        %dma_start3A_268 = tpu.memref_slice %arg8[%dma_start3A_267] : memref<10240xf32, #tpu.memory_space<vmem_shared>> -> memref<10240xf32, #tpu.memory_space<vmem_shared>>
        tpu.enqueue_indirect_dma source(%arg6 : memref<128xf32, #tpu.memory_space<vmem>>) target(%dma_start3A_268 : memref<10240xf32, #tpu.memory_space<vmem_shared>>) offsets(%dma_start3A : memref<128xi32, #tpu.memory_space<vmem>>) semaphore(%arg10 : memref<!tpu.dma_semaphore, #tpu.memory_space<semaphore_mem>>) {add = true}
        %mul3A_269 = arith.constant 128 : i32
        %mul3A_270 = arith.muli %scan3A_251, %mul3A_269 : i32
        %dma_start3A_271 = tpu.memref_slice %arg5[%mul3A_270] : memref<10240xi32, #tpu.memory_space<vmem>> -> memref<128xi32, #tpu.memory_space<vmem>>
        %dma_start3A_272 = arith.constant 0 : i32
        %dma_start3A_273 = tpu.memref_slice %arg9[%dma_start3A_272] : memref<10240xf32, #tpu.memory_space<vmem_shared>> -> memref<10240xf32, #tpu.memory_space<vmem_shared>>
        tpu.enqueue_indirect_dma source(%arg6 : memref<128xf32, #tpu.memory_space<vmem>>) target(%dma_start3A_273 : memref<10240xf32, #tpu.memory_space<vmem_shared>>) offsets(%dma_start3A_271 : memref<128xi32, #tpu.memory_space<vmem>>) semaphore(%arg10 : memref<!tpu.dma_semaphore, #tpu.memory_space<semaphore_mem>>) {add = true}
      } else {
      }
      %ge3A = arith.constant 8 : i32
      %ge3A_256 = arith.cmpi sge, %scan3A_251, %ge3A : i32
      %sub3A_257 = arith.constant 8 : i32
      %sub3A_258 = arith.subi %scan3A_251, %sub3A_257 : i32
      %sub3A_259 = arith.constant 8 : i32
      %sub3A_260 = arith.subi %select_n3A_5, %sub3A_259 : i32
      %lt3A_261 = arith.cmpi slt, %sub3A_258, %sub3A_260 : i32
      %and3A = arith.andi %ge3A_256, %lt3A_261 : i1
      %convert_element_type3A_262 = arith.extui %and3A : i1 to i32
      %cond3A_263 = arith.constant 0 : i32
      %cond3A_264 = arith.cmpi ne, %convert_element_type3A_262, %cond3A_263 : i32
      scf.if %cond3A_264 {
        %sub3A_265 = arith.constant 8 : i32
        %sub3A_266 = arith.subi %scan3A_251, %sub3A_265 : i32
        %mul3A_267 = arith.constant 128 : i32
        %mul3A_268 = arith.muli %sub3A_266, %mul3A_267 : i32
        %dma_wait3A_269 = tpu.memref_slice %arg4[%mul3A_268] : memref<10240xi32, #tpu.memory_space<vmem>> -> memref<128xi32, #tpu.memory_space<vmem>>
        %dma_wait3A_270 = arith.constant 0 : i32
        %dma_wait3A_271 = tpu.memref_slice %arg8[%dma_wait3A_270] : memref<10240xf32, #tpu.memory_space<vmem_shared>> -> memref<10240xf32, #tpu.memory_space<vmem_shared>>
        tpu.wait_indirect_dma semaphore(%arg10 : memref<!tpu.dma_semaphore, #tpu.memory_space<semaphore_mem>>) src(%arg6 : memref<128xf32, #tpu.memory_space<vmem>>) dst(%dma_wait3A_271 : memref<10240xf32, #tpu.memory_space<vmem_shared>>)
        %sub3A_272 = arith.constant 8 : i32
        %sub3A_273 = arith.subi %scan3A_251, %sub3A_272 : i32
        %mul3A_274 = arith.constant 128 : i32
        %mul3A_275 = arith.muli %sub3A_273, %mul3A_274 : i32
        %dma_wait3A_276 = tpu.memref_slice %arg5[%mul3A_275] : memref<10240xi32, #tpu.memory_space<vmem>> -> memref<128xi32, #tpu.memory_space<vmem>>
        %dma_wait3A_277 = arith.constant 0 : i32
        %dma_wait3A_278 = tpu.memref_slice %arg9[%dma_wait3A_277] : memref<10240xf32, #tpu.memory_space<vmem_shared>> -> memref<10240xf32, #tpu.memory_space<vmem_shared>>
        tpu.wait_indirect_dma semaphore(%arg10 : memref<!tpu.dma_semaphore, #tpu.memory_space<semaphore_mem>>) src(%arg6 : memref<128xf32, #tpu.memory_space<vmem>>) dst(%dma_wait3A_278 : memref<10240xf32, #tpu.memory_space<vmem_shared>>)
      } else {
      }
    }
    %scan3A_123 = arith.constant 80 : i32
    %sub3A = arith.constant 8 : i32
    %sub3A_124 = arith.subi %select_n3A_5, %sub3A : i32
    %add3A_125 = arith.constant 0 : i32
    %add3A_126 = arith.addi %sub3A_124, %add3A_125 : i32
    %mul3A_127 = arith.constant 128 : i32
    %mul3A_128 = arith.muli %add3A_126, %mul3A_127 : i32
    %dma_wait3A = tpu.memref_slice %arg4[%mul3A_128] : memref<10240xi32, #tpu.memory_space<vmem>> -> memref<128xi32, #tpu.memory_space<vmem>>
    %dma_wait3A_129 = arith.constant 0 : i32
    %dma_wait3A_130 = tpu.memref_slice %arg8[%dma_wait3A_129] : memref<10240xf32, #tpu.memory_space<vmem_shared>> -> memref<10240xf32, #tpu.memory_space<vmem_shared>>
    tpu.wait_indirect_dma semaphore(%arg10 : memref<!tpu.dma_semaphore, #tpu.memory_space<semaphore_mem>>) src(%arg6 : memref<128xf32, #tpu.memory_space<vmem>>) dst(%dma_wait3A_130 : memref<10240xf32, #tpu.memory_space<vmem_shared>>)
    %mul3A_131 = arith.constant 128 : i32
    %mul3A_132 = arith.muli %add3A_126, %mul3A_131 : i32
    %dma_wait3A_133 = tpu.memref_slice %arg5[%mul3A_132] : memref<10240xi32, #tpu.memory_space<vmem>> -> memref<128xi32, #tpu.memory_space<vmem>>
    %dma_wait3A_134 = arith.constant 0 : i32
    %dma_wait3A_135 = tpu.memref_slice %arg9[%dma_wait3A_134] : memref<10240xf32, #tpu.memory_space<vmem_shared>> -> memref<10240xf32, #tpu.memory_space<vmem_shared>>
    tpu.wait_indirect_dma semaphore(%arg10 : memref<!tpu.dma_semaphore, #tpu.memory_space<semaphore_mem>>) src(%arg6 : memref<128xf32, #tpu.memory_space<vmem>>) dst(%dma_wait3A_135 : memref<10240xf32, #tpu.memory_space<vmem_shared>>)
    %sub3A_136 = arith.constant 8 : i32
    %sub3A_137 = arith.subi %select_n3A_5, %sub3A_136 : i32
    %add3A_138 = arith.constant 1 : i32
    %add3A_139 = arith.addi %sub3A_137, %add3A_138 : i32
    %mul3A_140 = arith.constant 128 : i32
    %mul3A_141 = arith.muli %add3A_139, %mul3A_140 : i32
    %dma_wait3A_142 = tpu.memref_slice %arg4[%mul3A_141] : memref<10240xi32, #tpu.memory_space<vmem>> -> memref<128xi32, #tpu.memory_space<vmem>>
    %dma_wait3A_143 = arith.constant 0 : i32
    %dma_wait3A_144 = tpu.memref_slice %arg8[%dma_wait3A_143] : memref<10240xf32, #tpu.memory_space<vmem_shared>> -> memref<10240xf32, #tpu.memory_space<vmem_shared>>
    tpu.wait_indirect_dma semaphore(%arg10 : memref<!tpu.dma_semaphore, #tpu.memory_space<semaphore_mem>>) src(%arg6 : memref<128xf32, #tpu.memory_space<vmem>>) dst(%dma_wait3A_144 : memref<10240xf32, #tpu.memory_space<vmem_shared>>)
    %mul3A_145 = arith.constant 128 : i32
    %mul3A_146 = arith.muli %add3A_139, %mul3A_145 : i32
    %dma_wait3A_147 = tpu.memref_slice %arg5[%mul3A_146] : memref<10240xi32, #tpu.memory_space<vmem>> -> memref<128xi32, #tpu.memory_space<vmem>>
    %dma_wait3A_148 = arith.constant 0 : i32
    %dma_wait3A_149 = tpu.memref_slice %arg9[%dma_wait3A_148] : memref<10240xf32, #tpu.memory_space<vmem_shared>> -> memref<10240xf32, #tpu.memory_space<vmem_shared>>
    tpu.wait_indirect_dma semaphore(%arg10 : memref<!tpu.dma_semaphore, #tpu.memory_space<semaphore_mem>>) src(%arg6 : memref<128xf32, #tpu.memory_space<vmem>>) dst(%dma_wait3A_149 : memref<10240xf32, #tpu.memory_space<vmem_shared>>)
    %sub3A_150 = arith.constant 8 : i32
    %sub3A_151 = arith.subi %select_n3A_5, %sub3A_150 : i32
    %add3A_152 = arith.constant 2 : i32
    %add3A_153 = arith.addi %sub3A_151, %add3A_152 : i32
    %mul3A_154 = arith.constant 128 : i32
    %mul3A_155 = arith.muli %add3A_153, %mul3A_154 : i32
    %dma_wait3A_156 = tpu.memref_slice %arg4[%mul3A_155] : memref<10240xi32, #tpu.memory_space<vmem>> -> memref<128xi32, #tpu.memory_space<vmem>>
    %dma_wait3A_157 = arith.constant 0 : i32
    %dma_wait3A_158 = tpu.memref_slice %arg8[%dma_wait3A_157] : memref<10240xf32, #tpu.memory_space<vmem_shared>> -> memref<10240xf32, #tpu.memory_space<vmem_shared>>
    tpu.wait_indirect_dma semaphore(%arg10 : memref<!tpu.dma_semaphore, #tpu.memory_space<semaphore_mem>>) src(%arg6 : memref<128xf32, #tpu.memory_space<vmem>>) dst(%dma_wait3A_158 : memref<10240xf32, #tpu.memory_space<vmem_shared>>)
    %mul3A_159 = arith.constant 128 : i32
    %mul3A_160 = arith.muli %add3A_153, %mul3A_159 : i32
    %dma_wait3A_161 = tpu.memref_slice %arg5[%mul3A_160] : memref<10240xi32, #tpu.memory_space<vmem>> -> memref<128xi32, #tpu.memory_space<vmem>>
    %dma_wait3A_162 = arith.constant 0 : i32
    %dma_wait3A_163 = tpu.memref_slice %arg9[%dma_wait3A_162] : memref<10240xf32, #tpu.memory_space<vmem_shared>> -> memref<10240xf32, #tpu.memory_space<vmem_shared>>
    tpu.wait_indirect_dma semaphore(%arg10 : memref<!tpu.dma_semaphore, #tpu.memory_space<semaphore_mem>>) src(%arg6 : memref<128xf32, #tpu.memory_space<vmem>>) dst(%dma_wait3A_163 : memref<10240xf32, #tpu.memory_space<vmem_shared>>)
    %sub3A_164 = arith.constant 8 : i32
    %sub3A_165 = arith.subi %select_n3A_5, %sub3A_164 : i32
    %add3A_166 = arith.constant 3 : i32
    %add3A_167 = arith.addi %sub3A_165, %add3A_166 : i32
    %mul3A_168 = arith.constant 128 : i32
    %mul3A_169 = arith.muli %add3A_167, %mul3A_168 : i32
    %dma_wait3A_170 = tpu.memref_slice %arg4[%mul3A_169] : memref<10240xi32, #tpu.memory_space<vmem>> -> memref<128xi32, #tpu.memory_space<vmem>>
    %dma_wait3A_171 = arith.constant 0 : i32
    %dma_wait3A_172 = tpu.memref_slice %arg8[%dma_wait3A_171] : memref<10240xf32, #tpu.memory_space<vmem_shared>> -> memref<10240xf32, #tpu.memory_space<vmem_shared>>
    tpu.wait_indirect_dma semaphore(%arg10 : memref<!tpu.dma_semaphore, #tpu.memory_space<semaphore_mem>>) src(%arg6 : memref<128xf32, #tpu.memory_space<vmem>>) dst(%dma_wait3A_172 : memref<10240xf32, #tpu.memory_space<vmem_shared>>)
    %mul3A_173 = arith.constant 128 : i32
    %mul3A_174 = arith.muli %add3A_167, %mul3A_173 : i32
    %dma_wait3A_175 = tpu.memref_slice %arg5[%mul3A_174] : memref<10240xi32, #tpu.memory_space<vmem>> -> memref<128xi32, #tpu.memory_space<vmem>>
    %dma_wait3A_176 = arith.constant 0 : i32
    %dma_wait3A_177 = tpu.memref_slice %arg9[%dma_wait3A_176] : memref<10240xf32, #tpu.memory_space<vmem_shared>> -> memref<10240xf32, #tpu.memory_space<vmem_shared>>
    tpu.wait_indirect_dma semaphore(%arg10 : memref<!tpu.dma_semaphore, #tpu.memory_space<semaphore_mem>>) src(%arg6 : memref<128xf32, #tpu.memory_space<vmem>>) dst(%dma_wait3A_177 : memref<10240xf32, #tpu.memory_space<vmem_shared>>)
    %sub3A_178 = arith.constant 8 : i32
    %sub3A_179 = arith.subi %select_n3A_5, %sub3A_178 : i32
    %add3A_180 = arith.constant 4 : i32
    %add3A_181 = arith.addi %sub3A_179, %add3A_180 : i32
    %mul3A_182 = arith.constant 128 : i32
    %mul3A_183 = arith.muli %add3A_181, %mul3A_182 : i32
    %dma_wait3A_184 = tpu.memref_slice %arg4[%mul3A_183] : memref<10240xi32, #tpu.memory_space<vmem>> -> memref<128xi32, #tpu.memory_space<vmem>>
    %dma_wait3A_185 = arith.constant 0 : i32
    %dma_wait3A_186 = tpu.memref_slice %arg8[%dma_wait3A_185] : memref<10240xf32, #tpu.memory_space<vmem_shared>> -> memref<10240xf32, #tpu.memory_space<vmem_shared>>
    tpu.wait_indirect_dma semaphore(%arg10 : memref<!tpu.dma_semaphore, #tpu.memory_space<semaphore_mem>>) src(%arg6 : memref<128xf32, #tpu.memory_space<vmem>>) dst(%dma_wait3A_186 : memref<10240xf32, #tpu.memory_space<vmem_shared>>)
    %mul3A_187 = arith.constant 128 : i32
    %mul3A_188 = arith.muli %add3A_181, %mul3A_187 : i32
    %dma_wait3A_189 = tpu.memref_slice %arg5[%mul3A_188] : memref<10240xi32, #tpu.memory_space<vmem>> -> memref<128xi32, #tpu.memory_space<vmem>>
    %dma_wait3A_190 = arith.constant 0 : i32
    %dma_wait3A_191 = tpu.memref_slice %arg9[%dma_wait3A_190] : memref<10240xf32, #tpu.memory_space<vmem_shared>> -> memref<10240xf32, #tpu.memory_space<vmem_shared>>
    tpu.wait_indirect_dma semaphore(%arg10 : memref<!tpu.dma_semaphore, #tpu.memory_space<semaphore_mem>>) src(%arg6 : memref<128xf32, #tpu.memory_space<vmem>>) dst(%dma_wait3A_191 : memref<10240xf32, #tpu.memory_space<vmem_shared>>)
    %sub3A_192 = arith.constant 8 : i32
    %sub3A_193 = arith.subi %select_n3A_5, %sub3A_192 : i32
    %add3A_194 = arith.constant 5 : i32
    %add3A_195 = arith.addi %sub3A_193, %add3A_194 : i32
    %mul3A_196 = arith.constant 128 : i32
    %mul3A_197 = arith.muli %add3A_195, %mul3A_196 : i32
    %dma_wait3A_198 = tpu.memref_slice %arg4[%mul3A_197] : memref<10240xi32, #tpu.memory_space<vmem>> -> memref<128xi32, #tpu.memory_space<vmem>>
    %dma_wait3A_199 = arith.constant 0 : i32
    %dma_wait3A_200 = tpu.memref_slice %arg8[%dma_wait3A_199] : memref<10240xf32, #tpu.memory_space<vmem_shared>> -> memref<10240xf32, #tpu.memory_space<vmem_shared>>
    tpu.wait_indirect_dma semaphore(%arg10 : memref<!tpu.dma_semaphore, #tpu.memory_space<semaphore_mem>>) src(%arg6 : memref<128xf32, #tpu.memory_space<vmem>>) dst(%dma_wait3A_200 : memref<10240xf32, #tpu.memory_space<vmem_shared>>)
    %mul3A_201 = arith.constant 128 : i32
    %mul3A_202 = arith.muli %add3A_195, %mul3A_201 : i32
    %dma_wait3A_203 = tpu.memref_slice %arg5[%mul3A_202] : memref<10240xi32, #tpu.memory_space<vmem>> -> memref<128xi32, #tpu.memory_space<vmem>>
    %dma_wait3A_204 = arith.constant 0 : i32
    %dma_wait3A_205 = tpu.memref_slice %arg9[%dma_wait3A_204] : memref<10240xf32, #tpu.memory_space<vmem_shared>> -> memref<10240xf32, #tpu.memory_space<vmem_shared>>
    tpu.wait_indirect_dma semaphore(%arg10 : memref<!tpu.dma_semaphore, #tpu.memory_space<semaphore_mem>>) src(%arg6 : memref<128xf32, #tpu.memory_space<vmem>>) dst(%dma_wait3A_205 : memref<10240xf32, #tpu.memory_space<vmem_shared>>)
    %sub3A_206 = arith.constant 8 : i32
    %sub3A_207 = arith.subi %select_n3A_5, %sub3A_206 : i32
    %add3A_208 = arith.constant 6 : i32
    %add3A_209 = arith.addi %sub3A_207, %add3A_208 : i32
    %mul3A_210 = arith.constant 128 : i32
    %mul3A_211 = arith.muli %add3A_209, %mul3A_210 : i32
    %dma_wait3A_212 = tpu.memref_slice %arg4[%mul3A_211] : memref<10240xi32, #tpu.memory_space<vmem>> -> memref<128xi32, #tpu.memory_space<vmem>>
    %dma_wait3A_213 = arith.constant 0 : i32
    %dma_wait3A_214 = tpu.memref_slice %arg8[%dma_wait3A_213] : memref<10240xf32, #tpu.memory_space<vmem_shared>> -> memref<10240xf32, #tpu.memory_space<vmem_shared>>
    tpu.wait_indirect_dma semaphore(%arg10 : memref<!tpu.dma_semaphore, #tpu.memory_space<semaphore_mem>>) src(%arg6 : memref<128xf32, #tpu.memory_space<vmem>>) dst(%dma_wait3A_214 : memref<10240xf32, #tpu.memory_space<vmem_shared>>)
    %mul3A_215 = arith.constant 128 : i32
    %mul3A_216 = arith.muli %add3A_209, %mul3A_215 : i32
    %dma_wait3A_217 = tpu.memref_slice %arg5[%mul3A_216] : memref<10240xi32, #tpu.memory_space<vmem>> -> memref<128xi32, #tpu.memory_space<vmem>>
    %dma_wait3A_218 = arith.constant 0 : i32
    %dma_wait3A_219 = tpu.memref_slice %arg9[%dma_wait3A_218] : memref<10240xf32, #tpu.memory_space<vmem_shared>> -> memref<10240xf32, #tpu.memory_space<vmem_shared>>
    tpu.wait_indirect_dma semaphore(%arg10 : memref<!tpu.dma_semaphore, #tpu.memory_space<semaphore_mem>>) src(%arg6 : memref<128xf32, #tpu.memory_space<vmem>>) dst(%dma_wait3A_219 : memref<10240xf32, #tpu.memory_space<vmem_shared>>)
    %sub3A_220 = arith.constant 8 : i32
    %sub3A_221 = arith.subi %select_n3A_5, %sub3A_220 : i32
    %add3A_222 = arith.constant 7 : i32
    %add3A_223 = arith.addi %sub3A_221, %add3A_222 : i32
    %mul3A_224 = arith.constant 128 : i32
    %mul3A_225 = arith.muli %add3A_223, %mul3A_224 : i32
    %dma_wait3A_226 = tpu.memref_slice %arg4[%mul3A_225] : memref<10240xi32, #tpu.memory_space<vmem>> -> memref<128xi32, #tpu.memory_space<vmem>>
    %dma_wait3A_227 = arith.constant 0 : i32
    %dma_wait3A_228 = tpu.memref_slice %arg8[%dma_wait3A_227] : memref<10240xf32, #tpu.memory_space<vmem_shared>> -> memref<10240xf32, #tpu.memory_space<vmem_shared>>
    tpu.wait_indirect_dma semaphore(%arg10 : memref<!tpu.dma_semaphore, #tpu.memory_space<semaphore_mem>>) src(%arg6 : memref<128xf32, #tpu.memory_space<vmem>>) dst(%dma_wait3A_228 : memref<10240xf32, #tpu.memory_space<vmem_shared>>)
    %mul3A_229 = arith.constant 128 : i32
    %mul3A_230 = arith.muli %add3A_223, %mul3A_229 : i32
    %dma_wait3A_231 = tpu.memref_slice %arg5[%mul3A_230] : memref<10240xi32, #tpu.memory_space<vmem>> -> memref<128xi32, #tpu.memory_space<vmem>>
    %dma_wait3A_232 = arith.constant 0 : i32
    %dma_wait3A_233 = tpu.memref_slice %arg9[%dma_wait3A_232] : memref<10240xf32, #tpu.memory_space<vmem_shared>> -> memref<10240xf32, #tpu.memory_space<vmem_shared>>
    tpu.wait_indirect_dma semaphore(%arg10 : memref<!tpu.dma_semaphore, #tpu.memory_space<semaphore_mem>>) src(%arg6 : memref<128xf32, #tpu.memory_space<vmem>>) dst(%dma_wait3A_233 : memref<10240xf32, #tpu.memory_space<vmem_shared>>)
    %barrier3A_234 = arith.constant 0 : index
    tpu.barrier barrier_id(%barrier3A_234)
    %mul3A_235 = arith.constant 640 : i32
    %mul3A_236 = arith.muli %arg1, %mul3A_235 : i32
    %mul3A_237 = arith.constant 2 : i32
    %mul3A_238 = arith.muli %arg0, %mul3A_237 : i32
    %mul3A_239 = arith.constant 640 : i32
    %mul3A_240 = arith.muli %arg1, %mul3A_239 : i32
    %run_scoped3A_241 = arith.constant 0 : i32
    "tpu.region"() ({
      %run_scoped3A_251 = tpu.sem_alloc : memref<!tpu.dma_semaphore, #tpu.memory_space<semaphore_mem>>
      %dma_start3A = tpu.memref_slice %arg3[%mul3A_238, %run_scoped3A_241, %mul3A_240] : memref<4x1x10240xf32, #tpu.memory_space<hbm>> -> memref<1x1x640xf32, #tpu.memory_space<hbm>>
      %dma_start3A_252 = tpu.memref_squeeze %dma_start3A : memref<1x1x640xf32, #tpu.memory_space<hbm>> -> memref<640xf32, #tpu.memory_space<hbm>>
      %dma_start3A_253 = tpu.memref_slice %arg8[%mul3A_236] : memref<10240xf32, #tpu.memory_space<vmem_shared>> -> memref<640xf32, #tpu.memory_space<vmem_shared>>
      tpu.enqueue_dma source(%dma_start3A_253 : memref<640xf32, #tpu.memory_space<vmem_shared>>) target(%dma_start3A_252 : memref<640xf32, #tpu.memory_space<hbm>>) target_semaphore(%run_scoped3A_251 : memref<!tpu.dma_semaphore, #tpu.memory_space<semaphore_mem>>)
      %dma_wait3A_254 = tpu.memref_slice %arg3[%mul3A_238, %run_scoped3A_241, %mul3A_240] : memref<4x1x10240xf32, #tpu.memory_space<hbm>> -> memref<1x1x640xf32, #tpu.memory_space<hbm>>
      %dma_wait3A_255 = tpu.memref_squeeze %dma_wait3A_254 : memref<1x1x640xf32, #tpu.memory_space<hbm>> -> memref<640xf32, #tpu.memory_space<hbm>>
      %dma_wait3A_256 = tpu.memref_slice %arg8[%mul3A_236] : memref<10240xf32, #tpu.memory_space<vmem_shared>> -> memref<640xf32, #tpu.memory_space<vmem_shared>>
      tpu.wait_dma2 semaphore(%run_scoped3A_251 : memref<!tpu.dma_semaphore, #tpu.memory_space<semaphore_mem>>) src(%dma_wait3A_256 : memref<640xf32, #tpu.memory_space<vmem_shared>>) dst(%dma_wait3A_255 : memref<640xf32, #tpu.memory_space<hbm>>)
      tpu.yield
    }) : () -> ()
    %mul3A_242 = arith.constant 640 : i32
    %mul3A_243 = arith.muli %arg1, %mul3A_242 : i32
    %mul3A_244 = arith.constant 2 : i32
    %mul3A_245 = arith.muli %arg0, %mul3A_244 : i32
    %add3A_246 = arith.constant 1 : i32
    %add3A_247 = arith.addi %mul3A_245, %add3A_246 : i32
    %mul3A_248 = arith.constant 640 : i32
    %mul3A_249 = arith.muli %arg1, %mul3A_248 : i32
    %run_scoped3A_250 = arith.constant 0 : i32
    "tpu.region"() ({
      %run_scoped3A_251 = tpu.sem_alloc : memref<!tpu.dma_semaphore, #tpu.memory_space<semaphore_mem>>
      %dma_start3A = tpu.memref_slice %arg3[%add3A_247, %run_scoped3A_250, %mul3A_249] : memref<4x1x10240xf32, #tpu.memory_space<hbm>> -> memref<1x1x640xf32, #tpu.memory_space<hbm>>
      %dma_start3A_252 = tpu.memref_squeeze %dma_start3A : memref<1x1x640xf32, #tpu.memory_space<hbm>> -> memref<640xf32, #tpu.memory_space<hbm>>
      %dma_start3A_253 = tpu.memref_slice %arg9[%mul3A_243] : memref<10240xf32, #tpu.memory_space<vmem_shared>> -> memref<640xf32, #tpu.memory_space<vmem_shared>>
      tpu.enqueue_dma source(%dma_start3A_253 : memref<640xf32, #tpu.memory_space<vmem_shared>>) target(%dma_start3A_252 : memref<640xf32, #tpu.memory_space<hbm>>) target_semaphore(%run_scoped3A_251 : memref<!tpu.dma_semaphore, #tpu.memory_space<semaphore_mem>>)
      %dma_wait3A_254 = tpu.memref_slice %arg3[%add3A_247, %run_scoped3A_250, %mul3A_249] : memref<4x1x10240xf32, #tpu.memory_space<hbm>> -> memref<1x1x640xf32, #tpu.memory_space<hbm>>
      %dma_wait3A_255 = tpu.memref_squeeze %dma_wait3A_254 : memref<1x1x640xf32, #tpu.memory_space<hbm>> -> memref<640xf32, #tpu.memory_space<hbm>>
      %dma_wait3A_256 = tpu.memref_slice %arg9[%mul3A_243] : memref<10240xf32, #tpu.memory_space<vmem_shared>> -> memref<640xf32, #tpu.memory_space<vmem_shared>>
      tpu.wait_dma2 semaphore(%run_scoped3A_251 : memref<!tpu.dma_semaphore, #tpu.memory_space<semaphore_mem>>) src(%dma_wait3A_256 : memref<640xf32, #tpu.memory_space<vmem_shared>>) dst(%dma_wait3A_255 : memref<640xf32, #tpu.memory_space<hbm>>)
      tpu.yield
    }) : () -> ()
    return
  }
}

#map = affine_map<(d0, d1) -> (0, 0)>
#map1 = affine_map<(d0, d1) -> (0, 0, 0)>
module attributes {stable_mosaic.version = 14 : i64} {
  func.func @_sc_scatter_body(%arg0: i32, %arg1: i32, %arg2: memref<2x320000xi32, #tpu.memory_space<hbm>>, %arg3: memref<2x1x10240xf32, #tpu.memory_space<hbm>>, %arg4: memref<4x1x10240xf32, #tpu.memory_space<hbm>>, %arg5: memref<4x1x10240xf32, #tpu.memory_space<hbm>>, %arg6: memref<10240xi32, #tpu.memory_space<vmem>>, %arg7: memref<10240xi32, #tpu.memory_space<vmem>>, %arg8: memref<80x128xf32, #tpu.memory_space<vmem>>, %arg9: memref<80x128xf32, #tpu.memory_space<vmem>>, %arg10: memref<10240xf32, #tpu.memory_space<vmem>>, %arg11: memref<10240xf32, #tpu.memory_space<vmem>>, %arg12: memref<640xf32, #tpu.memory_space<vmem>>, %arg13: memref<640xf32, #tpu.memory_space<vmem>>, %arg14: memref<640xf32, #tpu.memory_space<vmem>>, %arg15: memref<640xf32, #tpu.memory_space<vmem>>, %arg16: memref<640xf32, #tpu.memory_space<vmem>>, %arg17: memref<640xf32, #tpu.memory_space<vmem>>, %arg18: memref<640xf32, #tpu.memory_space<vmem>>, %arg19: memref<10240xf32, #tpu.memory_space<vmem_shared>>, %arg20: memref<10240xf32, #tpu.memory_space<vmem_shared>>, %arg21: memref<10240xf32, #tpu.memory_space<vmem_shared>>, %arg22: memref<10240xf32, #tpu.memory_space<vmem_shared>>, %arg23: memref<!tpu.dma_semaphore, #tpu.memory_space<semaphore_mem>>) attributes {dimension_semantics = [#tpu.dimension_semantics<core_parallel>, #tpu.dimension_semantics<subcore_parallel>], iteration_bounds = array<i64: 2, 16>, scalar_prefetch = 0 : i64, scratch_operands = 18 : i64, tpu.core_type = #tpu.core_type<sc_vector_subcore>, window_params = [{transform_indices = #map}, {transform_indices = #map1}, {transform_indices = #map1}, {transform_indices = #map1}]} {
    %mul3A = arith.constant 2 : i32
    %mul3A_0 = arith.muli %arg1, %mul3A : i32
    %add3A = arith.addi %mul3A_0, %arg0 : i32
    %lt3A = arith.constant 24 : i32
    %lt3A_1 = arith.cmpi slt, %add3A, %lt3A : i32
    %eq3A = arith.constant 24 : i32
    %eq3A_2 = arith.cmpi eq, %add3A, %eq3A : i32
    %jit3A = arith.constant 76 : i32
    %jit3A_3 = arith.constant 72 : i32
    %select_n3A = arith.select %eq3A_2, %jit3A, %jit3A_3 : i32
    %jit3A_4 = arith.constant 80 : i32
    %select_n3A_5 = arith.select %lt3A_1, %jit3A_4, %select_n3A : i32
    %mul3A_6 = arith.constant 640 : i32
    %mul3A_7 = arith.muli %arg1, %mul3A_6 : i32
    %broadcast_in_dim3A = arith.constant 0.000000e+00 : f32
    %broadcast_in_dim3A_8 = vector.broadcast %broadcast_in_dim3A : f32 to vector<16xf32>
    %swap3A = arith.constant 0 : index
    %swap3A_9 = tpu.vector_load %arg18[%swap3A] {strides = array<i32>} : memref<640xf32, #tpu.memory_space<vmem>>, vector<16xf32>,
    tpu.vector_store %arg18[%swap3A], %broadcast_in_dim3A_8 {strides = array<i32>} : memref<640xf32, #tpu.memory_space<vmem>>, vector<16xf32>,
    %swap3A_10 = arith.constant 16 : index
    %swap3A_11 = tpu.vector_load %arg18[%swap3A_10] {strides = array<i32>} : memref<640xf32, #tpu.memory_space<vmem>>, vector<16xf32>,
    tpu.vector_store %arg18[%swap3A_10], %broadcast_in_dim3A_8 {strides = array<i32>} : memref<640xf32, #tpu.memory_space<vmem>>, vector<16xf32>,
    %swap3A_12 = arith.constant 32 : index
    %swap3A_13 = tpu.vector_load %arg18[%swap3A_12] {strides = array<i32>} : memref<640xf32, #tpu.memory_space<vmem>>, vector<16xf32>,
    tpu.vector_store %arg18[%swap3A_12], %broadcast_in_dim3A_8 {strides = array<i32>} : memref<640xf32, #tpu.memory_space<vmem>>, vector<16xf32>,
    %swap3A_14 = arith.constant 48 : index
    %swap3A_15 = tpu.vector_load %arg18[%swap3A_14] {strides = array<i32>} : memref<640xf32, #tpu.memory_space<vmem>>, vector<16xf32>,
    tpu.vector_store %arg18[%swap3A_14], %broadcast_in_dim3A_8 {strides = array<i32>} : memref<640xf32, #tpu.memory_space<vmem>>, vector<16xf32>,
    %swap3A_16 = arith.constant 64 : index
    %swap3A_17 = tpu.vector_load %arg18[%swap3A_16] {strides = array<i32>} : memref<640xf32, #tpu.memory_space<vmem>>, vector<16xf32>,
    tpu.vector_store %arg18[%swap3A_16], %broadcast_in_dim3A_8 {strides = array<i32>} : memref<640xf32, #tpu.memory_space<vmem>>, vector<16xf32>,
    %swap3A_18 = arith.constant 80 : index
    %swap3A_19 = tpu.vector_load %arg18[%swap3A_18] {strides = array<i32>} : memref<640xf32, #tpu.memory_space<vmem>>, vector<16xf32>,
    tpu.vector_store %arg18[%swap3A_18], %broadcast_in_dim3A_8 {strides = array<i32>} : memref<640xf32, #tpu.memory_space<vmem>>, vector<16xf32>,
    %swap3A_20 = arith.constant 96 : index
    %swap3A_21 = tpu.vector_load %arg18[%swap3A_20] {strides = array<i32>} : memref<640xf32, #tpu.memory_space<vmem>>, vector<16xf32>,
    tpu.vector_store %arg18[%swap3A_20], %broadcast_in_dim3A_8 {strides = array<i32>} : memref<640xf32, #tpu.memory_space<vmem>>, vector<16xf32>,
    %swap3A_22 = arith.constant 112 : index
    %swap3A_23 = tpu.vector_load %arg18[%swap3A_22] {strides = array<i32>} : memref<640xf32, #tpu.memory_space<vmem>>, vector<16xf32>,
    tpu.vector_store %arg18[%swap3A_22], %broadcast_in_dim3A_8 {strides = array<i32>} : memref<640xf32, #tpu.memory_space<vmem>>, vector<16xf32>,
    %swap3A_24 = arith.constant 128 : index
    %swap3A_25 = tpu.vector_load %arg18[%swap3A_24] {strides = array<i32>} : memref<640xf32, #tpu.memory_space<vmem>>, vector<16xf32>,
    tpu.vector_store %arg18[%swap3A_24], %broadcast_in_dim3A_8 {strides = array<i32>} : memref<640xf32, #tpu.memory_space<vmem>>, vector<16xf32>,
    %swap3A_26 = arith.constant 144 : index
    %swap3A_27 = tpu.vector_load %arg18[%swap3A_26] {strides = array<i32>} : memref<640xf32, #tpu.memory_space<vmem>>, vector<16xf32>,
    tpu.vector_store %arg18[%swap3A_26], %broadcast_in_dim3A_8 {strides = array<i32>} : memref<640xf32, #tpu.memory_space<vmem>>, vector<16xf32>,
    %swap3A_28 = arith.constant 160 : index
    %swap3A_29 = tpu.vector_load %arg18[%swap3A_28] {strides = array<i32>} : memref<640xf32, #tpu.memory_space<vmem>>, vector<16xf32>,
    tpu.vector_store %arg18[%swap3A_28], %broadcast_in_dim3A_8 {strides = array<i32>} : memref<640xf32, #tpu.memory_space<vmem>>, vector<16xf32>,
    %swap3A_30 = arith.constant 176 : index
    %swap3A_31 = tpu.vector_load %arg18[%swap3A_30] {strides = array<i32>} : memref<640xf32, #tpu.memory_space<vmem>>, vector<16xf32>,
    tpu.vector_store %arg18[%swap3A_30], %broadcast_in_dim3A_8 {strides = array<i32>} : memref<640xf32, #tpu.memory_space<vmem>>, vector<16xf32>,
    %swap3A_32 = arith.constant 192 : index
    %swap3A_33 = tpu.vector_load %arg18[%swap3A_32] {strides = array<i32>} : memref<640xf32, #tpu.memory_space<vmem>>, vector<16xf32>,
    tpu.vector_store %arg18[%swap3A_32], %broadcast_in_dim3A_8 {strides = array<i32>} : memref<640xf32, #tpu.memory_space<vmem>>, vector<16xf32>,
    %swap3A_34 = arith.constant 208 : index
    %swap3A_35 = tpu.vector_load %arg18[%swap3A_34] {strides = array<i32>} : memref<640xf32, #tpu.memory_space<vmem>>, vector<16xf32>,
    tpu.vector_store %arg18[%swap3A_34], %broadcast_in_dim3A_8 {strides = array<i32>} : memref<640xf32, #tpu.memory_space<vmem>>, vector<16xf32>,
    %swap3A_36 = arith.constant 224 : index
    %swap3A_37 = tpu.vector_load %arg18[%swap3A_36] {strides = array<i32>} : memref<640xf32, #tpu.memory_space<vmem>>, vector<16xf32>,
    tpu.vector_store %arg18[%swap3A_36], %broadcast_in_dim3A_8 {strides = array<i32>} : memref<640xf32, #tpu.memory_space<vmem>>, vector<16xf32>,
    %swap3A_38 = arith.constant 240 : index
    %swap3A_39 = tpu.vector_load %arg18[%swap3A_38] {strides = array<i32>} : memref<640xf32, #tpu.memory_space<vmem>>, vector<16xf32>,
    tpu.vector_store %arg18[%swap3A_38], %broadcast_in_dim3A_8 {strides = array<i32>} : memref<640xf32, #tpu.memory_space<vmem>>, vector<16xf32>,
    %swap3A_40 = arith.constant 256 : index
    %swap3A_41 = tpu.vector_load %arg18[%swap3A_40] {strides = array<i32>} : memref<640xf32, #tpu.memory_space<vmem>>, vector<16xf32>,
    tpu.vector_store %arg18[%swap3A_40], %broadcast_in_dim3A_8 {strides = array<i32>} : memref<640xf32, #tpu.memory_space<vmem>>, vector<16xf32>,
    %swap3A_42 = arith.constant 272 : index
    %swap3A_43 = tpu.vector_load %arg18[%swap3A_42] {strides = array<i32>} : memref<640xf32, #tpu.memory_space<vmem>>, vector<16xf32>,
    tpu.vector_store %arg18[%swap3A_42], %broadcast_in_dim3A_8 {strides = array<i32>} : memref<640xf32, #tpu.memory_space<vmem>>, vector<16xf32>,
    %swap3A_44 = arith.constant 288 : index
    %swap3A_45 = tpu.vector_load %arg18[%swap3A_44] {strides = array<i32>} : memref<640xf32, #tpu.memory_space<vmem>>, vector<16xf32>,
    tpu.vector_store %arg18[%swap3A_44], %broadcast_in_dim3A_8 {strides = array<i32>} : memref<640xf32, #tpu.memory_space<vmem>>, vector<16xf32>,
    %swap3A_46 = arith.constant 304 : index
    %swap3A_47 = tpu.vector_load %arg18[%swap3A_46] {strides = array<i32>} : memref<640xf32, #tpu.memory_space<vmem>>, vector<16xf32>,
    tpu.vector_store %arg18[%swap3A_46], %broadcast_in_dim3A_8 {strides = array<i32>} : memref<640xf32, #tpu.memory_space<vmem>>, vector<16xf32>,
    %swap3A_48 = arith.constant 320 : index
    %swap3A_49 = tpu.vector_load %arg18[%swap3A_48] {strides = array<i32>} : memref<640xf32, #tpu.memory_space<vmem>>, vector<16xf32>,
    tpu.vector_store %arg18[%swap3A_48], %broadcast_in_dim3A_8 {strides = array<i32>} : memref<640xf32, #tpu.memory_space<vmem>>, vector<16xf32>,
    %swap3A_50 = arith.constant 336 : index
    %swap3A_51 = tpu.vector_load %arg18[%swap3A_50] {strides = array<i32>} : memref<640xf32, #tpu.memory_space<vmem>>, vector<16xf32>,
    tpu.vector_store %arg18[%swap3A_50], %broadcast_in_dim3A_8 {strides = array<i32>} : memref<640xf32, #tpu.memory_space<vmem>>, vector<16xf32>,
    %swap3A_52 = arith.constant 352 : index
    %swap3A_53 = tpu.vector_load %arg18[%swap3A_52] {strides = array<i32>} : memref<640xf32, #tpu.memory_space<vmem>>, vector<16xf32>,
    tpu.vector_store %arg18[%swap3A_52], %broadcast_in_dim3A_8 {strides = array<i32>} : memref<640xf32, #tpu.memory_space<vmem>>, vector<16xf32>,
    %swap3A_54 = arith.constant 368 : index
    %swap3A_55 = tpu.vector_load %arg18[%swap3A_54] {strides = array<i32>} : memref<640xf32, #tpu.memory_space<vmem>>, vector<16xf32>,
    tpu.vector_store %arg18[%swap3A_54], %broadcast_in_dim3A_8 {strides = array<i32>} : memref<640xf32, #tpu.memory_space<vmem>>, vector<16xf32>,
    %swap3A_56 = arith.constant 384 : index
    %swap3A_57 = tpu.vector_load %arg18[%swap3A_56] {strides = array<i32>} : memref<640xf32, #tpu.memory_space<vmem>>, vector<16xf32>,
    tpu.vector_store %arg18[%swap3A_56], %broadcast_in_dim3A_8 {strides = array<i32>} : memref<640xf32, #tpu.memory_space<vmem>>, vector<16xf32>,
    %swap3A_58 = arith.constant 400 : index
    %swap3A_59 = tpu.vector_load %arg18[%swap3A_58] {strides = array<i32>} : memref<640xf32, #tpu.memory_space<vmem>>, vector<16xf32>,
    tpu.vector_store %arg18[%swap3A_58], %broadcast_in_dim3A_8 {strides = array<i32>} : memref<640xf32, #tpu.memory_space<vmem>>, vector<16xf32>,
    %swap3A_60 = arith.constant 416 : index
    %swap3A_61 = tpu.vector_load %arg18[%swap3A_60] {strides = array<i32>} : memref<640xf32, #tpu.memory_space<vmem>>, vector<16xf32>,
    tpu.vector_store %arg18[%swap3A_60], %broadcast_in_dim3A_8 {strides = array<i32>} : memref<640xf32, #tpu.memory_space<vmem>>, vector<16xf32>,
    %swap3A_62 = arith.constant 432 : index
    %swap3A_63 = tpu.vector_load %arg18[%swap3A_62] {strides = array<i32>} : memref<640xf32, #tpu.memory_space<vmem>>, vector<16xf32>,
    tpu.vector_store %arg18[%swap3A_62], %broadcast_in_dim3A_8 {strides = array<i32>} : memref<640xf32, #tpu.memory_space<vmem>>, vector<16xf32>,
    %swap3A_64 = arith.constant 448 : index
    %swap3A_65 = tpu.vector_load %arg18[%swap3A_64] {strides = array<i32>} : memref<640xf32, #tpu.memory_space<vmem>>, vector<16xf32>,
    tpu.vector_store %arg18[%swap3A_64], %broadcast_in_dim3A_8 {strides = array<i32>} : memref<640xf32, #tpu.memory_space<vmem>>, vector<16xf32>,
    %swap3A_66 = arith.constant 464 : index
    %swap3A_67 = tpu.vector_load %arg18[%swap3A_66] {strides = array<i32>} : memref<640xf32, #tpu.memory_space<vmem>>, vector<16xf32>,
    tpu.vector_store %arg18[%swap3A_66], %broadcast_in_dim3A_8 {strides = array<i32>} : memref<640xf32, #tpu.memory_space<vmem>>, vector<16xf32>,
    %swap3A_68 = arith.constant 480 : index
    %swap3A_69 = tpu.vector_load %arg18[%swap3A_68] {strides = array<i32>} : memref<640xf32, #tpu.memory_space<vmem>>, vector<16xf32>,
    tpu.vector_store %arg18[%swap3A_68], %broadcast_in_dim3A_8 {strides = array<i32>} : memref<640xf32, #tpu.memory_space<vmem>>, vector<16xf32>,
    %swap3A_70 = arith.constant 496 : index
    %swap3A_71 = tpu.vector_load %arg18[%swap3A_70] {strides = array<i32>} : memref<640xf32, #tpu.memory_space<vmem>>, vector<16xf32>,
    tpu.vector_store %arg18[%swap3A_70], %broadcast_in_dim3A_8 {strides = array<i32>} : memref<640xf32, #tpu.memory_space<vmem>>, vector<16xf32>,
    %swap3A_72 = arith.constant 512 : index
    %swap3A_73 = tpu.vector_load %arg18[%swap3A_72] {strides = array<i32>} : memref<640xf32, #tpu.memory_space<vmem>>, vector<16xf32>,
    tpu.vector_store %arg18[%swap3A_72], %broadcast_in_dim3A_8 {strides = array<i32>} : memref<640xf32, #tpu.memory_space<vmem>>, vector<16xf32>,
    %swap3A_74 = arith.constant 528 : index
    %swap3A_75 = tpu.vector_load %arg18[%swap3A_74] {strides = array<i32>} : memref<640xf32, #tpu.memory_space<vmem>>, vector<16xf32>,
    tpu.vector_store %arg18[%swap3A_74], %broadcast_in_dim3A_8 {strides = array<i32>} : memref<640xf32, #tpu.memory_space<vmem>>, vector<16xf32>,
    %swap3A_76 = arith.constant 544 : index
    %swap3A_77 = tpu.vector_load %arg18[%swap3A_76] {strides = array<i32>} : memref<640xf32, #tpu.memory_space<vmem>>, vector<16xf32>,
    tpu.vector_store %arg18[%swap3A_76], %broadcast_in_dim3A_8 {strides = array<i32>} : memref<640xf32, #tpu.memory_space<vmem>>, vector<16xf32>,
    %swap3A_78 = arith.constant 560 : index
    %swap3A_79 = tpu.vector_load %arg18[%swap3A_78] {strides = array<i32>} : memref<640xf32, #tpu.memory_space<vmem>>, vector<16xf32>,
    tpu.vector_store %arg18[%swap3A_78], %broadcast_in_dim3A_8 {strides = array<i32>} : memref<640xf32, #tpu.memory_space<vmem>>, vector<16xf32>,
    %swap3A_80 = arith.constant 576 : index
    %swap3A_81 = tpu.vector_load %arg18[%swap3A_80] {strides = array<i32>} : memref<640xf32, #tpu.memory_space<vmem>>, vector<16xf32>,
    tpu.vector_store %arg18[%swap3A_80], %broadcast_in_dim3A_8 {strides = array<i32>} : memref<640xf32, #tpu.memory_space<vmem>>, vector<16xf32>,
    %swap3A_82 = arith.constant 592 : index
    %swap3A_83 = tpu.vector_load %arg18[%swap3A_82] {strides = array<i32>} : memref<640xf32, #tpu.memory_space<vmem>>, vector<16xf32>,
    tpu.vector_store %arg18[%swap3A_82], %broadcast_in_dim3A_8 {strides = array<i32>} : memref<640xf32, #tpu.memory_space<vmem>>, vector<16xf32>,
    %swap3A_84 = arith.constant 608 : index
    %swap3A_85 = tpu.vector_load %arg18[%swap3A_84] {strides = array<i32>} : memref<640xf32, #tpu.memory_space<vmem>>, vector<16xf32>,
    tpu.vector_store %arg18[%swap3A_84], %broadcast_in_dim3A_8 {strides = array<i32>} : memref<640xf32, #tpu.memory_space<vmem>>, vector<16xf32>,
    %swap3A_86 = arith.constant 624 : index
    %swap3A_87 = tpu.vector_load %arg18[%swap3A_86] {strides = array<i32>} : memref<640xf32, #tpu.memory_space<vmem>>, vector<16xf32>,
    tpu.vector_store %arg18[%swap3A_86], %broadcast_in_dim3A_8 {strides = array<i32>} : memref<640xf32, #tpu.memory_space<vmem>>, vector<16xf32>,
    "tpu.region"() ({
      %run_scoped3A_2394 = tpu.sem_alloc : memref<!tpu.dma_semaphore, #tpu.memory_space<semaphore_mem>>
      %dma_start3A = tpu.memref_slice %arg21[%mul3A_7] : memref<10240xf32, #tpu.memory_space<vmem_shared>> -> memref<640xf32, #tpu.memory_space<vmem_shared>>
      %dma_start3A_2395 = tpu.memref_slice %arg21[%mul3A_7] : memref<10240xf32, #tpu.memory_space<vmem_shared>> -> memref<640xf32, #tpu.memory_space<vmem_shared>>
      tpu.enqueue_dma source(%arg18 : memref<640xf32, #tpu.memory_space<vmem>>) target(%dma_start3A_2395 : memref<640xf32, #tpu.memory_space<vmem_shared>>) target_semaphore(%run_scoped3A_2394 : memref<!tpu.dma_semaphore, #tpu.memory_space<semaphore_mem>>)
      %dma_wait3A_2396 = tpu.memref_slice %arg21[%mul3A_7] : memref<10240xf32, #tpu.memory_space<vmem_shared>> -> memref<640xf32, #tpu.memory_space<vmem_shared>>
      %dma_wait3A_2397 = tpu.memref_slice %arg21[%mul3A_7] : memref<10240xf32, #tpu.memory_space<vmem_shared>> -> memref<640xf32, #tpu.memory_space<vmem_shared>>
      tpu.wait_dma2 semaphore(%run_scoped3A_2394 : memref<!tpu.dma_semaphore, #tpu.memory_space<semaphore_mem>>) src(%arg18 : memref<640xf32, #tpu.memory_space<vmem>>) dst(%dma_wait3A_2397 : memref<640xf32, #tpu.memory_space<vmem_shared>>)
      tpu.yield
    }) : () -> ()
    "tpu.region"() ({
      %run_scoped3A_2394 = tpu.sem_alloc : memref<!tpu.dma_semaphore, #tpu.memory_space<semaphore_mem>>
      %dma_start3A = tpu.memref_slice %arg22[%mul3A_7] : memref<10240xf32, #tpu.memory_space<vmem_shared>> -> memref<640xf32, #tpu.memory_space<vmem_shared>>
      %dma_start3A_2395 = tpu.memref_slice %arg22[%mul3A_7] : memref<10240xf32, #tpu.memory_space<vmem_shared>> -> memref<640xf32, #tpu.memory_space<vmem_shared>>
      tpu.enqueue_dma source(%arg18 : memref<640xf32, #tpu.memory_space<vmem>>) target(%dma_start3A_2395 : memref<640xf32, #tpu.memory_space<vmem_shared>>) target_semaphore(%run_scoped3A_2394 : memref<!tpu.dma_semaphore, #tpu.memory_space<semaphore_mem>>)
      %dma_wait3A_2396 = tpu.memref_slice %arg22[%mul3A_7] : memref<10240xf32, #tpu.memory_space<vmem_shared>> -> memref<640xf32, #tpu.memory_space<vmem_shared>>
      %dma_wait3A_2397 = tpu.memref_slice %arg22[%mul3A_7] : memref<10240xf32, #tpu.memory_space<vmem_shared>> -> memref<640xf32, #tpu.memory_space<vmem_shared>>
      tpu.wait_dma2 semaphore(%run_scoped3A_2394 : memref<!tpu.dma_semaphore, #tpu.memory_space<semaphore_mem>>) src(%arg18 : memref<640xf32, #tpu.memory_space<vmem>>) dst(%dma_wait3A_2397 : memref<640xf32, #tpu.memory_space<vmem_shared>>)
      tpu.yield
    }) : () -> ()
    %run_scoped3A = arith.constant 0 : i32
    %run_scoped3A_88 = arith.constant 0 : i32
    "tpu.region"() ({
      %run_scoped3A_2394 = tpu.sem_alloc : memref<!tpu.dma_semaphore, #tpu.memory_space<semaphore_mem>>
      %dma_start3A = tpu.memref_slice %arg3[%run_scoped3A, %run_scoped3A_88, %mul3A_7] : memref<2x1x10240xf32, #tpu.memory_space<hbm>> -> memref<1x1x640xf32, #tpu.memory_space<hbm>>
      %dma_start3A_2395 = tpu.memref_squeeze %dma_start3A : memref<1x1x640xf32, #tpu.memory_space<hbm>> -> memref<640xf32, #tpu.memory_space<hbm>>
      %dma_start3A_2396 = tpu.memref_slice %arg3[%run_scoped3A, %run_scoped3A_88, %mul3A_7] : memref<2x1x10240xf32, #tpu.memory_space<hbm>> -> memref<1x1x640xf32, #tpu.memory_space<hbm>>
      %dma_start3A_2397 = tpu.memref_squeeze %dma_start3A_2396 : memref<1x1x640xf32, #tpu.memory_space<hbm>> -> memref<640xf32, #tpu.memory_space<hbm>>
      tpu.enqueue_dma source(%dma_start3A_2397 : memref<640xf32, #tpu.memory_space<hbm>>) target(%arg12 : memref<640xf32, #tpu.memory_space<vmem>>) target_semaphore(%run_scoped3A_2394 : memref<!tpu.dma_semaphore, #tpu.memory_space<semaphore_mem>>)
      %dma_wait3A_2398 = tpu.memref_slice %arg3[%run_scoped3A, %run_scoped3A_88, %mul3A_7] : memref<2x1x10240xf32, #tpu.memory_space<hbm>> -> memref<1x1x640xf32, #tpu.memory_space<hbm>>
      %dma_wait3A_2399 = tpu.memref_squeeze %dma_wait3A_2398 : memref<1x1x640xf32, #tpu.memory_space<hbm>> -> memref<640xf32, #tpu.memory_space<hbm>>
      %dma_wait3A_2400 = tpu.memref_slice %arg3[%run_scoped3A, %run_scoped3A_88, %mul3A_7] : memref<2x1x10240xf32, #tpu.memory_space<hbm>> -> memref<1x1x640xf32, #tpu.memory_space<hbm>>
      %dma_wait3A_2401 = tpu.memref_squeeze %dma_wait3A_2400 : memref<1x1x640xf32, #tpu.memory_space<hbm>> -> memref<640xf32, #tpu.memory_space<hbm>>
      tpu.wait_dma2 semaphore(%run_scoped3A_2394 : memref<!tpu.dma_semaphore, #tpu.memory_space<semaphore_mem>>) src(%dma_wait3A_2401 : memref<640xf32, #tpu.memory_space<hbm>>) dst(%arg12 : memref<640xf32, #tpu.memory_space<vmem>>)
      tpu.yield
    }) : () -> ()
    %run_scoped3A_89 = arith.constant 1 : i32
    %run_scoped3A_90 = arith.constant 0 : i32
    "tpu.region"() ({
      %run_scoped3A_2394 = tpu.sem_alloc : memref<!tpu.dma_semaphore, #tpu.memory_space<semaphore_mem>>
      %dma_start3A = tpu.memref_slice %arg3[%run_scoped3A_89, %run_scoped3A_90, %mul3A_7] : memref<2x1x10240xf32, #tpu.memory_space<hbm>> -> memref<1x1x640xf32, #tpu.memory_space<hbm>>
      %dma_start3A_2395 = tpu.memref_squeeze %dma_start3A : memref<1x1x640xf32, #tpu.memory_space<hbm>> -> memref<640xf32, #tpu.memory_space<hbm>>
      %dma_start3A_2396 = tpu.memref_slice %arg3[%run_scoped3A_89, %run_scoped3A_90, %mul3A_7] : memref<2x1x10240xf32, #tpu.memory_space<hbm>> -> memref<1x1x640xf32, #tpu.memory_space<hbm>>
      %dma_start3A_2397 = tpu.memref_squeeze %dma_start3A_2396 : memref<1x1x640xf32, #tpu.memory_space<hbm>> -> memref<640xf32, #tpu.memory_space<hbm>>
      tpu.enqueue_dma source(%dma_start3A_2397 : memref<640xf32, #tpu.memory_space<hbm>>) target(%arg13 : memref<640xf32, #tpu.memory_space<vmem>>) target_semaphore(%run_scoped3A_2394 : memref<!tpu.dma_semaphore, #tpu.memory_space<semaphore_mem>>)
      %dma_wait3A_2398 = tpu.memref_slice %arg3[%run_scoped3A_89, %run_scoped3A_90, %mul3A_7] : memref<2x1x10240xf32, #tpu.memory_space<hbm>> -> memref<1x1x640xf32, #tpu.memory_space<hbm>>
      %dma_wait3A_2399 = tpu.memref_squeeze %dma_wait3A_2398 : memref<1x1x640xf32, #tpu.memory_space<hbm>> -> memref<640xf32, #tpu.memory_space<hbm>>
      %dma_wait3A_2400 = tpu.memref_slice %arg3[%run_scoped3A_89, %run_scoped3A_90, %mul3A_7] : memref<2x1x10240xf32, #tpu.memory_space<hbm>> -> memref<1x1x640xf32, #tpu.memory_space<hbm>>
      %dma_wait3A_2401 = tpu.memref_squeeze %dma_wait3A_2400 : memref<1x1x640xf32, #tpu.memory_space<hbm>> -> memref<640xf32, #tpu.memory_space<hbm>>
      tpu.wait_dma2 semaphore(%run_scoped3A_2394 : memref<!tpu.dma_semaphore, #tpu.memory_space<semaphore_mem>>) src(%dma_wait3A_2401 : memref<640xf32, #tpu.memory_space<hbm>>) dst(%arg13 : memref<640xf32, #tpu.memory_space<vmem>>)
      tpu.yield
    }) : () -> ()
    %run_scoped3A_91 = arith.constant 0 : i32
    %run_scoped3A_92 = arith.constant 0 : i32
    "tpu.region"() ({
      %run_scoped3A_2394 = tpu.sem_alloc : memref<!tpu.dma_semaphore, #tpu.memory_space<semaphore_mem>>
      %dma_start3A = tpu.memref_slice %arg4[%run_scoped3A_91, %run_scoped3A_92, %mul3A_7] : memref<4x1x10240xf32, #tpu.memory_space<hbm>> -> memref<1x1x640xf32, #tpu.memory_space<hbm>>
      %dma_start3A_2395 = tpu.memref_squeeze %dma_start3A : memref<1x1x640xf32, #tpu.memory_space<hbm>> -> memref<640xf32, #tpu.memory_space<hbm>>
      %dma_start3A_2396 = tpu.memref_slice %arg4[%run_scoped3A_91, %run_scoped3A_92, %mul3A_7] : memref<4x1x10240xf32, #tpu.memory_space<hbm>> -> memref<1x1x640xf32, #tpu.memory_space<hbm>>
      %dma_start3A_2397 = tpu.memref_squeeze %dma_start3A_2396 : memref<1x1x640xf32, #tpu.memory_space<hbm>> -> memref<640xf32, #tpu.memory_space<hbm>>
      tpu.enqueue_dma source(%dma_start3A_2397 : memref<640xf32, #tpu.memory_space<hbm>>) target(%arg14 : memref<640xf32, #tpu.memory_space<vmem>>) target_semaphore(%run_scoped3A_2394 : memref<!tpu.dma_semaphore, #tpu.memory_space<semaphore_mem>>)
      %dma_wait3A_2398 = tpu.memref_slice %arg4[%run_scoped3A_91, %run_scoped3A_92, %mul3A_7] : memref<4x1x10240xf32, #tpu.memory_space<hbm>> -> memref<1x1x640xf32, #tpu.memory_space<hbm>>
      %dma_wait3A_2399 = tpu.memref_squeeze %dma_wait3A_2398 : memref<1x1x640xf32, #tpu.memory_space<hbm>> -> memref<640xf32, #tpu.memory_space<hbm>>
      %dma_wait3A_2400 = tpu.memref_slice %arg4[%run_scoped3A_91, %run_scoped3A_92, %mul3A_7] : memref<4x1x10240xf32, #tpu.memory_space<hbm>> -> memref<1x1x640xf32, #tpu.memory_space<hbm>>
      %dma_wait3A_2401 = tpu.memref_squeeze %dma_wait3A_2400 : memref<1x1x640xf32, #tpu.memory_space<hbm>> -> memref<640xf32, #tpu.memory_space<hbm>>
      tpu.wait_dma2 semaphore(%run_scoped3A_2394 : memref<!tpu.dma_semaphore, #tpu.memory_space<semaphore_mem>>) src(%dma_wait3A_2401 : memref<640xf32, #tpu.memory_space<hbm>>) dst(%arg14 : memref<640xf32, #tpu.memory_space<vmem>>)
      tpu.yield
    }) : () -> ()
    %run_scoped3A_93 = arith.constant 2 : i32
    %run_scoped3A_94 = arith.constant 0 : i32
    "tpu.region"() ({
      %run_scoped3A_2394 = tpu.sem_alloc : memref<!tpu.dma_semaphore, #tpu.memory_space<semaphore_mem>>
      %dma_start3A = tpu.memref_slice %arg4[%run_scoped3A_93, %run_scoped3A_94, %mul3A_7] : memref<4x1x10240xf32, #tpu.memory_space<hbm>> -> memref<1x1x640xf32, #tpu.memory_space<hbm>>
      %dma_start3A_2395 = tpu.memref_squeeze %dma_start3A : memref<1x1x640xf32, #tpu.memory_space<hbm>> -> memref<640xf32, #tpu.memory_space<hbm>>
      %dma_start3A_2396 = tpu.memref_slice %arg4[%run_scoped3A_93, %run_scoped3A_94, %mul3A_7] : memref<4x1x10240xf32, #tpu.memory_space<hbm>> -> memref<1x1x640xf32, #tpu.memory_space<hbm>>
      %dma_start3A_2397 = tpu.memref_squeeze %dma_start3A_2396 : memref<1x1x640xf32, #tpu.memory_space<hbm>> -> memref<640xf32, #tpu.memory_space<hbm>>
      tpu.enqueue_dma source(%dma_start3A_2397 : memref<640xf32, #tpu.memory_space<hbm>>) target(%arg15 : memref<640xf32, #tpu.memory_space<vmem>>) target_semaphore(%run_scoped3A_2394 : memref<!tpu.dma_semaphore, #tpu.memory_space<semaphore_mem>>)
      %dma_wait3A_2398 = tpu.memref_slice %arg4[%run_scoped3A_93, %run_scoped3A_94, %mul3A_7] : memref<4x1x10240xf32, #tpu.memory_space<hbm>> -> memref<1x1x640xf32, #tpu.memory_space<hbm>>
      %dma_wait3A_2399 = tpu.memref_squeeze %dma_wait3A_2398 : memref<1x1x640xf32, #tpu.memory_space<hbm>> -> memref<640xf32, #tpu.memory_space<hbm>>
      %dma_wait3A_2400 = tpu.memref_slice %arg4[%run_scoped3A_93, %run_scoped3A_94, %mul3A_7] : memref<4x1x10240xf32, #tpu.memory_space<hbm>> -> memref<1x1x640xf32, #tpu.memory_space<hbm>>
      %dma_wait3A_2401 = tpu.memref_squeeze %dma_wait3A_2400 : memref<1x1x640xf32, #tpu.memory_space<hbm>> -> memref<640xf32, #tpu.memory_space<hbm>>
      tpu.wait_dma2 semaphore(%run_scoped3A_2394 : memref<!tpu.dma_semaphore, #tpu.memory_space<semaphore_mem>>) src(%dma_wait3A_2401 : memref<640xf32, #tpu.memory_space<hbm>>) dst(%arg15 : memref<640xf32, #tpu.memory_space<vmem>>)
      tpu.yield
    }) : () -> ()
    %mul3A_95 = arith.constant 9216 : i32
    %mul3A_96 = arith.muli %add3A, %mul3A_95 : i32
    %run_scoped3A_97 = arith.constant 0 : i32
    "tpu.region"() ({
      %run_scoped3A_2394 = tpu.sem_alloc : memref<!tpu.dma_semaphore, #tpu.memory_space<semaphore_mem>>
      %dma_start3A = arith.constant 0 : i32
      %dma_start3A_2395 = tpu.memref_slice %arg6[%dma_start3A] : memref<10240xi32, #tpu.memory_space<vmem>> -> memref<9216xi32, #tpu.memory_space<vmem>>
      %dma_start3A_2396 = tpu.memref_slice %arg2[%run_scoped3A_97, %mul3A_96] : memref<2x320000xi32, #tpu.memory_space<hbm>> -> memref<1x9216xi32, #tpu.memory_space<hbm>>
      %dma_start3A_2397 = tpu.memref_squeeze %dma_start3A_2396 : memref<1x9216xi32, #tpu.memory_space<hbm>> -> memref<9216xi32, #tpu.memory_space<hbm>>
      %dma_start3A_2398 = arith.constant 0 : i32
      %dma_start3A_2399 = tpu.memref_slice %arg6[%dma_start3A_2398] : memref<10240xi32, #tpu.memory_space<vmem>> -> memref<9216xi32, #tpu.memory_space<vmem>>
      %dma_start3A_2400 = tpu.memref_slice %arg2[%run_scoped3A_97, %mul3A_96] : memref<2x320000xi32, #tpu.memory_space<hbm>> -> memref<1x9216xi32, #tpu.memory_space<hbm>>
      %dma_start3A_2401 = tpu.memref_squeeze %dma_start3A_2400 : memref<1x9216xi32, #tpu.memory_space<hbm>> -> memref<9216xi32, #tpu.memory_space<hbm>>
      tpu.enqueue_dma source(%dma_start3A_2401 : memref<9216xi32, #tpu.memory_space<hbm>>) target(%dma_start3A_2399 : memref<9216xi32, #tpu.memory_space<vmem>>) target_semaphore(%run_scoped3A_2394 : memref<!tpu.dma_semaphore, #tpu.memory_space<semaphore_mem>>)
      %dma_wait3A_2402 = arith.constant 0 : i32
      %dma_wait3A_2403 = tpu.memref_slice %arg6[%dma_wait3A_2402] : memref<10240xi32, #tpu.memory_space<vmem>> -> memref<9216xi32, #tpu.memory_space<vmem>>
      %dma_wait3A_2404 = tpu.memref_slice %arg2[%run_scoped3A_97, %mul3A_96] : memref<2x320000xi32, #tpu.memory_space<hbm>> -> memref<1x9216xi32, #tpu.memory_space<hbm>>
      %dma_wait3A_2405 = tpu.memref_squeeze %dma_wait3A_2404 : memref<1x9216xi32, #tpu.memory_space<hbm>> -> memref<9216xi32, #tpu.memory_space<hbm>>
      %dma_wait3A_2406 = arith.constant 0 : i32
      %dma_wait3A_2407 = tpu.memref_slice %arg6[%dma_wait3A_2406] : memref<10240xi32, #tpu.memory_space<vmem>> -> memref<9216xi32, #tpu.memory_space<vmem>>
      %dma_wait3A_2408 = tpu.memref_slice %arg2[%run_scoped3A_97, %mul3A_96] : memref<2x320000xi32, #tpu.memory_space<hbm>> -> memref<1x9216xi32, #tpu.memory_space<hbm>>
      %dma_wait3A_2409 = tpu.memref_squeeze %dma_wait3A_2408 : memref<1x9216xi32, #tpu.memory_space<hbm>> -> memref<9216xi32, #tpu.memory_space<hbm>>
      tpu.wait_dma2 semaphore(%run_scoped3A_2394 : memref<!tpu.dma_semaphore, #tpu.memory_space<semaphore_mem>>) src(%dma_wait3A_2409 : memref<9216xi32, #tpu.memory_space<hbm>>) dst(%dma_wait3A_2407 : memref<9216xi32, #tpu.memory_space<vmem>>)
      tpu.yield
    }) : () -> ()
    %run_scoped3A_98 = arith.constant 1 : i32
    "tpu.region"() ({
      %run_scoped3A_2394 = tpu.sem_alloc : memref<!tpu.dma_semaphore, #tpu.memory_space<semaphore_mem>>
      %dma_start3A = arith.constant 0 : i32
      %dma_start3A_2395 = tpu.memref_slice %arg7[%dma_start3A] : memref<10240xi32, #tpu.memory_space<vmem>> -> memref<9216xi32, #tpu.memory_space<vmem>>
      %dma_start3A_2396 = tpu.memref_slice %arg2[%run_scoped3A_98, %mul3A_96] : memref<2x320000xi32, #tpu.memory_space<hbm>> -> memref<1x9216xi32, #tpu.memory_space<hbm>>
      %dma_start3A_2397 = tpu.memref_squeeze %dma_start3A_2396 : memref<1x9216xi32, #tpu.memory_space<hbm>> -> memref<9216xi32, #tpu.memory_space<hbm>>
      %dma_start3A_2398 = arith.constant 0 : i32
      %dma_start3A_2399 = tpu.memref_slice %arg7[%dma_start3A_2398] : memref<10240xi32, #tpu.memory_space<vmem>> -> memref<9216xi32, #tpu.memory_space<vmem>>
      %dma_start3A_2400 = tpu.memref_slice %arg2[%run_scoped3A_98, %mul3A_96] : memref<2x320000xi32, #tpu.memory_space<hbm>> -> memref<1x9216xi32, #tpu.memory_space<hbm>>
      %dma_start3A_2401 = tpu.memref_squeeze %dma_start3A_2400 : memref<1x9216xi32, #tpu.memory_space<hbm>> -> memref<9216xi32, #tpu.memory_space<hbm>>
      tpu.enqueue_dma source(%dma_start3A_2401 : memref<9216xi32, #tpu.memory_space<hbm>>) target(%dma_start3A_2399 : memref<9216xi32, #tpu.memory_space<vmem>>) target_semaphore(%run_scoped3A_2394 : memref<!tpu.dma_semaphore, #tpu.memory_space<semaphore_mem>>)
      %dma_wait3A_2402 = arith.constant 0 : i32
      %dma_wait3A_2403 = tpu.memref_slice %arg7[%dma_wait3A_2402] : memref<10240xi32, #tpu.memory_space<vmem>> -> memref<9216xi32, #tpu.memory_space<vmem>>
      %dma_wait3A_2404 = tpu.memref_slice %arg2[%run_scoped3A_98, %mul3A_96] : memref<2x320000xi32, #tpu.memory_space<hbm>> -> memref<1x9216xi32, #tpu.memory_space<hbm>>
      %dma_wait3A_2405 = tpu.memref_squeeze %dma_wait3A_2404 : memref<1x9216xi32, #tpu.memory_space<hbm>> -> memref<9216xi32, #tpu.memory_space<hbm>>
      %dma_wait3A_2406 = arith.constant 0 : i32
      %dma_wait3A_2407 = tpu.memref_slice %arg7[%dma_wait3A_2406] : memref<10240xi32, #tpu.memory_space<vmem>> -> memref<9216xi32, #tpu.memory_space<vmem>>
      %dma_wait3A_2408 = tpu.memref_slice %arg2[%run_scoped3A_98, %mul3A_96] : memref<2x320000xi32, #tpu.memory_space<hbm>> -> memref<1x9216xi32, #tpu.memory_space<hbm>>
      %dma_wait3A_2409 = tpu.memref_squeeze %dma_wait3A_2408 : memref<1x9216xi32, #tpu.memory_space<hbm>> -> memref<9216xi32, #tpu.memory_space<hbm>>
      tpu.wait_dma2 semaphore(%run_scoped3A_2394 : memref<!tpu.dma_semaphore, #tpu.memory_space<semaphore_mem>>) src(%dma_wait3A_2409 : memref<9216xi32, #tpu.memory_space<hbm>>) dst(%dma_wait3A_2407 : memref<9216xi32, #tpu.memory_space<vmem>>)
      tpu.yield
    }) : () -> ()
    %lt3A_99 = arith.constant 24 : i32
    %lt3A_100 = arith.cmpi slt, %add3A, %lt3A_99 : i32
    %convert_element_type3A = arith.extui %lt3A_100 : i1 to i32
    %cond3A = arith.constant 0 : i32
    %cond3A_101 = arith.cmpi ne, %convert_element_type3A, %cond3A : i32
    scf.if %cond3A_101 {
      %mul3A_2394 = arith.constant 8 : i32
      %mul3A_2395 = arith.muli %add3A, %mul3A_2394 : i32
      %add3A_2396 = arith.constant 2304 : i32
      %add3A_2397 = arith.addi %add3A_2396, %mul3A_2395 : i32
      %mul3A_2398 = arith.constant 128 : i32
      %mul3A_2399 = arith.muli %add3A_2397, %mul3A_2398 : i32
      %run_scoped3A_2400 = arith.constant 0 : i32
      "tpu.region"() ({
        %run_scoped3A_2402 = tpu.sem_alloc : memref<!tpu.dma_semaphore, #tpu.memory_space<semaphore_mem>>
        %dma_start3A = arith.constant 9216 : i32
        %dma_start3A_2403 = tpu.memref_slice %arg6[%dma_start3A] : memref<10240xi32, #tpu.memory_space<vmem>> -> memref<1024xi32, #tpu.memory_space<vmem>>
        %dma_start3A_2404 = tpu.memref_slice %arg2[%run_scoped3A_2400, %mul3A_2399] : memref<2x320000xi32, #tpu.memory_space<hbm>> -> memref<1x1024xi32, #tpu.memory_space<hbm>>
        %dma_start3A_2405 = tpu.memref_squeeze %dma_start3A_2404 : memref<1x1024xi32, #tpu.memory_space<hbm>> -> memref<1024xi32, #tpu.memory_space<hbm>>
        %dma_start3A_2406 = arith.constant 9216 : i32
        %dma_start3A_2407 = tpu.memref_slice %arg6[%dma_start3A_2406] : memref<10240xi32, #tpu.memory_space<vmem>> -> memref<1024xi32, #tpu.memory_space<vmem>>
        %dma_start3A_2408 = tpu.memref_slice %arg2[%run_scoped3A_2400, %mul3A_2399] : memref<2x320000xi32, #tpu.memory_space<hbm>> -> memref<1x1024xi32, #tpu.memory_space<hbm>>
        %dma_start3A_2409 = tpu.memref_squeeze %dma_start3A_2408 : memref<1x1024xi32, #tpu.memory_space<hbm>> -> memref<1024xi32, #tpu.memory_space<hbm>>
        tpu.enqueue_dma source(%dma_start3A_2409 : memref<1024xi32, #tpu.memory_space<hbm>>) target(%dma_start3A_2407 : memref<1024xi32, #tpu.memory_space<vmem>>) target_semaphore(%run_scoped3A_2402 : memref<!tpu.dma_semaphore, #tpu.memory_space<semaphore_mem>>)
        %dma_wait3A_2410 = arith.constant 9216 : i32
        %dma_wait3A_2411 = tpu.memref_slice %arg6[%dma_wait3A_2410] : memref<10240xi32, #tpu.memory_space<vmem>> -> memref<1024xi32, #tpu.memory_space<vmem>>
        %dma_wait3A_2412 = tpu.memref_slice %arg2[%run_scoped3A_2400, %mul3A_2399] : memref<2x320000xi32, #tpu.memory_space<hbm>> -> memref<1x1024xi32, #tpu.memory_space<hbm>>
        %dma_wait3A_2413 = tpu.memref_squeeze %dma_wait3A_2412 : memref<1x1024xi32, #tpu.memory_space<hbm>> -> memref<1024xi32, #tpu.memory_space<hbm>>
        %dma_wait3A_2414 = arith.constant 9216 : i32
        %dma_wait3A_2415 = tpu.memref_slice %arg6[%dma_wait3A_2414] : memref<10240xi32, #tpu.memory_space<vmem>> -> memref<1024xi32, #tpu.memory_space<vmem>>
        %dma_wait3A_2416 = tpu.memref_slice %arg2[%run_scoped3A_2400, %mul3A_2399] : memref<2x320000xi32, #tpu.memory_space<hbm>> -> memref<1x1024xi32, #tpu.memory_space<hbm>>
        %dma_wait3A_2417 = tpu.memref_squeeze %dma_wait3A_2416 : memref<1x1024xi32, #tpu.memory_space<hbm>> -> memref<1024xi32, #tpu.memory_space<hbm>>
        tpu.wait_dma2 semaphore(%run_scoped3A_2402 : memref<!tpu.dma_semaphore, #tpu.memory_space<semaphore_mem>>) src(%dma_wait3A_2417 : memref<1024xi32, #tpu.memory_space<hbm>>) dst(%dma_wait3A_2415 : memref<1024xi32, #tpu.memory_space<vmem>>)
        tpu.yield
      }) : () -> ()
      %run_scoped3A_2401 = arith.constant 1 : i32
      "tpu.region"() ({
        %run_scoped3A_2402 = tpu.sem_alloc : memref<!tpu.dma_semaphore, #tpu.memory_space<semaphore_mem>>
        %dma_start3A = arith.constant 9216 : i32
        %dma_start3A_2403 = tpu.memref_slice %arg7[%dma_start3A] : memref<10240xi32, #tpu.memory_space<vmem>> -> memref<1024xi32, #tpu.memory_space<vmem>>
        %dma_start3A_2404 = tpu.memref_slice %arg2[%run_scoped3A_2401, %mul3A_2399] : memref<2x320000xi32, #tpu.memory_space<hbm>> -> memref<1x1024xi32, #tpu.memory_space<hbm>>
        %dma_start3A_2405 = tpu.memref_squeeze %dma_start3A_2404 : memref<1x1024xi32, #tpu.memory_space<hbm>> -> memref<1024xi32, #tpu.memory_space<hbm>>
        %dma_start3A_2406 = arith.constant 9216 : i32
        %dma_start3A_2407 = tpu.memref_slice %arg7[%dma_start3A_2406] : memref<10240xi32, #tpu.memory_space<vmem>> -> memref<1024xi32, #tpu.memory_space<vmem>>
        %dma_start3A_2408 = tpu.memref_slice %arg2[%run_scoped3A_2401, %mul3A_2399] : memref<2x320000xi32, #tpu.memory_space<hbm>> -> memref<1x1024xi32, #tpu.memory_space<hbm>>
        %dma_start3A_2409 = tpu.memref_squeeze %dma_start3A_2408 : memref<1x1024xi32, #tpu.memory_space<hbm>> -> memref<1024xi32, #tpu.memory_space<hbm>>
        tpu.enqueue_dma source(%dma_start3A_2409 : memref<1024xi32, #tpu.memory_space<hbm>>) target(%dma_start3A_2407 : memref<1024xi32, #tpu.memory_space<vmem>>) target_semaphore(%run_scoped3A_2402 : memref<!tpu.dma_semaphore, #tpu.memory_space<semaphore_mem>>)
        %dma_wait3A_2410 = arith.constant 9216 : i32
        %dma_wait3A_2411 = tpu.memref_slice %arg7[%dma_wait3A_2410] : memref<10240xi32, #tpu.memory_space<vmem>> -> memref<1024xi32, #tpu.memory_space<vmem>>
        %dma_wait3A_2412 = tpu.memref_slice %arg2[%run_scoped3A_2401, %mul3A_2399] : memref<2x320000xi32, #tpu.memory_space<hbm>> -> memref<1x1024xi32, #tpu.memory_space<hbm>>
        %dma_wait3A_2413 = tpu.memref_squeeze %dma_wait3A_2412 : memref<1x1024xi32, #tpu.memory_space<hbm>> -> memref<1024xi32, #tpu.memory_space<hbm>>
        %dma_wait3A_2414 = arith.constant 9216 : i32
        %dma_wait3A_2415 = tpu.memref_slice %arg7[%dma_wait3A_2414] : memref<10240xi32, #tpu.memory_space<vmem>> -> memref<1024xi32, #tpu.memory_space<vmem>>
        %dma_wait3A_2416 = tpu.memref_slice %arg2[%run_scoped3A_2401, %mul3A_2399] : memref<2x320000xi32, #tpu.memory_space<hbm>> -> memref<1x1024xi32, #tpu.memory_space<hbm>>
        %dma_wait3A_2417 = tpu.memref_squeeze %dma_wait3A_2416 : memref<1x1024xi32, #tpu.memory_space<hbm>> -> memref<1024xi32, #tpu.memory_space<hbm>>
        tpu.wait_dma2 semaphore(%run_scoped3A_2402 : memref<!tpu.dma_semaphore, #tpu.memory_space<semaphore_mem>>) src(%dma_wait3A_2417 : memref<1024xi32, #tpu.memory_space<hbm>>) dst(%dma_wait3A_2415 : memref<1024xi32, #tpu.memory_space<vmem>>)
        tpu.yield
      }) : () -> ()
    } else {
    }
    %eq3A_102 = arith.constant 24 : i32
    %eq3A_103 = arith.cmpi eq, %add3A, %eq3A_102 : i32
    %convert_element_type3A_104 = arith.extui %eq3A_103 : i1 to i32
    %cond3A_105 = arith.constant 0 : i32
    %cond3A_106 = arith.cmpi ne, %convert_element_type3A_104, %cond3A_105 : i32
    scf.if %cond3A_106 {
      %run_scoped3A_2394 = arith.constant 0 : i32
      "tpu.region"() ({
        %run_scoped3A_2396 = tpu.sem_alloc : memref<!tpu.dma_semaphore, #tpu.memory_space<semaphore_mem>>
        %dma_start3A = arith.constant 9216 : i32
        %dma_start3A_2397 = tpu.memref_slice %arg6[%dma_start3A] : memref<10240xi32, #tpu.memory_space<vmem>> -> memref<512xi32, #tpu.memory_space<vmem>>
        %dma_start3A_2398 = arith.constant 319488 : i32
        %dma_start3A_2399 = tpu.memref_slice %arg2[%run_scoped3A_2394, %dma_start3A_2398] : memref<2x320000xi32, #tpu.memory_space<hbm>> -> memref<1x512xi32, #tpu.memory_space<hbm>>
        %dma_start3A_2400 = tpu.memref_squeeze %dma_start3A_2399 : memref<1x512xi32, #tpu.memory_space<hbm>> -> memref<512xi32, #tpu.memory_space<hbm>>
        %dma_start3A_2401 = arith.constant 9216 : i32
        %dma_start3A_2402 = tpu.memref_slice %arg6[%dma_start3A_2401] : memref<10240xi32, #tpu.memory_space<vmem>> -> memref<512xi32, #tpu.memory_space<vmem>>
        %dma_start3A_2403 = arith.constant 319488 : i32
        %dma_start3A_2404 = tpu.memref_slice %arg2[%run_scoped3A_2394, %dma_start3A_2403] : memref<2x320000xi32, #tpu.memory_space<hbm>> -> memref<1x512xi32, #tpu.memory_space<hbm>>
        %dma_start3A_2405 = tpu.memref_squeeze %dma_start3A_2404 : memref<1x512xi32, #tpu.memory_space<hbm>> -> memref<512xi32, #tpu.memory_space<hbm>>
        tpu.enqueue_dma source(%dma_start3A_2405 : memref<512xi32, #tpu.memory_space<hbm>>) target(%dma_start3A_2402 : memref<512xi32, #tpu.memory_space<vmem>>) target_semaphore(%run_scoped3A_2396 : memref<!tpu.dma_semaphore, #tpu.memory_space<semaphore_mem>>)
        %dma_wait3A_2406 = arith.constant 9216 : i32
        %dma_wait3A_2407 = tpu.memref_slice %arg6[%dma_wait3A_2406] : memref<10240xi32, #tpu.memory_space<vmem>> -> memref<512xi32, #tpu.memory_space<vmem>>
        %dma_wait3A_2408 = arith.constant 319488 : i32
        %dma_wait3A_2409 = tpu.memref_slice %arg2[%run_scoped3A_2394, %dma_wait3A_2408] : memref<2x320000xi32, #tpu.memory_space<hbm>> -> memref<1x512xi32, #tpu.memory_space<hbm>>
        %dma_wait3A_2410 = tpu.memref_squeeze %dma_wait3A_2409 : memref<1x512xi32, #tpu.memory_space<hbm>> -> memref<512xi32, #tpu.memory_space<hbm>>
        %dma_wait3A_2411 = arith.constant 9216 : i32
        %dma_wait3A_2412 = tpu.memref_slice %arg6[%dma_wait3A_2411] : memref<10240xi32, #tpu.memory_space<vmem>> -> memref<512xi32, #tpu.memory_space<vmem>>
        %dma_wait3A_2413 = arith.constant 319488 : i32
        %dma_wait3A_2414 = tpu.memref_slice %arg2[%run_scoped3A_2394, %dma_wait3A_2413] : memref<2x320000xi32, #tpu.memory_space<hbm>> -> memref<1x512xi32, #tpu.memory_space<hbm>>
        %dma_wait3A_2415 = tpu.memref_squeeze %dma_wait3A_2414 : memref<1x512xi32, #tpu.memory_space<hbm>> -> memref<512xi32, #tpu.memory_space<hbm>>
        tpu.wait_dma2 semaphore(%run_scoped3A_2396 : memref<!tpu.dma_semaphore, #tpu.memory_space<semaphore_mem>>) src(%dma_wait3A_2415 : memref<512xi32, #tpu.memory_space<hbm>>) dst(%dma_wait3A_2412 : memref<512xi32, #tpu.memory_space<vmem>>)
        tpu.yield
      }) : () -> ()
      %run_scoped3A_2395 = arith.constant 1 : i32
      "tpu.region"() ({
        %run_scoped3A_2396 = tpu.sem_alloc : memref<!tpu.dma_semaphore, #tpu.memory_space<semaphore_mem>>
        %dma_start3A = arith.constant 9216 : i32
        %dma_start3A_2397 = tpu.memref_slice %arg7[%dma_start3A] : memref<10240xi32, #tpu.memory_space<vmem>> -> memref<512xi32, #tpu.memory_space<vmem>>
        %dma_start3A_2398 = arith.constant 319488 : i32
        %dma_start3A_2399 = tpu.memref_slice %arg2[%run_scoped3A_2395, %dma_start3A_2398] : memref<2x320000xi32, #tpu.memory_space<hbm>> -> memref<1x512xi32, #tpu.memory_space<hbm>>
        %dma_start3A_2400 = tpu.memref_squeeze %dma_start3A_2399 : memref<1x512xi32, #tpu.memory_space<hbm>> -> memref<512xi32, #tpu.memory_space<hbm>>
        %dma_start3A_2401 = arith.constant 9216 : i32
        %dma_start3A_2402 = tpu.memref_slice %arg7[%dma_start3A_2401] : memref<10240xi32, #tpu.memory_space<vmem>> -> memref<512xi32, #tpu.memory_space<vmem>>
        %dma_start3A_2403 = arith.constant 319488 : i32
        %dma_start3A_2404 = tpu.memref_slice %arg2[%run_scoped3A_2395, %dma_start3A_2403] : memref<2x320000xi32, #tpu.memory_space<hbm>> -> memref<1x512xi32, #tpu.memory_space<hbm>>
        %dma_start3A_2405 = tpu.memref_squeeze %dma_start3A_2404 : memref<1x512xi32, #tpu.memory_space<hbm>> -> memref<512xi32, #tpu.memory_space<hbm>>
        tpu.enqueue_dma source(%dma_start3A_2405 : memref<512xi32, #tpu.memory_space<hbm>>) target(%dma_start3A_2402 : memref<512xi32, #tpu.memory_space<vmem>>) target_semaphore(%run_scoped3A_2396 : memref<!tpu.dma_semaphore, #tpu.memory_space<semaphore_mem>>)
        %dma_wait3A_2406 = arith.constant 9216 : i32
        %dma_wait3A_2407 = tpu.memref_slice %arg7[%dma_wait3A_2406] : memref<10240xi32, #tpu.memory_space<vmem>> -> memref<512xi32, #tpu.memory_space<vmem>>
        %dma_wait3A_2408 = arith.constant 319488 : i32
        %dma_wait3A_2409 = tpu.memref_slice %arg2[%run_scoped3A_2395, %dma_wait3A_2408] : memref<2x320000xi32, #tpu.memory_space<hbm>> -> memref<1x512xi32, #tpu.memory_space<hbm>>
        %dma_wait3A_2410 = tpu.memref_squeeze %dma_wait3A_2409 : memref<1x512xi32, #tpu.memory_space<hbm>> -> memref<512xi32, #tpu.memory_space<hbm>>
        %dma_wait3A_2411 = arith.constant 9216 : i32
        %dma_wait3A_2412 = tpu.memref_slice %arg7[%dma_wait3A_2411] : memref<10240xi32, #tpu.memory_space<vmem>> -> memref<512xi32, #tpu.memory_space<vmem>>
        %dma_wait3A_2413 = arith.constant 319488 : i32
        %dma_wait3A_2414 = tpu.memref_slice %arg2[%run_scoped3A_2395, %dma_wait3A_2413] : memref<2x320000xi32, #tpu.memory_space<hbm>> -> memref<1x512xi32, #tpu.memory_space<hbm>>
        %dma_wait3A_2415 = tpu.memref_squeeze %dma_wait3A_2414 : memref<1x512xi32, #tpu.memory_space<hbm>> -> memref<512xi32, #tpu.memory_space<hbm>>
        tpu.wait_dma2 semaphore(%run_scoped3A_2396 : memref<!tpu.dma_semaphore, #tpu.memory_space<semaphore_mem>>) src(%dma_wait3A_2415 : memref<512xi32, #tpu.memory_space<hbm>>) dst(%dma_wait3A_2412 : memref<512xi32, #tpu.memory_space<vmem>>)
        tpu.yield
      }) : () -> ()
    } else {
    }
    %get3A = arith.constant 0 : index
    %get3A_107 = tpu.vector_load %arg14[%get3A] {strides = array<i32>} : memref<640xf32, #tpu.memory_space<vmem>>, vector<16xf32>,
    %get3A_108 = arith.constant 0 : index
    %get3A_109 = tpu.vector_load %arg15[%get3A_108] {strides = array<i32>} : memref<640xf32, #tpu.memory_space<vmem>>, vector<16xf32>,
    %add3A_110 = arith.addf %get3A_107, %get3A_109 : vector<16xf32>
    %max3A = arith.constant 1.000000e+00 : f32
    %max3A_111 = vector.broadcast %max3A : f32 to vector<16xf32>
    %max3A_112 = arith.maximumf %add3A_110, %max3A_111 : vector<16xf32>
    %bitcast3A = vector.bitcast %max3A_112 : vector<16xf32> to vector<16xi32>
    %broadcast_in_dim3A_113 = arith.constant 1597463007 : i32
    %broadcast_in_dim3A_114 = vector.broadcast %broadcast_in_dim3A_113 : i32 to vector<16xi32>
    %shift_right_logical3A = arith.constant 1 : i32
    %shift_right_logical3A_115 = vector.broadcast %shift_right_logical3A : i32 to vector<16xi32>
    %shift_right_logical3A_116 = arith.shrui %bitcast3A, %shift_right_logical3A_115 : vector<16xi32>
    %sub3A = arith.subi %broadcast_in_dim3A_114, %shift_right_logical3A_116 : vector<16xi32>
    %bitcast3A_117 = vector.bitcast %sub3A : vector<16xi32> to vector<16xf32>
    %mul3A_118 = arith.constant 5.000000e-01 : f32
    %mul3A_119 = vector.broadcast %mul3A_118 : f32 to vector<16xf32>
    %mul3A_120 = arith.mulf %max3A_112, %mul3A_119 : vector<16xf32>
    %mul3A_121 = arith.mulf %mul3A_120, %bitcast3A_117 : vector<16xf32>
    %mul3A_122 = arith.mulf %mul3A_121, %bitcast3A_117 : vector<16xf32>
    %sub3A_123 = arith.constant 1.500000e+00 : f32
    %sub3A_124 = vector.broadcast %sub3A_123 : f32 to vector<16xf32>
    %sub3A_125 = arith.subf %sub3A_124, %mul3A_122 : vector<16xf32>
    %mul3A_126 = arith.mulf %bitcast3A_117, %sub3A_125 : vector<16xf32>
    %mul3A_127 = arith.mulf %mul3A_120, %mul3A_126 : vector<16xf32>
    %mul3A_128 = arith.mulf %mul3A_127, %mul3A_126 : vector<16xf32>
    %sub3A_129 = arith.constant 1.500000e+00 : f32
    %sub3A_130 = vector.broadcast %sub3A_129 : f32 to vector<16xf32>
    %sub3A_131 = arith.subf %sub3A_130, %mul3A_128 : vector<16xf32>
    %mul3A_132 = arith.mulf %mul3A_126, %sub3A_131 : vector<16xf32>
    %mul3A_133 = arith.mulf %mul3A_120, %mul3A_132 : vector<16xf32>
    %mul3A_134 = arith.mulf %mul3A_133, %mul3A_132 : vector<16xf32>
    %sub3A_135 = arith.constant 1.500000e+00 : f32
    %sub3A_136 = vector.broadcast %sub3A_135 : f32 to vector<16xf32>
    %sub3A_137 = arith.subf %sub3A_136, %mul3A_134 : vector<16xf32>
    %mul3A_138 = arith.mulf %mul3A_132, %sub3A_137 : vector<16xf32>
    %gt3A = arith.constant 0.000000e+00 : f32
    %gt3A_139 = vector.broadcast %gt3A : f32 to vector<16xf32>
    %gt3A_140 = arith.cmpf ogt, %add3A_110, %gt3A_139 : vector<16xf32>
    %jit3A_141 = arith.constant 0.000000e+00 : f32
    %broadcast_in_dim3A_142 = vector.broadcast %jit3A_141 : f32 to vector<16xf32>
    %select_n3A_143 = arith.select %gt3A_140, %mul3A_138, %broadcast_in_dim3A_142 : vector<16xi1>, vector<16xf32>
    %get3A_144 = arith.constant 0 : index
    %get3A_145 = tpu.vector_load %arg12[%get3A_144] {strides = array<i32>} : memref<640xf32, #tpu.memory_space<vmem>>, vector<16xf32>,
    %mul3A_146 = arith.mulf %get3A_145, %select_n3A_143 : vector<16xf32>
    %swap3A_147 = arith.constant 0 : index
    %swap3A_148 = tpu.vector_load %arg16[%swap3A_147] {strides = array<i32>} : memref<640xf32, #tpu.memory_space<vmem>>, vector<16xf32>,
    tpu.vector_store %arg16[%swap3A_147], %mul3A_146 {strides = array<i32>} : memref<640xf32, #tpu.memory_space<vmem>>, vector<16xf32>,
    %get3A_149 = arith.constant 0 : index
    %get3A_150 = tpu.vector_load %arg13[%get3A_149] {strides = array<i32>} : memref<640xf32, #tpu.memory_space<vmem>>, vector<16xf32>,
    %mul3A_151 = arith.mulf %get3A_150, %select_n3A_143 : vector<16xf32>
    %swap3A_152 = arith.constant 0 : index
    %swap3A_153 = tpu.vector_load %arg17[%swap3A_152] {strides = array<i32>} : memref<640xf32, #tpu.memory_space<vmem>>, vector<16xf32>,
    tpu.vector_store %arg17[%swap3A_152], %mul3A_151 {strides = array<i32>} : memref<640xf32, #tpu.memory_space<vmem>>, vector<16xf32>,
    %get3A_154 = arith.constant 16 : index
    %get3A_155 = tpu.vector_load %arg14[%get3A_154] {strides = array<i32>} : memref<640xf32, #tpu.memory_space<vmem>>, vector<16xf32>,
    %get3A_156 = arith.constant 16 : index
    %get3A_157 = tpu.vector_load %arg15[%get3A_156] {strides = array<i32>} : memref<640xf32, #tpu.memory_space<vmem>>, vector<16xf32>,
    %add3A_158 = arith.addf %get3A_155, %get3A_157 : vector<16xf32>
    %max3A_159 = arith.constant 1.000000e+00 : f32
    %max3A_160 = vector.broadcast %max3A_159 : f32 to vector<16xf32>
    %max3A_161 = arith.maximumf %add3A_158, %max3A_160 : vector<16xf32>
    %bitcast3A_162 = vector.bitcast %max3A_161 : vector<16xf32> to vector<16xi32>
    %broadcast_in_dim3A_163 = arith.constant 1597463007 : i32
    %broadcast_in_dim3A_164 = vector.broadcast %broadcast_in_dim3A_163 : i32 to vector<16xi32>
    %shift_right_logical3A_165 = arith.constant 1 : i32
    %shift_right_logical3A_166 = vector.broadcast %shift_right_logical3A_165 : i32 to vector<16xi32>
    %shift_right_logical3A_167 = arith.shrui %bitcast3A_162, %shift_right_logical3A_166 : vector<16xi32>
    %sub3A_168 = arith.subi %broadcast_in_dim3A_164, %shift_right_logical3A_167 : vector<16xi32>
    %bitcast3A_169 = vector.bitcast %sub3A_168 : vector<16xi32> to vector<16xf32>
    %mul3A_170 = arith.constant 5.000000e-01 : f32
    %mul3A_171 = vector.broadcast %mul3A_170 : f32 to vector<16xf32>
    %mul3A_172 = arith.mulf %max3A_161, %mul3A_171 : vector<16xf32>
    %mul3A_173 = arith.mulf %mul3A_172, %bitcast3A_169 : vector<16xf32>
    %mul3A_174 = arith.mulf %mul3A_173, %bitcast3A_169 : vector<16xf32>
    %sub3A_175 = arith.constant 1.500000e+00 : f32
    %sub3A_176 = vector.broadcast %sub3A_175 : f32 to vector<16xf32>
    %sub3A_177 = arith.subf %sub3A_176, %mul3A_174 : vector<16xf32>
    %mul3A_178 = arith.mulf %bitcast3A_169, %sub3A_177 : vector<16xf32>
    %mul3A_179 = arith.mulf %mul3A_172, %mul3A_178 : vector<16xf32>
    %mul3A_180 = arith.mulf %mul3A_179, %mul3A_178 : vector<16xf32>
    %sub3A_181 = arith.constant 1.500000e+00 : f32
    %sub3A_182 = vector.broadcast %sub3A_181 : f32 to vector<16xf32>
    %sub3A_183 = arith.subf %sub3A_182, %mul3A_180 : vector<16xf32>
    %mul3A_184 = arith.mulf %mul3A_178, %sub3A_183 : vector<16xf32>
    %mul3A_185 = arith.mulf %mul3A_172, %mul3A_184 : vector<16xf32>
    %mul3A_186 = arith.mulf %mul3A_185, %mul3A_184 : vector<16xf32>
    %sub3A_187 = arith.constant 1.500000e+00 : f32
    %sub3A_188 = vector.broadcast %sub3A_187 : f32 to vector<16xf32>
    %sub3A_189 = arith.subf %sub3A_188, %mul3A_186 : vector<16xf32>
    %mul3A_190 = arith.mulf %mul3A_184, %sub3A_189 : vector<16xf32>
    %gt3A_191 = arith.constant 0.000000e+00 : f32
    %gt3A_192 = vector.broadcast %gt3A_191 : f32 to vector<16xf32>
    %gt3A_193 = arith.cmpf ogt, %add3A_158, %gt3A_192 : vector<16xf32>
    %jit3A_194 = arith.constant 0.000000e+00 : f32
    %broadcast_in_dim3A_195 = vector.broadcast %jit3A_194 : f32 to vector<16xf32>
    %select_n3A_196 = arith.select %gt3A_193, %mul3A_190, %broadcast_in_dim3A_195 : vector<16xi1>, vector<16xf32>
    %get3A_197 = arith.constant 16 : index
    %get3A_198 = tpu.vector_load %arg12[%get3A_197] {strides = array<i32>} : memref<640xf32, #tpu.memory_space<vmem>>, vector<16xf32>,
    %mul3A_199 = arith.mulf %get3A_198, %select_n3A_196 : vector<16xf32>
    %swap3A_200 = arith.constant 16 : index
    %swap3A_201 = tpu.vector_load %arg16[%swap3A_200] {strides = array<i32>} : memref<640xf32, #tpu.memory_space<vmem>>, vector<16xf32>,
    tpu.vector_store %arg16[%swap3A_200], %mul3A_199 {strides = array<i32>} : memref<640xf32, #tpu.memory_space<vmem>>, vector<16xf32>,
    %get3A_202 = arith.constant 16 : index
    %get3A_203 = tpu.vector_load %arg13[%get3A_202] {strides = array<i32>} : memref<640xf32, #tpu.memory_space<vmem>>, vector<16xf32>,
    %mul3A_204 = arith.mulf %get3A_203, %select_n3A_196 : vector<16xf32>
    %swap3A_205 = arith.constant 16 : index
    %swap3A_206 = tpu.vector_load %arg17[%swap3A_205] {strides = array<i32>} : memref<640xf32, #tpu.memory_space<vmem>>, vector<16xf32>,
    tpu.vector_store %arg17[%swap3A_205], %mul3A_204 {strides = array<i32>} : memref<640xf32, #tpu.memory_space<vmem>>, vector<16xf32>,
    %get3A_207 = arith.constant 32 : index
    %get3A_208 = tpu.vector_load %arg14[%get3A_207] {strides = array<i32>} : memref<640xf32, #tpu.memory_space<vmem>>, vector<16xf32>,
    %get3A_209 = arith.constant 32 : index
    %get3A_210 = tpu.vector_load %arg15[%get3A_209] {strides = array<i32>} : memref<640xf32, #tpu.memory_space<vmem>>, vector<16xf32>,
    %add3A_211 = arith.addf %get3A_208, %get3A_210 : vector<16xf32>
    %max3A_212 = arith.constant 1.000000e+00 : f32
    %max3A_213 = vector.broadcast %max3A_212 : f32 to vector<16xf32>
    %max3A_214 = arith.maximumf %add3A_211, %max3A_213 : vector<16xf32>
    %bitcast3A_215 = vector.bitcast %max3A_214 : vector<16xf32> to vector<16xi32>
    %broadcast_in_dim3A_216 = arith.constant 1597463007 : i32
    %broadcast_in_dim3A_217 = vector.broadcast %broadcast_in_dim3A_216 : i32 to vector<16xi32>
    %shift_right_logical3A_218 = arith.constant 1 : i32
    %shift_right_logical3A_219 = vector.broadcast %shift_right_logical3A_218 : i32 to vector<16xi32>
    %shift_right_logical3A_220 = arith.shrui %bitcast3A_215, %shift_right_logical3A_219 : vector<16xi32>
    %sub3A_221 = arith.subi %broadcast_in_dim3A_217, %shift_right_logical3A_220 : vector<16xi32>
    %bitcast3A_222 = vector.bitcast %sub3A_221 : vector<16xi32> to vector<16xf32>
    %mul3A_223 = arith.constant 5.000000e-01 : f32
    %mul3A_224 = vector.broadcast %mul3A_223 : f32 to vector<16xf32>
    %mul3A_225 = arith.mulf %max3A_214, %mul3A_224 : vector<16xf32>
    %mul3A_226 = arith.mulf %mul3A_225, %bitcast3A_222 : vector<16xf32>
    %mul3A_227 = arith.mulf %mul3A_226, %bitcast3A_222 : vector<16xf32>
    %sub3A_228 = arith.constant 1.500000e+00 : f32
    %sub3A_229 = vector.broadcast %sub3A_228 : f32 to vector<16xf32>
    %sub3A_230 = arith.subf %sub3A_229, %mul3A_227 : vector<16xf32>
    %mul3A_231 = arith.mulf %bitcast3A_222, %sub3A_230 : vector<16xf32>
    %mul3A_232 = arith.mulf %mul3A_225, %mul3A_231 : vector<16xf32>
    %mul3A_233 = arith.mulf %mul3A_232, %mul3A_231 : vector<16xf32>
    %sub3A_234 = arith.constant 1.500000e+00 : f32
    %sub3A_235 = vector.broadcast %sub3A_234 : f32 to vector<16xf32>
    %sub3A_236 = arith.subf %sub3A_235, %mul3A_233 : vector<16xf32>
    %mul3A_237 = arith.mulf %mul3A_231, %sub3A_236 : vector<16xf32>
    %mul3A_238 = arith.mulf %mul3A_225, %mul3A_237 : vector<16xf32>
    %mul3A_239 = arith.mulf %mul3A_238, %mul3A_237 : vector<16xf32>
    %sub3A_240 = arith.constant 1.500000e+00 : f32
    %sub3A_241 = vector.broadcast %sub3A_240 : f32 to vector<16xf32>
    %sub3A_242 = arith.subf %sub3A_241, %mul3A_239 : vector<16xf32>
    %mul3A_243 = arith.mulf %mul3A_237, %sub3A_242 : vector<16xf32>
    %gt3A_244 = arith.constant 0.000000e+00 : f32
    %gt3A_245 = vector.broadcast %gt3A_244 : f32 to vector<16xf32>
    %gt3A_246 = arith.cmpf ogt, %add3A_211, %gt3A_245 : vector<16xf32>
    %jit3A_247 = arith.constant 0.000000e+00 : f32
    %broadcast_in_dim3A_248 = vector.broadcast %jit3A_247 : f32 to vector<16xf32>
    %select_n3A_249 = arith.select %gt3A_246, %mul3A_243, %broadcast_in_dim3A_248 : vector<16xi1>, vector<16xf32>
    %get3A_250 = arith.constant 32 : index
    %get3A_251 = tpu.vector_load %arg12[%get3A_250] {strides = array<i32>} : memref<640xf32, #tpu.memory_space<vmem>>, vector<16xf32>,
    %mul3A_252 = arith.mulf %get3A_251, %select_n3A_249 : vector<16xf32>
    %swap3A_253 = arith.constant 32 : index
    %swap3A_254 = tpu.vector_load %arg16[%swap3A_253] {strides = array<i32>} : memref<640xf32, #tpu.memory_space<vmem>>, vector<16xf32>,
    tpu.vector_store %arg16[%swap3A_253], %mul3A_252 {strides = array<i32>} : memref<640xf32, #tpu.memory_space<vmem>>, vector<16xf32>,
    %get3A_255 = arith.constant 32 : index
    %get3A_256 = tpu.vector_load %arg13[%get3A_255] {strides = array<i32>} : memref<640xf32, #tpu.memory_space<vmem>>, vector<16xf32>,
    %mul3A_257 = arith.mulf %get3A_256, %select_n3A_249 : vector<16xf32>
    %swap3A_258 = arith.constant 32 : index
    %swap3A_259 = tpu.vector_load %arg17[%swap3A_258] {strides = array<i32>} : memref<640xf32, #tpu.memory_space<vmem>>, vector<16xf32>,
    tpu.vector_store %arg17[%swap3A_258], %mul3A_257 {strides = array<i32>} : memref<640xf32, #tpu.memory_space<vmem>>, vector<16xf32>,
    %get3A_260 = arith.constant 48 : index
    %get3A_261 = tpu.vector_load %arg14[%get3A_260] {strides = array<i32>} : memref<640xf32, #tpu.memory_space<vmem>>, vector<16xf32>,
    %get3A_262 = arith.constant 48 : index
    %get3A_263 = tpu.vector_load %arg15[%get3A_262] {strides = array<i32>} : memref<640xf32, #tpu.memory_space<vmem>>, vector<16xf32>,
    %add3A_264 = arith.addf %get3A_261, %get3A_263 : vector<16xf32>
    %max3A_265 = arith.constant 1.000000e+00 : f32
    %max3A_266 = vector.broadcast %max3A_265 : f32 to vector<16xf32>
    %max3A_267 = arith.maximumf %add3A_264, %max3A_266 : vector<16xf32>
    %bitcast3A_268 = vector.bitcast %max3A_267 : vector<16xf32> to vector<16xi32>
    %broadcast_in_dim3A_269 = arith.constant 1597463007 : i32
    %broadcast_in_dim3A_270 = vector.broadcast %broadcast_in_dim3A_269 : i32 to vector<16xi32>
    %shift_right_logical3A_271 = arith.constant 1 : i32
    %shift_right_logical3A_272 = vector.broadcast %shift_right_logical3A_271 : i32 to vector<16xi32>
    %shift_right_logical3A_273 = arith.shrui %bitcast3A_268, %shift_right_logical3A_272 : vector<16xi32>
    %sub3A_274 = arith.subi %broadcast_in_dim3A_270, %shift_right_logical3A_273 : vector<16xi32>
    %bitcast3A_275 = vector.bitcast %sub3A_274 : vector<16xi32> to vector<16xf32>
    %mul3A_276 = arith.constant 5.000000e-01 : f32
    %mul3A_277 = vector.broadcast %mul3A_276 : f32 to vector<16xf32>
    %mul3A_278 = arith.mulf %max3A_267, %mul3A_277 : vector<16xf32>
    %mul3A_279 = arith.mulf %mul3A_278, %bitcast3A_275 : vector<16xf32>
    %mul3A_280 = arith.mulf %mul3A_279, %bitcast3A_275 : vector<16xf32>
    %sub3A_281 = arith.constant 1.500000e+00 : f32
    %sub3A_282 = vector.broadcast %sub3A_281 : f32 to vector<16xf32>
    %sub3A_283 = arith.subf %sub3A_282, %mul3A_280 : vector<16xf32>
    %mul3A_284 = arith.mulf %bitcast3A_275, %sub3A_283 : vector<16xf32>
    %mul3A_285 = arith.mulf %mul3A_278, %mul3A_284 : vector<16xf32>
    %mul3A_286 = arith.mulf %mul3A_285, %mul3A_284 : vector<16xf32>
    %sub3A_287 = arith.constant 1.500000e+00 : f32
    %sub3A_288 = vector.broadcast %sub3A_287 : f32 to vector<16xf32>
    %sub3A_289 = arith.subf %sub3A_288, %mul3A_286 : vector<16xf32>
    %mul3A_290 = arith.mulf %mul3A_284, %sub3A_289 : vector<16xf32>
    %mul3A_291 = arith.mulf %mul3A_278, %mul3A_290 : vector<16xf32>
    %mul3A_292 = arith.mulf %mul3A_291, %mul3A_290 : vector<16xf32>
    %sub3A_293 = arith.constant 1.500000e+00 : f32
    %sub3A_294 = vector.broadcast %sub3A_293 : f32 to vector<16xf32>
    %sub3A_295 = arith.subf %sub3A_294, %mul3A_292 : vector<16xf32>
    %mul3A_296 = arith.mulf %mul3A_290, %sub3A_295 : vector<16xf32>
    %gt3A_297 = arith.constant 0.000000e+00 : f32
    %gt3A_298 = vector.broadcast %gt3A_297 : f32 to vector<16xf32>
    %gt3A_299 = arith.cmpf ogt, %add3A_264, %gt3A_298 : vector<16xf32>
    %jit3A_300 = arith.constant 0.000000e+00 : f32
    %broadcast_in_dim3A_301 = vector.broadcast %jit3A_300 : f32 to vector<16xf32>
    %select_n3A_302 = arith.select %gt3A_299, %mul3A_296, %broadcast_in_dim3A_301 : vector<16xi1>, vector<16xf32>
    %get3A_303 = arith.constant 48 : index
    %get3A_304 = tpu.vector_load %arg12[%get3A_303] {strides = array<i32>} : memref<640xf32, #tpu.memory_space<vmem>>, vector<16xf32>,
    %mul3A_305 = arith.mulf %get3A_304, %select_n3A_302 : vector<16xf32>
    %swap3A_306 = arith.constant 48 : index
    %swap3A_307 = tpu.vector_load %arg16[%swap3A_306] {strides = array<i32>} : memref<640xf32, #tpu.memory_space<vmem>>, vector<16xf32>,
    tpu.vector_store %arg16[%swap3A_306], %mul3A_305 {strides = array<i32>} : memref<640xf32, #tpu.memory_space<vmem>>, vector<16xf32>,
    %get3A_308 = arith.constant 48 : index
    %get3A_309 = tpu.vector_load %arg13[%get3A_308] {strides = array<i32>} : memref<640xf32, #tpu.memory_space<vmem>>, vector<16xf32>,
    %mul3A_310 = arith.mulf %get3A_309, %select_n3A_302 : vector<16xf32>
    %swap3A_311 = arith.constant 48 : index
    %swap3A_312 = tpu.vector_load %arg17[%swap3A_311] {strides = array<i32>} : memref<640xf32, #tpu.memory_space<vmem>>, vector<16xf32>,
    tpu.vector_store %arg17[%swap3A_311], %mul3A_310 {strides = array<i32>} : memref<640xf32, #tpu.memory_space<vmem>>, vector<16xf32>,
    %get3A_313 = arith.constant 64 : index
    %get3A_314 = tpu.vector_load %arg14[%get3A_313] {strides = array<i32>} : memref<640xf32, #tpu.memory_space<vmem>>, vector<16xf32>,
    %get3A_315 = arith.constant 64 : index
    %get3A_316 = tpu.vector_load %arg15[%get3A_315] {strides = array<i32>} : memref<640xf32, #tpu.memory_space<vmem>>, vector<16xf32>,
    %add3A_317 = arith.addf %get3A_314, %get3A_316 : vector<16xf32>
    %max3A_318 = arith.constant 1.000000e+00 : f32
    %max3A_319 = vector.broadcast %max3A_318 : f32 to vector<16xf32>
    %max3A_320 = arith.maximumf %add3A_317, %max3A_319 : vector<16xf32>
    %bitcast3A_321 = vector.bitcast %max3A_320 : vector<16xf32> to vector<16xi32>
    %broadcast_in_dim3A_322 = arith.constant 1597463007 : i32
    %broadcast_in_dim3A_323 = vector.broadcast %broadcast_in_dim3A_322 : i32 to vector<16xi32>
    %shift_right_logical3A_324 = arith.constant 1 : i32
    %shift_right_logical3A_325 = vector.broadcast %shift_right_logical3A_324 : i32 to vector<16xi32>
    %shift_right_logical3A_326 = arith.shrui %bitcast3A_321, %shift_right_logical3A_325 : vector<16xi32>
    %sub3A_327 = arith.subi %broadcast_in_dim3A_323, %shift_right_logical3A_326 : vector<16xi32>
    %bitcast3A_328 = vector.bitcast %sub3A_327 : vector<16xi32> to vector<16xf32>
    %mul3A_329 = arith.constant 5.000000e-01 : f32
    %mul3A_330 = vector.broadcast %mul3A_329 : f32 to vector<16xf32>
    %mul3A_331 = arith.mulf %max3A_320, %mul3A_330 : vector<16xf32>
    %mul3A_332 = arith.mulf %mul3A_331, %bitcast3A_328 : vector<16xf32>
    %mul3A_333 = arith.mulf %mul3A_332, %bitcast3A_328 : vector<16xf32>
    %sub3A_334 = arith.constant 1.500000e+00 : f32
    %sub3A_335 = vector.broadcast %sub3A_334 : f32 to vector<16xf32>
    %sub3A_336 = arith.subf %sub3A_335, %mul3A_333 : vector<16xf32>
    %mul3A_337 = arith.mulf %bitcast3A_328, %sub3A_336 : vector<16xf32>
    %mul3A_338 = arith.mulf %mul3A_331, %mul3A_337 : vector<16xf32>
    %mul3A_339 = arith.mulf %mul3A_338, %mul3A_337 : vector<16xf32>
    %sub3A_340 = arith.constant 1.500000e+00 : f32
    %sub3A_341 = vector.broadcast %sub3A_340 : f32 to vector<16xf32>
    %sub3A_342 = arith.subf %sub3A_341, %mul3A_339 : vector<16xf32>
    %mul3A_343 = arith.mulf %mul3A_337, %sub3A_342 : vector<16xf32>
    %mul3A_344 = arith.mulf %mul3A_331, %mul3A_343 : vector<16xf32>
    %mul3A_345 = arith.mulf %mul3A_344, %mul3A_343 : vector<16xf32>
    %sub3A_346 = arith.constant 1.500000e+00 : f32
    %sub3A_347 = vector.broadcast %sub3A_346 : f32 to vector<16xf32>
    %sub3A_348 = arith.subf %sub3A_347, %mul3A_345 : vector<16xf32>
    %mul3A_349 = arith.mulf %mul3A_343, %sub3A_348 : vector<16xf32>
    %gt3A_350 = arith.constant 0.000000e+00 : f32
    %gt3A_351 = vector.broadcast %gt3A_350 : f32 to vector<16xf32>
    %gt3A_352 = arith.cmpf ogt, %add3A_317, %gt3A_351 : vector<16xf32>
    %jit3A_353 = arith.constant 0.000000e+00 : f32
    %broadcast_in_dim3A_354 = vector.broadcast %jit3A_353 : f32 to vector<16xf32>
    %select_n3A_355 = arith.select %gt3A_352, %mul3A_349, %broadcast_in_dim3A_354 : vector<16xi1>, vector<16xf32>
    %get3A_356 = arith.constant 64 : index
    %get3A_357 = tpu.vector_load %arg12[%get3A_356] {strides = array<i32>} : memref<640xf32, #tpu.memory_space<vmem>>, vector<16xf32>,
    %mul3A_358 = arith.mulf %get3A_357, %select_n3A_355 : vector<16xf32>
    %swap3A_359 = arith.constant 64 : index
    %swap3A_360 = tpu.vector_load %arg16[%swap3A_359] {strides = array<i32>} : memref<640xf32, #tpu.memory_space<vmem>>, vector<16xf32>,
    tpu.vector_store %arg16[%swap3A_359], %mul3A_358 {strides = array<i32>} : memref<640xf32, #tpu.memory_space<vmem>>, vector<16xf32>,
    %get3A_361 = arith.constant 64 : index
    %get3A_362 = tpu.vector_load %arg13[%get3A_361] {strides = array<i32>} : memref<640xf32, #tpu.memory_space<vmem>>, vector<16xf32>,
    %mul3A_363 = arith.mulf %get3A_362, %select_n3A_355 : vector<16xf32>
    %swap3A_364 = arith.constant 64 : index
    %swap3A_365 = tpu.vector_load %arg17[%swap3A_364] {strides = array<i32>} : memref<640xf32, #tpu.memory_space<vmem>>, vector<16xf32>,
    tpu.vector_store %arg17[%swap3A_364], %mul3A_363 {strides = array<i32>} : memref<640xf32, #tpu.memory_space<vmem>>, vector<16xf32>,
    %get3A_366 = arith.constant 80 : index
    %get3A_367 = tpu.vector_load %arg14[%get3A_366] {strides = array<i32>} : memref<640xf32, #tpu.memory_space<vmem>>, vector<16xf32>,
    %get3A_368 = arith.constant 80 : index
    %get3A_369 = tpu.vector_load %arg15[%get3A_368] {strides = array<i32>} : memref<640xf32, #tpu.memory_space<vmem>>, vector<16xf32>,
    %add3A_370 = arith.addf %get3A_367, %get3A_369 : vector<16xf32>
    %max3A_371 = arith.constant 1.000000e+00 : f32
    %max3A_372 = vector.broadcast %max3A_371 : f32 to vector<16xf32>
    %max3A_373 = arith.maximumf %add3A_370, %max3A_372 : vector<16xf32>
    %bitcast3A_374 = vector.bitcast %max3A_373 : vector<16xf32> to vector<16xi32>
    %broadcast_in_dim3A_375 = arith.constant 1597463007 : i32
    %broadcast_in_dim3A_376 = vector.broadcast %broadcast_in_dim3A_375 : i32 to vector<16xi32>
    %shift_right_logical3A_377 = arith.constant 1 : i32
    %shift_right_logical3A_378 = vector.broadcast %shift_right_logical3A_377 : i32 to vector<16xi32>
    %shift_right_logical3A_379 = arith.shrui %bitcast3A_374, %shift_right_logical3A_378 : vector<16xi32>
    %sub3A_380 = arith.subi %broadcast_in_dim3A_376, %shift_right_logical3A_379 : vector<16xi32>
    %bitcast3A_381 = vector.bitcast %sub3A_380 : vector<16xi32> to vector<16xf32>
    %mul3A_382 = arith.constant 5.000000e-01 : f32
    %mul3A_383 = vector.broadcast %mul3A_382 : f32 to vector<16xf32>
    %mul3A_384 = arith.mulf %max3A_373, %mul3A_383 : vector<16xf32>
    %mul3A_385 = arith.mulf %mul3A_384, %bitcast3A_381 : vector<16xf32>
    %mul3A_386 = arith.mulf %mul3A_385, %bitcast3A_381 : vector<16xf32>
    %sub3A_387 = arith.constant 1.500000e+00 : f32
    %sub3A_388 = vector.broadcast %sub3A_387 : f32 to vector<16xf32>
    %sub3A_389 = arith.subf %sub3A_388, %mul3A_386 : vector<16xf32>
    %mul3A_390 = arith.mulf %bitcast3A_381, %sub3A_389 : vector<16xf32>
    %mul3A_391 = arith.mulf %mul3A_384, %mul3A_390 : vector<16xf32>
    %mul3A_392 = arith.mulf %mul3A_391, %mul3A_390 : vector<16xf32>
    %sub3A_393 = arith.constant 1.500000e+00 : f32
    %sub3A_394 = vector.broadcast %sub3A_393 : f32 to vector<16xf32>
    %sub3A_395 = arith.subf %sub3A_394, %mul3A_392 : vector<16xf32>
    %mul3A_396 = arith.mulf %mul3A_390, %sub3A_395 : vector<16xf32>
    %mul3A_397 = arith.mulf %mul3A_384, %mul3A_396 : vector<16xf32>
    %mul3A_398 = arith.mulf %mul3A_397, %mul3A_396 : vector<16xf32>
    %sub3A_399 = arith.constant 1.500000e+00 : f32
    %sub3A_400 = vector.broadcast %sub3A_399 : f32 to vector<16xf32>
    %sub3A_401 = arith.subf %sub3A_400, %mul3A_398 : vector<16xf32>
    %mul3A_402 = arith.mulf %mul3A_396, %sub3A_401 : vector<16xf32>
    %gt3A_403 = arith.constant 0.000000e+00 : f32
    %gt3A_404 = vector.broadcast %gt3A_403 : f32 to vector<16xf32>
    %gt3A_405 = arith.cmpf ogt, %add3A_370, %gt3A_404 : vector<16xf32>
    %jit3A_406 = arith.constant 0.000000e+00 : f32
    %broadcast_in_dim3A_407 = vector.broadcast %jit3A_406 : f32 to vector<16xf32>
    %select_n3A_408 = arith.select %gt3A_405, %mul3A_402, %broadcast_in_dim3A_407 : vector<16xi1>, vector<16xf32>
    %get3A_409 = arith.constant 80 : index
    %get3A_410 = tpu.vector_load %arg12[%get3A_409] {strides = array<i32>} : memref<640xf32, #tpu.memory_space<vmem>>, vector<16xf32>,
    %mul3A_411 = arith.mulf %get3A_410, %select_n3A_408 : vector<16xf32>
    %swap3A_412 = arith.constant 80 : index
    %swap3A_413 = tpu.vector_load %arg16[%swap3A_412] {strides = array<i32>} : memref<640xf32, #tpu.memory_space<vmem>>, vector<16xf32>,
    tpu.vector_store %arg16[%swap3A_412], %mul3A_411 {strides = array<i32>} : memref<640xf32, #tpu.memory_space<vmem>>, vector<16xf32>,
    %get3A_414 = arith.constant 80 : index
    %get3A_415 = tpu.vector_load %arg13[%get3A_414] {strides = array<i32>} : memref<640xf32, #tpu.memory_space<vmem>>, vector<16xf32>,
    %mul3A_416 = arith.mulf %get3A_415, %select_n3A_408 : vector<16xf32>
    %swap3A_417 = arith.constant 80 : index
    %swap3A_418 = tpu.vector_load %arg17[%swap3A_417] {strides = array<i32>} : memref<640xf32, #tpu.memory_space<vmem>>, vector<16xf32>,
    tpu.vector_store %arg17[%swap3A_417], %mul3A_416 {strides = array<i32>} : memref<640xf32, #tpu.memory_space<vmem>>, vector<16xf32>,
    %get3A_419 = arith.constant 96 : index
    %get3A_420 = tpu.vector_load %arg14[%get3A_419] {strides = array<i32>} : memref<640xf32, #tpu.memory_space<vmem>>, vector<16xf32>,
    %get3A_421 = arith.constant 96 : index
    %get3A_422 = tpu.vector_load %arg15[%get3A_421] {strides = array<i32>} : memref<640xf32, #tpu.memory_space<vmem>>, vector<16xf32>,
    %add3A_423 = arith.addf %get3A_420, %get3A_422 : vector<16xf32>
    %max3A_424 = arith.constant 1.000000e+00 : f32
    %max3A_425 = vector.broadcast %max3A_424 : f32 to vector<16xf32>
    %max3A_426 = arith.maximumf %add3A_423, %max3A_425 : vector<16xf32>
    %bitcast3A_427 = vector.bitcast %max3A_426 : vector<16xf32> to vector<16xi32>
    %broadcast_in_dim3A_428 = arith.constant 1597463007 : i32
    %broadcast_in_dim3A_429 = vector.broadcast %broadcast_in_dim3A_428 : i32 to vector<16xi32>
    %shift_right_logical3A_430 = arith.constant 1 : i32
    %shift_right_logical3A_431 = vector.broadcast %shift_right_logical3A_430 : i32 to vector<16xi32>
    %shift_right_logical3A_432 = arith.shrui %bitcast3A_427, %shift_right_logical3A_431 : vector<16xi32>
    %sub3A_433 = arith.subi %broadcast_in_dim3A_429, %shift_right_logical3A_432 : vector<16xi32>
    %bitcast3A_434 = vector.bitcast %sub3A_433 : vector<16xi32> to vector<16xf32>
    %mul3A_435 = arith.constant 5.000000e-01 : f32
    %mul3A_436 = vector.broadcast %mul3A_435 : f32 to vector<16xf32>
    %mul3A_437 = arith.mulf %max3A_426, %mul3A_436 : vector<16xf32>
    %mul3A_438 = arith.mulf %mul3A_437, %bitcast3A_434 : vector<16xf32>
    %mul3A_439 = arith.mulf %mul3A_438, %bitcast3A_434 : vector<16xf32>
    %sub3A_440 = arith.constant 1.500000e+00 : f32
    %sub3A_441 = vector.broadcast %sub3A_440 : f32 to vector<16xf32>
    %sub3A_442 = arith.subf %sub3A_441, %mul3A_439 : vector<16xf32>
    %mul3A_443 = arith.mulf %bitcast3A_434, %sub3A_442 : vector<16xf32>
    %mul3A_444 = arith.mulf %mul3A_437, %mul3A_443 : vector<16xf32>
    %mul3A_445 = arith.mulf %mul3A_444, %mul3A_443 : vector<16xf32>
    %sub3A_446 = arith.constant 1.500000e+00 : f32
    %sub3A_447 = vector.broadcast %sub3A_446 : f32 to vector<16xf32>
    %sub3A_448 = arith.subf %sub3A_447, %mul3A_445 : vector<16xf32>
    %mul3A_449 = arith.mulf %mul3A_443, %sub3A_448 : vector<16xf32>
    %mul3A_450 = arith.mulf %mul3A_437, %mul3A_449 : vector<16xf32>
    %mul3A_451 = arith.mulf %mul3A_450, %mul3A_449 : vector<16xf32>
    %sub3A_452 = arith.constant 1.500000e+00 : f32
    %sub3A_453 = vector.broadcast %sub3A_452 : f32 to vector<16xf32>
    %sub3A_454 = arith.subf %sub3A_453, %mul3A_451 : vector<16xf32>
    %mul3A_455 = arith.mulf %mul3A_449, %sub3A_454 : vector<16xf32>
    %gt3A_456 = arith.constant 0.000000e+00 : f32
    %gt3A_457 = vector.broadcast %gt3A_456 : f32 to vector<16xf32>
    %gt3A_458 = arith.cmpf ogt, %add3A_423, %gt3A_457 : vector<16xf32>
    %jit3A_459 = arith.constant 0.000000e+00 : f32
    %broadcast_in_dim3A_460 = vector.broadcast %jit3A_459 : f32 to vector<16xf32>
    %select_n3A_461 = arith.select %gt3A_458, %mul3A_455, %broadcast_in_dim3A_460 : vector<16xi1>, vector<16xf32>
    %get3A_462 = arith.constant 96 : index
    %get3A_463 = tpu.vector_load %arg12[%get3A_462] {strides = array<i32>} : memref<640xf32, #tpu.memory_space<vmem>>, vector<16xf32>,
    %mul3A_464 = arith.mulf %get3A_463, %select_n3A_461 : vector<16xf32>
    %swap3A_465 = arith.constant 96 : index
    %swap3A_466 = tpu.vector_load %arg16[%swap3A_465] {strides = array<i32>} : memref<640xf32, #tpu.memory_space<vmem>>, vector<16xf32>,
    tpu.vector_store %arg16[%swap3A_465], %mul3A_464 {strides = array<i32>} : memref<640xf32, #tpu.memory_space<vmem>>, vector<16xf32>,
    %get3A_467 = arith.constant 96 : index
    %get3A_468 = tpu.vector_load %arg13[%get3A_467] {strides = array<i32>} : memref<640xf32, #tpu.memory_space<vmem>>, vector<16xf32>,
    %mul3A_469 = arith.mulf %get3A_468, %select_n3A_461 : vector<16xf32>
    %swap3A_470 = arith.constant 96 : index
    %swap3A_471 = tpu.vector_load %arg17[%swap3A_470] {strides = array<i32>} : memref<640xf32, #tpu.memory_space<vmem>>, vector<16xf32>,
    tpu.vector_store %arg17[%swap3A_470], %mul3A_469 {strides = array<i32>} : memref<640xf32, #tpu.memory_space<vmem>>, vector<16xf32>,
    %get3A_472 = arith.constant 112 : index
    %get3A_473 = tpu.vector_load %arg14[%get3A_472] {strides = array<i32>} : memref<640xf32, #tpu.memory_space<vmem>>, vector<16xf32>,
    %get3A_474 = arith.constant 112 : index
    %get3A_475 = tpu.vector_load %arg15[%get3A_474] {strides = array<i32>} : memref<640xf32, #tpu.memory_space<vmem>>, vector<16xf32>,
    %add3A_476 = arith.addf %get3A_473, %get3A_475 : vector<16xf32>
    %max3A_477 = arith.constant 1.000000e+00 : f32
    %max3A_478 = vector.broadcast %max3A_477 : f32 to vector<16xf32>
    %max3A_479 = arith.maximumf %add3A_476, %max3A_478 : vector<16xf32>
    %bitcast3A_480 = vector.bitcast %max3A_479 : vector<16xf32> to vector<16xi32>
    %broadcast_in_dim3A_481 = arith.constant 1597463007 : i32
    %broadcast_in_dim3A_482 = vector.broadcast %broadcast_in_dim3A_481 : i32 to vector<16xi32>
    %shift_right_logical3A_483 = arith.constant 1 : i32
    %shift_right_logical3A_484 = vector.broadcast %shift_right_logical3A_483 : i32 to vector<16xi32>
    %shift_right_logical3A_485 = arith.shrui %bitcast3A_480, %shift_right_logical3A_484 : vector<16xi32>
    %sub3A_486 = arith.subi %broadcast_in_dim3A_482, %shift_right_logical3A_485 : vector<16xi32>
    %bitcast3A_487 = vector.bitcast %sub3A_486 : vector<16xi32> to vector<16xf32>
    %mul3A_488 = arith.constant 5.000000e-01 : f32
    %mul3A_489 = vector.broadcast %mul3A_488 : f32 to vector<16xf32>
    %mul3A_490 = arith.mulf %max3A_479, %mul3A_489 : vector<16xf32>
    %mul3A_491 = arith.mulf %mul3A_490, %bitcast3A_487 : vector<16xf32>
    %mul3A_492 = arith.mulf %mul3A_491, %bitcast3A_487 : vector<16xf32>
    %sub3A_493 = arith.constant 1.500000e+00 : f32
    %sub3A_494 = vector.broadcast %sub3A_493 : f32 to vector<16xf32>
    %sub3A_495 = arith.subf %sub3A_494, %mul3A_492 : vector<16xf32>
    %mul3A_496 = arith.mulf %bitcast3A_487, %sub3A_495 : vector<16xf32>
    %mul3A_497 = arith.mulf %mul3A_490, %mul3A_496 : vector<16xf32>
    %mul3A_498 = arith.mulf %mul3A_497, %mul3A_496 : vector<16xf32>
    %sub3A_499 = arith.constant 1.500000e+00 : f32
    %sub3A_500 = vector.broadcast %sub3A_499 : f32 to vector<16xf32>
    %sub3A_501 = arith.subf %sub3A_500, %mul3A_498 : vector<16xf32>
    %mul3A_502 = arith.mulf %mul3A_496, %sub3A_501 : vector<16xf32>
    %mul3A_503 = arith.mulf %mul3A_490, %mul3A_502 : vector<16xf32>
    %mul3A_504 = arith.mulf %mul3A_503, %mul3A_502 : vector<16xf32>
    %sub3A_505 = arith.constant 1.500000e+00 : f32
    %sub3A_506 = vector.broadcast %sub3A_505 : f32 to vector<16xf32>
    %sub3A_507 = arith.subf %sub3A_506, %mul3A_504 : vector<16xf32>
    %mul3A_508 = arith.mulf %mul3A_502, %sub3A_507 : vector<16xf32>
    %gt3A_509 = arith.constant 0.000000e+00 : f32
    %gt3A_510 = vector.broadcast %gt3A_509 : f32 to vector<16xf32>
    %gt3A_511 = arith.cmpf ogt, %add3A_476, %gt3A_510 : vector<16xf32>
    %jit3A_512 = arith.constant 0.000000e+00 : f32
    %broadcast_in_dim3A_513 = vector.broadcast %jit3A_512 : f32 to vector<16xf32>
    %select_n3A_514 = arith.select %gt3A_511, %mul3A_508, %broadcast_in_dim3A_513 : vector<16xi1>, vector<16xf32>
    %get3A_515 = arith.constant 112 : index
    %get3A_516 = tpu.vector_load %arg12[%get3A_515] {strides = array<i32>} : memref<640xf32, #tpu.memory_space<vmem>>, vector<16xf32>,
    %mul3A_517 = arith.mulf %get3A_516, %select_n3A_514 : vector<16xf32>
    %swap3A_518 = arith.constant 112 : index
    %swap3A_519 = tpu.vector_load %arg16[%swap3A_518] {strides = array<i32>} : memref<640xf32, #tpu.memory_space<vmem>>, vector<16xf32>,
    tpu.vector_store %arg16[%swap3A_518], %mul3A_517 {strides = array<i32>} : memref<640xf32, #tpu.memory_space<vmem>>, vector<16xf32>,
    %get3A_520 = arith.constant 112 : index
    %get3A_521 = tpu.vector_load %arg13[%get3A_520] {strides = array<i32>} : memref<640xf32, #tpu.memory_space<vmem>>, vector<16xf32>,
    %mul3A_522 = arith.mulf %get3A_521, %select_n3A_514 : vector<16xf32>
    %swap3A_523 = arith.constant 112 : index
    %swap3A_524 = tpu.vector_load %arg17[%swap3A_523] {strides = array<i32>} : memref<640xf32, #tpu.memory_space<vmem>>, vector<16xf32>,
    tpu.vector_store %arg17[%swap3A_523], %mul3A_522 {strides = array<i32>} : memref<640xf32, #tpu.memory_space<vmem>>, vector<16xf32>,
    %get3A_525 = arith.constant 128 : index
    %get3A_526 = tpu.vector_load %arg14[%get3A_525] {strides = array<i32>} : memref<640xf32, #tpu.memory_space<vmem>>, vector<16xf32>,
    %get3A_527 = arith.constant 128 : index
    %get3A_528 = tpu.vector_load %arg15[%get3A_527] {strides = array<i32>} : memref<640xf32, #tpu.memory_space<vmem>>, vector<16xf32>,
    %add3A_529 = arith.addf %get3A_526, %get3A_528 : vector<16xf32>
    %max3A_530 = arith.constant 1.000000e+00 : f32
    %max3A_531 = vector.broadcast %max3A_530 : f32 to vector<16xf32>
    %max3A_532 = arith.maximumf %add3A_529, %max3A_531 : vector<16xf32>
    %bitcast3A_533 = vector.bitcast %max3A_532 : vector<16xf32> to vector<16xi32>
    %broadcast_in_dim3A_534 = arith.constant 1597463007 : i32
    %broadcast_in_dim3A_535 = vector.broadcast %broadcast_in_dim3A_534 : i32 to vector<16xi32>
    %shift_right_logical3A_536 = arith.constant 1 : i32
    %shift_right_logical3A_537 = vector.broadcast %shift_right_logical3A_536 : i32 to vector<16xi32>
    %shift_right_logical3A_538 = arith.shrui %bitcast3A_533, %shift_right_logical3A_537 : vector<16xi32>
    %sub3A_539 = arith.subi %broadcast_in_dim3A_535, %shift_right_logical3A_538 : vector<16xi32>
    %bitcast3A_540 = vector.bitcast %sub3A_539 : vector<16xi32> to vector<16xf32>
    %mul3A_541 = arith.constant 5.000000e-01 : f32
    %mul3A_542 = vector.broadcast %mul3A_541 : f32 to vector<16xf32>
    %mul3A_543 = arith.mulf %max3A_532, %mul3A_542 : vector<16xf32>
    %mul3A_544 = arith.mulf %mul3A_543, %bitcast3A_540 : vector<16xf32>
    %mul3A_545 = arith.mulf %mul3A_544, %bitcast3A_540 : vector<16xf32>
    %sub3A_546 = arith.constant 1.500000e+00 : f32
    %sub3A_547 = vector.broadcast %sub3A_546 : f32 to vector<16xf32>
    %sub3A_548 = arith.subf %sub3A_547, %mul3A_545 : vector<16xf32>
    %mul3A_549 = arith.mulf %bitcast3A_540, %sub3A_548 : vector<16xf32>
    %mul3A_550 = arith.mulf %mul3A_543, %mul3A_549 : vector<16xf32>
    %mul3A_551 = arith.mulf %mul3A_550, %mul3A_549 : vector<16xf32>
    %sub3A_552 = arith.constant 1.500000e+00 : f32
    %sub3A_553 = vector.broadcast %sub3A_552 : f32 to vector<16xf32>
    %sub3A_554 = arith.subf %sub3A_553, %mul3A_551 : vector<16xf32>
    %mul3A_555 = arith.mulf %mul3A_549, %sub3A_554 : vector<16xf32>
    %mul3A_556 = arith.mulf %mul3A_543, %mul3A_555 : vector<16xf32>
    %mul3A_557 = arith.mulf %mul3A_556, %mul3A_555 : vector<16xf32>
    %sub3A_558 = arith.constant 1.500000e+00 : f32
    %sub3A_559 = vector.broadcast %sub3A_558 : f32 to vector<16xf32>
    %sub3A_560 = arith.subf %sub3A_559, %mul3A_557 : vector<16xf32>
    %mul3A_561 = arith.mulf %mul3A_555, %sub3A_560 : vector<16xf32>
    %gt3A_562 = arith.constant 0.000000e+00 : f32
    %gt3A_563 = vector.broadcast %gt3A_562 : f32 to vector<16xf32>
    %gt3A_564 = arith.cmpf ogt, %add3A_529, %gt3A_563 : vector<16xf32>
    %jit3A_565 = arith.constant 0.000000e+00 : f32
    %broadcast_in_dim3A_566 = vector.broadcast %jit3A_565 : f32 to vector<16xf32>
    %select_n3A_567 = arith.select %gt3A_564, %mul3A_561, %broadcast_in_dim3A_566 : vector<16xi1>, vector<16xf32>
    %get3A_568 = arith.constant 128 : index
    %get3A_569 = tpu.vector_load %arg12[%get3A_568] {strides = array<i32>} : memref<640xf32, #tpu.memory_space<vmem>>, vector<16xf32>,
    %mul3A_570 = arith.mulf %get3A_569, %select_n3A_567 : vector<16xf32>
    %swap3A_571 = arith.constant 128 : index
    %swap3A_572 = tpu.vector_load %arg16[%swap3A_571] {strides = array<i32>} : memref<640xf32, #tpu.memory_space<vmem>>, vector<16xf32>,
    tpu.vector_store %arg16[%swap3A_571], %mul3A_570 {strides = array<i32>} : memref<640xf32, #tpu.memory_space<vmem>>, vector<16xf32>,
    %get3A_573 = arith.constant 128 : index
    %get3A_574 = tpu.vector_load %arg13[%get3A_573] {strides = array<i32>} : memref<640xf32, #tpu.memory_space<vmem>>, vector<16xf32>,
    %mul3A_575 = arith.mulf %get3A_574, %select_n3A_567 : vector<16xf32>
    %swap3A_576 = arith.constant 128 : index
    %swap3A_577 = tpu.vector_load %arg17[%swap3A_576] {strides = array<i32>} : memref<640xf32, #tpu.memory_space<vmem>>, vector<16xf32>,
    tpu.vector_store %arg17[%swap3A_576], %mul3A_575 {strides = array<i32>} : memref<640xf32, #tpu.memory_space<vmem>>, vector<16xf32>,
    %get3A_578 = arith.constant 144 : index
    %get3A_579 = tpu.vector_load %arg14[%get3A_578] {strides = array<i32>} : memref<640xf32, #tpu.memory_space<vmem>>, vector<16xf32>,
    %get3A_580 = arith.constant 144 : index
    %get3A_581 = tpu.vector_load %arg15[%get3A_580] {strides = array<i32>} : memref<640xf32, #tpu.memory_space<vmem>>, vector<16xf32>,
    %add3A_582 = arith.addf %get3A_579, %get3A_581 : vector<16xf32>
    %max3A_583 = arith.constant 1.000000e+00 : f32
    %max3A_584 = vector.broadcast %max3A_583 : f32 to vector<16xf32>
    %max3A_585 = arith.maximumf %add3A_582, %max3A_584 : vector<16xf32>
    %bitcast3A_586 = vector.bitcast %max3A_585 : vector<16xf32> to vector<16xi32>
    %broadcast_in_dim3A_587 = arith.constant 1597463007 : i32
    %broadcast_in_dim3A_588 = vector.broadcast %broadcast_in_dim3A_587 : i32 to vector<16xi32>
    %shift_right_logical3A_589 = arith.constant 1 : i32
    %shift_right_logical3A_590 = vector.broadcast %shift_right_logical3A_589 : i32 to vector<16xi32>
    %shift_right_logical3A_591 = arith.shrui %bitcast3A_586, %shift_right_logical3A_590 : vector<16xi32>
    %sub3A_592 = arith.subi %broadcast_in_dim3A_588, %shift_right_logical3A_591 : vector<16xi32>
    %bitcast3A_593 = vector.bitcast %sub3A_592 : vector<16xi32> to vector<16xf32>
    %mul3A_594 = arith.constant 5.000000e-01 : f32
    %mul3A_595 = vector.broadcast %mul3A_594 : f32 to vector<16xf32>
    %mul3A_596 = arith.mulf %max3A_585, %mul3A_595 : vector<16xf32>
    %mul3A_597 = arith.mulf %mul3A_596, %bitcast3A_593 : vector<16xf32>
    %mul3A_598 = arith.mulf %mul3A_597, %bitcast3A_593 : vector<16xf32>
    %sub3A_599 = arith.constant 1.500000e+00 : f32
    %sub3A_600 = vector.broadcast %sub3A_599 : f32 to vector<16xf32>
    %sub3A_601 = arith.subf %sub3A_600, %mul3A_598 : vector<16xf32>
    %mul3A_602 = arith.mulf %bitcast3A_593, %sub3A_601 : vector<16xf32>
    %mul3A_603 = arith.mulf %mul3A_596, %mul3A_602 : vector<16xf32>
    %mul3A_604 = arith.mulf %mul3A_603, %mul3A_602 : vector<16xf32>
    %sub3A_605 = arith.constant 1.500000e+00 : f32
    %sub3A_606 = vector.broadcast %sub3A_605 : f32 to vector<16xf32>
    %sub3A_607 = arith.subf %sub3A_606, %mul3A_604 : vector<16xf32>
    %mul3A_608 = arith.mulf %mul3A_602, %sub3A_607 : vector<16xf32>
    %mul3A_609 = arith.mulf %mul3A_596, %mul3A_608 : vector<16xf32>
    %mul3A_610 = arith.mulf %mul3A_609, %mul3A_608 : vector<16xf32>
    %sub3A_611 = arith.constant 1.500000e+00 : f32
    %sub3A_612 = vector.broadcast %sub3A_611 : f32 to vector<16xf32>
    %sub3A_613 = arith.subf %sub3A_612, %mul3A_610 : vector<16xf32>
    %mul3A_614 = arith.mulf %mul3A_608, %sub3A_613 : vector<16xf32>
    %gt3A_615 = arith.constant 0.000000e+00 : f32
    %gt3A_616 = vector.broadcast %gt3A_615 : f32 to vector<16xf32>
    %gt3A_617 = arith.cmpf ogt, %add3A_582, %gt3A_616 : vector<16xf32>
    %jit3A_618 = arith.constant 0.000000e+00 : f32
    %broadcast_in_dim3A_619 = vector.broadcast %jit3A_618 : f32 to vector<16xf32>
    %select_n3A_620 = arith.select %gt3A_617, %mul3A_614, %broadcast_in_dim3A_619 : vector<16xi1>, vector<16xf32>
    %get3A_621 = arith.constant 144 : index
    %get3A_622 = tpu.vector_load %arg12[%get3A_621] {strides = array<i32>} : memref<640xf32, #tpu.memory_space<vmem>>, vector<16xf32>,
    %mul3A_623 = arith.mulf %get3A_622, %select_n3A_620 : vector<16xf32>
    %swap3A_624 = arith.constant 144 : index
    %swap3A_625 = tpu.vector_load %arg16[%swap3A_624] {strides = array<i32>} : memref<640xf32, #tpu.memory_space<vmem>>, vector<16xf32>,
    tpu.vector_store %arg16[%swap3A_624], %mul3A_623 {strides = array<i32>} : memref<640xf32, #tpu.memory_space<vmem>>, vector<16xf32>,
    %get3A_626 = arith.constant 144 : index
    %get3A_627 = tpu.vector_load %arg13[%get3A_626] {strides = array<i32>} : memref<640xf32, #tpu.memory_space<vmem>>, vector<16xf32>,
    %mul3A_628 = arith.mulf %get3A_627, %select_n3A_620 : vector<16xf32>
    %swap3A_629 = arith.constant 144 : index
    %swap3A_630 = tpu.vector_load %arg17[%swap3A_629] {strides = array<i32>} : memref<640xf32, #tpu.memory_space<vmem>>, vector<16xf32>,
    tpu.vector_store %arg17[%swap3A_629], %mul3A_628 {strides = array<i32>} : memref<640xf32, #tpu.memory_space<vmem>>, vector<16xf32>,
    %get3A_631 = arith.constant 160 : index
    %get3A_632 = tpu.vector_load %arg14[%get3A_631] {strides = array<i32>} : memref<640xf32, #tpu.memory_space<vmem>>, vector<16xf32>,
    %get3A_633 = arith.constant 160 : index
    %get3A_634 = tpu.vector_load %arg15[%get3A_633] {strides = array<i32>} : memref<640xf32, #tpu.memory_space<vmem>>, vector<16xf32>,
    %add3A_635 = arith.addf %get3A_632, %get3A_634 : vector<16xf32>
    %max3A_636 = arith.constant 1.000000e+00 : f32
    %max3A_637 = vector.broadcast %max3A_636 : f32 to vector<16xf32>
    %max3A_638 = arith.maximumf %add3A_635, %max3A_637 : vector<16xf32>
    %bitcast3A_639 = vector.bitcast %max3A_638 : vector<16xf32> to vector<16xi32>
    %broadcast_in_dim3A_640 = arith.constant 1597463007 : i32
    %broadcast_in_dim3A_641 = vector.broadcast %broadcast_in_dim3A_640 : i32 to vector<16xi32>
    %shift_right_logical3A_642 = arith.constant 1 : i32
    %shift_right_logical3A_643 = vector.broadcast %shift_right_logical3A_642 : i32 to vector<16xi32>
    %shift_right_logical3A_644 = arith.shrui %bitcast3A_639, %shift_right_logical3A_643 : vector<16xi32>
    %sub3A_645 = arith.subi %broadcast_in_dim3A_641, %shift_right_logical3A_644 : vector<16xi32>
    %bitcast3A_646 = vector.bitcast %sub3A_645 : vector<16xi32> to vector<16xf32>
    %mul3A_647 = arith.constant 5.000000e-01 : f32
    %mul3A_648 = vector.broadcast %mul3A_647 : f32 to vector<16xf32>
    %mul3A_649 = arith.mulf %max3A_638, %mul3A_648 : vector<16xf32>
    %mul3A_650 = arith.mulf %mul3A_649, %bitcast3A_646 : vector<16xf32>
    %mul3A_651 = arith.mulf %mul3A_650, %bitcast3A_646 : vector<16xf32>
    %sub3A_652 = arith.constant 1.500000e+00 : f32
    %sub3A_653 = vector.broadcast %sub3A_652 : f32 to vector<16xf32>
    %sub3A_654 = arith.subf %sub3A_653, %mul3A_651 : vector<16xf32>
    %mul3A_655 = arith.mulf %bitcast3A_646, %sub3A_654 : vector<16xf32>
    %mul3A_656 = arith.mulf %mul3A_649, %mul3A_655 : vector<16xf32>
    %mul3A_657 = arith.mulf %mul3A_656, %mul3A_655 : vector<16xf32>
    %sub3A_658 = arith.constant 1.500000e+00 : f32
    %sub3A_659 = vector.broadcast %sub3A_658 : f32 to vector<16xf32>
    %sub3A_660 = arith.subf %sub3A_659, %mul3A_657 : vector<16xf32>
    %mul3A_661 = arith.mulf %mul3A_655, %sub3A_660 : vector<16xf32>
    %mul3A_662 = arith.mulf %mul3A_649, %mul3A_661 : vector<16xf32>
    %mul3A_663 = arith.mulf %mul3A_662, %mul3A_661 : vector<16xf32>
    %sub3A_664 = arith.constant 1.500000e+00 : f32
    %sub3A_665 = vector.broadcast %sub3A_664 : f32 to vector<16xf32>
    %sub3A_666 = arith.subf %sub3A_665, %mul3A_663 : vector<16xf32>
    %mul3A_667 = arith.mulf %mul3A_661, %sub3A_666 : vector<16xf32>
    %gt3A_668 = arith.constant 0.000000e+00 : f32
    %gt3A_669 = vector.broadcast %gt3A_668 : f32 to vector<16xf32>
    %gt3A_670 = arith.cmpf ogt, %add3A_635, %gt3A_669 : vector<16xf32>
    %jit3A_671 = arith.constant 0.000000e+00 : f32
    %broadcast_in_dim3A_672 = vector.broadcast %jit3A_671 : f32 to vector<16xf32>
    %select_n3A_673 = arith.select %gt3A_670, %mul3A_667, %broadcast_in_dim3A_672 : vector<16xi1>, vector<16xf32>
    %get3A_674 = arith.constant 160 : index
    %get3A_675 = tpu.vector_load %arg12[%get3A_674] {strides = array<i32>} : memref<640xf32, #tpu.memory_space<vmem>>, vector<16xf32>,
    %mul3A_676 = arith.mulf %get3A_675, %select_n3A_673 : vector<16xf32>
    %swap3A_677 = arith.constant 160 : index
    %swap3A_678 = tpu.vector_load %arg16[%swap3A_677] {strides = array<i32>} : memref<640xf32, #tpu.memory_space<vmem>>, vector<16xf32>,
    tpu.vector_store %arg16[%swap3A_677], %mul3A_676 {strides = array<i32>} : memref<640xf32, #tpu.memory_space<vmem>>, vector<16xf32>,
    %get3A_679 = arith.constant 160 : index
    %get3A_680 = tpu.vector_load %arg13[%get3A_679] {strides = array<i32>} : memref<640xf32, #tpu.memory_space<vmem>>, vector<16xf32>,
    %mul3A_681 = arith.mulf %get3A_680, %select_n3A_673 : vector<16xf32>
    %swap3A_682 = arith.constant 160 : index
    %swap3A_683 = tpu.vector_load %arg17[%swap3A_682] {strides = array<i32>} : memref<640xf32, #tpu.memory_space<vmem>>, vector<16xf32>,
    tpu.vector_store %arg17[%swap3A_682], %mul3A_681 {strides = array<i32>} : memref<640xf32, #tpu.memory_space<vmem>>, vector<16xf32>,
    %get3A_684 = arith.constant 176 : index
    %get3A_685 = tpu.vector_load %arg14[%get3A_684] {strides = array<i32>} : memref<640xf32, #tpu.memory_space<vmem>>, vector<16xf32>,
    %get3A_686 = arith.constant 176 : index
    %get3A_687 = tpu.vector_load %arg15[%get3A_686] {strides = array<i32>} : memref<640xf32, #tpu.memory_space<vmem>>, vector<16xf32>,
    %add3A_688 = arith.addf %get3A_685, %get3A_687 : vector<16xf32>
    %max3A_689 = arith.constant 1.000000e+00 : f32
    %max3A_690 = vector.broadcast %max3A_689 : f32 to vector<16xf32>
    %max3A_691 = arith.maximumf %add3A_688, %max3A_690 : vector<16xf32>
    %bitcast3A_692 = vector.bitcast %max3A_691 : vector<16xf32> to vector<16xi32>
    %broadcast_in_dim3A_693 = arith.constant 1597463007 : i32
    %broadcast_in_dim3A_694 = vector.broadcast %broadcast_in_dim3A_693 : i32 to vector<16xi32>
    %shift_right_logical3A_695 = arith.constant 1 : i32
    %shift_right_logical3A_696 = vector.broadcast %shift_right_logical3A_695 : i32 to vector<16xi32>
    %shift_right_logical3A_697 = arith.shrui %bitcast3A_692, %shift_right_logical3A_696 : vector<16xi32>
    %sub3A_698 = arith.subi %broadcast_in_dim3A_694, %shift_right_logical3A_697 : vector<16xi32>
    %bitcast3A_699 = vector.bitcast %sub3A_698 : vector<16xi32> to vector<16xf32>
    %mul3A_700 = arith.constant 5.000000e-01 : f32
    %mul3A_701 = vector.broadcast %mul3A_700 : f32 to vector<16xf32>
    %mul3A_702 = arith.mulf %max3A_691, %mul3A_701 : vector<16xf32>
    %mul3A_703 = arith.mulf %mul3A_702, %bitcast3A_699 : vector<16xf32>
    %mul3A_704 = arith.mulf %mul3A_703, %bitcast3A_699 : vector<16xf32>
    %sub3A_705 = arith.constant 1.500000e+00 : f32
    %sub3A_706 = vector.broadcast %sub3A_705 : f32 to vector<16xf32>
    %sub3A_707 = arith.subf %sub3A_706, %mul3A_704 : vector<16xf32>
    %mul3A_708 = arith.mulf %bitcast3A_699, %sub3A_707 : vector<16xf32>
    %mul3A_709 = arith.mulf %mul3A_702, %mul3A_708 : vector<16xf32>
    %mul3A_710 = arith.mulf %mul3A_709, %mul3A_708 : vector<16xf32>
    %sub3A_711 = arith.constant 1.500000e+00 : f32
    %sub3A_712 = vector.broadcast %sub3A_711 : f32 to vector<16xf32>
    %sub3A_713 = arith.subf %sub3A_712, %mul3A_710 : vector<16xf32>
    %mul3A_714 = arith.mulf %mul3A_708, %sub3A_713 : vector<16xf32>
    %mul3A_715 = arith.mulf %mul3A_702, %mul3A_714 : vector<16xf32>
    %mul3A_716 = arith.mulf %mul3A_715, %mul3A_714 : vector<16xf32>
    %sub3A_717 = arith.constant 1.500000e+00 : f32
    %sub3A_718 = vector.broadcast %sub3A_717 : f32 to vector<16xf32>
    %sub3A_719 = arith.subf %sub3A_718, %mul3A_716 : vector<16xf32>
    %mul3A_720 = arith.mulf %mul3A_714, %sub3A_719 : vector<16xf32>
    %gt3A_721 = arith.constant 0.000000e+00 : f32
    %gt3A_722 = vector.broadcast %gt3A_721 : f32 to vector<16xf32>
    %gt3A_723 = arith.cmpf ogt, %add3A_688, %gt3A_722 : vector<16xf32>
    %jit3A_724 = arith.constant 0.000000e+00 : f32
    %broadcast_in_dim3A_725 = vector.broadcast %jit3A_724 : f32 to vector<16xf32>
    %select_n3A_726 = arith.select %gt3A_723, %mul3A_720, %broadcast_in_dim3A_725 : vector<16xi1>, vector<16xf32>
    %get3A_727 = arith.constant 176 : index
    %get3A_728 = tpu.vector_load %arg12[%get3A_727] {strides = array<i32>} : memref<640xf32, #tpu.memory_space<vmem>>, vector<16xf32>,
    %mul3A_729 = arith.mulf %get3A_728, %select_n3A_726 : vector<16xf32>
    %swap3A_730 = arith.constant 176 : index
    %swap3A_731 = tpu.vector_load %arg16[%swap3A_730] {strides = array<i32>} : memref<640xf32, #tpu.memory_space<vmem>>, vector<16xf32>,
    tpu.vector_store %arg16[%swap3A_730], %mul3A_729 {strides = array<i32>} : memref<640xf32, #tpu.memory_space<vmem>>, vector<16xf32>,
    %get3A_732 = arith.constant 176 : index
    %get3A_733 = tpu.vector_load %arg13[%get3A_732] {strides = array<i32>} : memref<640xf32, #tpu.memory_space<vmem>>, vector<16xf32>,
    %mul3A_734 = arith.mulf %get3A_733, %select_n3A_726 : vector<16xf32>
    %swap3A_735 = arith.constant 176 : index
    %swap3A_736 = tpu.vector_load %arg17[%swap3A_735] {strides = array<i32>} : memref<640xf32, #tpu.memory_space<vmem>>, vector<16xf32>,
    tpu.vector_store %arg17[%swap3A_735], %mul3A_734 {strides = array<i32>} : memref<640xf32, #tpu.memory_space<vmem>>, vector<16xf32>,
    %get3A_737 = arith.constant 192 : index
    %get3A_738 = tpu.vector_load %arg14[%get3A_737] {strides = array<i32>} : memref<640xf32, #tpu.memory_space<vmem>>, vector<16xf32>,
    %get3A_739 = arith.constant 192 : index
    %get3A_740 = tpu.vector_load %arg15[%get3A_739] {strides = array<i32>} : memref<640xf32, #tpu.memory_space<vmem>>, vector<16xf32>,
    %add3A_741 = arith.addf %get3A_738, %get3A_740 : vector<16xf32>
    %max3A_742 = arith.constant 1.000000e+00 : f32
    %max3A_743 = vector.broadcast %max3A_742 : f32 to vector<16xf32>
    %max3A_744 = arith.maximumf %add3A_741, %max3A_743 : vector<16xf32>
    %bitcast3A_745 = vector.bitcast %max3A_744 : vector<16xf32> to vector<16xi32>
    %broadcast_in_dim3A_746 = arith.constant 1597463007 : i32
    %broadcast_in_dim3A_747 = vector.broadcast %broadcast_in_dim3A_746 : i32 to vector<16xi32>
    %shift_right_logical3A_748 = arith.constant 1 : i32
    %shift_right_logical3A_749 = vector.broadcast %shift_right_logical3A_748 : i32 to vector<16xi32>
    %shift_right_logical3A_750 = arith.shrui %bitcast3A_745, %shift_right_logical3A_749 : vector<16xi32>
    %sub3A_751 = arith.subi %broadcast_in_dim3A_747, %shift_right_logical3A_750 : vector<16xi32>
    %bitcast3A_752 = vector.bitcast %sub3A_751 : vector<16xi32> to vector<16xf32>
    %mul3A_753 = arith.constant 5.000000e-01 : f32
    %mul3A_754 = vector.broadcast %mul3A_753 : f32 to vector<16xf32>
    %mul3A_755 = arith.mulf %max3A_744, %mul3A_754 : vector<16xf32>
    %mul3A_756 = arith.mulf %mul3A_755, %bitcast3A_752 : vector<16xf32>
    %mul3A_757 = arith.mulf %mul3A_756, %bitcast3A_752 : vector<16xf32>
    %sub3A_758 = arith.constant 1.500000e+00 : f32
    %sub3A_759 = vector.broadcast %sub3A_758 : f32 to vector<16xf32>
    %sub3A_760 = arith.subf %sub3A_759, %mul3A_757 : vector<16xf32>
    %mul3A_761 = arith.mulf %bitcast3A_752, %sub3A_760 : vector<16xf32>
    %mul3A_762 = arith.mulf %mul3A_755, %mul3A_761 : vector<16xf32>
    %mul3A_763 = arith.mulf %mul3A_762, %mul3A_761 : vector<16xf32>
    %sub3A_764 = arith.constant 1.500000e+00 : f32
    %sub3A_765 = vector.broadcast %sub3A_764 : f32 to vector<16xf32>
    %sub3A_766 = arith.subf %sub3A_765, %mul3A_763 : vector<16xf32>
    %mul3A_767 = arith.mulf %mul3A_761, %sub3A_766 : vector<16xf32>
    %mul3A_768 = arith.mulf %mul3A_755, %mul3A_767 : vector<16xf32>
    %mul3A_769 = arith.mulf %mul3A_768, %mul3A_767 : vector<16xf32>
    %sub3A_770 = arith.constant 1.500000e+00 : f32
    %sub3A_771 = vector.broadcast %sub3A_770 : f32 to vector<16xf32>
    %sub3A_772 = arith.subf %sub3A_771, %mul3A_769 : vector<16xf32>
    %mul3A_773 = arith.mulf %mul3A_767, %sub3A_772 : vector<16xf32>
    %gt3A_774 = arith.constant 0.000000e+00 : f32
    %gt3A_775 = vector.broadcast %gt3A_774 : f32 to vector<16xf32>
    %gt3A_776 = arith.cmpf ogt, %add3A_741, %gt3A_775 : vector<16xf32>
    %jit3A_777 = arith.constant 0.000000e+00 : f32
    %broadcast_in_dim3A_778 = vector.broadcast %jit3A_777 : f32 to vector<16xf32>
    %select_n3A_779 = arith.select %gt3A_776, %mul3A_773, %broadcast_in_dim3A_778 : vector<16xi1>, vector<16xf32>
    %get3A_780 = arith.constant 192 : index
    %get3A_781 = tpu.vector_load %arg12[%get3A_780] {strides = array<i32>} : memref<640xf32, #tpu.memory_space<vmem>>, vector<16xf32>,
    %mul3A_782 = arith.mulf %get3A_781, %select_n3A_779 : vector<16xf32>
    %swap3A_783 = arith.constant 192 : index
    %swap3A_784 = tpu.vector_load %arg16[%swap3A_783] {strides = array<i32>} : memref<640xf32, #tpu.memory_space<vmem>>, vector<16xf32>,
    tpu.vector_store %arg16[%swap3A_783], %mul3A_782 {strides = array<i32>} : memref<640xf32, #tpu.memory_space<vmem>>, vector<16xf32>,
    %get3A_785 = arith.constant 192 : index
    %get3A_786 = tpu.vector_load %arg13[%get3A_785] {strides = array<i32>} : memref<640xf32, #tpu.memory_space<vmem>>, vector<16xf32>,
    %mul3A_787 = arith.mulf %get3A_786, %select_n3A_779 : vector<16xf32>
    %swap3A_788 = arith.constant 192 : index
    %swap3A_789 = tpu.vector_load %arg17[%swap3A_788] {strides = array<i32>} : memref<640xf32, #tpu.memory_space<vmem>>, vector<16xf32>,
    tpu.vector_store %arg17[%swap3A_788], %mul3A_787 {strides = array<i32>} : memref<640xf32, #tpu.memory_space<vmem>>, vector<16xf32>,
    %get3A_790 = arith.constant 208 : index
    %get3A_791 = tpu.vector_load %arg14[%get3A_790] {strides = array<i32>} : memref<640xf32, #tpu.memory_space<vmem>>, vector<16xf32>,
    %get3A_792 = arith.constant 208 : index
    %get3A_793 = tpu.vector_load %arg15[%get3A_792] {strides = array<i32>} : memref<640xf32, #tpu.memory_space<vmem>>, vector<16xf32>,
    %add3A_794 = arith.addf %get3A_791, %get3A_793 : vector<16xf32>
    %max3A_795 = arith.constant 1.000000e+00 : f32
    %max3A_796 = vector.broadcast %max3A_795 : f32 to vector<16xf32>
    %max3A_797 = arith.maximumf %add3A_794, %max3A_796 : vector<16xf32>
    %bitcast3A_798 = vector.bitcast %max3A_797 : vector<16xf32> to vector<16xi32>
    %broadcast_in_dim3A_799 = arith.constant 1597463007 : i32
    %broadcast_in_dim3A_800 = vector.broadcast %broadcast_in_dim3A_799 : i32 to vector<16xi32>
    %shift_right_logical3A_801 = arith.constant 1 : i32
    %shift_right_logical3A_802 = vector.broadcast %shift_right_logical3A_801 : i32 to vector<16xi32>
    %shift_right_logical3A_803 = arith.shrui %bitcast3A_798, %shift_right_logical3A_802 : vector<16xi32>
    %sub3A_804 = arith.subi %broadcast_in_dim3A_800, %shift_right_logical3A_803 : vector<16xi32>
    %bitcast3A_805 = vector.bitcast %sub3A_804 : vector<16xi32> to vector<16xf32>
    %mul3A_806 = arith.constant 5.000000e-01 : f32
    %mul3A_807 = vector.broadcast %mul3A_806 : f32 to vector<16xf32>
    %mul3A_808 = arith.mulf %max3A_797, %mul3A_807 : vector<16xf32>
    %mul3A_809 = arith.mulf %mul3A_808, %bitcast3A_805 : vector<16xf32>
    %mul3A_810 = arith.mulf %mul3A_809, %bitcast3A_805 : vector<16xf32>
    %sub3A_811 = arith.constant 1.500000e+00 : f32
    %sub3A_812 = vector.broadcast %sub3A_811 : f32 to vector<16xf32>
    %sub3A_813 = arith.subf %sub3A_812, %mul3A_810 : vector<16xf32>
    %mul3A_814 = arith.mulf %bitcast3A_805, %sub3A_813 : vector<16xf32>
    %mul3A_815 = arith.mulf %mul3A_808, %mul3A_814 : vector<16xf32>
    %mul3A_816 = arith.mulf %mul3A_815, %mul3A_814 : vector<16xf32>
    %sub3A_817 = arith.constant 1.500000e+00 : f32
    %sub3A_818 = vector.broadcast %sub3A_817 : f32 to vector<16xf32>
    %sub3A_819 = arith.subf %sub3A_818, %mul3A_816 : vector<16xf32>
    %mul3A_820 = arith.mulf %mul3A_814, %sub3A_819 : vector<16xf32>
    %mul3A_821 = arith.mulf %mul3A_808, %mul3A_820 : vector<16xf32>
    %mul3A_822 = arith.mulf %mul3A_821, %mul3A_820 : vector<16xf32>
    %sub3A_823 = arith.constant 1.500000e+00 : f32
    %sub3A_824 = vector.broadcast %sub3A_823 : f32 to vector<16xf32>
    %sub3A_825 = arith.subf %sub3A_824, %mul3A_822 : vector<16xf32>
    %mul3A_826 = arith.mulf %mul3A_820, %sub3A_825 : vector<16xf32>
    %gt3A_827 = arith.constant 0.000000e+00 : f32
    %gt3A_828 = vector.broadcast %gt3A_827 : f32 to vector<16xf32>
    %gt3A_829 = arith.cmpf ogt, %add3A_794, %gt3A_828 : vector<16xf32>
    %jit3A_830 = arith.constant 0.000000e+00 : f32
    %broadcast_in_dim3A_831 = vector.broadcast %jit3A_830 : f32 to vector<16xf32>
    %select_n3A_832 = arith.select %gt3A_829, %mul3A_826, %broadcast_in_dim3A_831 : vector<16xi1>, vector<16xf32>
    %get3A_833 = arith.constant 208 : index
    %get3A_834 = tpu.vector_load %arg12[%get3A_833] {strides = array<i32>} : memref<640xf32, #tpu.memory_space<vmem>>, vector<16xf32>,
    %mul3A_835 = arith.mulf %get3A_834, %select_n3A_832 : vector<16xf32>
    %swap3A_836 = arith.constant 208 : index
    %swap3A_837 = tpu.vector_load %arg16[%swap3A_836] {strides = array<i32>} : memref<640xf32, #tpu.memory_space<vmem>>, vector<16xf32>,
    tpu.vector_store %arg16[%swap3A_836], %mul3A_835 {strides = array<i32>} : memref<640xf32, #tpu.memory_space<vmem>>, vector<16xf32>,
    %get3A_838 = arith.constant 208 : index
    %get3A_839 = tpu.vector_load %arg13[%get3A_838] {strides = array<i32>} : memref<640xf32, #tpu.memory_space<vmem>>, vector<16xf32>,
    %mul3A_840 = arith.mulf %get3A_839, %select_n3A_832 : vector<16xf32>
    %swap3A_841 = arith.constant 208 : index
    %swap3A_842 = tpu.vector_load %arg17[%swap3A_841] {strides = array<i32>} : memref<640xf32, #tpu.memory_space<vmem>>, vector<16xf32>,
    tpu.vector_store %arg17[%swap3A_841], %mul3A_840 {strides = array<i32>} : memref<640xf32, #tpu.memory_space<vmem>>, vector<16xf32>,
    %get3A_843 = arith.constant 224 : index
    %get3A_844 = tpu.vector_load %arg14[%get3A_843] {strides = array<i32>} : memref<640xf32, #tpu.memory_space<vmem>>, vector<16xf32>,
    %get3A_845 = arith.constant 224 : index
    %get3A_846 = tpu.vector_load %arg15[%get3A_845] {strides = array<i32>} : memref<640xf32, #tpu.memory_space<vmem>>, vector<16xf32>,
    %add3A_847 = arith.addf %get3A_844, %get3A_846 : vector<16xf32>
    %max3A_848 = arith.constant 1.000000e+00 : f32
    %max3A_849 = vector.broadcast %max3A_848 : f32 to vector<16xf32>
    %max3A_850 = arith.maximumf %add3A_847, %max3A_849 : vector<16xf32>
    %bitcast3A_851 = vector.bitcast %max3A_850 : vector<16xf32> to vector<16xi32>
    %broadcast_in_dim3A_852 = arith.constant 1597463007 : i32
    %broadcast_in_dim3A_853 = vector.broadcast %broadcast_in_dim3A_852 : i32 to vector<16xi32>
    %shift_right_logical3A_854 = arith.constant 1 : i32
    %shift_right_logical3A_855 = vector.broadcast %shift_right_logical3A_854 : i32 to vector<16xi32>
    %shift_right_logical3A_856 = arith.shrui %bitcast3A_851, %shift_right_logical3A_855 : vector<16xi32>
    %sub3A_857 = arith.subi %broadcast_in_dim3A_853, %shift_right_logical3A_856 : vector<16xi32>
    %bitcast3A_858 = vector.bitcast %sub3A_857 : vector<16xi32> to vector<16xf32>
    %mul3A_859 = arith.constant 5.000000e-01 : f32
    %mul3A_860 = vector.broadcast %mul3A_859 : f32 to vector<16xf32>
    %mul3A_861 = arith.mulf %max3A_850, %mul3A_860 : vector<16xf32>
    %mul3A_862 = arith.mulf %mul3A_861, %bitcast3A_858 : vector<16xf32>
    %mul3A_863 = arith.mulf %mul3A_862, %bitcast3A_858 : vector<16xf32>
    %sub3A_864 = arith.constant 1.500000e+00 : f32
    %sub3A_865 = vector.broadcast %sub3A_864 : f32 to vector<16xf32>
    %sub3A_866 = arith.subf %sub3A_865, %mul3A_863 : vector<16xf32>
    %mul3A_867 = arith.mulf %bitcast3A_858, %sub3A_866 : vector<16xf32>
    %mul3A_868 = arith.mulf %mul3A_861, %mul3A_867 : vector<16xf32>
    %mul3A_869 = arith.mulf %mul3A_868, %mul3A_867 : vector<16xf32>
    %sub3A_870 = arith.constant 1.500000e+00 : f32
    %sub3A_871 = vector.broadcast %sub3A_870 : f32 to vector<16xf32>
    %sub3A_872 = arith.subf %sub3A_871, %mul3A_869 : vector<16xf32>
    %mul3A_873 = arith.mulf %mul3A_867, %sub3A_872 : vector<16xf32>
    %mul3A_874 = arith.mulf %mul3A_861, %mul3A_873 : vector<16xf32>
    %mul3A_875 = arith.mulf %mul3A_874, %mul3A_873 : vector<16xf32>
    %sub3A_876 = arith.constant 1.500000e+00 : f32
    %sub3A_877 = vector.broadcast %sub3A_876 : f32 to vector<16xf32>
    %sub3A_878 = arith.subf %sub3A_877, %mul3A_875 : vector<16xf32>
    %mul3A_879 = arith.mulf %mul3A_873, %sub3A_878 : vector<16xf32>
    %gt3A_880 = arith.constant 0.000000e+00 : f32
    %gt3A_881 = vector.broadcast %gt3A_880 : f32 to vector<16xf32>
    %gt3A_882 = arith.cmpf ogt, %add3A_847, %gt3A_881 : vector<16xf32>
    %jit3A_883 = arith.constant 0.000000e+00 : f32
    %broadcast_in_dim3A_884 = vector.broadcast %jit3A_883 : f32 to vector<16xf32>
    %select_n3A_885 = arith.select %gt3A_882, %mul3A_879, %broadcast_in_dim3A_884 : vector<16xi1>, vector<16xf32>
    %get3A_886 = arith.constant 224 : index
    %get3A_887 = tpu.vector_load %arg12[%get3A_886] {strides = array<i32>} : memref<640xf32, #tpu.memory_space<vmem>>, vector<16xf32>,
    %mul3A_888 = arith.mulf %get3A_887, %select_n3A_885 : vector<16xf32>
    %swap3A_889 = arith.constant 224 : index
    %swap3A_890 = tpu.vector_load %arg16[%swap3A_889] {strides = array<i32>} : memref<640xf32, #tpu.memory_space<vmem>>, vector<16xf32>,
    tpu.vector_store %arg16[%swap3A_889], %mul3A_888 {strides = array<i32>} : memref<640xf32, #tpu.memory_space<vmem>>, vector<16xf32>,
    %get3A_891 = arith.constant 224 : index
    %get3A_892 = tpu.vector_load %arg13[%get3A_891] {strides = array<i32>} : memref<640xf32, #tpu.memory_space<vmem>>, vector<16xf32>,
    %mul3A_893 = arith.mulf %get3A_892, %select_n3A_885 : vector<16xf32>
    %swap3A_894 = arith.constant 224 : index
    %swap3A_895 = tpu.vector_load %arg17[%swap3A_894] {strides = array<i32>} : memref<640xf32, #tpu.memory_space<vmem>>, vector<16xf32>,
    tpu.vector_store %arg17[%swap3A_894], %mul3A_893 {strides = array<i32>} : memref<640xf32, #tpu.memory_space<vmem>>, vector<16xf32>,
    %get3A_896 = arith.constant 240 : index
    %get3A_897 = tpu.vector_load %arg14[%get3A_896] {strides = array<i32>} : memref<640xf32, #tpu.memory_space<vmem>>, vector<16xf32>,
    %get3A_898 = arith.constant 240 : index
    %get3A_899 = tpu.vector_load %arg15[%get3A_898] {strides = array<i32>} : memref<640xf32, #tpu.memory_space<vmem>>, vector<16xf32>,
    %add3A_900 = arith.addf %get3A_897, %get3A_899 : vector<16xf32>
    %max3A_901 = arith.constant 1.000000e+00 : f32
    %max3A_902 = vector.broadcast %max3A_901 : f32 to vector<16xf32>
    %max3A_903 = arith.maximumf %add3A_900, %max3A_902 : vector<16xf32>
    %bitcast3A_904 = vector.bitcast %max3A_903 : vector<16xf32> to vector<16xi32>
    %broadcast_in_dim3A_905 = arith.constant 1597463007 : i32
    %broadcast_in_dim3A_906 = vector.broadcast %broadcast_in_dim3A_905 : i32 to vector<16xi32>
    %shift_right_logical3A_907 = arith.constant 1 : i32
    %shift_right_logical3A_908 = vector.broadcast %shift_right_logical3A_907 : i32 to vector<16xi32>
    %shift_right_logical3A_909 = arith.shrui %bitcast3A_904, %shift_right_logical3A_908 : vector<16xi32>
    %sub3A_910 = arith.subi %broadcast_in_dim3A_906, %shift_right_logical3A_909 : vector<16xi32>
    %bitcast3A_911 = vector.bitcast %sub3A_910 : vector<16xi32> to vector<16xf32>
    %mul3A_912 = arith.constant 5.000000e-01 : f32
    %mul3A_913 = vector.broadcast %mul3A_912 : f32 to vector<16xf32>
    %mul3A_914 = arith.mulf %max3A_903, %mul3A_913 : vector<16xf32>
    %mul3A_915 = arith.mulf %mul3A_914, %bitcast3A_911 : vector<16xf32>
    %mul3A_916 = arith.mulf %mul3A_915, %bitcast3A_911 : vector<16xf32>
    %sub3A_917 = arith.constant 1.500000e+00 : f32
    %sub3A_918 = vector.broadcast %sub3A_917 : f32 to vector<16xf32>
    %sub3A_919 = arith.subf %sub3A_918, %mul3A_916 : vector<16xf32>
    %mul3A_920 = arith.mulf %bitcast3A_911, %sub3A_919 : vector<16xf32>
    %mul3A_921 = arith.mulf %mul3A_914, %mul3A_920 : vector<16xf32>
    %mul3A_922 = arith.mulf %mul3A_921, %mul3A_920 : vector<16xf32>
    %sub3A_923 = arith.constant 1.500000e+00 : f32
    %sub3A_924 = vector.broadcast %sub3A_923 : f32 to vector<16xf32>
    %sub3A_925 = arith.subf %sub3A_924, %mul3A_922 : vector<16xf32>
    %mul3A_926 = arith.mulf %mul3A_920, %sub3A_925 : vector<16xf32>
    %mul3A_927 = arith.mulf %mul3A_914, %mul3A_926 : vector<16xf32>
    %mul3A_928 = arith.mulf %mul3A_927, %mul3A_926 : vector<16xf32>
    %sub3A_929 = arith.constant 1.500000e+00 : f32
    %sub3A_930 = vector.broadcast %sub3A_929 : f32 to vector<16xf32>
    %sub3A_931 = arith.subf %sub3A_930, %mul3A_928 : vector<16xf32>
    %mul3A_932 = arith.mulf %mul3A_926, %sub3A_931 : vector<16xf32>
    %gt3A_933 = arith.constant 0.000000e+00 : f32
    %gt3A_934 = vector.broadcast %gt3A_933 : f32 to vector<16xf32>
    %gt3A_935 = arith.cmpf ogt, %add3A_900, %gt3A_934 : vector<16xf32>
    %jit3A_936 = arith.constant 0.000000e+00 : f32
    %broadcast_in_dim3A_937 = vector.broadcast %jit3A_936 : f32 to vector<16xf32>
    %select_n3A_938 = arith.select %gt3A_935, %mul3A_932, %broadcast_in_dim3A_937 : vector<16xi1>, vector<16xf32>
    %get3A_939 = arith.constant 240 : index
    %get3A_940 = tpu.vector_load %arg12[%get3A_939] {strides = array<i32>} : memref<640xf32, #tpu.memory_space<vmem>>, vector<16xf32>,
    %mul3A_941 = arith.mulf %get3A_940, %select_n3A_938 : vector<16xf32>
    %swap3A_942 = arith.constant 240 : index
    %swap3A_943 = tpu.vector_load %arg16[%swap3A_942] {strides = array<i32>} : memref<640xf32, #tpu.memory_space<vmem>>, vector<16xf32>,
    tpu.vector_store %arg16[%swap3A_942], %mul3A_941 {strides = array<i32>} : memref<640xf32, #tpu.memory_space<vmem>>, vector<16xf32>,
    %get3A_944 = arith.constant 240 : index
    %get3A_945 = tpu.vector_load %arg13[%get3A_944] {strides = array<i32>} : memref<640xf32, #tpu.memory_space<vmem>>, vector<16xf32>,
    %mul3A_946 = arith.mulf %get3A_945, %select_n3A_938 : vector<16xf32>
    %swap3A_947 = arith.constant 240 : index
    %swap3A_948 = tpu.vector_load %arg17[%swap3A_947] {strides = array<i32>} : memref<640xf32, #tpu.memory_space<vmem>>, vector<16xf32>,
    tpu.vector_store %arg17[%swap3A_947], %mul3A_946 {strides = array<i32>} : memref<640xf32, #tpu.memory_space<vmem>>, vector<16xf32>,
    %get3A_949 = arith.constant 256 : index
    %get3A_950 = tpu.vector_load %arg14[%get3A_949] {strides = array<i32>} : memref<640xf32, #tpu.memory_space<vmem>>, vector<16xf32>,
    %get3A_951 = arith.constant 256 : index
    %get3A_952 = tpu.vector_load %arg15[%get3A_951] {strides = array<i32>} : memref<640xf32, #tpu.memory_space<vmem>>, vector<16xf32>,
    %add3A_953 = arith.addf %get3A_950, %get3A_952 : vector<16xf32>
    %max3A_954 = arith.constant 1.000000e+00 : f32
    %max3A_955 = vector.broadcast %max3A_954 : f32 to vector<16xf32>
    %max3A_956 = arith.maximumf %add3A_953, %max3A_955 : vector<16xf32>
    %bitcast3A_957 = vector.bitcast %max3A_956 : vector<16xf32> to vector<16xi32>
    %broadcast_in_dim3A_958 = arith.constant 1597463007 : i32
    %broadcast_in_dim3A_959 = vector.broadcast %broadcast_in_dim3A_958 : i32 to vector<16xi32>
    %shift_right_logical3A_960 = arith.constant 1 : i32
    %shift_right_logical3A_961 = vector.broadcast %shift_right_logical3A_960 : i32 to vector<16xi32>
    %shift_right_logical3A_962 = arith.shrui %bitcast3A_957, %shift_right_logical3A_961 : vector<16xi32>
    %sub3A_963 = arith.subi %broadcast_in_dim3A_959, %shift_right_logical3A_962 : vector<16xi32>
    %bitcast3A_964 = vector.bitcast %sub3A_963 : vector<16xi32> to vector<16xf32>
    %mul3A_965 = arith.constant 5.000000e-01 : f32
    %mul3A_966 = vector.broadcast %mul3A_965 : f32 to vector<16xf32>
    %mul3A_967 = arith.mulf %max3A_956, %mul3A_966 : vector<16xf32>
    %mul3A_968 = arith.mulf %mul3A_967, %bitcast3A_964 : vector<16xf32>
    %mul3A_969 = arith.mulf %mul3A_968, %bitcast3A_964 : vector<16xf32>
    %sub3A_970 = arith.constant 1.500000e+00 : f32
    %sub3A_971 = vector.broadcast %sub3A_970 : f32 to vector<16xf32>
    %sub3A_972 = arith.subf %sub3A_971, %mul3A_969 : vector<16xf32>
    %mul3A_973 = arith.mulf %bitcast3A_964, %sub3A_972 : vector<16xf32>
    %mul3A_974 = arith.mulf %mul3A_967, %mul3A_973 : vector<16xf32>
    %mul3A_975 = arith.mulf %mul3A_974, %mul3A_973 : vector<16xf32>
    %sub3A_976 = arith.constant 1.500000e+00 : f32
    %sub3A_977 = vector.broadcast %sub3A_976 : f32 to vector<16xf32>
    %sub3A_978 = arith.subf %sub3A_977, %mul3A_975 : vector<16xf32>
    %mul3A_979 = arith.mulf %mul3A_973, %sub3A_978 : vector<16xf32>
    %mul3A_980 = arith.mulf %mul3A_967, %mul3A_979 : vector<16xf32>
    %mul3A_981 = arith.mulf %mul3A_980, %mul3A_979 : vector<16xf32>
    %sub3A_982 = arith.constant 1.500000e+00 : f32
    %sub3A_983 = vector.broadcast %sub3A_982 : f32 to vector<16xf32>
    %sub3A_984 = arith.subf %sub3A_983, %mul3A_981 : vector<16xf32>
    %mul3A_985 = arith.mulf %mul3A_979, %sub3A_984 : vector<16xf32>
    %gt3A_986 = arith.constant 0.000000e+00 : f32
    %gt3A_987 = vector.broadcast %gt3A_986 : f32 to vector<16xf32>
    %gt3A_988 = arith.cmpf ogt, %add3A_953, %gt3A_987 : vector<16xf32>
    %jit3A_989 = arith.constant 0.000000e+00 : f32
    %broadcast_in_dim3A_990 = vector.broadcast %jit3A_989 : f32 to vector<16xf32>
    %select_n3A_991 = arith.select %gt3A_988, %mul3A_985, %broadcast_in_dim3A_990 : vector<16xi1>, vector<16xf32>
    %get3A_992 = arith.constant 256 : index
    %get3A_993 = tpu.vector_load %arg12[%get3A_992] {strides = array<i32>} : memref<640xf32, #tpu.memory_space<vmem>>, vector<16xf32>,
    %mul3A_994 = arith.mulf %get3A_993, %select_n3A_991 : vector<16xf32>
    %swap3A_995 = arith.constant 256 : index
    %swap3A_996 = tpu.vector_load %arg16[%swap3A_995] {strides = array<i32>} : memref<640xf32, #tpu.memory_space<vmem>>, vector<16xf32>,
    tpu.vector_store %arg16[%swap3A_995], %mul3A_994 {strides = array<i32>} : memref<640xf32, #tpu.memory_space<vmem>>, vector<16xf32>,
    %get3A_997 = arith.constant 256 : index
    %get3A_998 = tpu.vector_load %arg13[%get3A_997] {strides = array<i32>} : memref<640xf32, #tpu.memory_space<vmem>>, vector<16xf32>,
    %mul3A_999 = arith.mulf %get3A_998, %select_n3A_991 : vector<16xf32>
    %swap3A_1000 = arith.constant 256 : index
    %swap3A_1001 = tpu.vector_load %arg17[%swap3A_1000] {strides = array<i32>} : memref<640xf32, #tpu.memory_space<vmem>>, vector<16xf32>,
    tpu.vector_store %arg17[%swap3A_1000], %mul3A_999 {strides = array<i32>} : memref<640xf32, #tpu.memory_space<vmem>>, vector<16xf32>,
    %get3A_1002 = arith.constant 272 : index
    %get3A_1003 = tpu.vector_load %arg14[%get3A_1002] {strides = array<i32>} : memref<640xf32, #tpu.memory_space<vmem>>, vector<16xf32>,
    %get3A_1004 = arith.constant 272 : index
    %get3A_1005 = tpu.vector_load %arg15[%get3A_1004] {strides = array<i32>} : memref<640xf32, #tpu.memory_space<vmem>>, vector<16xf32>,
    %add3A_1006 = arith.addf %get3A_1003, %get3A_1005 : vector<16xf32>
    %max3A_1007 = arith.constant 1.000000e+00 : f32
    %max3A_1008 = vector.broadcast %max3A_1007 : f32 to vector<16xf32>
    %max3A_1009 = arith.maximumf %add3A_1006, %max3A_1008 : vector<16xf32>
    %bitcast3A_1010 = vector.bitcast %max3A_1009 : vector<16xf32> to vector<16xi32>
    %broadcast_in_dim3A_1011 = arith.constant 1597463007 : i32
    %broadcast_in_dim3A_1012 = vector.broadcast %broadcast_in_dim3A_1011 : i32 to vector<16xi32>
    %shift_right_logical3A_1013 = arith.constant 1 : i32
    %shift_right_logical3A_1014 = vector.broadcast %shift_right_logical3A_1013 : i32 to vector<16xi32>
    %shift_right_logical3A_1015 = arith.shrui %bitcast3A_1010, %shift_right_logical3A_1014 : vector<16xi32>
    %sub3A_1016 = arith.subi %broadcast_in_dim3A_1012, %shift_right_logical3A_1015 : vector<16xi32>
    %bitcast3A_1017 = vector.bitcast %sub3A_1016 : vector<16xi32> to vector<16xf32>
    %mul3A_1018 = arith.constant 5.000000e-01 : f32
    %mul3A_1019 = vector.broadcast %mul3A_1018 : f32 to vector<16xf32>
    %mul3A_1020 = arith.mulf %max3A_1009, %mul3A_1019 : vector<16xf32>
    %mul3A_1021 = arith.mulf %mul3A_1020, %bitcast3A_1017 : vector<16xf32>
    %mul3A_1022 = arith.mulf %mul3A_1021, %bitcast3A_1017 : vector<16xf32>
    %sub3A_1023 = arith.constant 1.500000e+00 : f32
    %sub3A_1024 = vector.broadcast %sub3A_1023 : f32 to vector<16xf32>
    %sub3A_1025 = arith.subf %sub3A_1024, %mul3A_1022 : vector<16xf32>
    %mul3A_1026 = arith.mulf %bitcast3A_1017, %sub3A_1025 : vector<16xf32>
    %mul3A_1027 = arith.mulf %mul3A_1020, %mul3A_1026 : vector<16xf32>
    %mul3A_1028 = arith.mulf %mul3A_1027, %mul3A_1026 : vector<16xf32>
    %sub3A_1029 = arith.constant 1.500000e+00 : f32
    %sub3A_1030 = vector.broadcast %sub3A_1029 : f32 to vector<16xf32>
    %sub3A_1031 = arith.subf %sub3A_1030, %mul3A_1028 : vector<16xf32>
    %mul3A_1032 = arith.mulf %mul3A_1026, %sub3A_1031 : vector<16xf32>
    %mul3A_1033 = arith.mulf %mul3A_1020, %mul3A_1032 : vector<16xf32>
    %mul3A_1034 = arith.mulf %mul3A_1033, %mul3A_1032 : vector<16xf32>
    %sub3A_1035 = arith.constant 1.500000e+00 : f32
    %sub3A_1036 = vector.broadcast %sub3A_1035 : f32 to vector<16xf32>
    %sub3A_1037 = arith.subf %sub3A_1036, %mul3A_1034 : vector<16xf32>
    %mul3A_1038 = arith.mulf %mul3A_1032, %sub3A_1037 : vector<16xf32>
    %gt3A_1039 = arith.constant 0.000000e+00 : f32
    %gt3A_1040 = vector.broadcast %gt3A_1039 : f32 to vector<16xf32>
    %gt3A_1041 = arith.cmpf ogt, %add3A_1006, %gt3A_1040 : vector<16xf32>
    %jit3A_1042 = arith.constant 0.000000e+00 : f32
    %broadcast_in_dim3A_1043 = vector.broadcast %jit3A_1042 : f32 to vector<16xf32>
    %select_n3A_1044 = arith.select %gt3A_1041, %mul3A_1038, %broadcast_in_dim3A_1043 : vector<16xi1>, vector<16xf32>
    %get3A_1045 = arith.constant 272 : index
    %get3A_1046 = tpu.vector_load %arg12[%get3A_1045] {strides = array<i32>} : memref<640xf32, #tpu.memory_space<vmem>>, vector<16xf32>,
    %mul3A_1047 = arith.mulf %get3A_1046, %select_n3A_1044 : vector<16xf32>
    %swap3A_1048 = arith.constant 272 : index
    %swap3A_1049 = tpu.vector_load %arg16[%swap3A_1048] {strides = array<i32>} : memref<640xf32, #tpu.memory_space<vmem>>, vector<16xf32>,
    tpu.vector_store %arg16[%swap3A_1048], %mul3A_1047 {strides = array<i32>} : memref<640xf32, #tpu.memory_space<vmem>>, vector<16xf32>,
    %get3A_1050 = arith.constant 272 : index
    %get3A_1051 = tpu.vector_load %arg13[%get3A_1050] {strides = array<i32>} : memref<640xf32, #tpu.memory_space<vmem>>, vector<16xf32>,
    %mul3A_1052 = arith.mulf %get3A_1051, %select_n3A_1044 : vector<16xf32>
    %swap3A_1053 = arith.constant 272 : index
    %swap3A_1054 = tpu.vector_load %arg17[%swap3A_1053] {strides = array<i32>} : memref<640xf32, #tpu.memory_space<vmem>>, vector<16xf32>,
    tpu.vector_store %arg17[%swap3A_1053], %mul3A_1052 {strides = array<i32>} : memref<640xf32, #tpu.memory_space<vmem>>, vector<16xf32>,
    %get3A_1055 = arith.constant 288 : index
    %get3A_1056 = tpu.vector_load %arg14[%get3A_1055] {strides = array<i32>} : memref<640xf32, #tpu.memory_space<vmem>>, vector<16xf32>,
    %get3A_1057 = arith.constant 288 : index
    %get3A_1058 = tpu.vector_load %arg15[%get3A_1057] {strides = array<i32>} : memref<640xf32, #tpu.memory_space<vmem>>, vector<16xf32>,
    %add3A_1059 = arith.addf %get3A_1056, %get3A_1058 : vector<16xf32>
    %max3A_1060 = arith.constant 1.000000e+00 : f32
    %max3A_1061 = vector.broadcast %max3A_1060 : f32 to vector<16xf32>
    %max3A_1062 = arith.maximumf %add3A_1059, %max3A_1061 : vector<16xf32>
    %bitcast3A_1063 = vector.bitcast %max3A_1062 : vector<16xf32> to vector<16xi32>
    %broadcast_in_dim3A_1064 = arith.constant 1597463007 : i32
    %broadcast_in_dim3A_1065 = vector.broadcast %broadcast_in_dim3A_1064 : i32 to vector<16xi32>
    %shift_right_logical3A_1066 = arith.constant 1 : i32
    %shift_right_logical3A_1067 = vector.broadcast %shift_right_logical3A_1066 : i32 to vector<16xi32>
    %shift_right_logical3A_1068 = arith.shrui %bitcast3A_1063, %shift_right_logical3A_1067 : vector<16xi32>
    %sub3A_1069 = arith.subi %broadcast_in_dim3A_1065, %shift_right_logical3A_1068 : vector<16xi32>
    %bitcast3A_1070 = vector.bitcast %sub3A_1069 : vector<16xi32> to vector<16xf32>
    %mul3A_1071 = arith.constant 5.000000e-01 : f32
    %mul3A_1072 = vector.broadcast %mul3A_1071 : f32 to vector<16xf32>
    %mul3A_1073 = arith.mulf %max3A_1062, %mul3A_1072 : vector<16xf32>
    %mul3A_1074 = arith.mulf %mul3A_1073, %bitcast3A_1070 : vector<16xf32>
    %mul3A_1075 = arith.mulf %mul3A_1074, %bitcast3A_1070 : vector<16xf32>
    %sub3A_1076 = arith.constant 1.500000e+00 : f32
    %sub3A_1077 = vector.broadcast %sub3A_1076 : f32 to vector<16xf32>
    %sub3A_1078 = arith.subf %sub3A_1077, %mul3A_1075 : vector<16xf32>
    %mul3A_1079 = arith.mulf %bitcast3A_1070, %sub3A_1078 : vector<16xf32>
    %mul3A_1080 = arith.mulf %mul3A_1073, %mul3A_1079 : vector<16xf32>
    %mul3A_1081 = arith.mulf %mul3A_1080, %mul3A_1079 : vector<16xf32>
    %sub3A_1082 = arith.constant 1.500000e+00 : f32
    %sub3A_1083 = vector.broadcast %sub3A_1082 : f32 to vector<16xf32>
    %sub3A_1084 = arith.subf %sub3A_1083, %mul3A_1081 : vector<16xf32>
    %mul3A_1085 = arith.mulf %mul3A_1079, %sub3A_1084 : vector<16xf32>
    %mul3A_1086 = arith.mulf %mul3A_1073, %mul3A_1085 : vector<16xf32>
    %mul3A_1087 = arith.mulf %mul3A_1086, %mul3A_1085 : vector<16xf32>
    %sub3A_1088 = arith.constant 1.500000e+00 : f32
    %sub3A_1089 = vector.broadcast %sub3A_1088 : f32 to vector<16xf32>
    %sub3A_1090 = arith.subf %sub3A_1089, %mul3A_1087 : vector<16xf32>
    %mul3A_1091 = arith.mulf %mul3A_1085, %sub3A_1090 : vector<16xf32>
    %gt3A_1092 = arith.constant 0.000000e+00 : f32
    %gt3A_1093 = vector.broadcast %gt3A_1092 : f32 to vector<16xf32>
    %gt3A_1094 = arith.cmpf ogt, %add3A_1059, %gt3A_1093 : vector<16xf32>
    %jit3A_1095 = arith.constant 0.000000e+00 : f32
    %broadcast_in_dim3A_1096 = vector.broadcast %jit3A_1095 : f32 to vector<16xf32>
    %select_n3A_1097 = arith.select %gt3A_1094, %mul3A_1091, %broadcast_in_dim3A_1096 : vector<16xi1>, vector<16xf32>
    %get3A_1098 = arith.constant 288 : index
    %get3A_1099 = tpu.vector_load %arg12[%get3A_1098] {strides = array<i32>} : memref<640xf32, #tpu.memory_space<vmem>>, vector<16xf32>,
    %mul3A_1100 = arith.mulf %get3A_1099, %select_n3A_1097 : vector<16xf32>
    %swap3A_1101 = arith.constant 288 : index
    %swap3A_1102 = tpu.vector_load %arg16[%swap3A_1101] {strides = array<i32>} : memref<640xf32, #tpu.memory_space<vmem>>, vector<16xf32>,
    tpu.vector_store %arg16[%swap3A_1101], %mul3A_1100 {strides = array<i32>} : memref<640xf32, #tpu.memory_space<vmem>>, vector<16xf32>,
    %get3A_1103 = arith.constant 288 : index
    %get3A_1104 = tpu.vector_load %arg13[%get3A_1103] {strides = array<i32>} : memref<640xf32, #tpu.memory_space<vmem>>, vector<16xf32>,
    %mul3A_1105 = arith.mulf %get3A_1104, %select_n3A_1097 : vector<16xf32>
    %swap3A_1106 = arith.constant 288 : index
    %swap3A_1107 = tpu.vector_load %arg17[%swap3A_1106] {strides = array<i32>} : memref<640xf32, #tpu.memory_space<vmem>>, vector<16xf32>,
    tpu.vector_store %arg17[%swap3A_1106], %mul3A_1105 {strides = array<i32>} : memref<640xf32, #tpu.memory_space<vmem>>, vector<16xf32>,
    %get3A_1108 = arith.constant 304 : index
    %get3A_1109 = tpu.vector_load %arg14[%get3A_1108] {strides = array<i32>} : memref<640xf32, #tpu.memory_space<vmem>>, vector<16xf32>,
    %get3A_1110 = arith.constant 304 : index
    %get3A_1111 = tpu.vector_load %arg15[%get3A_1110] {strides = array<i32>} : memref<640xf32, #tpu.memory_space<vmem>>, vector<16xf32>,
    %add3A_1112 = arith.addf %get3A_1109, %get3A_1111 : vector<16xf32>
    %max3A_1113 = arith.constant 1.000000e+00 : f32
    %max3A_1114 = vector.broadcast %max3A_1113 : f32 to vector<16xf32>
    %max3A_1115 = arith.maximumf %add3A_1112, %max3A_1114 : vector<16xf32>
    %bitcast3A_1116 = vector.bitcast %max3A_1115 : vector<16xf32> to vector<16xi32>
    %broadcast_in_dim3A_1117 = arith.constant 1597463007 : i32
    %broadcast_in_dim3A_1118 = vector.broadcast %broadcast_in_dim3A_1117 : i32 to vector<16xi32>
    %shift_right_logical3A_1119 = arith.constant 1 : i32
    %shift_right_logical3A_1120 = vector.broadcast %shift_right_logical3A_1119 : i32 to vector<16xi32>
    %shift_right_logical3A_1121 = arith.shrui %bitcast3A_1116, %shift_right_logical3A_1120 : vector<16xi32>
    %sub3A_1122 = arith.subi %broadcast_in_dim3A_1118, %shift_right_logical3A_1121 : vector<16xi32>
    %bitcast3A_1123 = vector.bitcast %sub3A_1122 : vector<16xi32> to vector<16xf32>
    %mul3A_1124 = arith.constant 5.000000e-01 : f32
    %mul3A_1125 = vector.broadcast %mul3A_1124 : f32 to vector<16xf32>
    %mul3A_1126 = arith.mulf %max3A_1115, %mul3A_1125 : vector<16xf32>
    %mul3A_1127 = arith.mulf %mul3A_1126, %bitcast3A_1123 : vector<16xf32>
    %mul3A_1128 = arith.mulf %mul3A_1127, %bitcast3A_1123 : vector<16xf32>
    %sub3A_1129 = arith.constant 1.500000e+00 : f32
    %sub3A_1130 = vector.broadcast %sub3A_1129 : f32 to vector<16xf32>
    %sub3A_1131 = arith.subf %sub3A_1130, %mul3A_1128 : vector<16xf32>
    %mul3A_1132 = arith.mulf %bitcast3A_1123, %sub3A_1131 : vector<16xf32>
    %mul3A_1133 = arith.mulf %mul3A_1126, %mul3A_1132 : vector<16xf32>
    %mul3A_1134 = arith.mulf %mul3A_1133, %mul3A_1132 : vector<16xf32>
    %sub3A_1135 = arith.constant 1.500000e+00 : f32
    %sub3A_1136 = vector.broadcast %sub3A_1135 : f32 to vector<16xf32>
    %sub3A_1137 = arith.subf %sub3A_1136, %mul3A_1134 : vector<16xf32>
    %mul3A_1138 = arith.mulf %mul3A_1132, %sub3A_1137 : vector<16xf32>
    %mul3A_1139 = arith.mulf %mul3A_1126, %mul3A_1138 : vector<16xf32>
    %mul3A_1140 = arith.mulf %mul3A_1139, %mul3A_1138 : vector<16xf32>
    %sub3A_1141 = arith.constant 1.500000e+00 : f32
    %sub3A_1142 = vector.broadcast %sub3A_1141 : f32 to vector<16xf32>
    %sub3A_1143 = arith.subf %sub3A_1142, %mul3A_1140 : vector<16xf32>
    %mul3A_1144 = arith.mulf %mul3A_1138, %sub3A_1143 : vector<16xf32>
    %gt3A_1145 = arith.constant 0.000000e+00 : f32
    %gt3A_1146 = vector.broadcast %gt3A_1145 : f32 to vector<16xf32>
    %gt3A_1147 = arith.cmpf ogt, %add3A_1112, %gt3A_1146 : vector<16xf32>
    %jit3A_1148 = arith.constant 0.000000e+00 : f32
    %broadcast_in_dim3A_1149 = vector.broadcast %jit3A_1148 : f32 to vector<16xf32>
    %select_n3A_1150 = arith.select %gt3A_1147, %mul3A_1144, %broadcast_in_dim3A_1149 : vector<16xi1>, vector<16xf32>
    %get3A_1151 = arith.constant 304 : index
    %get3A_1152 = tpu.vector_load %arg12[%get3A_1151] {strides = array<i32>} : memref<640xf32, #tpu.memory_space<vmem>>, vector<16xf32>,
    %mul3A_1153 = arith.mulf %get3A_1152, %select_n3A_1150 : vector<16xf32>
    %swap3A_1154 = arith.constant 304 : index
    %swap3A_1155 = tpu.vector_load %arg16[%swap3A_1154] {strides = array<i32>} : memref<640xf32, #tpu.memory_space<vmem>>, vector<16xf32>,
    tpu.vector_store %arg16[%swap3A_1154], %mul3A_1153 {strides = array<i32>} : memref<640xf32, #tpu.memory_space<vmem>>, vector<16xf32>,
    %get3A_1156 = arith.constant 304 : index
    %get3A_1157 = tpu.vector_load %arg13[%get3A_1156] {strides = array<i32>} : memref<640xf32, #tpu.memory_space<vmem>>, vector<16xf32>,
    %mul3A_1158 = arith.mulf %get3A_1157, %select_n3A_1150 : vector<16xf32>
    %swap3A_1159 = arith.constant 304 : index
    %swap3A_1160 = tpu.vector_load %arg17[%swap3A_1159] {strides = array<i32>} : memref<640xf32, #tpu.memory_space<vmem>>, vector<16xf32>,
    tpu.vector_store %arg17[%swap3A_1159], %mul3A_1158 {strides = array<i32>} : memref<640xf32, #tpu.memory_space<vmem>>, vector<16xf32>,
    %get3A_1161 = arith.constant 320 : index
    %get3A_1162 = tpu.vector_load %arg14[%get3A_1161] {strides = array<i32>} : memref<640xf32, #tpu.memory_space<vmem>>, vector<16xf32>,
    %get3A_1163 = arith.constant 320 : index
    %get3A_1164 = tpu.vector_load %arg15[%get3A_1163] {strides = array<i32>} : memref<640xf32, #tpu.memory_space<vmem>>, vector<16xf32>,
    %add3A_1165 = arith.addf %get3A_1162, %get3A_1164 : vector<16xf32>
    %max3A_1166 = arith.constant 1.000000e+00 : f32
    %max3A_1167 = vector.broadcast %max3A_1166 : f32 to vector<16xf32>
    %max3A_1168 = arith.maximumf %add3A_1165, %max3A_1167 : vector<16xf32>
    %bitcast3A_1169 = vector.bitcast %max3A_1168 : vector<16xf32> to vector<16xi32>
    %broadcast_in_dim3A_1170 = arith.constant 1597463007 : i32
    %broadcast_in_dim3A_1171 = vector.broadcast %broadcast_in_dim3A_1170 : i32 to vector<16xi32>
    %shift_right_logical3A_1172 = arith.constant 1 : i32
    %shift_right_logical3A_1173 = vector.broadcast %shift_right_logical3A_1172 : i32 to vector<16xi32>
    %shift_right_logical3A_1174 = arith.shrui %bitcast3A_1169, %shift_right_logical3A_1173 : vector<16xi32>
    %sub3A_1175 = arith.subi %broadcast_in_dim3A_1171, %shift_right_logical3A_1174 : vector<16xi32>
    %bitcast3A_1176 = vector.bitcast %sub3A_1175 : vector<16xi32> to vector<16xf32>
    %mul3A_1177 = arith.constant 5.000000e-01 : f32
    %mul3A_1178 = vector.broadcast %mul3A_1177 : f32 to vector<16xf32>
    %mul3A_1179 = arith.mulf %max3A_1168, %mul3A_1178 : vector<16xf32>
    %mul3A_1180 = arith.mulf %mul3A_1179, %bitcast3A_1176 : vector<16xf32>
    %mul3A_1181 = arith.mulf %mul3A_1180, %bitcast3A_1176 : vector<16xf32>
    %sub3A_1182 = arith.constant 1.500000e+00 : f32
    %sub3A_1183 = vector.broadcast %sub3A_1182 : f32 to vector<16xf32>
    %sub3A_1184 = arith.subf %sub3A_1183, %mul3A_1181 : vector<16xf32>
    %mul3A_1185 = arith.mulf %bitcast3A_1176, %sub3A_1184 : vector<16xf32>
    %mul3A_1186 = arith.mulf %mul3A_1179, %mul3A_1185 : vector<16xf32>
    %mul3A_1187 = arith.mulf %mul3A_1186, %mul3A_1185 : vector<16xf32>
    %sub3A_1188 = arith.constant 1.500000e+00 : f32
    %sub3A_1189 = vector.broadcast %sub3A_1188 : f32 to vector<16xf32>
    %sub3A_1190 = arith.subf %sub3A_1189, %mul3A_1187 : vector<16xf32>
    %mul3A_1191 = arith.mulf %mul3A_1185, %sub3A_1190 : vector<16xf32>
    %mul3A_1192 = arith.mulf %mul3A_1179, %mul3A_1191 : vector<16xf32>
    %mul3A_1193 = arith.mulf %mul3A_1192, %mul3A_1191 : vector<16xf32>
    %sub3A_1194 = arith.constant 1.500000e+00 : f32
    %sub3A_1195 = vector.broadcast %sub3A_1194 : f32 to vector<16xf32>
    %sub3A_1196 = arith.subf %sub3A_1195, %mul3A_1193 : vector<16xf32>
    %mul3A_1197 = arith.mulf %mul3A_1191, %sub3A_1196 : vector<16xf32>
    %gt3A_1198 = arith.constant 0.000000e+00 : f32
    %gt3A_1199 = vector.broadcast %gt3A_1198 : f32 to vector<16xf32>
    %gt3A_1200 = arith.cmpf ogt, %add3A_1165, %gt3A_1199 : vector<16xf32>
    %jit3A_1201 = arith.constant 0.000000e+00 : f32
    %broadcast_in_dim3A_1202 = vector.broadcast %jit3A_1201 : f32 to vector<16xf32>
    %select_n3A_1203 = arith.select %gt3A_1200, %mul3A_1197, %broadcast_in_dim3A_1202 : vector<16xi1>, vector<16xf32>
    %get3A_1204 = arith.constant 320 : index
    %get3A_1205 = tpu.vector_load %arg12[%get3A_1204] {strides = array<i32>} : memref<640xf32, #tpu.memory_space<vmem>>, vector<16xf32>,
    %mul3A_1206 = arith.mulf %get3A_1205, %select_n3A_1203 : vector<16xf32>
    %swap3A_1207 = arith.constant 320 : index
    %swap3A_1208 = tpu.vector_load %arg16[%swap3A_1207] {strides = array<i32>} : memref<640xf32, #tpu.memory_space<vmem>>, vector<16xf32>,
    tpu.vector_store %arg16[%swap3A_1207], %mul3A_1206 {strides = array<i32>} : memref<640xf32, #tpu.memory_space<vmem>>, vector<16xf32>,
    %get3A_1209 = arith.constant 320 : index
    %get3A_1210 = tpu.vector_load %arg13[%get3A_1209] {strides = array<i32>} : memref<640xf32, #tpu.memory_space<vmem>>, vector<16xf32>,
    %mul3A_1211 = arith.mulf %get3A_1210, %select_n3A_1203 : vector<16xf32>
    %swap3A_1212 = arith.constant 320 : index
    %swap3A_1213 = tpu.vector_load %arg17[%swap3A_1212] {strides = array<i32>} : memref<640xf32, #tpu.memory_space<vmem>>, vector<16xf32>,
    tpu.vector_store %arg17[%swap3A_1212], %mul3A_1211 {strides = array<i32>} : memref<640xf32, #tpu.memory_space<vmem>>, vector<16xf32>,
    %get3A_1214 = arith.constant 336 : index
    %get3A_1215 = tpu.vector_load %arg14[%get3A_1214] {strides = array<i32>} : memref<640xf32, #tpu.memory_space<vmem>>, vector<16xf32>,
    %get3A_1216 = arith.constant 336 : index
    %get3A_1217 = tpu.vector_load %arg15[%get3A_1216] {strides = array<i32>} : memref<640xf32, #tpu.memory_space<vmem>>, vector<16xf32>,
    %add3A_1218 = arith.addf %get3A_1215, %get3A_1217 : vector<16xf32>
    %max3A_1219 = arith.constant 1.000000e+00 : f32
    %max3A_1220 = vector.broadcast %max3A_1219 : f32 to vector<16xf32>
    %max3A_1221 = arith.maximumf %add3A_1218, %max3A_1220 : vector<16xf32>
    %bitcast3A_1222 = vector.bitcast %max3A_1221 : vector<16xf32> to vector<16xi32>
    %broadcast_in_dim3A_1223 = arith.constant 1597463007 : i32
    %broadcast_in_dim3A_1224 = vector.broadcast %broadcast_in_dim3A_1223 : i32 to vector<16xi32>
    %shift_right_logical3A_1225 = arith.constant 1 : i32
    %shift_right_logical3A_1226 = vector.broadcast %shift_right_logical3A_1225 : i32 to vector<16xi32>
    %shift_right_logical3A_1227 = arith.shrui %bitcast3A_1222, %shift_right_logical3A_1226 : vector<16xi32>
    %sub3A_1228 = arith.subi %broadcast_in_dim3A_1224, %shift_right_logical3A_1227 : vector<16xi32>
    %bitcast3A_1229 = vector.bitcast %sub3A_1228 : vector<16xi32> to vector<16xf32>
    %mul3A_1230 = arith.constant 5.000000e-01 : f32
    %mul3A_1231 = vector.broadcast %mul3A_1230 : f32 to vector<16xf32>
    %mul3A_1232 = arith.mulf %max3A_1221, %mul3A_1231 : vector<16xf32>
    %mul3A_1233 = arith.mulf %mul3A_1232, %bitcast3A_1229 : vector<16xf32>
    %mul3A_1234 = arith.mulf %mul3A_1233, %bitcast3A_1229 : vector<16xf32>
    %sub3A_1235 = arith.constant 1.500000e+00 : f32
    %sub3A_1236 = vector.broadcast %sub3A_1235 : f32 to vector<16xf32>
    %sub3A_1237 = arith.subf %sub3A_1236, %mul3A_1234 : vector<16xf32>
    %mul3A_1238 = arith.mulf %bitcast3A_1229, %sub3A_1237 : vector<16xf32>
    %mul3A_1239 = arith.mulf %mul3A_1232, %mul3A_1238 : vector<16xf32>
    %mul3A_1240 = arith.mulf %mul3A_1239, %mul3A_1238 : vector<16xf32>
    %sub3A_1241 = arith.constant 1.500000e+00 : f32
    %sub3A_1242 = vector.broadcast %sub3A_1241 : f32 to vector<16xf32>
    %sub3A_1243 = arith.subf %sub3A_1242, %mul3A_1240 : vector<16xf32>
    %mul3A_1244 = arith.mulf %mul3A_1238, %sub3A_1243 : vector<16xf32>
    %mul3A_1245 = arith.mulf %mul3A_1232, %mul3A_1244 : vector<16xf32>
    %mul3A_1246 = arith.mulf %mul3A_1245, %mul3A_1244 : vector<16xf32>
    %sub3A_1247 = arith.constant 1.500000e+00 : f32
    %sub3A_1248 = vector.broadcast %sub3A_1247 : f32 to vector<16xf32>
    %sub3A_1249 = arith.subf %sub3A_1248, %mul3A_1246 : vector<16xf32>
    %mul3A_1250 = arith.mulf %mul3A_1244, %sub3A_1249 : vector<16xf32>
    %gt3A_1251 = arith.constant 0.000000e+00 : f32
    %gt3A_1252 = vector.broadcast %gt3A_1251 : f32 to vector<16xf32>
    %gt3A_1253 = arith.cmpf ogt, %add3A_1218, %gt3A_1252 : vector<16xf32>
    %jit3A_1254 = arith.constant 0.000000e+00 : f32
    %broadcast_in_dim3A_1255 = vector.broadcast %jit3A_1254 : f32 to vector<16xf32>
    %select_n3A_1256 = arith.select %gt3A_1253, %mul3A_1250, %broadcast_in_dim3A_1255 : vector<16xi1>, vector<16xf32>
    %get3A_1257 = arith.constant 336 : index
    %get3A_1258 = tpu.vector_load %arg12[%get3A_1257] {strides = array<i32>} : memref<640xf32, #tpu.memory_space<vmem>>, vector<16xf32>,
    %mul3A_1259 = arith.mulf %get3A_1258, %select_n3A_1256 : vector<16xf32>
    %swap3A_1260 = arith.constant 336 : index
    %swap3A_1261 = tpu.vector_load %arg16[%swap3A_1260] {strides = array<i32>} : memref<640xf32, #tpu.memory_space<vmem>>, vector<16xf32>,
    tpu.vector_store %arg16[%swap3A_1260], %mul3A_1259 {strides = array<i32>} : memref<640xf32, #tpu.memory_space<vmem>>, vector<16xf32>,
    %get3A_1262 = arith.constant 336 : index
    %get3A_1263 = tpu.vector_load %arg13[%get3A_1262] {strides = array<i32>} : memref<640xf32, #tpu.memory_space<vmem>>, vector<16xf32>,
    %mul3A_1264 = arith.mulf %get3A_1263, %select_n3A_1256 : vector<16xf32>
    %swap3A_1265 = arith.constant 336 : index
    %swap3A_1266 = tpu.vector_load %arg17[%swap3A_1265] {strides = array<i32>} : memref<640xf32, #tpu.memory_space<vmem>>, vector<16xf32>,
    tpu.vector_store %arg17[%swap3A_1265], %mul3A_1264 {strides = array<i32>} : memref<640xf32, #tpu.memory_space<vmem>>, vector<16xf32>,
    %get3A_1267 = arith.constant 352 : index
    %get3A_1268 = tpu.vector_load %arg14[%get3A_1267] {strides = array<i32>} : memref<640xf32, #tpu.memory_space<vmem>>, vector<16xf32>,
    %get3A_1269 = arith.constant 352 : index
    %get3A_1270 = tpu.vector_load %arg15[%get3A_1269] {strides = array<i32>} : memref<640xf32, #tpu.memory_space<vmem>>, vector<16xf32>,
    %add3A_1271 = arith.addf %get3A_1268, %get3A_1270 : vector<16xf32>
    %max3A_1272 = arith.constant 1.000000e+00 : f32
    %max3A_1273 = vector.broadcast %max3A_1272 : f32 to vector<16xf32>
    %max3A_1274 = arith.maximumf %add3A_1271, %max3A_1273 : vector<16xf32>
    %bitcast3A_1275 = vector.bitcast %max3A_1274 : vector<16xf32> to vector<16xi32>
    %broadcast_in_dim3A_1276 = arith.constant 1597463007 : i32
    %broadcast_in_dim3A_1277 = vector.broadcast %broadcast_in_dim3A_1276 : i32 to vector<16xi32>
    %shift_right_logical3A_1278 = arith.constant 1 : i32
    %shift_right_logical3A_1279 = vector.broadcast %shift_right_logical3A_1278 : i32 to vector<16xi32>
    %shift_right_logical3A_1280 = arith.shrui %bitcast3A_1275, %shift_right_logical3A_1279 : vector<16xi32>
    %sub3A_1281 = arith.subi %broadcast_in_dim3A_1277, %shift_right_logical3A_1280 : vector<16xi32>
    %bitcast3A_1282 = vector.bitcast %sub3A_1281 : vector<16xi32> to vector<16xf32>
    %mul3A_1283 = arith.constant 5.000000e-01 : f32
    %mul3A_1284 = vector.broadcast %mul3A_1283 : f32 to vector<16xf32>
    %mul3A_1285 = arith.mulf %max3A_1274, %mul3A_1284 : vector<16xf32>
    %mul3A_1286 = arith.mulf %mul3A_1285, %bitcast3A_1282 : vector<16xf32>
    %mul3A_1287 = arith.mulf %mul3A_1286, %bitcast3A_1282 : vector<16xf32>
    %sub3A_1288 = arith.constant 1.500000e+00 : f32
    %sub3A_1289 = vector.broadcast %sub3A_1288 : f32 to vector<16xf32>
    %sub3A_1290 = arith.subf %sub3A_1289, %mul3A_1287 : vector<16xf32>
    %mul3A_1291 = arith.mulf %bitcast3A_1282, %sub3A_1290 : vector<16xf32>
    %mul3A_1292 = arith.mulf %mul3A_1285, %mul3A_1291 : vector<16xf32>
    %mul3A_1293 = arith.mulf %mul3A_1292, %mul3A_1291 : vector<16xf32>
    %sub3A_1294 = arith.constant 1.500000e+00 : f32
    %sub3A_1295 = vector.broadcast %sub3A_1294 : f32 to vector<16xf32>
    %sub3A_1296 = arith.subf %sub3A_1295, %mul3A_1293 : vector<16xf32>
    %mul3A_1297 = arith.mulf %mul3A_1291, %sub3A_1296 : vector<16xf32>
    %mul3A_1298 = arith.mulf %mul3A_1285, %mul3A_1297 : vector<16xf32>
    %mul3A_1299 = arith.mulf %mul3A_1298, %mul3A_1297 : vector<16xf32>
    %sub3A_1300 = arith.constant 1.500000e+00 : f32
    %sub3A_1301 = vector.broadcast %sub3A_1300 : f32 to vector<16xf32>
    %sub3A_1302 = arith.subf %sub3A_1301, %mul3A_1299 : vector<16xf32>
    %mul3A_1303 = arith.mulf %mul3A_1297, %sub3A_1302 : vector<16xf32>
    %gt3A_1304 = arith.constant 0.000000e+00 : f32
    %gt3A_1305 = vector.broadcast %gt3A_1304 : f32 to vector<16xf32>
    %gt3A_1306 = arith.cmpf ogt, %add3A_1271, %gt3A_1305 : vector<16xf32>
    %jit3A_1307 = arith.constant 0.000000e+00 : f32
    %broadcast_in_dim3A_1308 = vector.broadcast %jit3A_1307 : f32 to vector<16xf32>
    %select_n3A_1309 = arith.select %gt3A_1306, %mul3A_1303, %broadcast_in_dim3A_1308 : vector<16xi1>, vector<16xf32>
    %get3A_1310 = arith.constant 352 : index
    %get3A_1311 = tpu.vector_load %arg12[%get3A_1310] {strides = array<i32>} : memref<640xf32, #tpu.memory_space<vmem>>, vector<16xf32>,
    %mul3A_1312 = arith.mulf %get3A_1311, %select_n3A_1309 : vector<16xf32>
    %swap3A_1313 = arith.constant 352 : index
    %swap3A_1314 = tpu.vector_load %arg16[%swap3A_1313] {strides = array<i32>} : memref<640xf32, #tpu.memory_space<vmem>>, vector<16xf32>,
    tpu.vector_store %arg16[%swap3A_1313], %mul3A_1312 {strides = array<i32>} : memref<640xf32, #tpu.memory_space<vmem>>, vector<16xf32>,
    %get3A_1315 = arith.constant 352 : index
    %get3A_1316 = tpu.vector_load %arg13[%get3A_1315] {strides = array<i32>} : memref<640xf32, #tpu.memory_space<vmem>>, vector<16xf32>,
    %mul3A_1317 = arith.mulf %get3A_1316, %select_n3A_1309 : vector<16xf32>
    %swap3A_1318 = arith.constant 352 : index
    %swap3A_1319 = tpu.vector_load %arg17[%swap3A_1318] {strides = array<i32>} : memref<640xf32, #tpu.memory_space<vmem>>, vector<16xf32>,
    tpu.vector_store %arg17[%swap3A_1318], %mul3A_1317 {strides = array<i32>} : memref<640xf32, #tpu.memory_space<vmem>>, vector<16xf32>,
    %get3A_1320 = arith.constant 368 : index
    %get3A_1321 = tpu.vector_load %arg14[%get3A_1320] {strides = array<i32>} : memref<640xf32, #tpu.memory_space<vmem>>, vector<16xf32>,
    %get3A_1322 = arith.constant 368 : index
    %get3A_1323 = tpu.vector_load %arg15[%get3A_1322] {strides = array<i32>} : memref<640xf32, #tpu.memory_space<vmem>>, vector<16xf32>,
    %add3A_1324 = arith.addf %get3A_1321, %get3A_1323 : vector<16xf32>
    %max3A_1325 = arith.constant 1.000000e+00 : f32
    %max3A_1326 = vector.broadcast %max3A_1325 : f32 to vector<16xf32>
    %max3A_1327 = arith.maximumf %add3A_1324, %max3A_1326 : vector<16xf32>
    %bitcast3A_1328 = vector.bitcast %max3A_1327 : vector<16xf32> to vector<16xi32>
    %broadcast_in_dim3A_1329 = arith.constant 1597463007 : i32
    %broadcast_in_dim3A_1330 = vector.broadcast %broadcast_in_dim3A_1329 : i32 to vector<16xi32>
    %shift_right_logical3A_1331 = arith.constant 1 : i32
    %shift_right_logical3A_1332 = vector.broadcast %shift_right_logical3A_1331 : i32 to vector<16xi32>
    %shift_right_logical3A_1333 = arith.shrui %bitcast3A_1328, %shift_right_logical3A_1332 : vector<16xi32>
    %sub3A_1334 = arith.subi %broadcast_in_dim3A_1330, %shift_right_logical3A_1333 : vector<16xi32>
    %bitcast3A_1335 = vector.bitcast %sub3A_1334 : vector<16xi32> to vector<16xf32>
    %mul3A_1336 = arith.constant 5.000000e-01 : f32
    %mul3A_1337 = vector.broadcast %mul3A_1336 : f32 to vector<16xf32>
    %mul3A_1338 = arith.mulf %max3A_1327, %mul3A_1337 : vector<16xf32>
    %mul3A_1339 = arith.mulf %mul3A_1338, %bitcast3A_1335 : vector<16xf32>
    %mul3A_1340 = arith.mulf %mul3A_1339, %bitcast3A_1335 : vector<16xf32>
    %sub3A_1341 = arith.constant 1.500000e+00 : f32
    %sub3A_1342 = vector.broadcast %sub3A_1341 : f32 to vector<16xf32>
    %sub3A_1343 = arith.subf %sub3A_1342, %mul3A_1340 : vector<16xf32>
    %mul3A_1344 = arith.mulf %bitcast3A_1335, %sub3A_1343 : vector<16xf32>
    %mul3A_1345 = arith.mulf %mul3A_1338, %mul3A_1344 : vector<16xf32>
    %mul3A_1346 = arith.mulf %mul3A_1345, %mul3A_1344 : vector<16xf32>
    %sub3A_1347 = arith.constant 1.500000e+00 : f32
    %sub3A_1348 = vector.broadcast %sub3A_1347 : f32 to vector<16xf32>
    %sub3A_1349 = arith.subf %sub3A_1348, %mul3A_1346 : vector<16xf32>
    %mul3A_1350 = arith.mulf %mul3A_1344, %sub3A_1349 : vector<16xf32>
    %mul3A_1351 = arith.mulf %mul3A_1338, %mul3A_1350 : vector<16xf32>
    %mul3A_1352 = arith.mulf %mul3A_1351, %mul3A_1350 : vector<16xf32>
    %sub3A_1353 = arith.constant 1.500000e+00 : f32
    %sub3A_1354 = vector.broadcast %sub3A_1353 : f32 to vector<16xf32>
    %sub3A_1355 = arith.subf %sub3A_1354, %mul3A_1352 : vector<16xf32>
    %mul3A_1356 = arith.mulf %mul3A_1350, %sub3A_1355 : vector<16xf32>
    %gt3A_1357 = arith.constant 0.000000e+00 : f32
    %gt3A_1358 = vector.broadcast %gt3A_1357 : f32 to vector<16xf32>
    %gt3A_1359 = arith.cmpf ogt, %add3A_1324, %gt3A_1358 : vector<16xf32>
    %jit3A_1360 = arith.constant 0.000000e+00 : f32
    %broadcast_in_dim3A_1361 = vector.broadcast %jit3A_1360 : f32 to vector<16xf32>
    %select_n3A_1362 = arith.select %gt3A_1359, %mul3A_1356, %broadcast_in_dim3A_1361 : vector<16xi1>, vector<16xf32>
    %get3A_1363 = arith.constant 368 : index
    %get3A_1364 = tpu.vector_load %arg12[%get3A_1363] {strides = array<i32>} : memref<640xf32, #tpu.memory_space<vmem>>, vector<16xf32>,
    %mul3A_1365 = arith.mulf %get3A_1364, %select_n3A_1362 : vector<16xf32>
    %swap3A_1366 = arith.constant 368 : index
    %swap3A_1367 = tpu.vector_load %arg16[%swap3A_1366] {strides = array<i32>} : memref<640xf32, #tpu.memory_space<vmem>>, vector<16xf32>,
    tpu.vector_store %arg16[%swap3A_1366], %mul3A_1365 {strides = array<i32>} : memref<640xf32, #tpu.memory_space<vmem>>, vector<16xf32>,
    %get3A_1368 = arith.constant 368 : index
    %get3A_1369 = tpu.vector_load %arg13[%get3A_1368] {strides = array<i32>} : memref<640xf32, #tpu.memory_space<vmem>>, vector<16xf32>,
    %mul3A_1370 = arith.mulf %get3A_1369, %select_n3A_1362 : vector<16xf32>
    %swap3A_1371 = arith.constant 368 : index
    %swap3A_1372 = tpu.vector_load %arg17[%swap3A_1371] {strides = array<i32>} : memref<640xf32, #tpu.memory_space<vmem>>, vector<16xf32>,
    tpu.vector_store %arg17[%swap3A_1371], %mul3A_1370 {strides = array<i32>} : memref<640xf32, #tpu.memory_space<vmem>>, vector<16xf32>,
    %get3A_1373 = arith.constant 384 : index
    %get3A_1374 = tpu.vector_load %arg14[%get3A_1373] {strides = array<i32>} : memref<640xf32, #tpu.memory_space<vmem>>, vector<16xf32>,
    %get3A_1375 = arith.constant 384 : index
    %get3A_1376 = tpu.vector_load %arg15[%get3A_1375] {strides = array<i32>} : memref<640xf32, #tpu.memory_space<vmem>>, vector<16xf32>,
    %add3A_1377 = arith.addf %get3A_1374, %get3A_1376 : vector<16xf32>
    %max3A_1378 = arith.constant 1.000000e+00 : f32
    %max3A_1379 = vector.broadcast %max3A_1378 : f32 to vector<16xf32>
    %max3A_1380 = arith.maximumf %add3A_1377, %max3A_1379 : vector<16xf32>
    %bitcast3A_1381 = vector.bitcast %max3A_1380 : vector<16xf32> to vector<16xi32>
    %broadcast_in_dim3A_1382 = arith.constant 1597463007 : i32
    %broadcast_in_dim3A_1383 = vector.broadcast %broadcast_in_dim3A_1382 : i32 to vector<16xi32>
    %shift_right_logical3A_1384 = arith.constant 1 : i32
    %shift_right_logical3A_1385 = vector.broadcast %shift_right_logical3A_1384 : i32 to vector<16xi32>
    %shift_right_logical3A_1386 = arith.shrui %bitcast3A_1381, %shift_right_logical3A_1385 : vector<16xi32>
    %sub3A_1387 = arith.subi %broadcast_in_dim3A_1383, %shift_right_logical3A_1386 : vector<16xi32>
    %bitcast3A_1388 = vector.bitcast %sub3A_1387 : vector<16xi32> to vector<16xf32>
    %mul3A_1389 = arith.constant 5.000000e-01 : f32
    %mul3A_1390 = vector.broadcast %mul3A_1389 : f32 to vector<16xf32>
    %mul3A_1391 = arith.mulf %max3A_1380, %mul3A_1390 : vector<16xf32>
    %mul3A_1392 = arith.mulf %mul3A_1391, %bitcast3A_1388 : vector<16xf32>
    %mul3A_1393 = arith.mulf %mul3A_1392, %bitcast3A_1388 : vector<16xf32>
    %sub3A_1394 = arith.constant 1.500000e+00 : f32
    %sub3A_1395 = vector.broadcast %sub3A_1394 : f32 to vector<16xf32>
    %sub3A_1396 = arith.subf %sub3A_1395, %mul3A_1393 : vector<16xf32>
    %mul3A_1397 = arith.mulf %bitcast3A_1388, %sub3A_1396 : vector<16xf32>
    %mul3A_1398 = arith.mulf %mul3A_1391, %mul3A_1397 : vector<16xf32>
    %mul3A_1399 = arith.mulf %mul3A_1398, %mul3A_1397 : vector<16xf32>
    %sub3A_1400 = arith.constant 1.500000e+00 : f32
    %sub3A_1401 = vector.broadcast %sub3A_1400 : f32 to vector<16xf32>
    %sub3A_1402 = arith.subf %sub3A_1401, %mul3A_1399 : vector<16xf32>
    %mul3A_1403 = arith.mulf %mul3A_1397, %sub3A_1402 : vector<16xf32>
    %mul3A_1404 = arith.mulf %mul3A_1391, %mul3A_1403 : vector<16xf32>
    %mul3A_1405 = arith.mulf %mul3A_1404, %mul3A_1403 : vector<16xf32>
    %sub3A_1406 = arith.constant 1.500000e+00 : f32
    %sub3A_1407 = vector.broadcast %sub3A_1406 : f32 to vector<16xf32>
    %sub3A_1408 = arith.subf %sub3A_1407, %mul3A_1405 : vector<16xf32>
    %mul3A_1409 = arith.mulf %mul3A_1403, %sub3A_1408 : vector<16xf32>
    %gt3A_1410 = arith.constant 0.000000e+00 : f32
    %gt3A_1411 = vector.broadcast %gt3A_1410 : f32 to vector<16xf32>
    %gt3A_1412 = arith.cmpf ogt, %add3A_1377, %gt3A_1411 : vector<16xf32>
    %jit3A_1413 = arith.constant 0.000000e+00 : f32
    %broadcast_in_dim3A_1414 = vector.broadcast %jit3A_1413 : f32 to vector<16xf32>
    %select_n3A_1415 = arith.select %gt3A_1412, %mul3A_1409, %broadcast_in_dim3A_1414 : vector<16xi1>, vector<16xf32>
    %get3A_1416 = arith.constant 384 : index
    %get3A_1417 = tpu.vector_load %arg12[%get3A_1416] {strides = array<i32>} : memref<640xf32, #tpu.memory_space<vmem>>, vector<16xf32>,
    %mul3A_1418 = arith.mulf %get3A_1417, %select_n3A_1415 : vector<16xf32>
    %swap3A_1419 = arith.constant 384 : index
    %swap3A_1420 = tpu.vector_load %arg16[%swap3A_1419] {strides = array<i32>} : memref<640xf32, #tpu.memory_space<vmem>>, vector<16xf32>,
    tpu.vector_store %arg16[%swap3A_1419], %mul3A_1418 {strides = array<i32>} : memref<640xf32, #tpu.memory_space<vmem>>, vector<16xf32>,
    %get3A_1421 = arith.constant 384 : index
    %get3A_1422 = tpu.vector_load %arg13[%get3A_1421] {strides = array<i32>} : memref<640xf32, #tpu.memory_space<vmem>>, vector<16xf32>,
    %mul3A_1423 = arith.mulf %get3A_1422, %select_n3A_1415 : vector<16xf32>
    %swap3A_1424 = arith.constant 384 : index
    %swap3A_1425 = tpu.vector_load %arg17[%swap3A_1424] {strides = array<i32>} : memref<640xf32, #tpu.memory_space<vmem>>, vector<16xf32>,
    tpu.vector_store %arg17[%swap3A_1424], %mul3A_1423 {strides = array<i32>} : memref<640xf32, #tpu.memory_space<vmem>>, vector<16xf32>,
    %get3A_1426 = arith.constant 400 : index
    %get3A_1427 = tpu.vector_load %arg14[%get3A_1426] {strides = array<i32>} : memref<640xf32, #tpu.memory_space<vmem>>, vector<16xf32>,
    %get3A_1428 = arith.constant 400 : index
    %get3A_1429 = tpu.vector_load %arg15[%get3A_1428] {strides = array<i32>} : memref<640xf32, #tpu.memory_space<vmem>>, vector<16xf32>,
    %add3A_1430 = arith.addf %get3A_1427, %get3A_1429 : vector<16xf32>
    %max3A_1431 = arith.constant 1.000000e+00 : f32
    %max3A_1432 = vector.broadcast %max3A_1431 : f32 to vector<16xf32>
    %max3A_1433 = arith.maximumf %add3A_1430, %max3A_1432 : vector<16xf32>
    %bitcast3A_1434 = vector.bitcast %max3A_1433 : vector<16xf32> to vector<16xi32>
    %broadcast_in_dim3A_1435 = arith.constant 1597463007 : i32
    %broadcast_in_dim3A_1436 = vector.broadcast %broadcast_in_dim3A_1435 : i32 to vector<16xi32>
    %shift_right_logical3A_1437 = arith.constant 1 : i32
    %shift_right_logical3A_1438 = vector.broadcast %shift_right_logical3A_1437 : i32 to vector<16xi32>
    %shift_right_logical3A_1439 = arith.shrui %bitcast3A_1434, %shift_right_logical3A_1438 : vector<16xi32>
    %sub3A_1440 = arith.subi %broadcast_in_dim3A_1436, %shift_right_logical3A_1439 : vector<16xi32>
    %bitcast3A_1441 = vector.bitcast %sub3A_1440 : vector<16xi32> to vector<16xf32>
    %mul3A_1442 = arith.constant 5.000000e-01 : f32
    %mul3A_1443 = vector.broadcast %mul3A_1442 : f32 to vector<16xf32>
    %mul3A_1444 = arith.mulf %max3A_1433, %mul3A_1443 : vector<16xf32>
    %mul3A_1445 = arith.mulf %mul3A_1444, %bitcast3A_1441 : vector<16xf32>
    %mul3A_1446 = arith.mulf %mul3A_1445, %bitcast3A_1441 : vector<16xf32>
    %sub3A_1447 = arith.constant 1.500000e+00 : f32
    %sub3A_1448 = vector.broadcast %sub3A_1447 : f32 to vector<16xf32>
    %sub3A_1449 = arith.subf %sub3A_1448, %mul3A_1446 : vector<16xf32>
    %mul3A_1450 = arith.mulf %bitcast3A_1441, %sub3A_1449 : vector<16xf32>
    %mul3A_1451 = arith.mulf %mul3A_1444, %mul3A_1450 : vector<16xf32>
    %mul3A_1452 = arith.mulf %mul3A_1451, %mul3A_1450 : vector<16xf32>
    %sub3A_1453 = arith.constant 1.500000e+00 : f32
    %sub3A_1454 = vector.broadcast %sub3A_1453 : f32 to vector<16xf32>
    %sub3A_1455 = arith.subf %sub3A_1454, %mul3A_1452 : vector<16xf32>
    %mul3A_1456 = arith.mulf %mul3A_1450, %sub3A_1455 : vector<16xf32>
    %mul3A_1457 = arith.mulf %mul3A_1444, %mul3A_1456 : vector<16xf32>
    %mul3A_1458 = arith.mulf %mul3A_1457, %mul3A_1456 : vector<16xf32>
    %sub3A_1459 = arith.constant 1.500000e+00 : f32
    %sub3A_1460 = vector.broadcast %sub3A_1459 : f32 to vector<16xf32>
    %sub3A_1461 = arith.subf %sub3A_1460, %mul3A_1458 : vector<16xf32>
    %mul3A_1462 = arith.mulf %mul3A_1456, %sub3A_1461 : vector<16xf32>
    %gt3A_1463 = arith.constant 0.000000e+00 : f32
    %gt3A_1464 = vector.broadcast %gt3A_1463 : f32 to vector<16xf32>
    %gt3A_1465 = arith.cmpf ogt, %add3A_1430, %gt3A_1464 : vector<16xf32>
    %jit3A_1466 = arith.constant 0.000000e+00 : f32
    %broadcast_in_dim3A_1467 = vector.broadcast %jit3A_1466 : f32 to vector<16xf32>
    %select_n3A_1468 = arith.select %gt3A_1465, %mul3A_1462, %broadcast_in_dim3A_1467 : vector<16xi1>, vector<16xf32>
    %get3A_1469 = arith.constant 400 : index
    %get3A_1470 = tpu.vector_load %arg12[%get3A_1469] {strides = array<i32>} : memref<640xf32, #tpu.memory_space<vmem>>, vector<16xf32>,
    %mul3A_1471 = arith.mulf %get3A_1470, %select_n3A_1468 : vector<16xf32>
    %swap3A_1472 = arith.constant 400 : index
    %swap3A_1473 = tpu.vector_load %arg16[%swap3A_1472] {strides = array<i32>} : memref<640xf32, #tpu.memory_space<vmem>>, vector<16xf32>,
    tpu.vector_store %arg16[%swap3A_1472], %mul3A_1471 {strides = array<i32>} : memref<640xf32, #tpu.memory_space<vmem>>, vector<16xf32>,
    %get3A_1474 = arith.constant 400 : index
    %get3A_1475 = tpu.vector_load %arg13[%get3A_1474] {strides = array<i32>} : memref<640xf32, #tpu.memory_space<vmem>>, vector<16xf32>,
    %mul3A_1476 = arith.mulf %get3A_1475, %select_n3A_1468 : vector<16xf32>
    %swap3A_1477 = arith.constant 400 : index
    %swap3A_1478 = tpu.vector_load %arg17[%swap3A_1477] {strides = array<i32>} : memref<640xf32, #tpu.memory_space<vmem>>, vector<16xf32>,
    tpu.vector_store %arg17[%swap3A_1477], %mul3A_1476 {strides = array<i32>} : memref<640xf32, #tpu.memory_space<vmem>>, vector<16xf32>,
    %get3A_1479 = arith.constant 416 : index
    %get3A_1480 = tpu.vector_load %arg14[%get3A_1479] {strides = array<i32>} : memref<640xf32, #tpu.memory_space<vmem>>, vector<16xf32>,
    %get3A_1481 = arith.constant 416 : index
    %get3A_1482 = tpu.vector_load %arg15[%get3A_1481] {strides = array<i32>} : memref<640xf32, #tpu.memory_space<vmem>>, vector<16xf32>,
    %add3A_1483 = arith.addf %get3A_1480, %get3A_1482 : vector<16xf32>
    %max3A_1484 = arith.constant 1.000000e+00 : f32
    %max3A_1485 = vector.broadcast %max3A_1484 : f32 to vector<16xf32>
    %max3A_1486 = arith.maximumf %add3A_1483, %max3A_1485 : vector<16xf32>
    %bitcast3A_1487 = vector.bitcast %max3A_1486 : vector<16xf32> to vector<16xi32>
    %broadcast_in_dim3A_1488 = arith.constant 1597463007 : i32
    %broadcast_in_dim3A_1489 = vector.broadcast %broadcast_in_dim3A_1488 : i32 to vector<16xi32>
    %shift_right_logical3A_1490 = arith.constant 1 : i32
    %shift_right_logical3A_1491 = vector.broadcast %shift_right_logical3A_1490 : i32 to vector<16xi32>
    %shift_right_logical3A_1492 = arith.shrui %bitcast3A_1487, %shift_right_logical3A_1491 : vector<16xi32>
    %sub3A_1493 = arith.subi %broadcast_in_dim3A_1489, %shift_right_logical3A_1492 : vector<16xi32>
    %bitcast3A_1494 = vector.bitcast %sub3A_1493 : vector<16xi32> to vector<16xf32>
    %mul3A_1495 = arith.constant 5.000000e-01 : f32
    %mul3A_1496 = vector.broadcast %mul3A_1495 : f32 to vector<16xf32>
    %mul3A_1497 = arith.mulf %max3A_1486, %mul3A_1496 : vector<16xf32>
    %mul3A_1498 = arith.mulf %mul3A_1497, %bitcast3A_1494 : vector<16xf32>
    %mul3A_1499 = arith.mulf %mul3A_1498, %bitcast3A_1494 : vector<16xf32>
    %sub3A_1500 = arith.constant 1.500000e+00 : f32
    %sub3A_1501 = vector.broadcast %sub3A_1500 : f32 to vector<16xf32>
    %sub3A_1502 = arith.subf %sub3A_1501, %mul3A_1499 : vector<16xf32>
    %mul3A_1503 = arith.mulf %bitcast3A_1494, %sub3A_1502 : vector<16xf32>
    %mul3A_1504 = arith.mulf %mul3A_1497, %mul3A_1503 : vector<16xf32>
    %mul3A_1505 = arith.mulf %mul3A_1504, %mul3A_1503 : vector<16xf32>
    %sub3A_1506 = arith.constant 1.500000e+00 : f32
    %sub3A_1507 = vector.broadcast %sub3A_1506 : f32 to vector<16xf32>
    %sub3A_1508 = arith.subf %sub3A_1507, %mul3A_1505 : vector<16xf32>
    %mul3A_1509 = arith.mulf %mul3A_1503, %sub3A_1508 : vector<16xf32>
    %mul3A_1510 = arith.mulf %mul3A_1497, %mul3A_1509 : vector<16xf32>
    %mul3A_1511 = arith.mulf %mul3A_1510, %mul3A_1509 : vector<16xf32>
    %sub3A_1512 = arith.constant 1.500000e+00 : f32
    %sub3A_1513 = vector.broadcast %sub3A_1512 : f32 to vector<16xf32>
    %sub3A_1514 = arith.subf %sub3A_1513, %mul3A_1511 : vector<16xf32>
    %mul3A_1515 = arith.mulf %mul3A_1509, %sub3A_1514 : vector<16xf32>
    %gt3A_1516 = arith.constant 0.000000e+00 : f32
    %gt3A_1517 = vector.broadcast %gt3A_1516 : f32 to vector<16xf32>
    %gt3A_1518 = arith.cmpf ogt, %add3A_1483, %gt3A_1517 : vector<16xf32>
    %jit3A_1519 = arith.constant 0.000000e+00 : f32
    %broadcast_in_dim3A_1520 = vector.broadcast %jit3A_1519 : f32 to vector<16xf32>
    %select_n3A_1521 = arith.select %gt3A_1518, %mul3A_1515, %broadcast_in_dim3A_1520 : vector<16xi1>, vector<16xf32>
    %get3A_1522 = arith.constant 416 : index
    %get3A_1523 = tpu.vector_load %arg12[%get3A_1522] {strides = array<i32>} : memref<640xf32, #tpu.memory_space<vmem>>, vector<16xf32>,
    %mul3A_1524 = arith.mulf %get3A_1523, %select_n3A_1521 : vector<16xf32>
    %swap3A_1525 = arith.constant 416 : index
    %swap3A_1526 = tpu.vector_load %arg16[%swap3A_1525] {strides = array<i32>} : memref<640xf32, #tpu.memory_space<vmem>>, vector<16xf32>,
    tpu.vector_store %arg16[%swap3A_1525], %mul3A_1524 {strides = array<i32>} : memref<640xf32, #tpu.memory_space<vmem>>, vector<16xf32>,
    %get3A_1527 = arith.constant 416 : index
    %get3A_1528 = tpu.vector_load %arg13[%get3A_1527] {strides = array<i32>} : memref<640xf32, #tpu.memory_space<vmem>>, vector<16xf32>,
    %mul3A_1529 = arith.mulf %get3A_1528, %select_n3A_1521 : vector<16xf32>
    %swap3A_1530 = arith.constant 416 : index
    %swap3A_1531 = tpu.vector_load %arg17[%swap3A_1530] {strides = array<i32>} : memref<640xf32, #tpu.memory_space<vmem>>, vector<16xf32>,
    tpu.vector_store %arg17[%swap3A_1530], %mul3A_1529 {strides = array<i32>} : memref<640xf32, #tpu.memory_space<vmem>>, vector<16xf32>,
    %get3A_1532 = arith.constant 432 : index
    %get3A_1533 = tpu.vector_load %arg14[%get3A_1532] {strides = array<i32>} : memref<640xf32, #tpu.memory_space<vmem>>, vector<16xf32>,
    %get3A_1534 = arith.constant 432 : index
    %get3A_1535 = tpu.vector_load %arg15[%get3A_1534] {strides = array<i32>} : memref<640xf32, #tpu.memory_space<vmem>>, vector<16xf32>,
    %add3A_1536 = arith.addf %get3A_1533, %get3A_1535 : vector<16xf32>
    %max3A_1537 = arith.constant 1.000000e+00 : f32
    %max3A_1538 = vector.broadcast %max3A_1537 : f32 to vector<16xf32>
    %max3A_1539 = arith.maximumf %add3A_1536, %max3A_1538 : vector<16xf32>
    %bitcast3A_1540 = vector.bitcast %max3A_1539 : vector<16xf32> to vector<16xi32>
    %broadcast_in_dim3A_1541 = arith.constant 1597463007 : i32
    %broadcast_in_dim3A_1542 = vector.broadcast %broadcast_in_dim3A_1541 : i32 to vector<16xi32>
    %shift_right_logical3A_1543 = arith.constant 1 : i32
    %shift_right_logical3A_1544 = vector.broadcast %shift_right_logical3A_1543 : i32 to vector<16xi32>
    %shift_right_logical3A_1545 = arith.shrui %bitcast3A_1540, %shift_right_logical3A_1544 : vector<16xi32>
    %sub3A_1546 = arith.subi %broadcast_in_dim3A_1542, %shift_right_logical3A_1545 : vector<16xi32>
    %bitcast3A_1547 = vector.bitcast %sub3A_1546 : vector<16xi32> to vector<16xf32>
    %mul3A_1548 = arith.constant 5.000000e-01 : f32
    %mul3A_1549 = vector.broadcast %mul3A_1548 : f32 to vector<16xf32>
    %mul3A_1550 = arith.mulf %max3A_1539, %mul3A_1549 : vector<16xf32>
    %mul3A_1551 = arith.mulf %mul3A_1550, %bitcast3A_1547 : vector<16xf32>
    %mul3A_1552 = arith.mulf %mul3A_1551, %bitcast3A_1547 : vector<16xf32>
    %sub3A_1553 = arith.constant 1.500000e+00 : f32
    %sub3A_1554 = vector.broadcast %sub3A_1553 : f32 to vector<16xf32>
    %sub3A_1555 = arith.subf %sub3A_1554, %mul3A_1552 : vector<16xf32>
    %mul3A_1556 = arith.mulf %bitcast3A_1547, %sub3A_1555 : vector<16xf32>
    %mul3A_1557 = arith.mulf %mul3A_1550, %mul3A_1556 : vector<16xf32>
    %mul3A_1558 = arith.mulf %mul3A_1557, %mul3A_1556 : vector<16xf32>
    %sub3A_1559 = arith.constant 1.500000e+00 : f32
    %sub3A_1560 = vector.broadcast %sub3A_1559 : f32 to vector<16xf32>
    %sub3A_1561 = arith.subf %sub3A_1560, %mul3A_1558 : vector<16xf32>
    %mul3A_1562 = arith.mulf %mul3A_1556, %sub3A_1561 : vector<16xf32>
    %mul3A_1563 = arith.mulf %mul3A_1550, %mul3A_1562 : vector<16xf32>
    %mul3A_1564 = arith.mulf %mul3A_1563, %mul3A_1562 : vector<16xf32>
    %sub3A_1565 = arith.constant 1.500000e+00 : f32
    %sub3A_1566 = vector.broadcast %sub3A_1565 : f32 to vector<16xf32>
    %sub3A_1567 = arith.subf %sub3A_1566, %mul3A_1564 : vector<16xf32>
    %mul3A_1568 = arith.mulf %mul3A_1562, %sub3A_1567 : vector<16xf32>
    %gt3A_1569 = arith.constant 0.000000e+00 : f32
    %gt3A_1570 = vector.broadcast %gt3A_1569 : f32 to vector<16xf32>
    %gt3A_1571 = arith.cmpf ogt, %add3A_1536, %gt3A_1570 : vector<16xf32>
    %jit3A_1572 = arith.constant 0.000000e+00 : f32
    %broadcast_in_dim3A_1573 = vector.broadcast %jit3A_1572 : f32 to vector<16xf32>
    %select_n3A_1574 = arith.select %gt3A_1571, %mul3A_1568, %broadcast_in_dim3A_1573 : vector<16xi1>, vector<16xf32>
    %get3A_1575 = arith.constant 432 : index
    %get3A_1576 = tpu.vector_load %arg12[%get3A_1575] {strides = array<i32>} : memref<640xf32, #tpu.memory_space<vmem>>, vector<16xf32>,
    %mul3A_1577 = arith.mulf %get3A_1576, %select_n3A_1574 : vector<16xf32>
    %swap3A_1578 = arith.constant 432 : index
    %swap3A_1579 = tpu.vector_load %arg16[%swap3A_1578] {strides = array<i32>} : memref<640xf32, #tpu.memory_space<vmem>>, vector<16xf32>,
    tpu.vector_store %arg16[%swap3A_1578], %mul3A_1577 {strides = array<i32>} : memref<640xf32, #tpu.memory_space<vmem>>, vector<16xf32>,
    %get3A_1580 = arith.constant 432 : index
    %get3A_1581 = tpu.vector_load %arg13[%get3A_1580] {strides = array<i32>} : memref<640xf32, #tpu.memory_space<vmem>>, vector<16xf32>,
    %mul3A_1582 = arith.mulf %get3A_1581, %select_n3A_1574 : vector<16xf32>
    %swap3A_1583 = arith.constant 432 : index
    %swap3A_1584 = tpu.vector_load %arg17[%swap3A_1583] {strides = array<i32>} : memref<640xf32, #tpu.memory_space<vmem>>, vector<16xf32>,
    tpu.vector_store %arg17[%swap3A_1583], %mul3A_1582 {strides = array<i32>} : memref<640xf32, #tpu.memory_space<vmem>>, vector<16xf32>,
    %get3A_1585 = arith.constant 448 : index
    %get3A_1586 = tpu.vector_load %arg14[%get3A_1585] {strides = array<i32>} : memref<640xf32, #tpu.memory_space<vmem>>, vector<16xf32>,
    %get3A_1587 = arith.constant 448 : index
    %get3A_1588 = tpu.vector_load %arg15[%get3A_1587] {strides = array<i32>} : memref<640xf32, #tpu.memory_space<vmem>>, vector<16xf32>,
    %add3A_1589 = arith.addf %get3A_1586, %get3A_1588 : vector<16xf32>
    %max3A_1590 = arith.constant 1.000000e+00 : f32
    %max3A_1591 = vector.broadcast %max3A_1590 : f32 to vector<16xf32>
    %max3A_1592 = arith.maximumf %add3A_1589, %max3A_1591 : vector<16xf32>
    %bitcast3A_1593 = vector.bitcast %max3A_1592 : vector<16xf32> to vector<16xi32>
    %broadcast_in_dim3A_1594 = arith.constant 1597463007 : i32
    %broadcast_in_dim3A_1595 = vector.broadcast %broadcast_in_dim3A_1594 : i32 to vector<16xi32>
    %shift_right_logical3A_1596 = arith.constant 1 : i32
    %shift_right_logical3A_1597 = vector.broadcast %shift_right_logical3A_1596 : i32 to vector<16xi32>
    %shift_right_logical3A_1598 = arith.shrui %bitcast3A_1593, %shift_right_logical3A_1597 : vector<16xi32>
    %sub3A_1599 = arith.subi %broadcast_in_dim3A_1595, %shift_right_logical3A_1598 : vector<16xi32>
    %bitcast3A_1600 = vector.bitcast %sub3A_1599 : vector<16xi32> to vector<16xf32>
    %mul3A_1601 = arith.constant 5.000000e-01 : f32
    %mul3A_1602 = vector.broadcast %mul3A_1601 : f32 to vector<16xf32>
    %mul3A_1603 = arith.mulf %max3A_1592, %mul3A_1602 : vector<16xf32>
    %mul3A_1604 = arith.mulf %mul3A_1603, %bitcast3A_1600 : vector<16xf32>
    %mul3A_1605 = arith.mulf %mul3A_1604, %bitcast3A_1600 : vector<16xf32>
    %sub3A_1606 = arith.constant 1.500000e+00 : f32
    %sub3A_1607 = vector.broadcast %sub3A_1606 : f32 to vector<16xf32>
    %sub3A_1608 = arith.subf %sub3A_1607, %mul3A_1605 : vector<16xf32>
    %mul3A_1609 = arith.mulf %bitcast3A_1600, %sub3A_1608 : vector<16xf32>
    %mul3A_1610 = arith.mulf %mul3A_1603, %mul3A_1609 : vector<16xf32>
    %mul3A_1611 = arith.mulf %mul3A_1610, %mul3A_1609 : vector<16xf32>
    %sub3A_1612 = arith.constant 1.500000e+00 : f32
    %sub3A_1613 = vector.broadcast %sub3A_1612 : f32 to vector<16xf32>
    %sub3A_1614 = arith.subf %sub3A_1613, %mul3A_1611 : vector<16xf32>
    %mul3A_1615 = arith.mulf %mul3A_1609, %sub3A_1614 : vector<16xf32>
    %mul3A_1616 = arith.mulf %mul3A_1603, %mul3A_1615 : vector<16xf32>
    %mul3A_1617 = arith.mulf %mul3A_1616, %mul3A_1615 : vector<16xf32>
    %sub3A_1618 = arith.constant 1.500000e+00 : f32
    %sub3A_1619 = vector.broadcast %sub3A_1618 : f32 to vector<16xf32>
    %sub3A_1620 = arith.subf %sub3A_1619, %mul3A_1617 : vector<16xf32>
    %mul3A_1621 = arith.mulf %mul3A_1615, %sub3A_1620 : vector<16xf32>
    %gt3A_1622 = arith.constant 0.000000e+00 : f32
    %gt3A_1623 = vector.broadcast %gt3A_1622 : f32 to vector<16xf32>
    %gt3A_1624 = arith.cmpf ogt, %add3A_1589, %gt3A_1623 : vector<16xf32>
    %jit3A_1625 = arith.constant 0.000000e+00 : f32
    %broadcast_in_dim3A_1626 = vector.broadcast %jit3A_1625 : f32 to vector<16xf32>
    %select_n3A_1627 = arith.select %gt3A_1624, %mul3A_1621, %broadcast_in_dim3A_1626 : vector<16xi1>, vector<16xf32>
    %get3A_1628 = arith.constant 448 : index
    %get3A_1629 = tpu.vector_load %arg12[%get3A_1628] {strides = array<i32>} : memref<640xf32, #tpu.memory_space<vmem>>, vector<16xf32>,
    %mul3A_1630 = arith.mulf %get3A_1629, %select_n3A_1627 : vector<16xf32>
    %swap3A_1631 = arith.constant 448 : index
    %swap3A_1632 = tpu.vector_load %arg16[%swap3A_1631] {strides = array<i32>} : memref<640xf32, #tpu.memory_space<vmem>>, vector<16xf32>,
    tpu.vector_store %arg16[%swap3A_1631], %mul3A_1630 {strides = array<i32>} : memref<640xf32, #tpu.memory_space<vmem>>, vector<16xf32>,
    %get3A_1633 = arith.constant 448 : index
    %get3A_1634 = tpu.vector_load %arg13[%get3A_1633] {strides = array<i32>} : memref<640xf32, #tpu.memory_space<vmem>>, vector<16xf32>,
    %mul3A_1635 = arith.mulf %get3A_1634, %select_n3A_1627 : vector<16xf32>
    %swap3A_1636 = arith.constant 448 : index
    %swap3A_1637 = tpu.vector_load %arg17[%swap3A_1636] {strides = array<i32>} : memref<640xf32, #tpu.memory_space<vmem>>, vector<16xf32>,
    tpu.vector_store %arg17[%swap3A_1636], %mul3A_1635 {strides = array<i32>} : memref<640xf32, #tpu.memory_space<vmem>>, vector<16xf32>,
    %get3A_1638 = arith.constant 464 : index
    %get3A_1639 = tpu.vector_load %arg14[%get3A_1638] {strides = array<i32>} : memref<640xf32, #tpu.memory_space<vmem>>, vector<16xf32>,
    %get3A_1640 = arith.constant 464 : index
    %get3A_1641 = tpu.vector_load %arg15[%get3A_1640] {strides = array<i32>} : memref<640xf32, #tpu.memory_space<vmem>>, vector<16xf32>,
    %add3A_1642 = arith.addf %get3A_1639, %get3A_1641 : vector<16xf32>
    %max3A_1643 = arith.constant 1.000000e+00 : f32
    %max3A_1644 = vector.broadcast %max3A_1643 : f32 to vector<16xf32>
    %max3A_1645 = arith.maximumf %add3A_1642, %max3A_1644 : vector<16xf32>
    %bitcast3A_1646 = vector.bitcast %max3A_1645 : vector<16xf32> to vector<16xi32>
    %broadcast_in_dim3A_1647 = arith.constant 1597463007 : i32
    %broadcast_in_dim3A_1648 = vector.broadcast %broadcast_in_dim3A_1647 : i32 to vector<16xi32>
    %shift_right_logical3A_1649 = arith.constant 1 : i32
    %shift_right_logical3A_1650 = vector.broadcast %shift_right_logical3A_1649 : i32 to vector<16xi32>
    %shift_right_logical3A_1651 = arith.shrui %bitcast3A_1646, %shift_right_logical3A_1650 : vector<16xi32>
    %sub3A_1652 = arith.subi %broadcast_in_dim3A_1648, %shift_right_logical3A_1651 : vector<16xi32>
    %bitcast3A_1653 = vector.bitcast %sub3A_1652 : vector<16xi32> to vector<16xf32>
    %mul3A_1654 = arith.constant 5.000000e-01 : f32
    %mul3A_1655 = vector.broadcast %mul3A_1654 : f32 to vector<16xf32>
    %mul3A_1656 = arith.mulf %max3A_1645, %mul3A_1655 : vector<16xf32>
    %mul3A_1657 = arith.mulf %mul3A_1656, %bitcast3A_1653 : vector<16xf32>
    %mul3A_1658 = arith.mulf %mul3A_1657, %bitcast3A_1653 : vector<16xf32>
    %sub3A_1659 = arith.constant 1.500000e+00 : f32
    %sub3A_1660 = vector.broadcast %sub3A_1659 : f32 to vector<16xf32>
    %sub3A_1661 = arith.subf %sub3A_1660, %mul3A_1658 : vector<16xf32>
    %mul3A_1662 = arith.mulf %bitcast3A_1653, %sub3A_1661 : vector<16xf32>
    %mul3A_1663 = arith.mulf %mul3A_1656, %mul3A_1662 : vector<16xf32>
    %mul3A_1664 = arith.mulf %mul3A_1663, %mul3A_1662 : vector<16xf32>
    %sub3A_1665 = arith.constant 1.500000e+00 : f32
    %sub3A_1666 = vector.broadcast %sub3A_1665 : f32 to vector<16xf32>
    %sub3A_1667 = arith.subf %sub3A_1666, %mul3A_1664 : vector<16xf32>
    %mul3A_1668 = arith.mulf %mul3A_1662, %sub3A_1667 : vector<16xf32>
    %mul3A_1669 = arith.mulf %mul3A_1656, %mul3A_1668 : vector<16xf32>
    %mul3A_1670 = arith.mulf %mul3A_1669, %mul3A_1668 : vector<16xf32>
    %sub3A_1671 = arith.constant 1.500000e+00 : f32
    %sub3A_1672 = vector.broadcast %sub3A_1671 : f32 to vector<16xf32>
    %sub3A_1673 = arith.subf %sub3A_1672, %mul3A_1670 : vector<16xf32>
    %mul3A_1674 = arith.mulf %mul3A_1668, %sub3A_1673 : vector<16xf32>
    %gt3A_1675 = arith.constant 0.000000e+00 : f32
    %gt3A_1676 = vector.broadcast %gt3A_1675 : f32 to vector<16xf32>
    %gt3A_1677 = arith.cmpf ogt, %add3A_1642, %gt3A_1676 : vector<16xf32>
    %jit3A_1678 = arith.constant 0.000000e+00 : f32
    %broadcast_in_dim3A_1679 = vector.broadcast %jit3A_1678 : f32 to vector<16xf32>
    %select_n3A_1680 = arith.select %gt3A_1677, %mul3A_1674, %broadcast_in_dim3A_1679 : vector<16xi1>, vector<16xf32>
    %get3A_1681 = arith.constant 464 : index
    %get3A_1682 = tpu.vector_load %arg12[%get3A_1681] {strides = array<i32>} : memref<640xf32, #tpu.memory_space<vmem>>, vector<16xf32>,
    %mul3A_1683 = arith.mulf %get3A_1682, %select_n3A_1680 : vector<16xf32>
    %swap3A_1684 = arith.constant 464 : index
    %swap3A_1685 = tpu.vector_load %arg16[%swap3A_1684] {strides = array<i32>} : memref<640xf32, #tpu.memory_space<vmem>>, vector<16xf32>,
    tpu.vector_store %arg16[%swap3A_1684], %mul3A_1683 {strides = array<i32>} : memref<640xf32, #tpu.memory_space<vmem>>, vector<16xf32>,
    %get3A_1686 = arith.constant 464 : index
    %get3A_1687 = tpu.vector_load %arg13[%get3A_1686] {strides = array<i32>} : memref<640xf32, #tpu.memory_space<vmem>>, vector<16xf32>,
    %mul3A_1688 = arith.mulf %get3A_1687, %select_n3A_1680 : vector<16xf32>
    %swap3A_1689 = arith.constant 464 : index
    %swap3A_1690 = tpu.vector_load %arg17[%swap3A_1689] {strides = array<i32>} : memref<640xf32, #tpu.memory_space<vmem>>, vector<16xf32>,
    tpu.vector_store %arg17[%swap3A_1689], %mul3A_1688 {strides = array<i32>} : memref<640xf32, #tpu.memory_space<vmem>>, vector<16xf32>,
    %get3A_1691 = arith.constant 480 : index
    %get3A_1692 = tpu.vector_load %arg14[%get3A_1691] {strides = array<i32>} : memref<640xf32, #tpu.memory_space<vmem>>, vector<16xf32>,
    %get3A_1693 = arith.constant 480 : index
    %get3A_1694 = tpu.vector_load %arg15[%get3A_1693] {strides = array<i32>} : memref<640xf32, #tpu.memory_space<vmem>>, vector<16xf32>,
    %add3A_1695 = arith.addf %get3A_1692, %get3A_1694 : vector<16xf32>
    %max3A_1696 = arith.constant 1.000000e+00 : f32
    %max3A_1697 = vector.broadcast %max3A_1696 : f32 to vector<16xf32>
    %max3A_1698 = arith.maximumf %add3A_1695, %max3A_1697 : vector<16xf32>
    %bitcast3A_1699 = vector.bitcast %max3A_1698 : vector<16xf32> to vector<16xi32>
    %broadcast_in_dim3A_1700 = arith.constant 1597463007 : i32
    %broadcast_in_dim3A_1701 = vector.broadcast %broadcast_in_dim3A_1700 : i32 to vector<16xi32>
    %shift_right_logical3A_1702 = arith.constant 1 : i32
    %shift_right_logical3A_1703 = vector.broadcast %shift_right_logical3A_1702 : i32 to vector<16xi32>
    %shift_right_logical3A_1704 = arith.shrui %bitcast3A_1699, %shift_right_logical3A_1703 : vector<16xi32>
    %sub3A_1705 = arith.subi %broadcast_in_dim3A_1701, %shift_right_logical3A_1704 : vector<16xi32>
    %bitcast3A_1706 = vector.bitcast %sub3A_1705 : vector<16xi32> to vector<16xf32>
    %mul3A_1707 = arith.constant 5.000000e-01 : f32
    %mul3A_1708 = vector.broadcast %mul3A_1707 : f32 to vector<16xf32>
    %mul3A_1709 = arith.mulf %max3A_1698, %mul3A_1708 : vector<16xf32>
    %mul3A_1710 = arith.mulf %mul3A_1709, %bitcast3A_1706 : vector<16xf32>
    %mul3A_1711 = arith.mulf %mul3A_1710, %bitcast3A_1706 : vector<16xf32>
    %sub3A_1712 = arith.constant 1.500000e+00 : f32
    %sub3A_1713 = vector.broadcast %sub3A_1712 : f32 to vector<16xf32>
    %sub3A_1714 = arith.subf %sub3A_1713, %mul3A_1711 : vector<16xf32>
    %mul3A_1715 = arith.mulf %bitcast3A_1706, %sub3A_1714 : vector<16xf32>
    %mul3A_1716 = arith.mulf %mul3A_1709, %mul3A_1715 : vector<16xf32>
    %mul3A_1717 = arith.mulf %mul3A_1716, %mul3A_1715 : vector<16xf32>
    %sub3A_1718 = arith.constant 1.500000e+00 : f32
    %sub3A_1719 = vector.broadcast %sub3A_1718 : f32 to vector<16xf32>
    %sub3A_1720 = arith.subf %sub3A_1719, %mul3A_1717 : vector<16xf32>
    %mul3A_1721 = arith.mulf %mul3A_1715, %sub3A_1720 : vector<16xf32>
    %mul3A_1722 = arith.mulf %mul3A_1709, %mul3A_1721 : vector<16xf32>
    %mul3A_1723 = arith.mulf %mul3A_1722, %mul3A_1721 : vector<16xf32>
    %sub3A_1724 = arith.constant 1.500000e+00 : f32
    %sub3A_1725 = vector.broadcast %sub3A_1724 : f32 to vector<16xf32>
    %sub3A_1726 = arith.subf %sub3A_1725, %mul3A_1723 : vector<16xf32>
    %mul3A_1727 = arith.mulf %mul3A_1721, %sub3A_1726 : vector<16xf32>
    %gt3A_1728 = arith.constant 0.000000e+00 : f32
    %gt3A_1729 = vector.broadcast %gt3A_1728 : f32 to vector<16xf32>
    %gt3A_1730 = arith.cmpf ogt, %add3A_1695, %gt3A_1729 : vector<16xf32>
    %jit3A_1731 = arith.constant 0.000000e+00 : f32
    %broadcast_in_dim3A_1732 = vector.broadcast %jit3A_1731 : f32 to vector<16xf32>
    %select_n3A_1733 = arith.select %gt3A_1730, %mul3A_1727, %broadcast_in_dim3A_1732 : vector<16xi1>, vector<16xf32>
    %get3A_1734 = arith.constant 480 : index
    %get3A_1735 = tpu.vector_load %arg12[%get3A_1734] {strides = array<i32>} : memref<640xf32, #tpu.memory_space<vmem>>, vector<16xf32>,
    %mul3A_1736 = arith.mulf %get3A_1735, %select_n3A_1733 : vector<16xf32>
    %swap3A_1737 = arith.constant 480 : index
    %swap3A_1738 = tpu.vector_load %arg16[%swap3A_1737] {strides = array<i32>} : memref<640xf32, #tpu.memory_space<vmem>>, vector<16xf32>,
    tpu.vector_store %arg16[%swap3A_1737], %mul3A_1736 {strides = array<i32>} : memref<640xf32, #tpu.memory_space<vmem>>, vector<16xf32>,
    %get3A_1739 = arith.constant 480 : index
    %get3A_1740 = tpu.vector_load %arg13[%get3A_1739] {strides = array<i32>} : memref<640xf32, #tpu.memory_space<vmem>>, vector<16xf32>,
    %mul3A_1741 = arith.mulf %get3A_1740, %select_n3A_1733 : vector<16xf32>
    %swap3A_1742 = arith.constant 480 : index
    %swap3A_1743 = tpu.vector_load %arg17[%swap3A_1742] {strides = array<i32>} : memref<640xf32, #tpu.memory_space<vmem>>, vector<16xf32>,
    tpu.vector_store %arg17[%swap3A_1742], %mul3A_1741 {strides = array<i32>} : memref<640xf32, #tpu.memory_space<vmem>>, vector<16xf32>,
    %get3A_1744 = arith.constant 496 : index
    %get3A_1745 = tpu.vector_load %arg14[%get3A_1744] {strides = array<i32>} : memref<640xf32, #tpu.memory_space<vmem>>, vector<16xf32>,
    %get3A_1746 = arith.constant 496 : index
    %get3A_1747 = tpu.vector_load %arg15[%get3A_1746] {strides = array<i32>} : memref<640xf32, #tpu.memory_space<vmem>>, vector<16xf32>,
    %add3A_1748 = arith.addf %get3A_1745, %get3A_1747 : vector<16xf32>
    %max3A_1749 = arith.constant 1.000000e+00 : f32
    %max3A_1750 = vector.broadcast %max3A_1749 : f32 to vector<16xf32>
    %max3A_1751 = arith.maximumf %add3A_1748, %max3A_1750 : vector<16xf32>
    %bitcast3A_1752 = vector.bitcast %max3A_1751 : vector<16xf32> to vector<16xi32>
    %broadcast_in_dim3A_1753 = arith.constant 1597463007 : i32
    %broadcast_in_dim3A_1754 = vector.broadcast %broadcast_in_dim3A_1753 : i32 to vector<16xi32>
    %shift_right_logical3A_1755 = arith.constant 1 : i32
    %shift_right_logical3A_1756 = vector.broadcast %shift_right_logical3A_1755 : i32 to vector<16xi32>
    %shift_right_logical3A_1757 = arith.shrui %bitcast3A_1752, %shift_right_logical3A_1756 : vector<16xi32>
    %sub3A_1758 = arith.subi %broadcast_in_dim3A_1754, %shift_right_logical3A_1757 : vector<16xi32>
    %bitcast3A_1759 = vector.bitcast %sub3A_1758 : vector<16xi32> to vector<16xf32>
    %mul3A_1760 = arith.constant 5.000000e-01 : f32
    %mul3A_1761 = vector.broadcast %mul3A_1760 : f32 to vector<16xf32>
    %mul3A_1762 = arith.mulf %max3A_1751, %mul3A_1761 : vector<16xf32>
    %mul3A_1763 = arith.mulf %mul3A_1762, %bitcast3A_1759 : vector<16xf32>
    %mul3A_1764 = arith.mulf %mul3A_1763, %bitcast3A_1759 : vector<16xf32>
    %sub3A_1765 = arith.constant 1.500000e+00 : f32
    %sub3A_1766 = vector.broadcast %sub3A_1765 : f32 to vector<16xf32>
    %sub3A_1767 = arith.subf %sub3A_1766, %mul3A_1764 : vector<16xf32>
    %mul3A_1768 = arith.mulf %bitcast3A_1759, %sub3A_1767 : vector<16xf32>
    %mul3A_1769 = arith.mulf %mul3A_1762, %mul3A_1768 : vector<16xf32>
    %mul3A_1770 = arith.mulf %mul3A_1769, %mul3A_1768 : vector<16xf32>
    %sub3A_1771 = arith.constant 1.500000e+00 : f32
    %sub3A_1772 = vector.broadcast %sub3A_1771 : f32 to vector<16xf32>
    %sub3A_1773 = arith.subf %sub3A_1772, %mul3A_1770 : vector<16xf32>
    %mul3A_1774 = arith.mulf %mul3A_1768, %sub3A_1773 : vector<16xf32>
    %mul3A_1775 = arith.mulf %mul3A_1762, %mul3A_1774 : vector<16xf32>
    %mul3A_1776 = arith.mulf %mul3A_1775, %mul3A_1774 : vector<16xf32>
    %sub3A_1777 = arith.constant 1.500000e+00 : f32
    %sub3A_1778 = vector.broadcast %sub3A_1777 : f32 to vector<16xf32>
    %sub3A_1779 = arith.subf %sub3A_1778, %mul3A_1776 : vector<16xf32>
    %mul3A_1780 = arith.mulf %mul3A_1774, %sub3A_1779 : vector<16xf32>
    %gt3A_1781 = arith.constant 0.000000e+00 : f32
    %gt3A_1782 = vector.broadcast %gt3A_1781 : f32 to vector<16xf32>
    %gt3A_1783 = arith.cmpf ogt, %add3A_1748, %gt3A_1782 : vector<16xf32>
    %jit3A_1784 = arith.constant 0.000000e+00 : f32
    %broadcast_in_dim3A_1785 = vector.broadcast %jit3A_1784 : f32 to vector<16xf32>
    %select_n3A_1786 = arith.select %gt3A_1783, %mul3A_1780, %broadcast_in_dim3A_1785 : vector<16xi1>, vector<16xf32>
    %get3A_1787 = arith.constant 496 : index
    %get3A_1788 = tpu.vector_load %arg12[%get3A_1787] {strides = array<i32>} : memref<640xf32, #tpu.memory_space<vmem>>, vector<16xf32>,
    %mul3A_1789 = arith.mulf %get3A_1788, %select_n3A_1786 : vector<16xf32>
    %swap3A_1790 = arith.constant 496 : index
    %swap3A_1791 = tpu.vector_load %arg16[%swap3A_1790] {strides = array<i32>} : memref<640xf32, #tpu.memory_space<vmem>>, vector<16xf32>,
    tpu.vector_store %arg16[%swap3A_1790], %mul3A_1789 {strides = array<i32>} : memref<640xf32, #tpu.memory_space<vmem>>, vector<16xf32>,
    %get3A_1792 = arith.constant 496 : index
    %get3A_1793 = tpu.vector_load %arg13[%get3A_1792] {strides = array<i32>} : memref<640xf32, #tpu.memory_space<vmem>>, vector<16xf32>,
    %mul3A_1794 = arith.mulf %get3A_1793, %select_n3A_1786 : vector<16xf32>
    %swap3A_1795 = arith.constant 496 : index
    %swap3A_1796 = tpu.vector_load %arg17[%swap3A_1795] {strides = array<i32>} : memref<640xf32, #tpu.memory_space<vmem>>, vector<16xf32>,
    tpu.vector_store %arg17[%swap3A_1795], %mul3A_1794 {strides = array<i32>} : memref<640xf32, #tpu.memory_space<vmem>>, vector<16xf32>,
    %get3A_1797 = arith.constant 512 : index
    %get3A_1798 = tpu.vector_load %arg14[%get3A_1797] {strides = array<i32>} : memref<640xf32, #tpu.memory_space<vmem>>, vector<16xf32>,
    %get3A_1799 = arith.constant 512 : index
    %get3A_1800 = tpu.vector_load %arg15[%get3A_1799] {strides = array<i32>} : memref<640xf32, #tpu.memory_space<vmem>>, vector<16xf32>,
    %add3A_1801 = arith.addf %get3A_1798, %get3A_1800 : vector<16xf32>
    %max3A_1802 = arith.constant 1.000000e+00 : f32
    %max3A_1803 = vector.broadcast %max3A_1802 : f32 to vector<16xf32>
    %max3A_1804 = arith.maximumf %add3A_1801, %max3A_1803 : vector<16xf32>
    %bitcast3A_1805 = vector.bitcast %max3A_1804 : vector<16xf32> to vector<16xi32>
    %broadcast_in_dim3A_1806 = arith.constant 1597463007 : i32
    %broadcast_in_dim3A_1807 = vector.broadcast %broadcast_in_dim3A_1806 : i32 to vector<16xi32>
    %shift_right_logical3A_1808 = arith.constant 1 : i32
    %shift_right_logical3A_1809 = vector.broadcast %shift_right_logical3A_1808 : i32 to vector<16xi32>
    %shift_right_logical3A_1810 = arith.shrui %bitcast3A_1805, %shift_right_logical3A_1809 : vector<16xi32>
    %sub3A_1811 = arith.subi %broadcast_in_dim3A_1807, %shift_right_logical3A_1810 : vector<16xi32>
    %bitcast3A_1812 = vector.bitcast %sub3A_1811 : vector<16xi32> to vector<16xf32>
    %mul3A_1813 = arith.constant 5.000000e-01 : f32
    %mul3A_1814 = vector.broadcast %mul3A_1813 : f32 to vector<16xf32>
    %mul3A_1815 = arith.mulf %max3A_1804, %mul3A_1814 : vector<16xf32>
    %mul3A_1816 = arith.mulf %mul3A_1815, %bitcast3A_1812 : vector<16xf32>
    %mul3A_1817 = arith.mulf %mul3A_1816, %bitcast3A_1812 : vector<16xf32>
    %sub3A_1818 = arith.constant 1.500000e+00 : f32
    %sub3A_1819 = vector.broadcast %sub3A_1818 : f32 to vector<16xf32>
    %sub3A_1820 = arith.subf %sub3A_1819, %mul3A_1817 : vector<16xf32>
    %mul3A_1821 = arith.mulf %bitcast3A_1812, %sub3A_1820 : vector<16xf32>
    %mul3A_1822 = arith.mulf %mul3A_1815, %mul3A_1821 : vector<16xf32>
    %mul3A_1823 = arith.mulf %mul3A_1822, %mul3A_1821 : vector<16xf32>
    %sub3A_1824 = arith.constant 1.500000e+00 : f32
    %sub3A_1825 = vector.broadcast %sub3A_1824 : f32 to vector<16xf32>
    %sub3A_1826 = arith.subf %sub3A_1825, %mul3A_1823 : vector<16xf32>
    %mul3A_1827 = arith.mulf %mul3A_1821, %sub3A_1826 : vector<16xf32>
    %mul3A_1828 = arith.mulf %mul3A_1815, %mul3A_1827 : vector<16xf32>
    %mul3A_1829 = arith.mulf %mul3A_1828, %mul3A_1827 : vector<16xf32>
    %sub3A_1830 = arith.constant 1.500000e+00 : f32
    %sub3A_1831 = vector.broadcast %sub3A_1830 : f32 to vector<16xf32>
    %sub3A_1832 = arith.subf %sub3A_1831, %mul3A_1829 : vector<16xf32>
    %mul3A_1833 = arith.mulf %mul3A_1827, %sub3A_1832 : vector<16xf32>
    %gt3A_1834 = arith.constant 0.000000e+00 : f32
    %gt3A_1835 = vector.broadcast %gt3A_1834 : f32 to vector<16xf32>
    %gt3A_1836 = arith.cmpf ogt, %add3A_1801, %gt3A_1835 : vector<16xf32>
    %jit3A_1837 = arith.constant 0.000000e+00 : f32
    %broadcast_in_dim3A_1838 = vector.broadcast %jit3A_1837 : f32 to vector<16xf32>
    %select_n3A_1839 = arith.select %gt3A_1836, %mul3A_1833, %broadcast_in_dim3A_1838 : vector<16xi1>, vector<16xf32>
    %get3A_1840 = arith.constant 512 : index
    %get3A_1841 = tpu.vector_load %arg12[%get3A_1840] {strides = array<i32>} : memref<640xf32, #tpu.memory_space<vmem>>, vector<16xf32>,
    %mul3A_1842 = arith.mulf %get3A_1841, %select_n3A_1839 : vector<16xf32>
    %swap3A_1843 = arith.constant 512 : index
    %swap3A_1844 = tpu.vector_load %arg16[%swap3A_1843] {strides = array<i32>} : memref<640xf32, #tpu.memory_space<vmem>>, vector<16xf32>,
    tpu.vector_store %arg16[%swap3A_1843], %mul3A_1842 {strides = array<i32>} : memref<640xf32, #tpu.memory_space<vmem>>, vector<16xf32>,
    %get3A_1845 = arith.constant 512 : index
    %get3A_1846 = tpu.vector_load %arg13[%get3A_1845] {strides = array<i32>} : memref<640xf32, #tpu.memory_space<vmem>>, vector<16xf32>,
    %mul3A_1847 = arith.mulf %get3A_1846, %select_n3A_1839 : vector<16xf32>
    %swap3A_1848 = arith.constant 512 : index
    %swap3A_1849 = tpu.vector_load %arg17[%swap3A_1848] {strides = array<i32>} : memref<640xf32, #tpu.memory_space<vmem>>, vector<16xf32>,
    tpu.vector_store %arg17[%swap3A_1848], %mul3A_1847 {strides = array<i32>} : memref<640xf32, #tpu.memory_space<vmem>>, vector<16xf32>,
    %get3A_1850 = arith.constant 528 : index
    %get3A_1851 = tpu.vector_load %arg14[%get3A_1850] {strides = array<i32>} : memref<640xf32, #tpu.memory_space<vmem>>, vector<16xf32>,
    %get3A_1852 = arith.constant 528 : index
    %get3A_1853 = tpu.vector_load %arg15[%get3A_1852] {strides = array<i32>} : memref<640xf32, #tpu.memory_space<vmem>>, vector<16xf32>,
    %add3A_1854 = arith.addf %get3A_1851, %get3A_1853 : vector<16xf32>
    %max3A_1855 = arith.constant 1.000000e+00 : f32
    %max3A_1856 = vector.broadcast %max3A_1855 : f32 to vector<16xf32>
    %max3A_1857 = arith.maximumf %add3A_1854, %max3A_1856 : vector<16xf32>
    %bitcast3A_1858 = vector.bitcast %max3A_1857 : vector<16xf32> to vector<16xi32>
    %broadcast_in_dim3A_1859 = arith.constant 1597463007 : i32
    %broadcast_in_dim3A_1860 = vector.broadcast %broadcast_in_dim3A_1859 : i32 to vector<16xi32>
    %shift_right_logical3A_1861 = arith.constant 1 : i32
    %shift_right_logical3A_1862 = vector.broadcast %shift_right_logical3A_1861 : i32 to vector<16xi32>
    %shift_right_logical3A_1863 = arith.shrui %bitcast3A_1858, %shift_right_logical3A_1862 : vector<16xi32>
    %sub3A_1864 = arith.subi %broadcast_in_dim3A_1860, %shift_right_logical3A_1863 : vector<16xi32>
    %bitcast3A_1865 = vector.bitcast %sub3A_1864 : vector<16xi32> to vector<16xf32>
    %mul3A_1866 = arith.constant 5.000000e-01 : f32
    %mul3A_1867 = vector.broadcast %mul3A_1866 : f32 to vector<16xf32>
    %mul3A_1868 = arith.mulf %max3A_1857, %mul3A_1867 : vector<16xf32>
    %mul3A_1869 = arith.mulf %mul3A_1868, %bitcast3A_1865 : vector<16xf32>
    %mul3A_1870 = arith.mulf %mul3A_1869, %bitcast3A_1865 : vector<16xf32>
    %sub3A_1871 = arith.constant 1.500000e+00 : f32
    %sub3A_1872 = vector.broadcast %sub3A_1871 : f32 to vector<16xf32>
    %sub3A_1873 = arith.subf %sub3A_1872, %mul3A_1870 : vector<16xf32>
    %mul3A_1874 = arith.mulf %bitcast3A_1865, %sub3A_1873 : vector<16xf32>
    %mul3A_1875 = arith.mulf %mul3A_1868, %mul3A_1874 : vector<16xf32>
    %mul3A_1876 = arith.mulf %mul3A_1875, %mul3A_1874 : vector<16xf32>
    %sub3A_1877 = arith.constant 1.500000e+00 : f32
    %sub3A_1878 = vector.broadcast %sub3A_1877 : f32 to vector<16xf32>
    %sub3A_1879 = arith.subf %sub3A_1878, %mul3A_1876 : vector<16xf32>
    %mul3A_1880 = arith.mulf %mul3A_1874, %sub3A_1879 : vector<16xf32>
    %mul3A_1881 = arith.mulf %mul3A_1868, %mul3A_1880 : vector<16xf32>
    %mul3A_1882 = arith.mulf %mul3A_1881, %mul3A_1880 : vector<16xf32>
    %sub3A_1883 = arith.constant 1.500000e+00 : f32
    %sub3A_1884 = vector.broadcast %sub3A_1883 : f32 to vector<16xf32>
    %sub3A_1885 = arith.subf %sub3A_1884, %mul3A_1882 : vector<16xf32>
    %mul3A_1886 = arith.mulf %mul3A_1880, %sub3A_1885 : vector<16xf32>
    %gt3A_1887 = arith.constant 0.000000e+00 : f32
    %gt3A_1888 = vector.broadcast %gt3A_1887 : f32 to vector<16xf32>
    %gt3A_1889 = arith.cmpf ogt, %add3A_1854, %gt3A_1888 : vector<16xf32>
    %jit3A_1890 = arith.constant 0.000000e+00 : f32
    %broadcast_in_dim3A_1891 = vector.broadcast %jit3A_1890 : f32 to vector<16xf32>
    %select_n3A_1892 = arith.select %gt3A_1889, %mul3A_1886, %broadcast_in_dim3A_1891 : vector<16xi1>, vector<16xf32>
    %get3A_1893 = arith.constant 528 : index
    %get3A_1894 = tpu.vector_load %arg12[%get3A_1893] {strides = array<i32>} : memref<640xf32, #tpu.memory_space<vmem>>, vector<16xf32>,
    %mul3A_1895 = arith.mulf %get3A_1894, %select_n3A_1892 : vector<16xf32>
    %swap3A_1896 = arith.constant 528 : index
    %swap3A_1897 = tpu.vector_load %arg16[%swap3A_1896] {strides = array<i32>} : memref<640xf32, #tpu.memory_space<vmem>>, vector<16xf32>,
    tpu.vector_store %arg16[%swap3A_1896], %mul3A_1895 {strides = array<i32>} : memref<640xf32, #tpu.memory_space<vmem>>, vector<16xf32>,
    %get3A_1898 = arith.constant 528 : index
    %get3A_1899 = tpu.vector_load %arg13[%get3A_1898] {strides = array<i32>} : memref<640xf32, #tpu.memory_space<vmem>>, vector<16xf32>,
    %mul3A_1900 = arith.mulf %get3A_1899, %select_n3A_1892 : vector<16xf32>
    %swap3A_1901 = arith.constant 528 : index
    %swap3A_1902 = tpu.vector_load %arg17[%swap3A_1901] {strides = array<i32>} : memref<640xf32, #tpu.memory_space<vmem>>, vector<16xf32>,
    tpu.vector_store %arg17[%swap3A_1901], %mul3A_1900 {strides = array<i32>} : memref<640xf32, #tpu.memory_space<vmem>>, vector<16xf32>,
    %get3A_1903 = arith.constant 544 : index
    %get3A_1904 = tpu.vector_load %arg14[%get3A_1903] {strides = array<i32>} : memref<640xf32, #tpu.memory_space<vmem>>, vector<16xf32>,
    %get3A_1905 = arith.constant 544 : index
    %get3A_1906 = tpu.vector_load %arg15[%get3A_1905] {strides = array<i32>} : memref<640xf32, #tpu.memory_space<vmem>>, vector<16xf32>,
    %add3A_1907 = arith.addf %get3A_1904, %get3A_1906 : vector<16xf32>
    %max3A_1908 = arith.constant 1.000000e+00 : f32
    %max3A_1909 = vector.broadcast %max3A_1908 : f32 to vector<16xf32>
    %max3A_1910 = arith.maximumf %add3A_1907, %max3A_1909 : vector<16xf32>
    %bitcast3A_1911 = vector.bitcast %max3A_1910 : vector<16xf32> to vector<16xi32>
    %broadcast_in_dim3A_1912 = arith.constant 1597463007 : i32
    %broadcast_in_dim3A_1913 = vector.broadcast %broadcast_in_dim3A_1912 : i32 to vector<16xi32>
    %shift_right_logical3A_1914 = arith.constant 1 : i32
    %shift_right_logical3A_1915 = vector.broadcast %shift_right_logical3A_1914 : i32 to vector<16xi32>
    %shift_right_logical3A_1916 = arith.shrui %bitcast3A_1911, %shift_right_logical3A_1915 : vector<16xi32>
    %sub3A_1917 = arith.subi %broadcast_in_dim3A_1913, %shift_right_logical3A_1916 : vector<16xi32>
    %bitcast3A_1918 = vector.bitcast %sub3A_1917 : vector<16xi32> to vector<16xf32>
    %mul3A_1919 = arith.constant 5.000000e-01 : f32
    %mul3A_1920 = vector.broadcast %mul3A_1919 : f32 to vector<16xf32>
    %mul3A_1921 = arith.mulf %max3A_1910, %mul3A_1920 : vector<16xf32>
    %mul3A_1922 = arith.mulf %mul3A_1921, %bitcast3A_1918 : vector<16xf32>
    %mul3A_1923 = arith.mulf %mul3A_1922, %bitcast3A_1918 : vector<16xf32>
    %sub3A_1924 = arith.constant 1.500000e+00 : f32
    %sub3A_1925 = vector.broadcast %sub3A_1924 : f32 to vector<16xf32>
    %sub3A_1926 = arith.subf %sub3A_1925, %mul3A_1923 : vector<16xf32>
    %mul3A_1927 = arith.mulf %bitcast3A_1918, %sub3A_1926 : vector<16xf32>
    %mul3A_1928 = arith.mulf %mul3A_1921, %mul3A_1927 : vector<16xf32>
    %mul3A_1929 = arith.mulf %mul3A_1928, %mul3A_1927 : vector<16xf32>
    %sub3A_1930 = arith.constant 1.500000e+00 : f32
    %sub3A_1931 = vector.broadcast %sub3A_1930 : f32 to vector<16xf32>
    %sub3A_1932 = arith.subf %sub3A_1931, %mul3A_1929 : vector<16xf32>
    %mul3A_1933 = arith.mulf %mul3A_1927, %sub3A_1932 : vector<16xf32>
    %mul3A_1934 = arith.mulf %mul3A_1921, %mul3A_1933 : vector<16xf32>
    %mul3A_1935 = arith.mulf %mul3A_1934, %mul3A_1933 : vector<16xf32>
    %sub3A_1936 = arith.constant 1.500000e+00 : f32
    %sub3A_1937 = vector.broadcast %sub3A_1936 : f32 to vector<16xf32>
    %sub3A_1938 = arith.subf %sub3A_1937, %mul3A_1935 : vector<16xf32>
    %mul3A_1939 = arith.mulf %mul3A_1933, %sub3A_1938 : vector<16xf32>
    %gt3A_1940 = arith.constant 0.000000e+00 : f32
    %gt3A_1941 = vector.broadcast %gt3A_1940 : f32 to vector<16xf32>
    %gt3A_1942 = arith.cmpf ogt, %add3A_1907, %gt3A_1941 : vector<16xf32>
    %jit3A_1943 = arith.constant 0.000000e+00 : f32
    %broadcast_in_dim3A_1944 = vector.broadcast %jit3A_1943 : f32 to vector<16xf32>
    %select_n3A_1945 = arith.select %gt3A_1942, %mul3A_1939, %broadcast_in_dim3A_1944 : vector<16xi1>, vector<16xf32>
    %get3A_1946 = arith.constant 544 : index
    %get3A_1947 = tpu.vector_load %arg12[%get3A_1946] {strides = array<i32>} : memref<640xf32, #tpu.memory_space<vmem>>, vector<16xf32>,
    %mul3A_1948 = arith.mulf %get3A_1947, %select_n3A_1945 : vector<16xf32>
    %swap3A_1949 = arith.constant 544 : index
    %swap3A_1950 = tpu.vector_load %arg16[%swap3A_1949] {strides = array<i32>} : memref<640xf32, #tpu.memory_space<vmem>>, vector<16xf32>,
    tpu.vector_store %arg16[%swap3A_1949], %mul3A_1948 {strides = array<i32>} : memref<640xf32, #tpu.memory_space<vmem>>, vector<16xf32>,
    %get3A_1951 = arith.constant 544 : index
    %get3A_1952 = tpu.vector_load %arg13[%get3A_1951] {strides = array<i32>} : memref<640xf32, #tpu.memory_space<vmem>>, vector<16xf32>,
    %mul3A_1953 = arith.mulf %get3A_1952, %select_n3A_1945 : vector<16xf32>
    %swap3A_1954 = arith.constant 544 : index
    %swap3A_1955 = tpu.vector_load %arg17[%swap3A_1954] {strides = array<i32>} : memref<640xf32, #tpu.memory_space<vmem>>, vector<16xf32>,
    tpu.vector_store %arg17[%swap3A_1954], %mul3A_1953 {strides = array<i32>} : memref<640xf32, #tpu.memory_space<vmem>>, vector<16xf32>,
    %get3A_1956 = arith.constant 560 : index
    %get3A_1957 = tpu.vector_load %arg14[%get3A_1956] {strides = array<i32>} : memref<640xf32, #tpu.memory_space<vmem>>, vector<16xf32>,
    %get3A_1958 = arith.constant 560 : index
    %get3A_1959 = tpu.vector_load %arg15[%get3A_1958] {strides = array<i32>} : memref<640xf32, #tpu.memory_space<vmem>>, vector<16xf32>,
    %add3A_1960 = arith.addf %get3A_1957, %get3A_1959 : vector<16xf32>
    %max3A_1961 = arith.constant 1.000000e+00 : f32
    %max3A_1962 = vector.broadcast %max3A_1961 : f32 to vector<16xf32>
    %max3A_1963 = arith.maximumf %add3A_1960, %max3A_1962 : vector<16xf32>
    %bitcast3A_1964 = vector.bitcast %max3A_1963 : vector<16xf32> to vector<16xi32>
    %broadcast_in_dim3A_1965 = arith.constant 1597463007 : i32
    %broadcast_in_dim3A_1966 = vector.broadcast %broadcast_in_dim3A_1965 : i32 to vector<16xi32>
    %shift_right_logical3A_1967 = arith.constant 1 : i32
    %shift_right_logical3A_1968 = vector.broadcast %shift_right_logical3A_1967 : i32 to vector<16xi32>
    %shift_right_logical3A_1969 = arith.shrui %bitcast3A_1964, %shift_right_logical3A_1968 : vector<16xi32>
    %sub3A_1970 = arith.subi %broadcast_in_dim3A_1966, %shift_right_logical3A_1969 : vector<16xi32>
    %bitcast3A_1971 = vector.bitcast %sub3A_1970 : vector<16xi32> to vector<16xf32>
    %mul3A_1972 = arith.constant 5.000000e-01 : f32
    %mul3A_1973 = vector.broadcast %mul3A_1972 : f32 to vector<16xf32>
    %mul3A_1974 = arith.mulf %max3A_1963, %mul3A_1973 : vector<16xf32>
    %mul3A_1975 = arith.mulf %mul3A_1974, %bitcast3A_1971 : vector<16xf32>
    %mul3A_1976 = arith.mulf %mul3A_1975, %bitcast3A_1971 : vector<16xf32>
    %sub3A_1977 = arith.constant 1.500000e+00 : f32
    %sub3A_1978 = vector.broadcast %sub3A_1977 : f32 to vector<16xf32>
    %sub3A_1979 = arith.subf %sub3A_1978, %mul3A_1976 : vector<16xf32>
    %mul3A_1980 = arith.mulf %bitcast3A_1971, %sub3A_1979 : vector<16xf32>
    %mul3A_1981 = arith.mulf %mul3A_1974, %mul3A_1980 : vector<16xf32>
    %mul3A_1982 = arith.mulf %mul3A_1981, %mul3A_1980 : vector<16xf32>
    %sub3A_1983 = arith.constant 1.500000e+00 : f32
    %sub3A_1984 = vector.broadcast %sub3A_1983 : f32 to vector<16xf32>
    %sub3A_1985 = arith.subf %sub3A_1984, %mul3A_1982 : vector<16xf32>
    %mul3A_1986 = arith.mulf %mul3A_1980, %sub3A_1985 : vector<16xf32>
    %mul3A_1987 = arith.mulf %mul3A_1974, %mul3A_1986 : vector<16xf32>
    %mul3A_1988 = arith.mulf %mul3A_1987, %mul3A_1986 : vector<16xf32>
    %sub3A_1989 = arith.constant 1.500000e+00 : f32
    %sub3A_1990 = vector.broadcast %sub3A_1989 : f32 to vector<16xf32>
    %sub3A_1991 = arith.subf %sub3A_1990, %mul3A_1988 : vector<16xf32>
    %mul3A_1992 = arith.mulf %mul3A_1986, %sub3A_1991 : vector<16xf32>
    %gt3A_1993 = arith.constant 0.000000e+00 : f32
    %gt3A_1994 = vector.broadcast %gt3A_1993 : f32 to vector<16xf32>
    %gt3A_1995 = arith.cmpf ogt, %add3A_1960, %gt3A_1994 : vector<16xf32>
    %jit3A_1996 = arith.constant 0.000000e+00 : f32
    %broadcast_in_dim3A_1997 = vector.broadcast %jit3A_1996 : f32 to vector<16xf32>
    %select_n3A_1998 = arith.select %gt3A_1995, %mul3A_1992, %broadcast_in_dim3A_1997 : vector<16xi1>, vector<16xf32>
    %get3A_1999 = arith.constant 560 : index
    %get3A_2000 = tpu.vector_load %arg12[%get3A_1999] {strides = array<i32>} : memref<640xf32, #tpu.memory_space<vmem>>, vector<16xf32>,
    %mul3A_2001 = arith.mulf %get3A_2000, %select_n3A_1998 : vector<16xf32>
    %swap3A_2002 = arith.constant 560 : index
    %swap3A_2003 = tpu.vector_load %arg16[%swap3A_2002] {strides = array<i32>} : memref<640xf32, #tpu.memory_space<vmem>>, vector<16xf32>,
    tpu.vector_store %arg16[%swap3A_2002], %mul3A_2001 {strides = array<i32>} : memref<640xf32, #tpu.memory_space<vmem>>, vector<16xf32>,
    %get3A_2004 = arith.constant 560 : index
    %get3A_2005 = tpu.vector_load %arg13[%get3A_2004] {strides = array<i32>} : memref<640xf32, #tpu.memory_space<vmem>>, vector<16xf32>,
    %mul3A_2006 = arith.mulf %get3A_2005, %select_n3A_1998 : vector<16xf32>
    %swap3A_2007 = arith.constant 560 : index
    %swap3A_2008 = tpu.vector_load %arg17[%swap3A_2007] {strides = array<i32>} : memref<640xf32, #tpu.memory_space<vmem>>, vector<16xf32>,
    tpu.vector_store %arg17[%swap3A_2007], %mul3A_2006 {strides = array<i32>} : memref<640xf32, #tpu.memory_space<vmem>>, vector<16xf32>,
    %get3A_2009 = arith.constant 576 : index
    %get3A_2010 = tpu.vector_load %arg14[%get3A_2009] {strides = array<i32>} : memref<640xf32, #tpu.memory_space<vmem>>, vector<16xf32>,
    %get3A_2011 = arith.constant 576 : index
    %get3A_2012 = tpu.vector_load %arg15[%get3A_2011] {strides = array<i32>} : memref<640xf32, #tpu.memory_space<vmem>>, vector<16xf32>,
    %add3A_2013 = arith.addf %get3A_2010, %get3A_2012 : vector<16xf32>
    %max3A_2014 = arith.constant 1.000000e+00 : f32
    %max3A_2015 = vector.broadcast %max3A_2014 : f32 to vector<16xf32>
    %max3A_2016 = arith.maximumf %add3A_2013, %max3A_2015 : vector<16xf32>
    %bitcast3A_2017 = vector.bitcast %max3A_2016 : vector<16xf32> to vector<16xi32>
    %broadcast_in_dim3A_2018 = arith.constant 1597463007 : i32
    %broadcast_in_dim3A_2019 = vector.broadcast %broadcast_in_dim3A_2018 : i32 to vector<16xi32>
    %shift_right_logical3A_2020 = arith.constant 1 : i32
    %shift_right_logical3A_2021 = vector.broadcast %shift_right_logical3A_2020 : i32 to vector<16xi32>
    %shift_right_logical3A_2022 = arith.shrui %bitcast3A_2017, %shift_right_logical3A_2021 : vector<16xi32>
    %sub3A_2023 = arith.subi %broadcast_in_dim3A_2019, %shift_right_logical3A_2022 : vector<16xi32>
    %bitcast3A_2024 = vector.bitcast %sub3A_2023 : vector<16xi32> to vector<16xf32>
    %mul3A_2025 = arith.constant 5.000000e-01 : f32
    %mul3A_2026 = vector.broadcast %mul3A_2025 : f32 to vector<16xf32>
    %mul3A_2027 = arith.mulf %max3A_2016, %mul3A_2026 : vector<16xf32>
    %mul3A_2028 = arith.mulf %mul3A_2027, %bitcast3A_2024 : vector<16xf32>
    %mul3A_2029 = arith.mulf %mul3A_2028, %bitcast3A_2024 : vector<16xf32>
    %sub3A_2030 = arith.constant 1.500000e+00 : f32
    %sub3A_2031 = vector.broadcast %sub3A_2030 : f32 to vector<16xf32>
    %sub3A_2032 = arith.subf %sub3A_2031, %mul3A_2029 : vector<16xf32>
    %mul3A_2033 = arith.mulf %bitcast3A_2024, %sub3A_2032 : vector<16xf32>
    %mul3A_2034 = arith.mulf %mul3A_2027, %mul3A_2033 : vector<16xf32>
    %mul3A_2035 = arith.mulf %mul3A_2034, %mul3A_2033 : vector<16xf32>
    %sub3A_2036 = arith.constant 1.500000e+00 : f32
    %sub3A_2037 = vector.broadcast %sub3A_2036 : f32 to vector<16xf32>
    %sub3A_2038 = arith.subf %sub3A_2037, %mul3A_2035 : vector<16xf32>
    %mul3A_2039 = arith.mulf %mul3A_2033, %sub3A_2038 : vector<16xf32>
    %mul3A_2040 = arith.mulf %mul3A_2027, %mul3A_2039 : vector<16xf32>
    %mul3A_2041 = arith.mulf %mul3A_2040, %mul3A_2039 : vector<16xf32>
    %sub3A_2042 = arith.constant 1.500000e+00 : f32
    %sub3A_2043 = vector.broadcast %sub3A_2042 : f32 to vector<16xf32>
    %sub3A_2044 = arith.subf %sub3A_2043, %mul3A_2041 : vector<16xf32>
    %mul3A_2045 = arith.mulf %mul3A_2039, %sub3A_2044 : vector<16xf32>
    %gt3A_2046 = arith.constant 0.000000e+00 : f32
    %gt3A_2047 = vector.broadcast %gt3A_2046 : f32 to vector<16xf32>
    %gt3A_2048 = arith.cmpf ogt, %add3A_2013, %gt3A_2047 : vector<16xf32>
    %jit3A_2049 = arith.constant 0.000000e+00 : f32
    %broadcast_in_dim3A_2050 = vector.broadcast %jit3A_2049 : f32 to vector<16xf32>
    %select_n3A_2051 = arith.select %gt3A_2048, %mul3A_2045, %broadcast_in_dim3A_2050 : vector<16xi1>, vector<16xf32>
    %get3A_2052 = arith.constant 576 : index
    %get3A_2053 = tpu.vector_load %arg12[%get3A_2052] {strides = array<i32>} : memref<640xf32, #tpu.memory_space<vmem>>, vector<16xf32>,
    %mul3A_2054 = arith.mulf %get3A_2053, %select_n3A_2051 : vector<16xf32>
    %swap3A_2055 = arith.constant 576 : index
    %swap3A_2056 = tpu.vector_load %arg16[%swap3A_2055] {strides = array<i32>} : memref<640xf32, #tpu.memory_space<vmem>>, vector<16xf32>,
    tpu.vector_store %arg16[%swap3A_2055], %mul3A_2054 {strides = array<i32>} : memref<640xf32, #tpu.memory_space<vmem>>, vector<16xf32>,
    %get3A_2057 = arith.constant 576 : index
    %get3A_2058 = tpu.vector_load %arg13[%get3A_2057] {strides = array<i32>} : memref<640xf32, #tpu.memory_space<vmem>>, vector<16xf32>,
    %mul3A_2059 = arith.mulf %get3A_2058, %select_n3A_2051 : vector<16xf32>
    %swap3A_2060 = arith.constant 576 : index
    %swap3A_2061 = tpu.vector_load %arg17[%swap3A_2060] {strides = array<i32>} : memref<640xf32, #tpu.memory_space<vmem>>, vector<16xf32>,
    tpu.vector_store %arg17[%swap3A_2060], %mul3A_2059 {strides = array<i32>} : memref<640xf32, #tpu.memory_space<vmem>>, vector<16xf32>,
    %get3A_2062 = arith.constant 592 : index
    %get3A_2063 = tpu.vector_load %arg14[%get3A_2062] {strides = array<i32>} : memref<640xf32, #tpu.memory_space<vmem>>, vector<16xf32>,
    %get3A_2064 = arith.constant 592 : index
    %get3A_2065 = tpu.vector_load %arg15[%get3A_2064] {strides = array<i32>} : memref<640xf32, #tpu.memory_space<vmem>>, vector<16xf32>,
    %add3A_2066 = arith.addf %get3A_2063, %get3A_2065 : vector<16xf32>
    %max3A_2067 = arith.constant 1.000000e+00 : f32
    %max3A_2068 = vector.broadcast %max3A_2067 : f32 to vector<16xf32>
    %max3A_2069 = arith.maximumf %add3A_2066, %max3A_2068 : vector<16xf32>
    %bitcast3A_2070 = vector.bitcast %max3A_2069 : vector<16xf32> to vector<16xi32>
    %broadcast_in_dim3A_2071 = arith.constant 1597463007 : i32
    %broadcast_in_dim3A_2072 = vector.broadcast %broadcast_in_dim3A_2071 : i32 to vector<16xi32>
    %shift_right_logical3A_2073 = arith.constant 1 : i32
    %shift_right_logical3A_2074 = vector.broadcast %shift_right_logical3A_2073 : i32 to vector<16xi32>
    %shift_right_logical3A_2075 = arith.shrui %bitcast3A_2070, %shift_right_logical3A_2074 : vector<16xi32>
    %sub3A_2076 = arith.subi %broadcast_in_dim3A_2072, %shift_right_logical3A_2075 : vector<16xi32>
    %bitcast3A_2077 = vector.bitcast %sub3A_2076 : vector<16xi32> to vector<16xf32>
    %mul3A_2078 = arith.constant 5.000000e-01 : f32
    %mul3A_2079 = vector.broadcast %mul3A_2078 : f32 to vector<16xf32>
    %mul3A_2080 = arith.mulf %max3A_2069, %mul3A_2079 : vector<16xf32>
    %mul3A_2081 = arith.mulf %mul3A_2080, %bitcast3A_2077 : vector<16xf32>
    %mul3A_2082 = arith.mulf %mul3A_2081, %bitcast3A_2077 : vector<16xf32>
    %sub3A_2083 = arith.constant 1.500000e+00 : f32
    %sub3A_2084 = vector.broadcast %sub3A_2083 : f32 to vector<16xf32>
    %sub3A_2085 = arith.subf %sub3A_2084, %mul3A_2082 : vector<16xf32>
    %mul3A_2086 = arith.mulf %bitcast3A_2077, %sub3A_2085 : vector<16xf32>
    %mul3A_2087 = arith.mulf %mul3A_2080, %mul3A_2086 : vector<16xf32>
    %mul3A_2088 = arith.mulf %mul3A_2087, %mul3A_2086 : vector<16xf32>
    %sub3A_2089 = arith.constant 1.500000e+00 : f32
    %sub3A_2090 = vector.broadcast %sub3A_2089 : f32 to vector<16xf32>
    %sub3A_2091 = arith.subf %sub3A_2090, %mul3A_2088 : vector<16xf32>
    %mul3A_2092 = arith.mulf %mul3A_2086, %sub3A_2091 : vector<16xf32>
    %mul3A_2093 = arith.mulf %mul3A_2080, %mul3A_2092 : vector<16xf32>
    %mul3A_2094 = arith.mulf %mul3A_2093, %mul3A_2092 : vector<16xf32>
    %sub3A_2095 = arith.constant 1.500000e+00 : f32
    %sub3A_2096 = vector.broadcast %sub3A_2095 : f32 to vector<16xf32>
    %sub3A_2097 = arith.subf %sub3A_2096, %mul3A_2094 : vector<16xf32>
    %mul3A_2098 = arith.mulf %mul3A_2092, %sub3A_2097 : vector<16xf32>
    %gt3A_2099 = arith.constant 0.000000e+00 : f32
    %gt3A_2100 = vector.broadcast %gt3A_2099 : f32 to vector<16xf32>
    %gt3A_2101 = arith.cmpf ogt, %add3A_2066, %gt3A_2100 : vector<16xf32>
    %jit3A_2102 = arith.constant 0.000000e+00 : f32
    %broadcast_in_dim3A_2103 = vector.broadcast %jit3A_2102 : f32 to vector<16xf32>
    %select_n3A_2104 = arith.select %gt3A_2101, %mul3A_2098, %broadcast_in_dim3A_2103 : vector<16xi1>, vector<16xf32>
    %get3A_2105 = arith.constant 592 : index
    %get3A_2106 = tpu.vector_load %arg12[%get3A_2105] {strides = array<i32>} : memref<640xf32, #tpu.memory_space<vmem>>, vector<16xf32>,
    %mul3A_2107 = arith.mulf %get3A_2106, %select_n3A_2104 : vector<16xf32>
    %swap3A_2108 = arith.constant 592 : index
    %swap3A_2109 = tpu.vector_load %arg16[%swap3A_2108] {strides = array<i32>} : memref<640xf32, #tpu.memory_space<vmem>>, vector<16xf32>,
    tpu.vector_store %arg16[%swap3A_2108], %mul3A_2107 {strides = array<i32>} : memref<640xf32, #tpu.memory_space<vmem>>, vector<16xf32>,
    %get3A_2110 = arith.constant 592 : index
    %get3A_2111 = tpu.vector_load %arg13[%get3A_2110] {strides = array<i32>} : memref<640xf32, #tpu.memory_space<vmem>>, vector<16xf32>,
    %mul3A_2112 = arith.mulf %get3A_2111, %select_n3A_2104 : vector<16xf32>
    %swap3A_2113 = arith.constant 592 : index
    %swap3A_2114 = tpu.vector_load %arg17[%swap3A_2113] {strides = array<i32>} : memref<640xf32, #tpu.memory_space<vmem>>, vector<16xf32>,
    tpu.vector_store %arg17[%swap3A_2113], %mul3A_2112 {strides = array<i32>} : memref<640xf32, #tpu.memory_space<vmem>>, vector<16xf32>,
    %get3A_2115 = arith.constant 608 : index
    %get3A_2116 = tpu.vector_load %arg14[%get3A_2115] {strides = array<i32>} : memref<640xf32, #tpu.memory_space<vmem>>, vector<16xf32>,
    %get3A_2117 = arith.constant 608 : index
    %get3A_2118 = tpu.vector_load %arg15[%get3A_2117] {strides = array<i32>} : memref<640xf32, #tpu.memory_space<vmem>>, vector<16xf32>,
    %add3A_2119 = arith.addf %get3A_2116, %get3A_2118 : vector<16xf32>
    %max3A_2120 = arith.constant 1.000000e+00 : f32
    %max3A_2121 = vector.broadcast %max3A_2120 : f32 to vector<16xf32>
    %max3A_2122 = arith.maximumf %add3A_2119, %max3A_2121 : vector<16xf32>
    %bitcast3A_2123 = vector.bitcast %max3A_2122 : vector<16xf32> to vector<16xi32>
    %broadcast_in_dim3A_2124 = arith.constant 1597463007 : i32
    %broadcast_in_dim3A_2125 = vector.broadcast %broadcast_in_dim3A_2124 : i32 to vector<16xi32>
    %shift_right_logical3A_2126 = arith.constant 1 : i32
    %shift_right_logical3A_2127 = vector.broadcast %shift_right_logical3A_2126 : i32 to vector<16xi32>
    %shift_right_logical3A_2128 = arith.shrui %bitcast3A_2123, %shift_right_logical3A_2127 : vector<16xi32>
    %sub3A_2129 = arith.subi %broadcast_in_dim3A_2125, %shift_right_logical3A_2128 : vector<16xi32>
    %bitcast3A_2130 = vector.bitcast %sub3A_2129 : vector<16xi32> to vector<16xf32>
    %mul3A_2131 = arith.constant 5.000000e-01 : f32
    %mul3A_2132 = vector.broadcast %mul3A_2131 : f32 to vector<16xf32>
    %mul3A_2133 = arith.mulf %max3A_2122, %mul3A_2132 : vector<16xf32>
    %mul3A_2134 = arith.mulf %mul3A_2133, %bitcast3A_2130 : vector<16xf32>
    %mul3A_2135 = arith.mulf %mul3A_2134, %bitcast3A_2130 : vector<16xf32>
    %sub3A_2136 = arith.constant 1.500000e+00 : f32
    %sub3A_2137 = vector.broadcast %sub3A_2136 : f32 to vector<16xf32>
    %sub3A_2138 = arith.subf %sub3A_2137, %mul3A_2135 : vector<16xf32>
    %mul3A_2139 = arith.mulf %bitcast3A_2130, %sub3A_2138 : vector<16xf32>
    %mul3A_2140 = arith.mulf %mul3A_2133, %mul3A_2139 : vector<16xf32>
    %mul3A_2141 = arith.mulf %mul3A_2140, %mul3A_2139 : vector<16xf32>
    %sub3A_2142 = arith.constant 1.500000e+00 : f32
    %sub3A_2143 = vector.broadcast %sub3A_2142 : f32 to vector<16xf32>
    %sub3A_2144 = arith.subf %sub3A_2143, %mul3A_2141 : vector<16xf32>
    %mul3A_2145 = arith.mulf %mul3A_2139, %sub3A_2144 : vector<16xf32>
    %mul3A_2146 = arith.mulf %mul3A_2133, %mul3A_2145 : vector<16xf32>
    %mul3A_2147 = arith.mulf %mul3A_2146, %mul3A_2145 : vector<16xf32>
    %sub3A_2148 = arith.constant 1.500000e+00 : f32
    %sub3A_2149 = vector.broadcast %sub3A_2148 : f32 to vector<16xf32>
    %sub3A_2150 = arith.subf %sub3A_2149, %mul3A_2147 : vector<16xf32>
    %mul3A_2151 = arith.mulf %mul3A_2145, %sub3A_2150 : vector<16xf32>
    %gt3A_2152 = arith.constant 0.000000e+00 : f32
    %gt3A_2153 = vector.broadcast %gt3A_2152 : f32 to vector<16xf32>
    %gt3A_2154 = arith.cmpf ogt, %add3A_2119, %gt3A_2153 : vector<16xf32>
    %jit3A_2155 = arith.constant 0.000000e+00 : f32
    %broadcast_in_dim3A_2156 = vector.broadcast %jit3A_2155 : f32 to vector<16xf32>
    %select_n3A_2157 = arith.select %gt3A_2154, %mul3A_2151, %broadcast_in_dim3A_2156 : vector<16xi1>, vector<16xf32>
    %get3A_2158 = arith.constant 608 : index
    %get3A_2159 = tpu.vector_load %arg12[%get3A_2158] {strides = array<i32>} : memref<640xf32, #tpu.memory_space<vmem>>, vector<16xf32>,
    %mul3A_2160 = arith.mulf %get3A_2159, %select_n3A_2157 : vector<16xf32>
    %swap3A_2161 = arith.constant 608 : index
    %swap3A_2162 = tpu.vector_load %arg16[%swap3A_2161] {strides = array<i32>} : memref<640xf32, #tpu.memory_space<vmem>>, vector<16xf32>,
    tpu.vector_store %arg16[%swap3A_2161], %mul3A_2160 {strides = array<i32>} : memref<640xf32, #tpu.memory_space<vmem>>, vector<16xf32>,
    %get3A_2163 = arith.constant 608 : index
    %get3A_2164 = tpu.vector_load %arg13[%get3A_2163] {strides = array<i32>} : memref<640xf32, #tpu.memory_space<vmem>>, vector<16xf32>,
    %mul3A_2165 = arith.mulf %get3A_2164, %select_n3A_2157 : vector<16xf32>
    %swap3A_2166 = arith.constant 608 : index
    %swap3A_2167 = tpu.vector_load %arg17[%swap3A_2166] {strides = array<i32>} : memref<640xf32, #tpu.memory_space<vmem>>, vector<16xf32>,
    tpu.vector_store %arg17[%swap3A_2166], %mul3A_2165 {strides = array<i32>} : memref<640xf32, #tpu.memory_space<vmem>>, vector<16xf32>,
    %get3A_2168 = arith.constant 624 : index
    %get3A_2169 = tpu.vector_load %arg14[%get3A_2168] {strides = array<i32>} : memref<640xf32, #tpu.memory_space<vmem>>, vector<16xf32>,
    %get3A_2170 = arith.constant 624 : index
    %get3A_2171 = tpu.vector_load %arg15[%get3A_2170] {strides = array<i32>} : memref<640xf32, #tpu.memory_space<vmem>>, vector<16xf32>,
    %add3A_2172 = arith.addf %get3A_2169, %get3A_2171 : vector<16xf32>
    %max3A_2173 = arith.constant 1.000000e+00 : f32
    %max3A_2174 = vector.broadcast %max3A_2173 : f32 to vector<16xf32>
    %max3A_2175 = arith.maximumf %add3A_2172, %max3A_2174 : vector<16xf32>
    %bitcast3A_2176 = vector.bitcast %max3A_2175 : vector<16xf32> to vector<16xi32>
    %broadcast_in_dim3A_2177 = arith.constant 1597463007 : i32
    %broadcast_in_dim3A_2178 = vector.broadcast %broadcast_in_dim3A_2177 : i32 to vector<16xi32>
    %shift_right_logical3A_2179 = arith.constant 1 : i32
    %shift_right_logical3A_2180 = vector.broadcast %shift_right_logical3A_2179 : i32 to vector<16xi32>
    %shift_right_logical3A_2181 = arith.shrui %bitcast3A_2176, %shift_right_logical3A_2180 : vector<16xi32>
    %sub3A_2182 = arith.subi %broadcast_in_dim3A_2178, %shift_right_logical3A_2181 : vector<16xi32>
    %bitcast3A_2183 = vector.bitcast %sub3A_2182 : vector<16xi32> to vector<16xf32>
    %mul3A_2184 = arith.constant 5.000000e-01 : f32
    %mul3A_2185 = vector.broadcast %mul3A_2184 : f32 to vector<16xf32>
    %mul3A_2186 = arith.mulf %max3A_2175, %mul3A_2185 : vector<16xf32>
    %mul3A_2187 = arith.mulf %mul3A_2186, %bitcast3A_2183 : vector<16xf32>
    %mul3A_2188 = arith.mulf %mul3A_2187, %bitcast3A_2183 : vector<16xf32>
    %sub3A_2189 = arith.constant 1.500000e+00 : f32
    %sub3A_2190 = vector.broadcast %sub3A_2189 : f32 to vector<16xf32>
    %sub3A_2191 = arith.subf %sub3A_2190, %mul3A_2188 : vector<16xf32>
    %mul3A_2192 = arith.mulf %bitcast3A_2183, %sub3A_2191 : vector<16xf32>
    %mul3A_2193 = arith.mulf %mul3A_2186, %mul3A_2192 : vector<16xf32>
    %mul3A_2194 = arith.mulf %mul3A_2193, %mul3A_2192 : vector<16xf32>
    %sub3A_2195 = arith.constant 1.500000e+00 : f32
    %sub3A_2196 = vector.broadcast %sub3A_2195 : f32 to vector<16xf32>
    %sub3A_2197 = arith.subf %sub3A_2196, %mul3A_2194 : vector<16xf32>
    %mul3A_2198 = arith.mulf %mul3A_2192, %sub3A_2197 : vector<16xf32>
    %mul3A_2199 = arith.mulf %mul3A_2186, %mul3A_2198 : vector<16xf32>
    %mul3A_2200 = arith.mulf %mul3A_2199, %mul3A_2198 : vector<16xf32>
    %sub3A_2201 = arith.constant 1.500000e+00 : f32
    %sub3A_2202 = vector.broadcast %sub3A_2201 : f32 to vector<16xf32>
    %sub3A_2203 = arith.subf %sub3A_2202, %mul3A_2200 : vector<16xf32>
    %mul3A_2204 = arith.mulf %mul3A_2198, %sub3A_2203 : vector<16xf32>
    %gt3A_2205 = arith.constant 0.000000e+00 : f32
    %gt3A_2206 = vector.broadcast %gt3A_2205 : f32 to vector<16xf32>
    %gt3A_2207 = arith.cmpf ogt, %add3A_2172, %gt3A_2206 : vector<16xf32>
    %jit3A_2208 = arith.constant 0.000000e+00 : f32
    %broadcast_in_dim3A_2209 = vector.broadcast %jit3A_2208 : f32 to vector<16xf32>
    %select_n3A_2210 = arith.select %gt3A_2207, %mul3A_2204, %broadcast_in_dim3A_2209 : vector<16xi1>, vector<16xf32>
    %get3A_2211 = arith.constant 624 : index
    %get3A_2212 = tpu.vector_load %arg12[%get3A_2211] {strides = array<i32>} : memref<640xf32, #tpu.memory_space<vmem>>, vector<16xf32>,
    %mul3A_2213 = arith.mulf %get3A_2212, %select_n3A_2210 : vector<16xf32>
    %swap3A_2214 = arith.constant 624 : index
    %swap3A_2215 = tpu.vector_load %arg16[%swap3A_2214] {strides = array<i32>} : memref<640xf32, #tpu.memory_space<vmem>>, vector<16xf32>,
    tpu.vector_store %arg16[%swap3A_2214], %mul3A_2213 {strides = array<i32>} : memref<640xf32, #tpu.memory_space<vmem>>, vector<16xf32>,
    %get3A_2216 = arith.constant 624 : index
    %get3A_2217 = tpu.vector_load %arg13[%get3A_2216] {strides = array<i32>} : memref<640xf32, #tpu.memory_space<vmem>>, vector<16xf32>,
    %mul3A_2218 = arith.mulf %get3A_2217, %select_n3A_2210 : vector<16xf32>
    %swap3A_2219 = arith.constant 624 : index
    %swap3A_2220 = tpu.vector_load %arg17[%swap3A_2219] {strides = array<i32>} : memref<640xf32, #tpu.memory_space<vmem>>, vector<16xf32>,
    tpu.vector_store %arg17[%swap3A_2219], %mul3A_2218 {strides = array<i32>} : memref<640xf32, #tpu.memory_space<vmem>>, vector<16xf32>,
    "tpu.region"() ({
      %run_scoped3A_2394 = tpu.sem_alloc : memref<!tpu.dma_semaphore, #tpu.memory_space<semaphore_mem>>
      %dma_start3A = tpu.memref_slice %arg19[%mul3A_7] : memref<10240xf32, #tpu.memory_space<vmem_shared>> -> memref<640xf32, #tpu.memory_space<vmem_shared>>
      %dma_start3A_2395 = tpu.memref_slice %arg19[%mul3A_7] : memref<10240xf32, #tpu.memory_space<vmem_shared>> -> memref<640xf32, #tpu.memory_space<vmem_shared>>
      tpu.enqueue_dma source(%arg16 : memref<640xf32, #tpu.memory_space<vmem>>) target(%dma_start3A_2395 : memref<640xf32, #tpu.memory_space<vmem_shared>>) target_semaphore(%run_scoped3A_2394 : memref<!tpu.dma_semaphore, #tpu.memory_space<semaphore_mem>>)
      %dma_wait3A_2396 = tpu.memref_slice %arg19[%mul3A_7] : memref<10240xf32, #tpu.memory_space<vmem_shared>> -> memref<640xf32, #tpu.memory_space<vmem_shared>>
      %dma_wait3A_2397 = tpu.memref_slice %arg19[%mul3A_7] : memref<10240xf32, #tpu.memory_space<vmem_shared>> -> memref<640xf32, #tpu.memory_space<vmem_shared>>
      tpu.wait_dma2 semaphore(%run_scoped3A_2394 : memref<!tpu.dma_semaphore, #tpu.memory_space<semaphore_mem>>) src(%arg16 : memref<640xf32, #tpu.memory_space<vmem>>) dst(%dma_wait3A_2397 : memref<640xf32, #tpu.memory_space<vmem_shared>>)
      tpu.yield
    }) : () -> ()
    "tpu.region"() ({
      %run_scoped3A_2394 = tpu.sem_alloc : memref<!tpu.dma_semaphore, #tpu.memory_space<semaphore_mem>>
      %dma_start3A = tpu.memref_slice %arg20[%mul3A_7] : memref<10240xf32, #tpu.memory_space<vmem_shared>> -> memref<640xf32, #tpu.memory_space<vmem_shared>>
      %dma_start3A_2395 = tpu.memref_slice %arg20[%mul3A_7] : memref<10240xf32, #tpu.memory_space<vmem_shared>> -> memref<640xf32, #tpu.memory_space<vmem_shared>>
      tpu.enqueue_dma source(%arg17 : memref<640xf32, #tpu.memory_space<vmem>>) target(%dma_start3A_2395 : memref<640xf32, #tpu.memory_space<vmem_shared>>) target_semaphore(%run_scoped3A_2394 : memref<!tpu.dma_semaphore, #tpu.memory_space<semaphore_mem>>)
      %dma_wait3A_2396 = tpu.memref_slice %arg20[%mul3A_7] : memref<10240xf32, #tpu.memory_space<vmem_shared>> -> memref<640xf32, #tpu.memory_space<vmem_shared>>
      %dma_wait3A_2397 = tpu.memref_slice %arg20[%mul3A_7] : memref<10240xf32, #tpu.memory_space<vmem_shared>> -> memref<640xf32, #tpu.memory_space<vmem_shared>>
      tpu.wait_dma2 semaphore(%run_scoped3A_2394 : memref<!tpu.dma_semaphore, #tpu.memory_space<semaphore_mem>>) src(%arg17 : memref<640xf32, #tpu.memory_space<vmem>>) dst(%dma_wait3A_2397 : memref<640xf32, #tpu.memory_space<vmem_shared>>)
      tpu.yield
    }) : () -> ()
    %barrier3A = arith.constant 0 : index
    tpu.barrier barrier_id(%barrier3A)
    "tpu.region"() ({
      %run_scoped3A_2394 = tpu.sem_alloc : memref<!tpu.dma_semaphore, #tpu.memory_space<semaphore_mem>>
      tpu.enqueue_dma source(%arg19 : memref<10240xf32, #tpu.memory_space<vmem_shared>>) target(%arg10 : memref<10240xf32, #tpu.memory_space<vmem>>) target_semaphore(%run_scoped3A_2394 : memref<!tpu.dma_semaphore, #tpu.memory_space<semaphore_mem>>)
      tpu.wait_dma2 semaphore(%run_scoped3A_2394 : memref<!tpu.dma_semaphore, #tpu.memory_space<semaphore_mem>>) src(%arg19 : memref<10240xf32, #tpu.memory_space<vmem_shared>>) dst(%arg10 : memref<10240xf32, #tpu.memory_space<vmem>>)
      tpu.yield
    }) : () -> ()
    "tpu.region"() ({
      %run_scoped3A_2394 = tpu.sem_alloc : memref<!tpu.dma_semaphore, #tpu.memory_space<semaphore_mem>>
      tpu.enqueue_dma source(%arg20 : memref<10240xf32, #tpu.memory_space<vmem_shared>>) target(%arg11 : memref<10240xf32, #tpu.memory_space<vmem>>) target_semaphore(%run_scoped3A_2394 : memref<!tpu.dma_semaphore, #tpu.memory_space<semaphore_mem>>)
      tpu.wait_dma2 semaphore(%run_scoped3A_2394 : memref<!tpu.dma_semaphore, #tpu.memory_space<semaphore_mem>>) src(%arg20 : memref<10240xf32, #tpu.memory_space<vmem_shared>>) dst(%arg11 : memref<10240xf32, #tpu.memory_space<vmem>>)
      tpu.yield
    }) : () -> ()
    %scan3A = arith.constant 0 : i32
    %scan3A_2221 = arith.constant 0 : i32
    %scan3A_2222 = arith.constant 80 : i32
    %scan3A_2223 = arith.addi %scan3A_2221, %scan3A_2222 : i32
    %scan3A_2224 = arith.constant 1 : i32
    scf.for %scan3A_2394 = %scan3A_2221 to %scan3A_2223 step %scan3A_2224  : i32 {
      %lt3A_2395 = arith.cmpi slt, %scan3A_2394, %select_n3A_5 : i32
      %convert_element_type3A_2396 = arith.extui %lt3A_2395 : i1 to i32
      %cond3A_2397 = arith.constant 0 : i32
      %cond3A_2398 = arith.cmpi ne, %convert_element_type3A_2396, %cond3A_2397 : i32
      scf.if %cond3A_2398 {
        %mul3A_2404 = arith.constant 128 : i32
        %mul3A_2405 = arith.muli %scan3A_2394, %mul3A_2404 : i32
        %add3A_2406 = arith.constant 0 : i32
        %add3A_2407 = arith.addi %mul3A_2405, %add3A_2406 : i32
        %get3A_2408 = arith.index_cast %add3A_2407 : i32 to index
        %get3A_2409 = tpu.vector_load %arg6[%get3A_2408] {strides = array<i32>} : memref<10240xi32, #tpu.memory_space<vmem>>, vector<16xi32>,
        %gather3A = tpu.vector_load_idx %arg10[%get3A_2409] : memref<10240xf32, #tpu.memory_space<vmem>>[vector<16xi32>], vector<16xf32>,
        %swap3A_2410 = arith.index_cast %scan3A_2394 : i32 to index
        %swap3A_2411 = arith.constant 0 : index
        %swap3A_2412 = tpu.vector_load %arg8[%swap3A_2410, %swap3A_2411] {strides = array<i32>} : memref<80x128xf32, #tpu.memory_space<vmem>>, vector<16xf32>,
        tpu.vector_store %arg8[%swap3A_2410, %swap3A_2411], %gather3A {strides = array<i32>} : memref<80x128xf32, #tpu.memory_space<vmem>>, vector<16xf32>,
        %gather3A_2413 = tpu.vector_load_idx %arg11[%get3A_2409] : memref<10240xf32, #tpu.memory_space<vmem>>[vector<16xi32>], vector<16xf32>,
        %swap3A_2414 = arith.index_cast %scan3A_2394 : i32 to index
        %swap3A_2415 = arith.constant 0 : index
        %swap3A_2416 = tpu.vector_load %arg9[%swap3A_2414, %swap3A_2415] {strides = array<i32>} : memref<80x128xf32, #tpu.memory_space<vmem>>, vector<16xf32>,
        tpu.vector_store %arg9[%swap3A_2414, %swap3A_2415], %gather3A_2413 {strides = array<i32>} : memref<80x128xf32, #tpu.memory_space<vmem>>, vector<16xf32>,
        %mul3A_2417 = arith.constant 128 : i32
        %mul3A_2418 = arith.muli %scan3A_2394, %mul3A_2417 : i32
        %add3A_2419 = arith.constant 16 : i32
        %add3A_2420 = arith.addi %mul3A_2418, %add3A_2419 : i32
        %get3A_2421 = arith.index_cast %add3A_2420 : i32 to index
        %get3A_2422 = tpu.vector_load %arg6[%get3A_2421] {strides = array<i32>} : memref<10240xi32, #tpu.memory_space<vmem>>, vector<16xi32>,
        %gather3A_2423 = tpu.vector_load_idx %arg10[%get3A_2422] : memref<10240xf32, #tpu.memory_space<vmem>>[vector<16xi32>], vector<16xf32>,
        %swap3A_2424 = arith.index_cast %scan3A_2394 : i32 to index
        %swap3A_2425 = arith.constant 16 : index
        %swap3A_2426 = tpu.vector_load %arg8[%swap3A_2424, %swap3A_2425] {strides = array<i32>} : memref<80x128xf32, #tpu.memory_space<vmem>>, vector<16xf32>,
        tpu.vector_store %arg8[%swap3A_2424, %swap3A_2425], %gather3A_2423 {strides = array<i32>} : memref<80x128xf32, #tpu.memory_space<vmem>>, vector<16xf32>,
        %gather3A_2427 = tpu.vector_load_idx %arg11[%get3A_2422] : memref<10240xf32, #tpu.memory_space<vmem>>[vector<16xi32>], vector<16xf32>,
        %swap3A_2428 = arith.index_cast %scan3A_2394 : i32 to index
        %swap3A_2429 = arith.constant 16 : index
        %swap3A_2430 = tpu.vector_load %arg9[%swap3A_2428, %swap3A_2429] {strides = array<i32>} : memref<80x128xf32, #tpu.memory_space<vmem>>, vector<16xf32>,
        tpu.vector_store %arg9[%swap3A_2428, %swap3A_2429], %gather3A_2427 {strides = array<i32>} : memref<80x128xf32, #tpu.memory_space<vmem>>, vector<16xf32>,
        %mul3A_2431 = arith.constant 128 : i32
        %mul3A_2432 = arith.muli %scan3A_2394, %mul3A_2431 : i32
        %add3A_2433 = arith.constant 32 : i32
        %add3A_2434 = arith.addi %mul3A_2432, %add3A_2433 : i32
        %get3A_2435 = arith.index_cast %add3A_2434 : i32 to index
        %get3A_2436 = tpu.vector_load %arg6[%get3A_2435] {strides = array<i32>} : memref<10240xi32, #tpu.memory_space<vmem>>, vector<16xi32>,
        %gather3A_2437 = tpu.vector_load_idx %arg10[%get3A_2436] : memref<10240xf32, #tpu.memory_space<vmem>>[vector<16xi32>], vector<16xf32>,
        %swap3A_2438 = arith.index_cast %scan3A_2394 : i32 to index
        %swap3A_2439 = arith.constant 32 : index
        %swap3A_2440 = tpu.vector_load %arg8[%swap3A_2438, %swap3A_2439] {strides = array<i32>} : memref<80x128xf32, #tpu.memory_space<vmem>>, vector<16xf32>,
        tpu.vector_store %arg8[%swap3A_2438, %swap3A_2439], %gather3A_2437 {strides = array<i32>} : memref<80x128xf32, #tpu.memory_space<vmem>>, vector<16xf32>,
        %gather3A_2441 = tpu.vector_load_idx %arg11[%get3A_2436] : memref<10240xf32, #tpu.memory_space<vmem>>[vector<16xi32>], vector<16xf32>,
        %swap3A_2442 = arith.index_cast %scan3A_2394 : i32 to index
        %swap3A_2443 = arith.constant 32 : index
        %swap3A_2444 = tpu.vector_load %arg9[%swap3A_2442, %swap3A_2443] {strides = array<i32>} : memref<80x128xf32, #tpu.memory_space<vmem>>, vector<16xf32>,
        tpu.vector_store %arg9[%swap3A_2442, %swap3A_2443], %gather3A_2441 {strides = array<i32>} : memref<80x128xf32, #tpu.memory_space<vmem>>, vector<16xf32>,
        %mul3A_2445 = arith.constant 128 : i32
        %mul3A_2446 = arith.muli %scan3A_2394, %mul3A_2445 : i32
        %add3A_2447 = arith.constant 48 : i32
        %add3A_2448 = arith.addi %mul3A_2446, %add3A_2447 : i32
        %get3A_2449 = arith.index_cast %add3A_2448 : i32 to index
        %get3A_2450 = tpu.vector_load %arg6[%get3A_2449] {strides = array<i32>} : memref<10240xi32, #tpu.memory_space<vmem>>, vector<16xi32>,
        %gather3A_2451 = tpu.vector_load_idx %arg10[%get3A_2450] : memref<10240xf32, #tpu.memory_space<vmem>>[vector<16xi32>], vector<16xf32>,
        %swap3A_2452 = arith.index_cast %scan3A_2394 : i32 to index
        %swap3A_2453 = arith.constant 48 : index
        %swap3A_2454 = tpu.vector_load %arg8[%swap3A_2452, %swap3A_2453] {strides = array<i32>} : memref<80x128xf32, #tpu.memory_space<vmem>>, vector<16xf32>,
        tpu.vector_store %arg8[%swap3A_2452, %swap3A_2453], %gather3A_2451 {strides = array<i32>} : memref<80x128xf32, #tpu.memory_space<vmem>>, vector<16xf32>,
        %gather3A_2455 = tpu.vector_load_idx %arg11[%get3A_2450] : memref<10240xf32, #tpu.memory_space<vmem>>[vector<16xi32>], vector<16xf32>,
        %swap3A_2456 = arith.index_cast %scan3A_2394 : i32 to index
        %swap3A_2457 = arith.constant 48 : index
        %swap3A_2458 = tpu.vector_load %arg9[%swap3A_2456, %swap3A_2457] {strides = array<i32>} : memref<80x128xf32, #tpu.memory_space<vmem>>, vector<16xf32>,
        tpu.vector_store %arg9[%swap3A_2456, %swap3A_2457], %gather3A_2455 {strides = array<i32>} : memref<80x128xf32, #tpu.memory_space<vmem>>, vector<16xf32>,
        %mul3A_2459 = arith.constant 128 : i32
        %mul3A_2460 = arith.muli %scan3A_2394, %mul3A_2459 : i32
        %add3A_2461 = arith.constant 64 : i32
        %add3A_2462 = arith.addi %mul3A_2460, %add3A_2461 : i32
        %get3A_2463 = arith.index_cast %add3A_2462 : i32 to index
        %get3A_2464 = tpu.vector_load %arg6[%get3A_2463] {strides = array<i32>} : memref<10240xi32, #tpu.memory_space<vmem>>, vector<16xi32>,
        %gather3A_2465 = tpu.vector_load_idx %arg10[%get3A_2464] : memref<10240xf32, #tpu.memory_space<vmem>>[vector<16xi32>], vector<16xf32>,
        %swap3A_2466 = arith.index_cast %scan3A_2394 : i32 to index
        %swap3A_2467 = arith.constant 64 : index
        %swap3A_2468 = tpu.vector_load %arg8[%swap3A_2466, %swap3A_2467] {strides = array<i32>} : memref<80x128xf32, #tpu.memory_space<vmem>>, vector<16xf32>,
        tpu.vector_store %arg8[%swap3A_2466, %swap3A_2467], %gather3A_2465 {strides = array<i32>} : memref<80x128xf32, #tpu.memory_space<vmem>>, vector<16xf32>,
        %gather3A_2469 = tpu.vector_load_idx %arg11[%get3A_2464] : memref<10240xf32, #tpu.memory_space<vmem>>[vector<16xi32>], vector<16xf32>,
        %swap3A_2470 = arith.index_cast %scan3A_2394 : i32 to index
        %swap3A_2471 = arith.constant 64 : index
        %swap3A_2472 = tpu.vector_load %arg9[%swap3A_2470, %swap3A_2471] {strides = array<i32>} : memref<80x128xf32, #tpu.memory_space<vmem>>, vector<16xf32>,
        tpu.vector_store %arg9[%swap3A_2470, %swap3A_2471], %gather3A_2469 {strides = array<i32>} : memref<80x128xf32, #tpu.memory_space<vmem>>, vector<16xf32>,
        %mul3A_2473 = arith.constant 128 : i32
        %mul3A_2474 = arith.muli %scan3A_2394, %mul3A_2473 : i32
        %add3A_2475 = arith.constant 80 : i32
        %add3A_2476 = arith.addi %mul3A_2474, %add3A_2475 : i32
        %get3A_2477 = arith.index_cast %add3A_2476 : i32 to index
        %get3A_2478 = tpu.vector_load %arg6[%get3A_2477] {strides = array<i32>} : memref<10240xi32, #tpu.memory_space<vmem>>, vector<16xi32>,
        %gather3A_2479 = tpu.vector_load_idx %arg10[%get3A_2478] : memref<10240xf32, #tpu.memory_space<vmem>>[vector<16xi32>], vector<16xf32>,
        %swap3A_2480 = arith.index_cast %scan3A_2394 : i32 to index
        %swap3A_2481 = arith.constant 80 : index
        %swap3A_2482 = tpu.vector_load %arg8[%swap3A_2480, %swap3A_2481] {strides = array<i32>} : memref<80x128xf32, #tpu.memory_space<vmem>>, vector<16xf32>,
        tpu.vector_store %arg8[%swap3A_2480, %swap3A_2481], %gather3A_2479 {strides = array<i32>} : memref<80x128xf32, #tpu.memory_space<vmem>>, vector<16xf32>,
        %gather3A_2483 = tpu.vector_load_idx %arg11[%get3A_2478] : memref<10240xf32, #tpu.memory_space<vmem>>[vector<16xi32>], vector<16xf32>,
        %swap3A_2484 = arith.index_cast %scan3A_2394 : i32 to index
        %swap3A_2485 = arith.constant 80 : index
        %swap3A_2486 = tpu.vector_load %arg9[%swap3A_2484, %swap3A_2485] {strides = array<i32>} : memref<80x128xf32, #tpu.memory_space<vmem>>, vector<16xf32>,
        tpu.vector_store %arg9[%swap3A_2484, %swap3A_2485], %gather3A_2483 {strides = array<i32>} : memref<80x128xf32, #tpu.memory_space<vmem>>, vector<16xf32>,
        %mul3A_2487 = arith.constant 128 : i32
        %mul3A_2488 = arith.muli %scan3A_2394, %mul3A_2487 : i32
        %add3A_2489 = arith.constant 96 : i32
        %add3A_2490 = arith.addi %mul3A_2488, %add3A_2489 : i32
        %get3A_2491 = arith.index_cast %add3A_2490 : i32 to index
        %get3A_2492 = tpu.vector_load %arg6[%get3A_2491] {strides = array<i32>} : memref<10240xi32, #tpu.memory_space<vmem>>, vector<16xi32>,
        %gather3A_2493 = tpu.vector_load_idx %arg10[%get3A_2492] : memref<10240xf32, #tpu.memory_space<vmem>>[vector<16xi32>], vector<16xf32>,
        %swap3A_2494 = arith.index_cast %scan3A_2394 : i32 to index
        %swap3A_2495 = arith.constant 96 : index
        %swap3A_2496 = tpu.vector_load %arg8[%swap3A_2494, %swap3A_2495] {strides = array<i32>} : memref<80x128xf32, #tpu.memory_space<vmem>>, vector<16xf32>,
        tpu.vector_store %arg8[%swap3A_2494, %swap3A_2495], %gather3A_2493 {strides = array<i32>} : memref<80x128xf32, #tpu.memory_space<vmem>>, vector<16xf32>,
        %gather3A_2497 = tpu.vector_load_idx %arg11[%get3A_2492] : memref<10240xf32, #tpu.memory_space<vmem>>[vector<16xi32>], vector<16xf32>,
        %swap3A_2498 = arith.index_cast %scan3A_2394 : i32 to index
        %swap3A_2499 = arith.constant 96 : index
        %swap3A_2500 = tpu.vector_load %arg9[%swap3A_2498, %swap3A_2499] {strides = array<i32>} : memref<80x128xf32, #tpu.memory_space<vmem>>, vector<16xf32>,
        tpu.vector_store %arg9[%swap3A_2498, %swap3A_2499], %gather3A_2497 {strides = array<i32>} : memref<80x128xf32, #tpu.memory_space<vmem>>, vector<16xf32>,
        %mul3A_2501 = arith.constant 128 : i32
        %mul3A_2502 = arith.muli %scan3A_2394, %mul3A_2501 : i32
        %add3A_2503 = arith.constant 112 : i32
        %add3A_2504 = arith.addi %mul3A_2502, %add3A_2503 : i32
        %get3A_2505 = arith.index_cast %add3A_2504 : i32 to index
        %get3A_2506 = tpu.vector_load %arg6[%get3A_2505] {strides = array<i32>} : memref<10240xi32, #tpu.memory_space<vmem>>, vector<16xi32>,
        %gather3A_2507 = tpu.vector_load_idx %arg10[%get3A_2506] : memref<10240xf32, #tpu.memory_space<vmem>>[vector<16xi32>], vector<16xf32>,
        %swap3A_2508 = arith.index_cast %scan3A_2394 : i32 to index
        %swap3A_2509 = arith.constant 112 : index
        %swap3A_2510 = tpu.vector_load %arg8[%swap3A_2508, %swap3A_2509] {strides = array<i32>} : memref<80x128xf32, #tpu.memory_space<vmem>>, vector<16xf32>,
        tpu.vector_store %arg8[%swap3A_2508, %swap3A_2509], %gather3A_2507 {strides = array<i32>} : memref<80x128xf32, #tpu.memory_space<vmem>>, vector<16xf32>,
        %gather3A_2511 = tpu.vector_load_idx %arg11[%get3A_2506] : memref<10240xf32, #tpu.memory_space<vmem>>[vector<16xi32>], vector<16xf32>,
        %swap3A_2512 = arith.index_cast %scan3A_2394 : i32 to index
        %swap3A_2513 = arith.constant 112 : index
        %swap3A_2514 = tpu.vector_load %arg9[%swap3A_2512, %swap3A_2513] {strides = array<i32>} : memref<80x128xf32, #tpu.memory_space<vmem>>, vector<16xf32>,
        tpu.vector_store %arg9[%swap3A_2512, %swap3A_2513], %gather3A_2511 {strides = array<i32>} : memref<80x128xf32, #tpu.memory_space<vmem>>, vector<16xf32>,
        %mul3A_2515 = arith.constant 128 : i32
        %mul3A_2516 = arith.muli %scan3A_2394, %mul3A_2515 : i32
        %dma_start3A = arith.constant 0 : i32
        %dma_start3A_2517 = tpu.memref_slice %arg8[%scan3A_2394, %dma_start3A] : memref<80x128xf32, #tpu.memory_space<vmem>> -> memref<1x128xf32, #tpu.memory_space<vmem>>
        %dma_start3A_2518 = tpu.memref_squeeze %dma_start3A_2517 : memref<1x128xf32, #tpu.memory_space<vmem>> -> memref<128xf32, #tpu.memory_space<vmem>>
        %dma_start3A_2519 = tpu.memref_slice %arg7[%mul3A_2516] : memref<10240xi32, #tpu.memory_space<vmem>> -> memref<128xi32, #tpu.memory_space<vmem>>
        %dma_start3A_2520 = arith.constant 0 : i32
        %dma_start3A_2521 = tpu.memref_slice %arg21[%dma_start3A_2520] : memref<10240xf32, #tpu.memory_space<vmem_shared>> -> memref<10240xf32, #tpu.memory_space<vmem_shared>>
        tpu.enqueue_indirect_dma source(%dma_start3A_2518 : memref<128xf32, #tpu.memory_space<vmem>>) target(%dma_start3A_2521 : memref<10240xf32, #tpu.memory_space<vmem_shared>>) offsets(%dma_start3A_2519 : memref<128xi32, #tpu.memory_space<vmem>>) semaphore(%arg23 : memref<!tpu.dma_semaphore, #tpu.memory_space<semaphore_mem>>) {add = true}
        %mul3A_2522 = arith.constant 128 : i32
        %mul3A_2523 = arith.muli %scan3A_2394, %mul3A_2522 : i32
        %dma_start3A_2524 = arith.constant 0 : i32
        %dma_start3A_2525 = tpu.memref_slice %arg9[%scan3A_2394, %dma_start3A_2524] : memref<80x128xf32, #tpu.memory_space<vmem>> -> memref<1x128xf32, #tpu.memory_space<vmem>>
        %dma_start3A_2526 = tpu.memref_squeeze %dma_start3A_2525 : memref<1x128xf32, #tpu.memory_space<vmem>> -> memref<128xf32, #tpu.memory_space<vmem>>
        %dma_start3A_2527 = tpu.memref_slice %arg7[%mul3A_2523] : memref<10240xi32, #tpu.memory_space<vmem>> -> memref<128xi32, #tpu.memory_space<vmem>>
        %dma_start3A_2528 = arith.constant 0 : i32
        %dma_start3A_2529 = tpu.memref_slice %arg22[%dma_start3A_2528] : memref<10240xf32, #tpu.memory_space<vmem_shared>> -> memref<10240xf32, #tpu.memory_space<vmem_shared>>
        tpu.enqueue_indirect_dma source(%dma_start3A_2526 : memref<128xf32, #tpu.memory_space<vmem>>) target(%dma_start3A_2529 : memref<10240xf32, #tpu.memory_space<vmem_shared>>) offsets(%dma_start3A_2527 : memref<128xi32, #tpu.memory_space<vmem>>) semaphore(%arg23 : memref<!tpu.dma_semaphore, #tpu.memory_space<semaphore_mem>>) {add = true}
      } else {
      }
      %ge3A = arith.constant 8 : i32
      %ge3A_2399 = arith.cmpi sge, %scan3A_2394, %ge3A : i32
      %lt3A_2400 = arith.cmpi slt, %scan3A_2394, %select_n3A_5 : i32
      %and3A = arith.andi %ge3A_2399, %lt3A_2400 : i1
      %convert_element_type3A_2401 = arith.extui %and3A : i1 to i32
      %cond3A_2402 = arith.constant 0 : i32
      %cond3A_2403 = arith.cmpi ne, %convert_element_type3A_2401, %cond3A_2402 : i32
      scf.if %cond3A_2403 {
        %sub3A_2404 = arith.constant 8 : i32
        %sub3A_2405 = arith.subi %scan3A_2394, %sub3A_2404 : i32
        %mul3A_2406 = arith.constant 128 : i32
        %mul3A_2407 = arith.muli %sub3A_2405, %mul3A_2406 : i32
        %dma_wait3A_2408 = arith.constant 0 : i32
        %dma_wait3A_2409 = tpu.memref_slice %arg8[%sub3A_2405, %dma_wait3A_2408] : memref<80x128xf32, #tpu.memory_space<vmem>> -> memref<1x128xf32, #tpu.memory_space<vmem>>
        %dma_wait3A_2410 = tpu.memref_squeeze %dma_wait3A_2409 : memref<1x128xf32, #tpu.memory_space<vmem>> -> memref<128xf32, #tpu.memory_space<vmem>>
        %dma_wait3A_2411 = tpu.memref_slice %arg7[%mul3A_2407] : memref<10240xi32, #tpu.memory_space<vmem>> -> memref<128xi32, #tpu.memory_space<vmem>>
        %dma_wait3A_2412 = arith.constant 0 : i32
        %dma_wait3A_2413 = tpu.memref_slice %arg21[%dma_wait3A_2412] : memref<10240xf32, #tpu.memory_space<vmem_shared>> -> memref<10240xf32, #tpu.memory_space<vmem_shared>>
        tpu.wait_indirect_dma semaphore(%arg23 : memref<!tpu.dma_semaphore, #tpu.memory_space<semaphore_mem>>) src(%dma_wait3A_2410 : memref<128xf32, #tpu.memory_space<vmem>>) dst(%dma_wait3A_2413 : memref<10240xf32, #tpu.memory_space<vmem_shared>>)
        %mul3A_2414 = arith.constant 128 : i32
        %mul3A_2415 = arith.muli %sub3A_2405, %mul3A_2414 : i32
        %dma_wait3A_2416 = arith.constant 0 : i32
        %dma_wait3A_2417 = tpu.memref_slice %arg9[%sub3A_2405, %dma_wait3A_2416] : memref<80x128xf32, #tpu.memory_space<vmem>> -> memref<1x128xf32, #tpu.memory_space<vmem>>
        %dma_wait3A_2418 = tpu.memref_squeeze %dma_wait3A_2417 : memref<1x128xf32, #tpu.memory_space<vmem>> -> memref<128xf32, #tpu.memory_space<vmem>>
        %dma_wait3A_2419 = tpu.memref_slice %arg7[%mul3A_2415] : memref<10240xi32, #tpu.memory_space<vmem>> -> memref<128xi32, #tpu.memory_space<vmem>>
        %dma_wait3A_2420 = arith.constant 0 : i32
        %dma_wait3A_2421 = tpu.memref_slice %arg22[%dma_wait3A_2420] : memref<10240xf32, #tpu.memory_space<vmem_shared>> -> memref<10240xf32, #tpu.memory_space<vmem_shared>>
        tpu.wait_indirect_dma semaphore(%arg23 : memref<!tpu.dma_semaphore, #tpu.memory_space<semaphore_mem>>) src(%dma_wait3A_2418 : memref<128xf32, #tpu.memory_space<vmem>>) dst(%dma_wait3A_2421 : memref<10240xf32, #tpu.memory_space<vmem_shared>>)
      } else {
      }
    }
    %scan3A_2225 = arith.constant 80 : i32
    %sub3A_2226 = arith.constant 8 : i32
    %sub3A_2227 = arith.subi %select_n3A_5, %sub3A_2226 : i32
    %add3A_2228 = arith.constant 0 : i32
    %add3A_2229 = arith.addi %sub3A_2227, %add3A_2228 : i32
    %mul3A_2230 = arith.constant 128 : i32
    %mul3A_2231 = arith.muli %add3A_2229, %mul3A_2230 : i32
    %dma_wait3A = arith.constant 0 : i32
    %dma_wait3A_2232 = tpu.memref_slice %arg8[%add3A_2229, %dma_wait3A] : memref<80x128xf32, #tpu.memory_space<vmem>> -> memref<1x128xf32, #tpu.memory_space<vmem>>
    %dma_wait3A_2233 = tpu.memref_squeeze %dma_wait3A_2232 : memref<1x128xf32, #tpu.memory_space<vmem>> -> memref<128xf32, #tpu.memory_space<vmem>>
    %dma_wait3A_2234 = tpu.memref_slice %arg7[%mul3A_2231] : memref<10240xi32, #tpu.memory_space<vmem>> -> memref<128xi32, #tpu.memory_space<vmem>>
    %dma_wait3A_2235 = arith.constant 0 : i32
    %dma_wait3A_2236 = tpu.memref_slice %arg21[%dma_wait3A_2235] : memref<10240xf32, #tpu.memory_space<vmem_shared>> -> memref<10240xf32, #tpu.memory_space<vmem_shared>>
    tpu.wait_indirect_dma semaphore(%arg23 : memref<!tpu.dma_semaphore, #tpu.memory_space<semaphore_mem>>) src(%dma_wait3A_2233 : memref<128xf32, #tpu.memory_space<vmem>>) dst(%dma_wait3A_2236 : memref<10240xf32, #tpu.memory_space<vmem_shared>>)
    %mul3A_2237 = arith.constant 128 : i32
    %mul3A_2238 = arith.muli %add3A_2229, %mul3A_2237 : i32
    %dma_wait3A_2239 = arith.constant 0 : i32
    %dma_wait3A_2240 = tpu.memref_slice %arg9[%add3A_2229, %dma_wait3A_2239] : memref<80x128xf32, #tpu.memory_space<vmem>> -> memref<1x128xf32, #tpu.memory_space<vmem>>
    %dma_wait3A_2241 = tpu.memref_squeeze %dma_wait3A_2240 : memref<1x128xf32, #tpu.memory_space<vmem>> -> memref<128xf32, #tpu.memory_space<vmem>>
    %dma_wait3A_2242 = tpu.memref_slice %arg7[%mul3A_2238] : memref<10240xi32, #tpu.memory_space<vmem>> -> memref<128xi32, #tpu.memory_space<vmem>>
    %dma_wait3A_2243 = arith.constant 0 : i32
    %dma_wait3A_2244 = tpu.memref_slice %arg22[%dma_wait3A_2243] : memref<10240xf32, #tpu.memory_space<vmem_shared>> -> memref<10240xf32, #tpu.memory_space<vmem_shared>>
    tpu.wait_indirect_dma semaphore(%arg23 : memref<!tpu.dma_semaphore, #tpu.memory_space<semaphore_mem>>) src(%dma_wait3A_2241 : memref<128xf32, #tpu.memory_space<vmem>>) dst(%dma_wait3A_2244 : memref<10240xf32, #tpu.memory_space<vmem_shared>>)
    %sub3A_2245 = arith.constant 8 : i32
    %sub3A_2246 = arith.subi %select_n3A_5, %sub3A_2245 : i32
    %add3A_2247 = arith.constant 1 : i32
    %add3A_2248 = arith.addi %sub3A_2246, %add3A_2247 : i32
    %mul3A_2249 = arith.constant 128 : i32
    %mul3A_2250 = arith.muli %add3A_2248, %mul3A_2249 : i32
    %dma_wait3A_2251 = arith.constant 0 : i32
    %dma_wait3A_2252 = tpu.memref_slice %arg8[%add3A_2248, %dma_wait3A_2251] : memref<80x128xf32, #tpu.memory_space<vmem>> -> memref<1x128xf32, #tpu.memory_space<vmem>>
    %dma_wait3A_2253 = tpu.memref_squeeze %dma_wait3A_2252 : memref<1x128xf32, #tpu.memory_space<vmem>> -> memref<128xf32, #tpu.memory_space<vmem>>
    %dma_wait3A_2254 = tpu.memref_slice %arg7[%mul3A_2250] : memref<10240xi32, #tpu.memory_space<vmem>> -> memref<128xi32, #tpu.memory_space<vmem>>
    %dma_wait3A_2255 = arith.constant 0 : i32
    %dma_wait3A_2256 = tpu.memref_slice %arg21[%dma_wait3A_2255] : memref<10240xf32, #tpu.memory_space<vmem_shared>> -> memref<10240xf32, #tpu.memory_space<vmem_shared>>
    tpu.wait_indirect_dma semaphore(%arg23 : memref<!tpu.dma_semaphore, #tpu.memory_space<semaphore_mem>>) src(%dma_wait3A_2253 : memref<128xf32, #tpu.memory_space<vmem>>) dst(%dma_wait3A_2256 : memref<10240xf32, #tpu.memory_space<vmem_shared>>)
    %mul3A_2257 = arith.constant 128 : i32
    %mul3A_2258 = arith.muli %add3A_2248, %mul3A_2257 : i32
    %dma_wait3A_2259 = arith.constant 0 : i32
    %dma_wait3A_2260 = tpu.memref_slice %arg9[%add3A_2248, %dma_wait3A_2259] : memref<80x128xf32, #tpu.memory_space<vmem>> -> memref<1x128xf32, #tpu.memory_space<vmem>>
    %dma_wait3A_2261 = tpu.memref_squeeze %dma_wait3A_2260 : memref<1x128xf32, #tpu.memory_space<vmem>> -> memref<128xf32, #tpu.memory_space<vmem>>
    %dma_wait3A_2262 = tpu.memref_slice %arg7[%mul3A_2258] : memref<10240xi32, #tpu.memory_space<vmem>> -> memref<128xi32, #tpu.memory_space<vmem>>
    %dma_wait3A_2263 = arith.constant 0 : i32
    %dma_wait3A_2264 = tpu.memref_slice %arg22[%dma_wait3A_2263] : memref<10240xf32, #tpu.memory_space<vmem_shared>> -> memref<10240xf32, #tpu.memory_space<vmem_shared>>
    tpu.wait_indirect_dma semaphore(%arg23 : memref<!tpu.dma_semaphore, #tpu.memory_space<semaphore_mem>>) src(%dma_wait3A_2261 : memref<128xf32, #tpu.memory_space<vmem>>) dst(%dma_wait3A_2264 : memref<10240xf32, #tpu.memory_space<vmem_shared>>)
    %sub3A_2265 = arith.constant 8 : i32
    %sub3A_2266 = arith.subi %select_n3A_5, %sub3A_2265 : i32
    %add3A_2267 = arith.constant 2 : i32
    %add3A_2268 = arith.addi %sub3A_2266, %add3A_2267 : i32
    %mul3A_2269 = arith.constant 128 : i32
    %mul3A_2270 = arith.muli %add3A_2268, %mul3A_2269 : i32
    %dma_wait3A_2271 = arith.constant 0 : i32
    %dma_wait3A_2272 = tpu.memref_slice %arg8[%add3A_2268, %dma_wait3A_2271] : memref<80x128xf32, #tpu.memory_space<vmem>> -> memref<1x128xf32, #tpu.memory_space<vmem>>
    %dma_wait3A_2273 = tpu.memref_squeeze %dma_wait3A_2272 : memref<1x128xf32, #tpu.memory_space<vmem>> -> memref<128xf32, #tpu.memory_space<vmem>>
    %dma_wait3A_2274 = tpu.memref_slice %arg7[%mul3A_2270] : memref<10240xi32, #tpu.memory_space<vmem>> -> memref<128xi32, #tpu.memory_space<vmem>>
    %dma_wait3A_2275 = arith.constant 0 : i32
    %dma_wait3A_2276 = tpu.memref_slice %arg21[%dma_wait3A_2275] : memref<10240xf32, #tpu.memory_space<vmem_shared>> -> memref<10240xf32, #tpu.memory_space<vmem_shared>>
    tpu.wait_indirect_dma semaphore(%arg23 : memref<!tpu.dma_semaphore, #tpu.memory_space<semaphore_mem>>) src(%dma_wait3A_2273 : memref<128xf32, #tpu.memory_space<vmem>>) dst(%dma_wait3A_2276 : memref<10240xf32, #tpu.memory_space<vmem_shared>>)
    %mul3A_2277 = arith.constant 128 : i32
    %mul3A_2278 = arith.muli %add3A_2268, %mul3A_2277 : i32
    %dma_wait3A_2279 = arith.constant 0 : i32
    %dma_wait3A_2280 = tpu.memref_slice %arg9[%add3A_2268, %dma_wait3A_2279] : memref<80x128xf32, #tpu.memory_space<vmem>> -> memref<1x128xf32, #tpu.memory_space<vmem>>
    %dma_wait3A_2281 = tpu.memref_squeeze %dma_wait3A_2280 : memref<1x128xf32, #tpu.memory_space<vmem>> -> memref<128xf32, #tpu.memory_space<vmem>>
    %dma_wait3A_2282 = tpu.memref_slice %arg7[%mul3A_2278] : memref<10240xi32, #tpu.memory_space<vmem>> -> memref<128xi32, #tpu.memory_space<vmem>>
    %dma_wait3A_2283 = arith.constant 0 : i32
    %dma_wait3A_2284 = tpu.memref_slice %arg22[%dma_wait3A_2283] : memref<10240xf32, #tpu.memory_space<vmem_shared>> -> memref<10240xf32, #tpu.memory_space<vmem_shared>>
    tpu.wait_indirect_dma semaphore(%arg23 : memref<!tpu.dma_semaphore, #tpu.memory_space<semaphore_mem>>) src(%dma_wait3A_2281 : memref<128xf32, #tpu.memory_space<vmem>>) dst(%dma_wait3A_2284 : memref<10240xf32, #tpu.memory_space<vmem_shared>>)
    %sub3A_2285 = arith.constant 8 : i32
    %sub3A_2286 = arith.subi %select_n3A_5, %sub3A_2285 : i32
    %add3A_2287 = arith.constant 3 : i32
    %add3A_2288 = arith.addi %sub3A_2286, %add3A_2287 : i32
    %mul3A_2289 = arith.constant 128 : i32
    %mul3A_2290 = arith.muli %add3A_2288, %mul3A_2289 : i32
    %dma_wait3A_2291 = arith.constant 0 : i32
    %dma_wait3A_2292 = tpu.memref_slice %arg8[%add3A_2288, %dma_wait3A_2291] : memref<80x128xf32, #tpu.memory_space<vmem>> -> memref<1x128xf32, #tpu.memory_space<vmem>>
    %dma_wait3A_2293 = tpu.memref_squeeze %dma_wait3A_2292 : memref<1x128xf32, #tpu.memory_space<vmem>> -> memref<128xf32, #tpu.memory_space<vmem>>
    %dma_wait3A_2294 = tpu.memref_slice %arg7[%mul3A_2290] : memref<10240xi32, #tpu.memory_space<vmem>> -> memref<128xi32, #tpu.memory_space<vmem>>
    %dma_wait3A_2295 = arith.constant 0 : i32
    %dma_wait3A_2296 = tpu.memref_slice %arg21[%dma_wait3A_2295] : memref<10240xf32, #tpu.memory_space<vmem_shared>> -> memref<10240xf32, #tpu.memory_space<vmem_shared>>
    tpu.wait_indirect_dma semaphore(%arg23 : memref<!tpu.dma_semaphore, #tpu.memory_space<semaphore_mem>>) src(%dma_wait3A_2293 : memref<128xf32, #tpu.memory_space<vmem>>) dst(%dma_wait3A_2296 : memref<10240xf32, #tpu.memory_space<vmem_shared>>)
    %mul3A_2297 = arith.constant 128 : i32
    %mul3A_2298 = arith.muli %add3A_2288, %mul3A_2297 : i32
    %dma_wait3A_2299 = arith.constant 0 : i32
    %dma_wait3A_2300 = tpu.memref_slice %arg9[%add3A_2288, %dma_wait3A_2299] : memref<80x128xf32, #tpu.memory_space<vmem>> -> memref<1x128xf32, #tpu.memory_space<vmem>>
    %dma_wait3A_2301 = tpu.memref_squeeze %dma_wait3A_2300 : memref<1x128xf32, #tpu.memory_space<vmem>> -> memref<128xf32, #tpu.memory_space<vmem>>
    %dma_wait3A_2302 = tpu.memref_slice %arg7[%mul3A_2298] : memref<10240xi32, #tpu.memory_space<vmem>> -> memref<128xi32, #tpu.memory_space<vmem>>
    %dma_wait3A_2303 = arith.constant 0 : i32
    %dma_wait3A_2304 = tpu.memref_slice %arg22[%dma_wait3A_2303] : memref<10240xf32, #tpu.memory_space<vmem_shared>> -> memref<10240xf32, #tpu.memory_space<vmem_shared>>
    tpu.wait_indirect_dma semaphore(%arg23 : memref<!tpu.dma_semaphore, #tpu.memory_space<semaphore_mem>>) src(%dma_wait3A_2301 : memref<128xf32, #tpu.memory_space<vmem>>) dst(%dma_wait3A_2304 : memref<10240xf32, #tpu.memory_space<vmem_shared>>)
    %sub3A_2305 = arith.constant 8 : i32
    %sub3A_2306 = arith.subi %select_n3A_5, %sub3A_2305 : i32
    %add3A_2307 = arith.constant 4 : i32
    %add3A_2308 = arith.addi %sub3A_2306, %add3A_2307 : i32
    %mul3A_2309 = arith.constant 128 : i32
    %mul3A_2310 = arith.muli %add3A_2308, %mul3A_2309 : i32
    %dma_wait3A_2311 = arith.constant 0 : i32
    %dma_wait3A_2312 = tpu.memref_slice %arg8[%add3A_2308, %dma_wait3A_2311] : memref<80x128xf32, #tpu.memory_space<vmem>> -> memref<1x128xf32, #tpu.memory_space<vmem>>
    %dma_wait3A_2313 = tpu.memref_squeeze %dma_wait3A_2312 : memref<1x128xf32, #tpu.memory_space<vmem>> -> memref<128xf32, #tpu.memory_space<vmem>>
    %dma_wait3A_2314 = tpu.memref_slice %arg7[%mul3A_2310] : memref<10240xi32, #tpu.memory_space<vmem>> -> memref<128xi32, #tpu.memory_space<vmem>>
    %dma_wait3A_2315 = arith.constant 0 : i32
    %dma_wait3A_2316 = tpu.memref_slice %arg21[%dma_wait3A_2315] : memref<10240xf32, #tpu.memory_space<vmem_shared>> -> memref<10240xf32, #tpu.memory_space<vmem_shared>>
    tpu.wait_indirect_dma semaphore(%arg23 : memref<!tpu.dma_semaphore, #tpu.memory_space<semaphore_mem>>) src(%dma_wait3A_2313 : memref<128xf32, #tpu.memory_space<vmem>>) dst(%dma_wait3A_2316 : memref<10240xf32, #tpu.memory_space<vmem_shared>>)
    %mul3A_2317 = arith.constant 128 : i32
    %mul3A_2318 = arith.muli %add3A_2308, %mul3A_2317 : i32
    %dma_wait3A_2319 = arith.constant 0 : i32
    %dma_wait3A_2320 = tpu.memref_slice %arg9[%add3A_2308, %dma_wait3A_2319] : memref<80x128xf32, #tpu.memory_space<vmem>> -> memref<1x128xf32, #tpu.memory_space<vmem>>
    %dma_wait3A_2321 = tpu.memref_squeeze %dma_wait3A_2320 : memref<1x128xf32, #tpu.memory_space<vmem>> -> memref<128xf32, #tpu.memory_space<vmem>>
    %dma_wait3A_2322 = tpu.memref_slice %arg7[%mul3A_2318] : memref<10240xi32, #tpu.memory_space<vmem>> -> memref<128xi32, #tpu.memory_space<vmem>>
    %dma_wait3A_2323 = arith.constant 0 : i32
    %dma_wait3A_2324 = tpu.memref_slice %arg22[%dma_wait3A_2323] : memref<10240xf32, #tpu.memory_space<vmem_shared>> -> memref<10240xf32, #tpu.memory_space<vmem_shared>>
    tpu.wait_indirect_dma semaphore(%arg23 : memref<!tpu.dma_semaphore, #tpu.memory_space<semaphore_mem>>) src(%dma_wait3A_2321 : memref<128xf32, #tpu.memory_space<vmem>>) dst(%dma_wait3A_2324 : memref<10240xf32, #tpu.memory_space<vmem_shared>>)
    %sub3A_2325 = arith.constant 8 : i32
    %sub3A_2326 = arith.subi %select_n3A_5, %sub3A_2325 : i32
    %add3A_2327 = arith.constant 5 : i32
    %add3A_2328 = arith.addi %sub3A_2326, %add3A_2327 : i32
    %mul3A_2329 = arith.constant 128 : i32
    %mul3A_2330 = arith.muli %add3A_2328, %mul3A_2329 : i32
    %dma_wait3A_2331 = arith.constant 0 : i32
    %dma_wait3A_2332 = tpu.memref_slice %arg8[%add3A_2328, %dma_wait3A_2331] : memref<80x128xf32, #tpu.memory_space<vmem>> -> memref<1x128xf32, #tpu.memory_space<vmem>>
    %dma_wait3A_2333 = tpu.memref_squeeze %dma_wait3A_2332 : memref<1x128xf32, #tpu.memory_space<vmem>> -> memref<128xf32, #tpu.memory_space<vmem>>
    %dma_wait3A_2334 = tpu.memref_slice %arg7[%mul3A_2330] : memref<10240xi32, #tpu.memory_space<vmem>> -> memref<128xi32, #tpu.memory_space<vmem>>
    %dma_wait3A_2335 = arith.constant 0 : i32
    %dma_wait3A_2336 = tpu.memref_slice %arg21[%dma_wait3A_2335] : memref<10240xf32, #tpu.memory_space<vmem_shared>> -> memref<10240xf32, #tpu.memory_space<vmem_shared>>
    tpu.wait_indirect_dma semaphore(%arg23 : memref<!tpu.dma_semaphore, #tpu.memory_space<semaphore_mem>>) src(%dma_wait3A_2333 : memref<128xf32, #tpu.memory_space<vmem>>) dst(%dma_wait3A_2336 : memref<10240xf32, #tpu.memory_space<vmem_shared>>)
    %mul3A_2337 = arith.constant 128 : i32
    %mul3A_2338 = arith.muli %add3A_2328, %mul3A_2337 : i32
    %dma_wait3A_2339 = arith.constant 0 : i32
    %dma_wait3A_2340 = tpu.memref_slice %arg9[%add3A_2328, %dma_wait3A_2339] : memref<80x128xf32, #tpu.memory_space<vmem>> -> memref<1x128xf32, #tpu.memory_space<vmem>>
    %dma_wait3A_2341 = tpu.memref_squeeze %dma_wait3A_2340 : memref<1x128xf32, #tpu.memory_space<vmem>> -> memref<128xf32, #tpu.memory_space<vmem>>
    %dma_wait3A_2342 = tpu.memref_slice %arg7[%mul3A_2338] : memref<10240xi32, #tpu.memory_space<vmem>> -> memref<128xi32, #tpu.memory_space<vmem>>
    %dma_wait3A_2343 = arith.constant 0 : i32
    %dma_wait3A_2344 = tpu.memref_slice %arg22[%dma_wait3A_2343] : memref<10240xf32, #tpu.memory_space<vmem_shared>> -> memref<10240xf32, #tpu.memory_space<vmem_shared>>
    tpu.wait_indirect_dma semaphore(%arg23 : memref<!tpu.dma_semaphore, #tpu.memory_space<semaphore_mem>>) src(%dma_wait3A_2341 : memref<128xf32, #tpu.memory_space<vmem>>) dst(%dma_wait3A_2344 : memref<10240xf32, #tpu.memory_space<vmem_shared>>)
    %sub3A_2345 = arith.constant 8 : i32
    %sub3A_2346 = arith.subi %select_n3A_5, %sub3A_2345 : i32
    %add3A_2347 = arith.constant 6 : i32
    %add3A_2348 = arith.addi %sub3A_2346, %add3A_2347 : i32
    %mul3A_2349 = arith.constant 128 : i32
    %mul3A_2350 = arith.muli %add3A_2348, %mul3A_2349 : i32
    %dma_wait3A_2351 = arith.constant 0 : i32
    %dma_wait3A_2352 = tpu.memref_slice %arg8[%add3A_2348, %dma_wait3A_2351] : memref<80x128xf32, #tpu.memory_space<vmem>> -> memref<1x128xf32, #tpu.memory_space<vmem>>
    %dma_wait3A_2353 = tpu.memref_squeeze %dma_wait3A_2352 : memref<1x128xf32, #tpu.memory_space<vmem>> -> memref<128xf32, #tpu.memory_space<vmem>>
    %dma_wait3A_2354 = tpu.memref_slice %arg7[%mul3A_2350] : memref<10240xi32, #tpu.memory_space<vmem>> -> memref<128xi32, #tpu.memory_space<vmem>>
    %dma_wait3A_2355 = arith.constant 0 : i32
    %dma_wait3A_2356 = tpu.memref_slice %arg21[%dma_wait3A_2355] : memref<10240xf32, #tpu.memory_space<vmem_shared>> -> memref<10240xf32, #tpu.memory_space<vmem_shared>>
    tpu.wait_indirect_dma semaphore(%arg23 : memref<!tpu.dma_semaphore, #tpu.memory_space<semaphore_mem>>) src(%dma_wait3A_2353 : memref<128xf32, #tpu.memory_space<vmem>>) dst(%dma_wait3A_2356 : memref<10240xf32, #tpu.memory_space<vmem_shared>>)
    %mul3A_2357 = arith.constant 128 : i32
    %mul3A_2358 = arith.muli %add3A_2348, %mul3A_2357 : i32
    %dma_wait3A_2359 = arith.constant 0 : i32
    %dma_wait3A_2360 = tpu.memref_slice %arg9[%add3A_2348, %dma_wait3A_2359] : memref<80x128xf32, #tpu.memory_space<vmem>> -> memref<1x128xf32, #tpu.memory_space<vmem>>
    %dma_wait3A_2361 = tpu.memref_squeeze %dma_wait3A_2360 : memref<1x128xf32, #tpu.memory_space<vmem>> -> memref<128xf32, #tpu.memory_space<vmem>>
    %dma_wait3A_2362 = tpu.memref_slice %arg7[%mul3A_2358] : memref<10240xi32, #tpu.memory_space<vmem>> -> memref<128xi32, #tpu.memory_space<vmem>>
    %dma_wait3A_2363 = arith.constant 0 : i32
    %dma_wait3A_2364 = tpu.memref_slice %arg22[%dma_wait3A_2363] : memref<10240xf32, #tpu.memory_space<vmem_shared>> -> memref<10240xf32, #tpu.memory_space<vmem_shared>>
    tpu.wait_indirect_dma semaphore(%arg23 : memref<!tpu.dma_semaphore, #tpu.memory_space<semaphore_mem>>) src(%dma_wait3A_2361 : memref<128xf32, #tpu.memory_space<vmem>>) dst(%dma_wait3A_2364 : memref<10240xf32, #tpu.memory_space<vmem_shared>>)
    %sub3A_2365 = arith.constant 8 : i32
    %sub3A_2366 = arith.subi %select_n3A_5, %sub3A_2365 : i32
    %add3A_2367 = arith.constant 7 : i32
    %add3A_2368 = arith.addi %sub3A_2366, %add3A_2367 : i32
    %mul3A_2369 = arith.constant 128 : i32
    %mul3A_2370 = arith.muli %add3A_2368, %mul3A_2369 : i32
    %dma_wait3A_2371 = arith.constant 0 : i32
    %dma_wait3A_2372 = tpu.memref_slice %arg8[%add3A_2368, %dma_wait3A_2371] : memref<80x128xf32, #tpu.memory_space<vmem>> -> memref<1x128xf32, #tpu.memory_space<vmem>>
    %dma_wait3A_2373 = tpu.memref_squeeze %dma_wait3A_2372 : memref<1x128xf32, #tpu.memory_space<vmem>> -> memref<128xf32, #tpu.memory_space<vmem>>
    %dma_wait3A_2374 = tpu.memref_slice %arg7[%mul3A_2370] : memref<10240xi32, #tpu.memory_space<vmem>> -> memref<128xi32, #tpu.memory_space<vmem>>
    %dma_wait3A_2375 = arith.constant 0 : i32
    %dma_wait3A_2376 = tpu.memref_slice %arg21[%dma_wait3A_2375] : memref<10240xf32, #tpu.memory_space<vmem_shared>> -> memref<10240xf32, #tpu.memory_space<vmem_shared>>
    tpu.wait_indirect_dma semaphore(%arg23 : memref<!tpu.dma_semaphore, #tpu.memory_space<semaphore_mem>>) src(%dma_wait3A_2373 : memref<128xf32, #tpu.memory_space<vmem>>) dst(%dma_wait3A_2376 : memref<10240xf32, #tpu.memory_space<vmem_shared>>)
    %mul3A_2377 = arith.constant 128 : i32
    %mul3A_2378 = arith.muli %add3A_2368, %mul3A_2377 : i32
    %dma_wait3A_2379 = arith.constant 0 : i32
    %dma_wait3A_2380 = tpu.memref_slice %arg9[%add3A_2368, %dma_wait3A_2379] : memref<80x128xf32, #tpu.memory_space<vmem>> -> memref<1x128xf32, #tpu.memory_space<vmem>>
    %dma_wait3A_2381 = tpu.memref_squeeze %dma_wait3A_2380 : memref<1x128xf32, #tpu.memory_space<vmem>> -> memref<128xf32, #tpu.memory_space<vmem>>
    %dma_wait3A_2382 = tpu.memref_slice %arg7[%mul3A_2378] : memref<10240xi32, #tpu.memory_space<vmem>> -> memref<128xi32, #tpu.memory_space<vmem>>
    %dma_wait3A_2383 = arith.constant 0 : i32
    %dma_wait3A_2384 = tpu.memref_slice %arg22[%dma_wait3A_2383] : memref<10240xf32, #tpu.memory_space<vmem_shared>> -> memref<10240xf32, #tpu.memory_space<vmem_shared>>
    tpu.wait_indirect_dma semaphore(%arg23 : memref<!tpu.dma_semaphore, #tpu.memory_space<semaphore_mem>>) src(%dma_wait3A_2381 : memref<128xf32, #tpu.memory_space<vmem>>) dst(%dma_wait3A_2384 : memref<10240xf32, #tpu.memory_space<vmem_shared>>)
    %barrier3A_2385 = arith.constant 0 : index
    tpu.barrier barrier_id(%barrier3A_2385)
    %mul3A_2386 = arith.constant 2 : i32
    %mul3A_2387 = arith.muli %arg0, %mul3A_2386 : i32
    %run_scoped3A_2388 = arith.constant 0 : i32
    "tpu.region"() ({
      %run_scoped3A_2394 = tpu.sem_alloc : memref<!tpu.dma_semaphore, #tpu.memory_space<semaphore_mem>>
      %dma_start3A = tpu.memref_slice %arg5[%mul3A_2387, %run_scoped3A_2388, %mul3A_7] : memref<4x1x10240xf32, #tpu.memory_space<hbm>> -> memref<1x1x640xf32, #tpu.memory_space<hbm>>
      %dma_start3A_2395 = tpu.memref_squeeze %dma_start3A : memref<1x1x640xf32, #tpu.memory_space<hbm>> -> memref<640xf32, #tpu.memory_space<hbm>>
      %dma_start3A_2396 = tpu.memref_slice %arg21[%mul3A_7] : memref<10240xf32, #tpu.memory_space<vmem_shared>> -> memref<640xf32, #tpu.memory_space<vmem_shared>>
      tpu.enqueue_dma source(%dma_start3A_2396 : memref<640xf32, #tpu.memory_space<vmem_shared>>) target(%dma_start3A_2395 : memref<640xf32, #tpu.memory_space<hbm>>) target_semaphore(%run_scoped3A_2394 : memref<!tpu.dma_semaphore, #tpu.memory_space<semaphore_mem>>)
      %dma_wait3A_2397 = tpu.memref_slice %arg5[%mul3A_2387, %run_scoped3A_2388, %mul3A_7] : memref<4x1x10240xf32, #tpu.memory_space<hbm>> -> memref<1x1x640xf32, #tpu.memory_space<hbm>>
      %dma_wait3A_2398 = tpu.memref_squeeze %dma_wait3A_2397 : memref<1x1x640xf32, #tpu.memory_space<hbm>> -> memref<640xf32, #tpu.memory_space<hbm>>
      %dma_wait3A_2399 = tpu.memref_slice %arg21[%mul3A_7] : memref<10240xf32, #tpu.memory_space<vmem_shared>> -> memref<640xf32, #tpu.memory_space<vmem_shared>>
      tpu.wait_dma2 semaphore(%run_scoped3A_2394 : memref<!tpu.dma_semaphore, #tpu.memory_space<semaphore_mem>>) src(%dma_wait3A_2399 : memref<640xf32, #tpu.memory_space<vmem_shared>>) dst(%dma_wait3A_2398 : memref<640xf32, #tpu.memory_space<hbm>>)
      tpu.yield
    }) : () -> ()
    %mul3A_2389 = arith.constant 2 : i32
    %mul3A_2390 = arith.muli %arg0, %mul3A_2389 : i32
    %add3A_2391 = arith.constant 1 : i32
    %add3A_2392 = arith.addi %mul3A_2390, %add3A_2391 : i32
    %run_scoped3A_2393 = arith.constant 0 : i32
    "tpu.region"() ({
      %run_scoped3A_2394 = tpu.sem_alloc : memref<!tpu.dma_semaphore, #tpu.memory_space<semaphore_mem>>
      %dma_start3A = tpu.memref_slice %arg5[%add3A_2392, %run_scoped3A_2393, %mul3A_7] : memref<4x1x10240xf32, #tpu.memory_space<hbm>> -> memref<1x1x640xf32, #tpu.memory_space<hbm>>
      %dma_start3A_2395 = tpu.memref_squeeze %dma_start3A : memref<1x1x640xf32, #tpu.memory_space<hbm>> -> memref<640xf32, #tpu.memory_space<hbm>>
      %dma_start3A_2396 = tpu.memref_slice %arg22[%mul3A_7] : memref<10240xf32, #tpu.memory_space<vmem_shared>> -> memref<640xf32, #tpu.memory_space<vmem_shared>>
      tpu.enqueue_dma source(%dma_start3A_2396 : memref<640xf32, #tpu.memory_space<vmem_shared>>) target(%dma_start3A_2395 : memref<640xf32, #tpu.memory_space<hbm>>) target_semaphore(%run_scoped3A_2394 : memref<!tpu.dma_semaphore, #tpu.memory_space<semaphore_mem>>)
      %dma_wait3A_2397 = tpu.memref_slice %arg5[%add3A_2392, %run_scoped3A_2393, %mul3A_7] : memref<4x1x10240xf32, #tpu.memory_space<hbm>> -> memref<1x1x640xf32, #tpu.memory_space<hbm>>
      %dma_wait3A_2398 = tpu.memref_squeeze %dma_wait3A_2397 : memref<1x1x640xf32, #tpu.memory_space<hbm>> -> memref<640xf32, #tpu.memory_space<hbm>>
      %dma_wait3A_2399 = tpu.memref_slice %arg22[%mul3A_7] : memref<10240xf32, #tpu.memory_space<vmem_shared>> -> memref<640xf32, #tpu.memory_space<vmem_shared>>
      tpu.wait_dma2 semaphore(%run_scoped3A_2394 : memref<!tpu.dma_semaphore, #tpu.memory_space<semaphore_mem>>) src(%dma_wait3A_2399 : memref<640xf32, #tpu.memory_space<vmem_shared>>) dst(%dma_wait3A_2398 : memref<640xf32, #tpu.memory_space<hbm>>)
      tpu.yield
    }) : () -> ()
    return
  }
}

module attributes {stable_mosaic.version = 14 : i64} {
  func.func @_tc_u_body(%arg0: memref<10000x128xf32, #tpu.memory_space<vmem>>, %arg1: memref<128x128xf32, #tpu.memory_space<vmem>>, %arg2: memref<128x1xf32, #tpu.memory_space<vmem>>, %arg3: memref<128x128xf32, #tpu.memory_space<vmem>>, %arg4: memref<128x1xf32, #tpu.memory_space<vmem>>, %arg5: memref<2x1x10240xf32, #tpu.memory_space<vmem>>) attributes {dimension_semantics = [], scalar_prefetch = 0 : i64, scratch_operands = 0 : i64, tpu.core_type = #tpu.core_type<tc>} {
    %get3A = arith.constant 0 : index
    %get3A_0 = arith.constant 0 : index
    %get3A_1 = vector.load %arg1[%get3A, %get3A_0] : memref<128x128xf32, #tpu.memory_space<vmem>>, vector<128x128xf32>
    %get3A_2 = arith.constant 0 : index
    %get3A_3 = arith.constant 0 : index
    %get3A_4 = vector.load %arg2[%get3A_2, %get3A_3] : memref<128x1xf32, #tpu.memory_space<vmem>>, vector<128x1xf32>
    %dot_general3A = arith.constant dense<0.000000e+00> : vector<128x1xf32>
    %dot_general3A_5 = tpu.matmul %get3A_1, %get3A_4, %dot_general3A {dimension_numbers = #tpu.dot_dimension_numbers<[1], [0], [0], [1], [0, 0, 1, 1], [], []>, transpose_lhs_hint = false} : vector<128x128xf32>, vector<128x1xf32>, vector<128x1xf32> -> vector<128x1xf32>
    %get3A_6 = arith.constant 0 : index
    %get3A_7 = arith.constant 0 : index
    %get3A_8 = vector.load %arg3[%get3A_6, %get3A_7] : memref<128x128xf32, #tpu.memory_space<vmem>>, vector<128x128xf32>
    %get3A_9 = arith.constant 0 : index
    %get3A_10 = arith.constant 0 : index
    %get3A_11 = vector.load %arg4[%get3A_9, %get3A_10] : memref<128x1xf32, #tpu.memory_space<vmem>>, vector<128x1xf32>
    %dot_general3A_12 = arith.constant dense<0.000000e+00> : vector<128x1xf32>
    %dot_general3A_13 = tpu.matmul %get3A_8, %get3A_11, %dot_general3A_12 {dimension_numbers = #tpu.dot_dimension_numbers<[1], [0], [0], [1], [0, 0, 1, 1], [], []>, transpose_lhs_hint = false} : vector<128x128xf32>, vector<128x1xf32>, vector<128x1xf32> -> vector<128x1xf32>
    %concatenate3A = tpu.concatenate %dot_general3A_5, %dot_general3A_13 in 1 : vector<128x1xf32>, vector<128x1xf32> -> vector<128x2xf32>
    %get3A_14 = arith.constant 0 : index
    %get3A_15 = arith.constant 0 : index
    %get3A_16 = vector.load %arg0[%get3A_14, %get3A_15] : memref<10000x128xf32, #tpu.memory_space<vmem>>, vector<10000x128xf32>
    %dot_general3A_17 = arith.constant dense<0.000000e+00> : vector<2x10000xf32>
    %dot_general3A_18 = tpu.matmul %concatenate3A, %get3A_16, %dot_general3A_17 {dimension_numbers = #tpu.dot_dimension_numbers<[0], [1], [1], [0], [0, 1, 1, 0], [], []>, transpose_lhs_hint = false} : vector<128x2xf32>, vector<10000x128xf32>, vector<2x10000xf32> -> vector<2x10000xf32>
    %broadcast_in_dim3A = arith.constant 0.000000e+00 : f32
    %broadcast_in_dim3A_19 = vector.broadcast %broadcast_in_dim3A : f32 to vector<2x240xf32>
    %concatenate3A_20 = tpu.concatenate %dot_general3A_18, %broadcast_in_dim3A_19 in 1 : vector<2x10000xf32>, vector<2x240xf32> -> vector<2x10240xf32>
    %broadcast_in_dim3A_21 = vector.shape_cast %concatenate3A_20 : vector<2x10240xf32> to vector<2x1x10240xf32>
    %swap3A = arith.constant 0 : index
    %swap3A_22 = arith.constant 0 : index
    %swap3A_23 = arith.constant 0 : index
    %swap3A_24 = vector.load %arg5[%swap3A, %swap3A_22, %swap3A_23] : memref<2x1x10240xf32, #tpu.memory_space<vmem>>, vector<2x1x10240xf32>
    tpu.vector_store %arg5[%swap3A, %swap3A_22, %swap3A_23], %broadcast_in_dim3A_21 {strides = array<i32>} : memref<2x1x10240xf32, #tpu.memory_space<vmem>>, vector<2x1x10240xf32>,
    return
  }
}

module attributes {stable_mosaic.version = 14 : i64} {
  func.func @_tc_final_body(%arg0: memref<4x1x10240xf32, #tpu.memory_space<vmem>>, %arg1: memref<4x1x10240xf32, #tpu.memory_space<vmem>>, %arg2: memref<128xf32, #tpu.memory_space<vmem>>, %arg3: memref<128x1xf32, #tpu.memory_space<vmem>>, %arg4: memref<1xf32, #tpu.memory_space<vmem>>, %arg5: memref<128xf32, #tpu.memory_space<vmem>>, %arg6: memref<128x1xf32, #tpu.memory_space<vmem>>, %arg7: memref<1xf32, #tpu.memory_space<vmem>>, %arg8: memref<2x10240xf32, #tpu.memory_space<vmem>>) attributes {dimension_semantics = [], scalar_prefetch = 0 : i64, scratch_operands = 0 : i64, tpu.core_type = #tpu.core_type<tc>} {
    %get3A = arith.constant 1 : index
    %get3A_0 = arith.constant 0 : index
    %get3A_1 = arith.constant 0 : index
    %get3A_2 = vector.load %arg1[%get3A, %get3A_0, %get3A_1] : memref<4x1x10240xf32, #tpu.memory_space<vmem>>, vector<1x1x10240xf32>
    %get3A_3 = vector.shape_cast %get3A_2 : vector<1x1x10240xf32> to vector<10240xf32>
    %get3A_4 = arith.constant 3 : index
    %get3A_5 = arith.constant 0 : index
    %get3A_6 = arith.constant 0 : index
    %get3A_7 = vector.load %arg1[%get3A_4, %get3A_5, %get3A_6] : memref<4x1x10240xf32, #tpu.memory_space<vmem>>, vector<1x1x10240xf32>
    %get3A_8 = vector.shape_cast %get3A_7 : vector<1x1x10240xf32> to vector<10240xf32>
    %add3A = arith.addf %get3A_3, %get3A_8 : vector<10240xf32>
    %gt3A = arith.constant 0.000000e+00 : f32
    %gt3A_9 = vector.broadcast %gt3A : f32 to vector<10240xf32>
    %gt3A_10 = arith.cmpf ogt, %add3A, %gt3A_9 : vector<10240xf32>
    %max3A = arith.constant 1.000000e+00 : f32
    %max3A_11 = vector.broadcast %max3A : f32 to vector<10240xf32>
    %max3A_12 = arith.maximumf %add3A, %max3A_11 : vector<10240xf32>
    %rsqrt3A = math.rsqrt %max3A_12 : vector<10240xf32>
    %jit3A = arith.constant 0.000000e+00 : f32
    %broadcast_in_dim3A = vector.broadcast %jit3A : f32 to vector<10240xf32>
    %select_n3A = arith.select %gt3A_10, %rsqrt3A, %broadcast_in_dim3A : vector<10240xi1>, vector<10240xf32>
    %get3A_13 = arith.constant 0 : index
    %get3A_14 = arith.constant 0 : index
    %get3A_15 = arith.constant 0 : index
    %get3A_16 = vector.load %arg0[%get3A_13, %get3A_14, %get3A_15] : memref<4x1x10240xf32, #tpu.memory_space<vmem>>, vector<1x1x10240xf32>
    %get3A_17 = vector.shape_cast %get3A_16 : vector<1x1x10240xf32> to vector<10240xf32>
    %get3A_18 = arith.constant 2 : index
    %get3A_19 = arith.constant 0 : index
    %get3A_20 = arith.constant 0 : index
    %get3A_21 = vector.load %arg0[%get3A_18, %get3A_19, %get3A_20] : memref<4x1x10240xf32, #tpu.memory_space<vmem>>, vector<1x1x10240xf32>
    %get3A_22 = vector.shape_cast %get3A_21 : vector<1x1x10240xf32> to vector<10240xf32>
    %add3A_23 = arith.addf %get3A_17, %get3A_22 : vector<10240xf32>
    %get3A_24 = arith.constant 1 : index
    %get3A_25 = arith.constant 0 : index
    %get3A_26 = arith.constant 0 : index
    %get3A_27 = vector.load %arg0[%get3A_24, %get3A_25, %get3A_26] : memref<4x1x10240xf32, #tpu.memory_space<vmem>>, vector<1x1x10240xf32>
    %get3A_28 = vector.shape_cast %get3A_27 : vector<1x1x10240xf32> to vector<10240xf32>
    %get3A_29 = arith.constant 3 : index
    %get3A_30 = arith.constant 0 : index
    %get3A_31 = arith.constant 0 : index
    %get3A_32 = vector.load %arg0[%get3A_29, %get3A_30, %get3A_31] : memref<4x1x10240xf32, #tpu.memory_space<vmem>>, vector<1x1x10240xf32>
    %get3A_33 = vector.shape_cast %get3A_32 : vector<1x1x10240xf32> to vector<10240xf32>
    %add3A_34 = arith.addf %get3A_28, %get3A_33 : vector<10240xf32>
    %get3A_35 = arith.constant 0 : index
    %get3A_36 = vector.load %arg2[%get3A_35] : memref<128xf32, #tpu.memory_space<vmem>>, vector<128xf32>
    %broadcast_in_dim3A_37 = vector.shape_cast %get3A_36 : vector<128xf32> to vector<1x128xf32>
    %get3A_38 = arith.constant 0 : index
    %get3A_39 = arith.constant 0 : index
    %get3A_40 = vector.load %arg3[%get3A_38, %get3A_39] : memref<128x1xf32, #tpu.memory_space<vmem>>, vector<128x1xf32>
    %dot_general3A = arith.constant dense<0.000000e+00> : vector<1x1xf32>
    %dot_general3A_41 = tpu.matmul %broadcast_in_dim3A_37, %get3A_40, %dot_general3A {dimension_numbers = #tpu.dot_dimension_numbers<[1], [0], [0], [1], [0, 0, 1, 1], [], []>, transpose_lhs_hint = false} : vector<1x128xf32>, vector<128x1xf32>, vector<1x1xf32> -> vector<1x1xf32>
    %squeeze3A = vector.extract %dot_general3A_41[0, 0] : f32 from vector<1x1xf32>
    %get3A_42 = arith.constant 0 : index
    %get3A_43 = vector.load %arg4[%get3A_42] : memref<1xf32, #tpu.memory_space<vmem>>, vector<1xf32>
    %get3A_44 = vector.extract %get3A_43[0] : f32 from vector<1xf32>
    %add3A_45 = arith.addf %squeeze3A, %get3A_44 : f32
    %get3A_46 = arith.constant 0 : index
    %get3A_47 = vector.load %arg5[%get3A_46] : memref<128xf32, #tpu.memory_space<vmem>>, vector<128xf32>
    %broadcast_in_dim3A_48 = vector.shape_cast %get3A_47 : vector<128xf32> to vector<1x128xf32>
    %get3A_49 = arith.constant 0 : index
    %get3A_50 = arith.constant 0 : index
    %get3A_51 = vector.load %arg6[%get3A_49, %get3A_50] : memref<128x1xf32, #tpu.memory_space<vmem>>, vector<128x1xf32>
    %dot_general3A_52 = arith.constant dense<0.000000e+00> : vector<1x1xf32>
    %dot_general3A_53 = tpu.matmul %broadcast_in_dim3A_48, %get3A_51, %dot_general3A_52 {dimension_numbers = #tpu.dot_dimension_numbers<[1], [0], [0], [1], [0, 0, 1, 1], [], []>, transpose_lhs_hint = false} : vector<1x128xf32>, vector<128x1xf32>, vector<1x1xf32> -> vector<1x1xf32>
    %squeeze3A_54 = vector.extract %dot_general3A_53[0, 0] : f32 from vector<1x1xf32>
    %get3A_55 = arith.constant 0 : index
    %get3A_56 = vector.load %arg7[%get3A_55] : memref<1xf32, #tpu.memory_space<vmem>>, vector<1xf32>
    %get3A_57 = vector.extract %get3A_56[0] : f32 from vector<1xf32>
    %add3A_58 = arith.addf %squeeze3A_54, %get3A_57 : f32
    %mul3A = arith.mulf %add3A_23, %select_n3A : vector<10240xf32>
    %add3A_59 = vector.broadcast %add3A_45 : f32 to vector<10240xf32>
    %add3A_60 = arith.addf %mul3A, %add3A_59 : vector<10240xf32>
    %swap3A = arith.constant 0 : index
    %swap3A_61 = arith.constant 0 : index
    %swap3A_62 = vector.load %arg8[%swap3A, %swap3A_61] : memref<2x10240xf32, #tpu.memory_space<vmem>>, vector<1x10240xf32>
    %swap3A_63 = vector.shape_cast %swap3A_62 : vector<1x10240xf32> to vector<10240xf32>
    %swap3A_64 = vector.shape_cast %add3A_60 : vector<10240xf32> to vector<1x10240xf32>
    tpu.vector_store %arg8[%swap3A, %swap3A_61], %swap3A_64 {strides = array<i32>} : memref<2x10240xf32, #tpu.memory_space<vmem>>, vector<1x10240xf32>,
    %mul3A_65 = arith.mulf %add3A_34, %select_n3A : vector<10240xf32>
    %add3A_66 = vector.broadcast %add3A_58 : f32 to vector<10240xf32>
    %add3A_67 = arith.addf %mul3A_65, %add3A_66 : vector<10240xf32>
    %swap3A_68 = arith.constant 1 : index
    %swap3A_69 = arith.constant 0 : index
    %swap3A_70 = vector.load %arg8[%swap3A_68, %swap3A_69] : memref<2x10240xf32, #tpu.memory_space<vmem>>, vector<1x10240xf32>
    %swap3A_71 = vector.shape_cast %swap3A_70 : vector<1x10240xf32> to vector<10240xf32>
    %swap3A_72 = vector.shape_cast %add3A_67 : vector<10240xf32> to vector<1x10240xf32>
    tpu.vector_store %arg8[%swap3A_68, %swap3A_69], %swap3A_72 {strides = array<i32>} : memref<2x10240xf32, #tpu.memory_space<vmem>>, vector<1x10240xf32>,
    return
  }
}

</mosaic_0001>

<sc_bundles>
// kernel: kernel.6.cloned.1.call-start
scs
__scs_entry_jumppad:
0x0: {  	(pc) =	sbr.rel $0x88, $3  }
0x1: {  	(tag) =	ssettag $0x0;
	lr =	simm.s32 $0x1  }
0x2: {  	[smem:$0x3F97] =	sst lr;
	_ =	strace $0xD0000000  }
0x3: {  	_ = 	snop  }
0x4: {  	_ = 	snop  }
0x5: {  	_ = 	snop  }
0x6: {  	_ = 	snop  }
0x7: {  	_ = 	snop  }
__scs_overlays_trampoline_lowered:
0x8: {  	[smem:$0x3FA6] =	sst s0  }
0x9: {  	[smem:$0x3FA7] =	sst s1  }
0xa: {  	[smem:$0x3FA8] =	sst s2  }
0xb: {  	[smem:$0x3FA9] =	sst s3  }
0xc: {  	[smem:$0x3FAA] =	sst s4  }
0xd: {  	[smem:$0x3FAB] =	sst s5  }
0xe: {  	[smem:$0x3FAC] =	sst s6  }
0xf: {  	[smem:$0x3FAD] =	sst s7  }
0x10: {  	[smem:$0x3FAE] =	sst s8  }
0x11: {  	[smem:$0x3FAF] =	sst s9;
	s0 =	simm.s32 @!p0 $0x0  }
0x12: {  	s1 =	sld [smem:$0x3F95];
	s0 =	simm.s32 @p0 $0x1  }
0x13: {  	[smem:$0x3FB0] =	sst s0;
	s0 =	simm.s32 @!p1 $0x0  }
0x14: {  	s2 =	sld [smem:$0x3F94];
	s0 =	simm.s32 @p1 $0x1  }
0x15: {  	[smem:$0x3FB1] =	sst s0;
	s0 =	simm.s32 @!p2 $0x0  }
0x16: {  	s3 =	sld [smem:$0x3FDB];
	s0 =	simm.s32 @p2 $0x1  }
0x17: {  	s4 =	simm.s32 $0x1BF5;
	[smem:$0x3FB3] =	sst s0  }
0x18: {  	s0 =	sld [smem:$0x3F96];
	_ =	swait.ge [sflag:s4], $0x0  }
0x19: {  	s7 =	sld [smem:$0x3F97]  }
0x1a: {  	s8 =	sadd.s32 $0xFFFFE003, lr  }
0x1b: {  	s9 =	sadd.s32 $0xFFFFFEF7, lr;
	s5 =	simm.s32 $0xFFFFFFFF;
	p2 =	slt.u32 s8, $0xFFFFF086  }
0x1c: {  	p1 =	slt.u32 s9, $0xF7A;
	s5 =	simm.s32 @!p2 $0x0  }
0x1d: {  	s5 =	simm.s32 @p1 $0x1;
	p0 =	seq.s32 s7, s2  }
0x1e: {  	s7 =	smul.u32 @!p0 $0xF7A, s2;
	p2 =	seq.s32 @!p0 s5, $0x0  }
0x1f: {  	s9 =	smul.u32 $0xF7A, s1;
	s8 =	simm.s32 @!p0 $0x1BF5;
	p2 =	por !p2, p0  }
0x20: {  	[sflag:s8] =	ssyncset.s32 @!p0 $0xFFFFF086;
	s6 =	sadd.s32 @!p0 s3, s7;
	s7 =	simm.s32 @!p0 $0x108  }
0x21: {  	s3 =	sadd.s32 s3, s9;
	s6 =	sadd.s32 @!p0 $0x88, s6;
	s7 =	simm.s32 @p2 $0x1082  }
0x22: {  	[simem:s7], [sflag:s8] =	dma.local @!p0 [hbm:s6], $0xF7A  }
0x23: {  	s9 =	sor.u32 $0xD0000000, s2;
	s6 =	simm.s32 $0x108;
	_ =	swait.ge @!p0 [sflag:s8], $0x0  }
0x24: {  	s3 =	sadd.s32 $0x88, s3;
	s6 =	simm.s32 @!p1 $0x1082;
	[sflag:s4] =	ssyncset.s32 $0xFFFFF086  }
0x25: {  	[simem:s6], [sflag:s4] =	dma.local [hbm:s3], $0xF7A  }
0x26: {  	[smem:$0x3F97] =	sst s1;
	(tag) =	ssettag s2;
	_ =	strace s9  }
0x27: {  	s1 =	sld [smem:$0x3FA7]  }
0x28: {  	s2 =	sld [smem:$0x3FA8]  }
0x29: {  	s4 =	sld [smem:$0x3FAA]  }
0x2a: {  	p0 =	seq.s32 s5, $0x0;
	s5 =	sld [smem:$0x3FAB]  }
0x2b: {  	s6 =	sld [smem:$0x3FAC]  }
0x2c: {  	s7 =	sld [smem:$0x3FAD]  }
0x2d: {  	s3 =	simm.s32 $0x108;
	s8 =	sld [smem:$0x3FAE]  }
0x2e: {  	s3 =	simm.s32 @!p0 $0x1082;
	s9 =	sld [smem:$0x3FAF]  }
0x2f: {  	lr =	sadd.s32 s0, s3;
	s0 =	sld [smem:$0x3FA6]  }
0x30: {  	s3 =	sld [smem:$0x3FA9]  }
0x31: {  	[smem:$0x3FB2] =	sst s10  }
0x32: {  	s10 =	sld [smem:$0x3FB0];
	_ =	sdelay $0x3  }
0x33: {  	p0 =	seq.s32 s10, $0x1;
	s10 =	sld [smem:$0x3FB2];
	_ =	sdelay $0x3  }
0x34: {  	[smem:$0x3FB2] =	sst s10  }
0x35: {  	s10 =	sld [smem:$0x3FB1];
	_ =	sdelay $0x3  }
0x36: {  	p1 =	seq.s32 s10, $0x1;
	s10 =	sld [smem:$0x3FB2];
	_ =	sdelay $0x3  }
0x37: {  	[smem:$0x3FB2] =	sst s10  }
0x38: {  	s10 =	sld [smem:$0x3FB3]  }
0x39: {  	_ = 	snop;
	(pc) =	sbr.ind lr, $3  }
0x3a: {  	_ = 	snop  }
0x3b: {  	_ = 	snop  }
0x3c: {  	p2 =	seq.s32 s10, $0x1;
	s10 =	sld [smem:$0x3FB2]  }
0x3d: {  	_ =	shalt  }
0x3e: {  	_ =	shalt  }
0x3f: {  	_ =	shalt  }
0x40: {  	_ =	shalt  }
0x41: {  	_ =	shalt  }
0x42: {  	_ =	shalt  }
0x43: {  	_ =	shalt  }
0x44: {  	_ =	shalt  }
0x45: {  	_ =	shalt  }
0x46: {  	_ =	shalt  }
0x47: {  	_ =	shalt  }
0x48: {  	_ =	shalt  }
0x49: {  	_ =	shalt  }
0x4a: {  	_ =	shalt  }
0x4b: {  	_ =	shalt  }
0x4c: {  	_ =	shalt  }
0x4d: {  	_ =	shalt  }
0x4e: {  	_ =	shalt  }
0x4f: {  	_ =	shalt  }
0x50: {  	_ =	shalt  }
0x51: {  	_ =	shalt  }
0x52: {  	_ =	shalt  }
0x53: {  	_ =	shalt  }
0x54: {  	_ =	shalt  }
0x55: {  	_ =	shalt  }
0x56: {  	_ =	shalt  }
0x57: {  	_ =	shalt  }
0x58: {  	_ =	shalt  }
0x59: {  	_ =	shalt  }
0x5a: {  	_ =	shalt  }
0x5b: {  	_ =	shalt  }
0x5c: {  	_ =	shalt  }
0x5d: {  	_ =	shalt  }
0x5e: {  	_ =	shalt  }
0x5f: {  	_ =	shalt  }
0x60: {  	_ =	shalt  }
0x61: {  	_ =	shalt  }
0x62: {  	_ =	shalt  }
0x63: {  	_ =	shalt  }
0x64: {  	_ =	shalt  }
0x65: {  	_ =	shalt  }
0x66: {  	_ =	shalt  }
0x67: {  	_ =	shalt  }
0x68: {  	_ =	shalt  }
0x69: {  	_ =	shalt  }
0x6a: {  	_ =	shalt  }
0x6b: {  	_ =	shalt  }
0x6c: {  	_ =	shalt  }
0x6d: {  	_ =	shalt  }
0x6e: {  	_ =	shalt  }
0x6f: {  	_ =	shalt  }
0x70: {  	_ =	shalt  }
0x71: {  	_ =	shalt  }
0x72: {  	_ =	shalt  }
0x73: {  	_ =	shalt  }
0x74: {  	_ =	shalt  }
0x75: {  	_ =	shalt  }
0x76: {  	_ =	shalt  }
0x77: {  	_ =	shalt  }
0x78: {  	_ =	shalt  }
0x79: {  	_ =	shalt  }
0x7a: {  	_ =	shalt  }
0x7b: {  	_ =	shalt  }
0x7c: {  	_ =	shalt  }
0x7d: {  	_ =	shalt  }
0x7e: {  	_ =	shalt  }
0x7f: {  	_ =	shalt  }
0x80: {  	_ =	shalt  }
0x81: {  	_ =	shalt  }
0x82: {  	_ =	shalt  }
0x83: {  	_ =	shalt  }
0x84: {  	_ =	shalt  }
0x85: {  	_ =	shalt  }
0x86: {  	_ =	shalt  }
0x87: {  	_ =	shalt  }
.Lfunc_end0:
.L_simem_size_0:
called_computation_lowered:
.L_overlay_start_0:
0x88: {  	s2 =	sld [smem:$0x3FD9]  }
0x89: {  	s3 =	sld [smem:$0x3FFE];
	_ =	sdelay $0x1  }
0x8a: {  	s1 =	srdreg.scid  }
0x8b: {  	s0 =	sand.u32 $0x1, s1  }
0x8c: {  	s17 =	sshll.u32 s0, $0xA;
	s2 =	sadd.s32 s3, s2  }
0x8d: {  	s2 =	sadd.s32 s2, s17  }
0x8e: {  	[smem:$0x3FBE] =	sst s2  }
0x8f: {  	_ = 	snop  }
0x90: {  	s2 =	sld [smem:$0x3FC8];
	(tm) =	ssettm $0x1  }
0x91: {  	s18 =	sld [smem:$0x3FFB];
	_ =	sdelay $0x3  }
0x92: {  	_ =	strace s18  }
0x93: {  	s3 =	sld [smem:$0x3FFC];
	_ =	sdelay $0x3  }
0x94: {  	_ =	strace s3  }
0x95: {  	s3 =	sld [smem:$0x3FFD];
	_ =	sdelay $0x3  }
0x96: {  	_ =	strace s3  }
0x97: {  	_ =	strace $0x8FFFFFFF  }
0x98: {  	s19 =	sld [smem:$0x3FDB];
	_ =	sdelay $0x1  }
0x99: {  	s4 =	simm.s32 $_scs_section_size  }
0x9a: {  	s5 =	simm.s32 $_size__tile_overlayer_lowered;
	s6 =	simm.s32 $_tile_overlayer_lowered  }
0x9b: {  	s22 =	simm.s32 $0x1BFF;
	s21 =	sshll.u32 s6, $0x1;
	s3 =	sadd.s32 s4, s19  }
0x9c: {  	s7 =	simm.s32 $0x0;
	s20 =	sshll.u32 s5, $0x1;
	s5 =	sadd.s32 s21, s3  }
0x9d: {  	[timem:s7], [sflag:s22] =	dma.local [hbm:s5], s20  }
0x9e: {  	_ =	swait.ge [sflag:s22], s20  }
0x9f: {  	s4 =	ssub.s32 $0x0, s20;
	[sflag:s22] =	ssyncset.done $0x0  }
0xa0: {  	[sflag:s22] =	ssyncadd.s32 s4;
	_ =	sdelay $0x1  }
0xa1: {  	s23 =	simm.s32 $0x1B8B  }
0xa2: {  	_ =	swait.ge [sflag:s23], $0x1  }
0xa3: {  	[sflag:s23] =	ssyncset.done $0x0  }
0xa4: {  	s25 =	simm.s32 $0x1B8E;
	s24 =	sld [smem:$0x3FFE];
	[sflag:s23] =	ssyncadd.s32 $0xFFFFFFFF  }
0xa5: {  	s26 =	simm.s32 $execute0_lowered;
	[smem:$0x3FD2] =	sst s25  }
0xa6: {  	s5 =	sshll.u32 s26, $0x1;
	_ =	strace $0x80000046;
	[dreg:$0x1] =	wrdreg $0xFFFFFFFF  }
0xa7: {  	s28 =	simm.s32 $_size_execute0_lowered;
	s3 =	sadd.s32 s3, s5;
	[dreg:$0x0] =	wrdreg $0x0  }
0xa8: {  	s5 =	sshll.u32 s28, $0x1;
	[dreg:$0x2] =	wrdreg s3  }
0xa9: {  	[dreg:$0x3] =	wrdreg s5  }
0xaa: {  	[dreg:$0x4] =	wrdreg $0xC0  }
0xab: {  	_ =	task [dreg:s7], $0x5FFFF  }
0xac: {  	[dreg:$0x1] =	wrdreg $0xFFFFFFFF  }
0xad: {  	[dreg:$0x0] =	wrdreg $0x60  }
0xae: {  	[dreg:$0x2] =	wrdreg s2  }
0xaf: {  	[dreg:$0x3] =	wrdreg s24  }
0xb0: {  	[dreg:$0x4] =	wrdreg $0x53000  }
0xb1: {  	[dreg:$0x5] =	wrdreg $0x55800  }
0xb2: {  	[dreg:$0x6] =	wrdreg $0x9  }
0xb3: {  	_ =	task.clear_ibuf [dreg:s7], $0x7FFFF;
	_ =	strace $0x90000046  }
0xb4: {  	s29 =	simm.s32 $0x9;
	_ =	strace $0x80000048  }
0xb5: {  	_ =	swait.ge [sflag:s29], $0x1  }
0xb6: {  	[sflag:s29] =	ssyncadd.s32 $0xFFFFFFFF  }
0xb7: {  	_ =	strace $0x90000048  }
0xb8: {  	_ =	sfence  }
0xb9: {  	s30 =	sld [smem:$0x0];
	_ =	sdelay $0x2  }
0xba: {  	s31 =	sshll.u32 s1, $0xD;
	s1 =	sshrl.u32 s1, $0x2  }
0xbb: {  	s3 =	sand.u32 $0x4000, s31;
	s1 =	sadd.s32 s1, s30  }
0xbc: {  	s0 =	sor.u32 s3, s0;
	s1 =	sshll.u32 s1, $0x11  }
0xbd: {  	s0 =	sor.u32 s1, s0  }
0xbe: {  	s0 =	sadd.s32 $0x8F2B, s0  }
0xbf: {  	[sflag:s0] =	ssyncadd.remote.s32 $0x1  }
0xc0: {  	_ =	sfence.sel $0xFFFF  }
0xc1: {  	[dreg:$0x0] =	wrdreg $0xFFFFFFFF;
	(pc) =	sbr.abs _section_cstart, $3  }
0xc2: {  	[dreg:$0x1] =	wrdreg $0xFFFFFFFF  }
0xc3: {  	_ =	task.clear_ibuf [dreg:s7], $0x2FFFF;
	_ =	strace $0x9FFFFFFF  }
0xc4: {  	(tm) =	ssettm $0x7FFFFFFF  }
0xc5: {  	_ =	shalt  }
tec
execute0_lowered:
.L_overlay_start_1:
0x0: {  	(tag) =	ssettag $0x1  }
0x1: {  	s13 =	rddreg [dreg:$0x0]  }
0x2: {  	s5 =	rddreg [dreg:$0x1]  }
0x3: {  	s1 =	srdreg.scid;
	s2 =	rddreg [dreg:$0x2]  }
0x4: {  	s0 =	stileid.u32;
	s3 =	rddreg [dreg:$0x3]  }
0x5: {  	s4 =	simm.s32 $0x0;
	s17 =	simm.s32 $0x5080;
	s18 =	simm.s32 $0x2  }
0x6: {  	s19 =	simm.s32 $0x80;
	s20 =	simm.s32 $0x100;
	s21 =	simm.s32 $0x2800  }
0x7: {  	s23 =	simm.s32 $0x0;
	s6 =	sand.u32 $0x1, s1;
	s8 =	smul.u32 $0x280, s0  }
0x8: {  	[smem:$0x7FF] =	sst s4;
	s9 =	sshll.u32 s0, $0x1;
	p1 =	slt.u32 s0, $0xC  }
0x9: {  	s12 =	sadd.s32 $0x13800, s13;
	s7 =	smul.u32 $0x5000, s6;
	s30 =	ssub.s32 $0x2, s6  }
0xa: {  	_ =	strace $0x80000047;
	s22 =	sor.u32 s6, s9;
	s31 =	sshrl.u32 s30, $0x1  }
0xb: {  	p0 =	seq.s32 s22, $0x18;
	s9 =	smul.u32 $0x900, s22;
	s10 =	sshll.u32 s22, $0x8  }
0xc: {  	s6 =	sadd.s32 s8, s2;
	s7 =	sadd.s32 s8, s7;
	s16 =	ssub.s32 s30, s31  }
0xd: {  	s11 =	sadd.s32 s10, s13;
	s8 =	sadd.s32 s8, s3;
	s7 =	sshrl.u32 s7, $0x3  }
0xe: {  	s10 =	sadd.s32 $0x12000, s11;
	s11 =	sadd.s32 $0x12010, s11;
	s16 =	smax.u32 s16, $0x1  }
0xf: {  	s15 =	sadd.s32 s7, s5;
	s5 =	simm.s32 $0x4C;
	s7 =	sadd.s32 s13, s9  }
0x10: {  	s13 =	sadd.s32 $0x13810, s13;
	s5 =	simm.s32 @!p0 $0x48;
	s9 =	sadd.s32 $0x10, s7  }
0x11: {  	s14 =	sadd.s32 $0x1E00, s15;
	s15 =	sadd.s32 $0x2300, s15;
	p0 =	sgt.u32 s0, $0xB  }
0x12: {  	v0 =	vimm.f32 $1.000000000e+00;
	v1 =	vimm.f32 $0.0e+00;
	s5 =	simm.s32 @p1 $0x50;
	p1 =	sne.s32 s22, $0x18;
	s22 =	simm.s32 $0x1  }
.LBB2_1:
0x13: {  	[tilespmem:$0x5000] =	vst v0  }
0x14: {  	[tilespmem:$0x5010] =	vst v0  }
0x15: {  	[tilespmem:$0x5020] =	vst v0  }
0x16: {  	[tilespmem:$0x5030] =	vst v0  }
0x17: {  	[tilespmem:$0x5040] =	vst v0  }
0x18: {  	[tilespmem:$0x5050] =	vst v0  }
0x19: {  	[tilespmem:$0x5060] =	vst v0  }
0x1a: {  	[tilespmem:$0x5070] =	vst v0  }
0x1b: {  	[tilespmem:$0x5080] =	vst v1  }
0x1c: {  	[tilespmem:$0x5090] =	vst v1  }
0x1d: {  	[tilespmem:$0x50A0] =	vst v1  }
0x1e: {  	[tilespmem:$0x50B0] =	vst v1  }
0x1f: {  	[tilespmem:$0x50C0] =	vst v1  }
0x20: {  	[tilespmem:$0x50D0] =	vst v1  }
0x21: {  	[tilespmem:$0x50E0] =	vst v1  }
0x22: {  	[tilespmem:$0x50F0] =	vst v1  }
0x23: {  	[tilespmem:$0x5100] =	vst v1  }
0x24: {  	[tilespmem:$0x5110] =	vst v1  }
0x25: {  	[tilespmem:$0x5120] =	vst v1  }
0x26: {  	[tilespmem:$0x5130] =	vst v1  }
0x27: {  	[tilespmem:$0x5140] =	vst v1  }
0x28: {  	[tilespmem:$0x5150] =	vst v1  }
0x29: {  	[tilespmem:$0x5160] =	vst v1  }
0x2a: {  	[tilespmem:$0x5170] =	vst v1  }
0x2b: {  	[tilespmem:$0x5180] =	vst v1  }
0x2c: {  	[tilespmem:$0x5190] =	vst v1  }
0x2d: {  	[tilespmem:$0x51A0] =	vst v1  }
0x2e: {  	[tilespmem:$0x51B0] =	vst v1  }
0x2f: {  	[tilespmem:$0x51C0] =	vst v1  }
0x30: {  	[tilespmem:$0x51D0] =	vst v1  }
0x31: {  	[tilespmem:$0x51E0] =	vst v1  }
0x32: {  	[tilespmem:$0x51F0] =	vst v1  }
0x33: {  	[tilespmem:$0x5200] =	vst v1  }
0x34: {  	[tilespmem:$0x5210] =	vst v1  }
0x35: {  	[tilespmem:$0x5220] =	vst v1  }
0x36: {  	[tilespmem:$0x5230] =	vst v1  }
0x37: {  	[tilespmem:$0x5240] =	vst v1  }
0x38: {  	[tilespmem:$0x5250] =	vst v1  }
0x39: {  	[tilespmem:$0x5260] =	vst v1  }
0x3a: {  	[tilespmem:$0x5270] =	vst v1  }
0x3b: {  	[tilespmem:$0x5280] =	vst v1  }
0x3c: {  	[tilespmem:$0x5290] =	vst v1  }
0x3d: {  	[tilespmem:$0x52A0] =	vst v1  }
0x3e: {  	[tilespmem:$0x52B0] =	vst v1  }
0x3f: {  	[tilespmem:$0x52C0] =	vst v1  }
0x40: {  	[tilespmem:$0x52D0] =	vst v1  }
0x41: {  	[tilespmem:$0x52E0] =	vst v1  }
0x42: {  	[tilespmem:$0x52F0] =	vst v1  }
0x43: {  	[spmem:s6] =	stream.linear.scatter [tilespmem:s17], [sflag:$0x2], $0x280, $0x38;
	[tilespmem:$0x5800] =	vst v63  }
0x44: {  	_ =	swait.ge [sflag:s18], $0x280  }
0x45: {  	[sflag:s18] =	ssyncset.done $0x0  }
0x46: {  	[sflag:s18] =	ssyncadd.s32 $0xFFFFFD80  }
0x47: {  	[spmem:s8] =	stream.linear.scatter [tilespmem:s17], [sflag:$0x2], $0x280, $0x38;
	[tilespmem:$0x5800] =	vst v63  }
0x48: {  	_ =	swait.ge [sflag:s18], $0x280  }
0x49: {  	[sflag:s18] =	ssyncset.done $0x0  }
0x4a: {  	[sflag:s18] =	ssyncadd.s32 $0xFFFFFD80  }
0x4b: {  	[tilespmem:s4], [sflag:$0x2] =	stream.strided.gather [hbm4b:s7+s19], $0x2400, s20, s19, $0x38;
	[tilespmem:$0x5800] =	vst v63  }
0x4c: {  	_ =	swait.ge [sflag:s18], $0x2400  }
0x4d: {  	[sflag:s18] =	ssyncset.done $0x0  }
0x4e: {  	[sflag:s18] =	ssyncadd.s32 $0xFFFFDC00  }
0x4f: {  	[tilespmem:s21], [sflag:$0x2] =	stream.strided.gather [hbm4b:s9+s19], $0x2400, s20, s19, $0x38;
	[tilespmem:$0x5800] =	vst v63  }
0x50: {  	_ =	swait.ge [sflag:s18], $0x2400  }
0x51: {  	s24 =	simm.s32 @!p0 $0x80;
	[sflag:s18] =	ssyncset.done $0x0  }
0x52: {  	s25 =	simm.s32 @!p0 $0x100;
	s26 =	simm.s32 @!p0 $0x2400;
	[sflag:s18] =	ssyncadd.s32 $0xFFFFDC00  }
0x53: {  	[tilespmem:s26], [sflag:$0x2] =	stream.strided.gather @!p0 [hbm4b:s10+s24], $0x400, s25, s24, $0x38;
	[tilespmem:$0x5800] =	vst v63  }
0x54: {  	s26 =	simm.s32 @!p0 $0x2  }
0x55: {  	_ =	swait.ge @!p0 [sflag:s26], $0x400  }
0x56: {  	[sflag:s26] =	ssyncset.done @!p0 $0x0  }
0x57: {  	s28 =	simm.s32 @!p0 $0x4C00;
	[sflag:s26] =	ssyncadd.s32 @!p0 $0xFFFFFC00  }
0x58: {  	[tilespmem:s28], [sflag:$0x2] =	stream.strided.gather @!p0 [hbm4b:s11+s24], $0x400, s25, s24, $0x38;
	[tilespmem:$0x5800] =	vst v63  }
0x59: {  	_ =	swait.ge @!p0 [sflag:s26], $0x400  }
0x5a: {  	s24 =	simm.s32 @!p1 $0x80;
	[sflag:s26] =	ssyncset.done @!p0 $0x0  }
0x5b: {  	s25 =	simm.s32 @!p1 $0x100;
	[sflag:s26] =	ssyncadd.s32 @!p0 $0xFFFFFC00;
	s26 =	simm.s32 @!p1 $0x2400  }
0x5c: {  	[tilespmem:s26], [sflag:$0x2] =	stream.strided.gather @!p1 [hbm4b:s12+s24], $0x200, s25, s24, $0x38;
	[tilespmem:$0x5800] =	vst v63  }
0x5d: {  	s26 =	simm.s32 @!p1 $0x2  }
0x5e: {  	_ =	swait.ge @!p1 [sflag:s26], $0x200  }
0x5f: {  	[sflag:s26] =	ssyncset.done @!p1 $0x0  }
0x60: {  	s28 =	simm.s32 @!p1 $0x4C00;
	[sflag:s26] =	ssyncadd.s32 @!p1 $0xFFFFFE00  }
0x61: {  	[tilespmem:s28], [sflag:$0x2] =	stream.strided.gather @!p1 [hbm4b:s13+s24], $0x200, s25, s24, $0x38;
	[tilespmem:$0x5800] =	vst v63  }
0x62: {  	p3 =	sle.u32 s5, $0x0;
	_ =	swait.ge @!p1 [sflag:s26], $0x200  }
0x63: {  	p2 =	por @!p3 $0x1, $0x1;
	[sflag:s26] =	ssyncset.done @!p1 $0x0  }
0x64: {  	p2 =	por p2, p3;
	[sflag:s26] =	ssyncadd.s32 @!p1 $0xFFFFFE00  }
0x65: {  	s24 =	simm.s32 @!p3 $0x80;
	s25 =	simm.s32 @!p3 $0x5000;
	[bflag:$0x0] =	sbarrier.arrive $0xFFFF  }
0x66: {  	[spmem:s2] =	stream.indirect.scatter.add.f32 @!p3 [tilespmem:s25], [sflag:$0x1], $0x1, s4, s24, $0xb8;
	[tilespmem:$0x5800] =	vst v63  }
0x67: {  	s28 =	simm.s32 @!p2 $0x1  }
0x68: {  	[spmem:s3] =	stream.indirect.scatter.add.f32 @!p3 [tilespmem:s25], [sflag:$0x1], $0x1, s21, s24, $0xb8;
	[tilespmem:$0x5800] =	vst v63  }
0x69: {  	_ =	swait.ge @!p2 [sflag:s28], $0x80  }
0x6a: {  	s29 =	simm.s32 $0x2;
	s26 =	simm.s32 $0x1;
	[sflag:s28] =	ssyncset.done @!p2 $0x0  }
0x6b: {  	s25 =	simm.s32 $0x80;
	s24 =	simm.s32 $0x2880;
	[sflag:s28] =	ssyncadd.s32 @!p2 $0xFFFFFF80  }
.LBB2_2:
0x6c: {  	p4 =	sge.u32 s26, s5  }
0x6d: {  	_ =	swait.ge @!p2 [sflag:s28], $0x80;
	s30 =	smov.u32 s29;
	s29 =	sadd.s32 $0x1, s29  }
0x6e: {  	s31 =	simm.s32 @!p4 $0x80;
	s1 =	simm.s32 @!p4 $0x5000;
	[sflag:s28] =	ssyncset.done @!p2 $0x0  }
0x6f: {  	p3 =	sne.s32 s29, $0x50;
	p5 =	slt.u32 @!p4 s26, $0x8;
	[sflag:s28] =	ssyncadd.s32 @!p2 $0xFFFFFF80  }
0x70: {  	[spmem:s2] =	stream.indirect.scatter.add.f32 @!p4 [tilespmem:s1], [sflag:$0x1], $0x1, s25, s31, $0xb8;
	[tilespmem:$0x5800] =	vst v63  }
0x71: {  	s26 =	smov.u32 s30;
	p2 =	por p5, p4  }
0x72: {  	[spmem:s3] =	stream.indirect.scatter.add.f32 @!p4 [tilespmem:s1], [sflag:$0x1], $0x1, s24, s31, $0xb8;
	[tilespmem:$0x5800] =	vst v63  }
.Ltmp0:
0x73: {  	_ = 	snop;
	(pc) =	sbr.rel @p3 .LBB2_2-.Ltmp0, $4  }
0x74: {  	s28 =	simm.s32 @!p2 $0x1  }
0x75: {  	_ =	swait.ge @!p2 [sflag:s28], $0x80  }
0x76: {  	[sflag:s28] =	ssyncset.done @!p2 $0x0  }
0x77: {  	s25 =	sadd.s32 $0x80, s25;
	s24 =	sadd.s32 $0x80, s24;
	[sflag:s28] =	ssyncadd.s32 @!p2 $0xFFFFFF80  }
0x78: {  	p3 =	sge.u32 s26, s5;
	_ =	swait.ge @!p2 [sflag:s28], $0x80  }
0x79: {  	s1 =	simm.s32 @!p3 $0x80;
	[sflag:s28] =	ssyncset.done @!p2 $0x0  }
0x7a: {  	s29 =	simm.s32 @!p3 $0x5000;
	p4 =	slt.u32 @!p3 s26, $0x8;
	[sflag:s28] =	ssyncadd.s32 @!p2 $0xFFFFFF80  }
0x7b: {  	[spmem:s2] =	stream.indirect.scatter.add.f32 @!p3 [tilespmem:s29], [sflag:$0x1], $0x1, s25, s1, $0xb8;
	[tilespmem:$0x5800] =	vst v63  }
0x7c: {  	p2 =	por p4, p3  }
0x7d: {  	[spmem:s3] =	stream.indirect.scatter.add.f32 @!p3 [tilespmem:s29], [sflag:$0x1], $0x1, s24, s1, $0xb8;
	[tilespmem:$0x5800] =	vst v63  }
0x7e: {  	s1 =	simm.s32 @!p2 $0x1  }
0x7f: {  	_ =	swait.ge @!p2 [sflag:s1], $0x80  }
0x80: {  	[sflag:s1] =	ssyncset.done @!p2 $0x0  }
0x81: {  	[sflag:s1] =	ssyncadd.s32 @!p2 $0xFFFFFF80  }
0x82: {  	_ =	swait.ge @!p2 [sflag:s1], $0x80  }
0x83: {  	[sflag:s1] =	ssyncset.done @!p2 $0x0  }
0x84: {  	[sflag:s1] =	ssyncadd.s32 @!p2 $0xFFFFFF80  }
0x85: {  	_ =	swait.ge [sflag:s22], $0x80  }
0x86: {  	[sflag:s22] =	ssyncset.done $0x0  }
0x87: {  	[sflag:s22] =	ssyncadd.s32 $0xFFFFFF80  }
0x88: {  	_ =	swait.ge [sflag:s22], $0x80  }
0x89: {  	[sflag:s22] =	ssyncset.done $0x0  }
0x8a: {  	[sflag:s22] =	ssyncadd.s32 $0xFFFFFF80  }
0x8b: {  	_ =	swait.ge [sflag:s22], $0x80  }
0x8c: {  	[sflag:s22] =	ssyncset.done $0x0  }
0x8d: {  	[sflag:s22] =	ssyncadd.s32 $0xFFFFFF80  }
0x8e: {  	_ =	swait.ge [sflag:s22], $0x80  }
0x8f: {  	[sflag:s22] =	ssyncset.done $0x0  }
0x90: {  	[sflag:s22] =	ssyncadd.s32 $0xFFFFFF80  }
0x91: {  	_ =	swait.ge [sflag:s22], $0x80  }
0x92: {  	[sflag:s22] =	ssyncset.done $0x0  }
0x93: {  	[sflag:s22] =	ssyncadd.s32 $0xFFFFFF80  }
0x94: {  	_ =	swait.ge [sflag:s22], $0x80  }
0x95: {  	[sflag:s22] =	ssyncset.done $0x0  }
0x96: {  	[sflag:s22] =	ssyncadd.s32 $0xFFFFFF80  }
0x97: {  	_ =	swait.ge [sflag:s22], $0x80  }
0x98: {  	[sflag:s22] =	ssyncset.done $0x0  }
0x99: {  	[sflag:s22] =	ssyncadd.s32 $0xFFFFFF80  }
0x9a: {  	_ =	swait.ge [sflag:s22], $0x80  }
0x9b: {  	[sflag:s22] =	ssyncset.done $0x0  }
0x9c: {  	[sflag:s22] =	ssyncadd.s32 $0xFFFFFF80  }
0x9d: {  	_ =	swait.ge [sflag:s22], $0x80  }
0x9e: {  	[sflag:s22] =	ssyncset.done $0x0  }
0x9f: {  	[sflag:s22] =	ssyncadd.s32 $0xFFFFFF80  }
0xa0: {  	_ =	swait.ge [sflag:s22], $0x80  }
0xa1: {  	[sflag:s22] =	ssyncset.done $0x0  }
0xa2: {  	[sflag:s22] =	ssyncadd.s32 $0xFFFFFF80  }
0xa3: {  	_ =	swait.ge [sflag:s22], $0x80  }
0xa4: {  	[sflag:s22] =	ssyncset.done $0x0  }
0xa5: {  	[sflag:s22] =	ssyncadd.s32 $0xFFFFFF80  }
0xa6: {  	_ =	swait.ge [sflag:s22], $0x80  }
0xa7: {  	[sflag:s22] =	ssyncset.done $0x0  }
0xa8: {  	[sflag:s22] =	ssyncadd.s32 $0xFFFFFF80  }
0xa9: {  	_ =	swait.ge [sflag:s22], $0x80  }
0xaa: {  	[sflag:s22] =	ssyncset.done $0x0  }
0xab: {  	[sflag:s22] =	ssyncadd.s32 $0xFFFFFF80  }
0xac: {  	_ =	swait.ge [sflag:s22], $0x80  }
0xad: {  	[sflag:s22] =	ssyncset.done $0x0  }
0xae: {  	[sflag:s22] =	ssyncadd.s32 $0xFFFFFF80  }
0xaf: {  	_ =	swait.ge [sflag:s22], $0x80  }
0xb0: {  	[sflag:s22] =	ssyncset.done $0x0  }
0xb1: {  	[sflag:s22] =	ssyncadd.s32 $0xFFFFFF80  }
0xb2: {  	_ =	swait.ge [sflag:s22], $0x80  }
0xb3: {  	[sflag:s22] =	ssyncset.done $0x0  }
0xb4: {  	s29 =	sshll.u32 s0, $0x6;
	[sflag:s22] =	ssyncadd.s32 $0xFFFFFF80  }
0xb5: {  	s30 =	sshrl.u32 s6, $0x3;
	s1 =	sor.u32 $0x1C02, s29;
	[bflag:$0x0] =	sbarrier.arrive $0xFFFF  }
0xb6: {  	[hbm:s14], [sflag:s1] =	dma.local [spmem:s30], $0x50  }
0xb7: {  	s23 =	sadd.s32 $0x1, s23;
	_ =	swait.ge [sflag:s18], $0x50  }
0xb8: {  	p2 =	sne.s32 s23, s16;
	[sflag:s18] =	ssyncset.done $0x0  }
.Ltmp1:
0xb9: {  	s31 =	sshrl.u32 s8, $0x3;
	[sflag:s18] =	ssyncadd.s32 $0xFFFFFFB0;
	(pc) =	sbr.rel @p2 .LBB2_1-.Ltmp1, $4  }
0xba: {  	[hbm:s15], [sflag:s1] =	dma.local [spmem:s31], $0x50  }
0xbb: {  	_ =	swait.ge [sflag:s18], $0x50  }
0xbc: {  	[sflag:s18] =	ssyncset.done $0x0  }
0xbd: {  	[sflag:s18] =	ssyncadd.s32 $0xFFFFFFB0  }
0xbe: {  	_ =	sfence.sel $0x180000  }
0xbf: {  	[bflag:$0x0] =	sbarrier.arrive $0xFFFF  }
0xc0: {  	_ =	strace $0x90000047  }
0xc1: {  	[bflag:$0x2] =	sbarrier.arrive $0xFFFF  }
0xc2: {  	p0 =	sne.s32 s0, $0x0;
	s0 =	rddreg [dreg:$0x4]  }
0xc3: {  	s0 =	sadd.s32 @!p0 $0x100000, s0  }
0xc4: {  	[sflag:s0] =	ssyncadd.tile.s32 @!p0 $0x1;
	_ =	shalt  }
.Lfunc_end2:
_tile_overlayer_lowered:
.L_overlay_start_2:
0xc5: {  	(tag) =	ssettag $0x2  }
0xc6: {  	s0 =	rddreg [dreg:$0x0];
	s2 =	stileid.u32  }
0xc7: {  	s1 =	rddreg [dreg:$0x1];
	p0 =	sne.s32 s2, $0x0  }
0xc8: {  	s3 =	rddreg [dreg:$0x2];
	[bflag:$0x3] =	sbarrier.arrive $0xFFFF;
	s2 =	simm.s32 @!p0 $0x1C02  }
0xc9: {  	[timem:s3], [sflag:s2] =	dma.local @!p0 [hbm:s0], s1  }
0xca: {  	s0 =	simm.s32 @!p0 $0x2  }
0xcb: {  	_ =	swait.ge @!p0 [sflag:s0], s1  }
0xcc: {  	s1 =	ssub.s32 @!p0 $0x0, s1;
	[sflag:s0] =	ssyncset.done @!p0 $0x0  }
0xcd: {  	[sflag:s0] =	ssyncadd.s32 @!p0 s1  }
0xce: {  	[bflag:$0x3] =	sbarrier.arrive $0xFFFF  }
0xcf: {  	_ =	shalt  }

// kernel: kernel.9.cloned.1.call-start
scs
__scs_entry_jumppad:
0x0: {  	(pc) =	sbr.rel $0x88, $3  }
0x1: {  	(tag) =	ssettag $0x0;
	lr =	simm.s32 $0x1  }
0x2: {  	[smem:$0x3F97] =	sst lr;
	_ =	strace $0xD0000000  }
0x3: {  	_ = 	snop  }
0x4: {  	_ = 	snop  }
0x5: {  	_ = 	snop  }
0x6: {  	_ = 	snop  }
0x7: {  	_ = 	snop  }
__scs_overlays_trampoline_lowered:
0x8: {  	[smem:$0x3FA6] =	sst s0  }
0x9: {  	[smem:$0x3FA7] =	sst s1  }
0xa: {  	[smem:$0x3FA8] =	sst s2  }
0xb: {  	[smem:$0x3FA9] =	sst s3  }
0xc: {  	[smem:$0x3FAA] =	sst s4  }
0xd: {  	[smem:$0x3FAB] =	sst s5  }
0xe: {  	[smem:$0x3FAC] =	sst s6  }
0xf: {  	[smem:$0x3FAD] =	sst s7  }
0x10: {  	[smem:$0x3FAE] =	sst s8  }
0x11: {  	[smem:$0x3FAF] =	sst s9;
	s0 =	simm.s32 @!p0 $0x0  }
0x12: {  	s1 =	sld [smem:$0x3F95];
	s0 =	simm.s32 @p0 $0x1  }
0x13: {  	[smem:$0x3FB0] =	sst s0;
	s0 =	simm.s32 @!p1 $0x0  }
0x14: {  	s2 =	sld [smem:$0x3F94];
	s0 =	simm.s32 @p1 $0x1  }
0x15: {  	[smem:$0x3FB1] =	sst s0;
	s0 =	simm.s32 @!p2 $0x0  }
0x16: {  	s3 =	sld [smem:$0x3FDB];
	s0 =	simm.s32 @p2 $0x1  }
0x17: {  	s4 =	simm.s32 $0x1BF5;
	[smem:$0x3FB3] =	sst s0  }
0x18: {  	s0 =	sld [smem:$0x3F96];
	_ =	swait.ge [sflag:s4], $0x0  }
0x19: {  	s7 =	sld [smem:$0x3F97]  }
0x1a: {  	s8 =	sadd.s32 $0xFFFFE003, lr  }
0x1b: {  	s9 =	sadd.s32 $0xFFFFFEF7, lr;
	s5 =	simm.s32 $0xFFFFFFFF;
	p2 =	slt.u32 s8, $0xFFFFF086  }
0x1c: {  	p1 =	slt.u32 s9, $0xF7A;
	s5 =	simm.s32 @!p2 $0x0  }
0x1d: {  	s5 =	simm.s32 @p1 $0x1;
	p0 =	seq.s32 s7, s2  }
0x1e: {  	s7 =	smul.u32 @!p0 $0xF7A, s2;
	p2 =	seq.s32 @!p0 s5, $0x0  }
0x1f: {  	s9 =	smul.u32 $0xF7A, s1;
	s8 =	simm.s32 @!p0 $0x1BF5;
	p2 =	por !p2, p0  }
0x20: {  	[sflag:s8] =	ssyncset.s32 @!p0 $0xFFFFF086;
	s6 =	sadd.s32 @!p0 s3, s7;
	s7 =	simm.s32 @!p0 $0x108  }
0x21: {  	s3 =	sadd.s32 s3, s9;
	s6 =	sadd.s32 @!p0 $0x88, s6;
	s7 =	simm.s32 @p2 $0x1082  }
0x22: {  	[simem:s7], [sflag:s8] =	dma.local @!p0 [hbm:s6], $0xF7A  }
0x23: {  	s9 =	sor.u32 $0xD0000000, s2;
	s6 =	simm.s32 $0x108;
	_ =	swait.ge @!p0 [sflag:s8], $0x0  }
0x24: {  	s3 =	sadd.s32 $0x88, s3;
	s6 =	simm.s32 @!p1 $0x1082;
	[sflag:s4] =	ssyncset.s32 $0xFFFFF086  }
0x25: {  	[simem:s6], [sflag:s4] =	dma.local [hbm:s3], $0xF7A  }
0x26: {  	[smem:$0x3F97] =	sst s1;
	(tag) =	ssettag s2;
	_ =	strace s9  }
0x27: {  	s1 =	sld [smem:$0x3FA7]  }
0x28: {  	s2 =	sld [smem:$0x3FA8]  }
0x29: {  	s4 =	sld [smem:$0x3FAA]  }
0x2a: {  	p0 =	seq.s32 s5, $0x0;
	s5 =	sld [smem:$0x3FAB]  }
0x2b: {  	s6 =	sld [smem:$0x3FAC]  }
0x2c: {  	s7 =	sld [smem:$0x3FAD]  }
0x2d: {  	s3 =	simm.s32 $0x108;
	s8 =	sld [smem:$0x3FAE]  }
0x2e: {  	s3 =	simm.s32 @!p0 $0x1082;
	s9 =	sld [smem:$0x3FAF]  }
0x2f: {  	lr =	sadd.s32 s0, s3;
	s0 =	sld [smem:$0x3FA6]  }
0x30: {  	s3 =	sld [smem:$0x3FA9]  }
0x31: {  	[smem:$0x3FB2] =	sst s10  }
0x32: {  	s10 =	sld [smem:$0x3FB0];
	_ =	sdelay $0x3  }
0x33: {  	p0 =	seq.s32 s10, $0x1;
	s10 =	sld [smem:$0x3FB2];
	_ =	sdelay $0x3  }
0x34: {  	[smem:$0x3FB2] =	sst s10  }
0x35: {  	s10 =	sld [smem:$0x3FB1];
	_ =	sdelay $0x3  }
0x36: {  	p1 =	seq.s32 s10, $0x1;
	s10 =	sld [smem:$0x3FB2];
	_ =	sdelay $0x3  }
0x37: {  	[smem:$0x3FB2] =	sst s10  }
0x38: {  	s10 =	sld [smem:$0x3FB3]  }
0x39: {  	_ = 	snop;
	(pc) =	sbr.ind lr, $3  }
0x3a: {  	_ = 	snop  }
0x3b: {  	_ = 	snop  }
0x3c: {  	p2 =	seq.s32 s10, $0x1;
	s10 =	sld [smem:$0x3FB2]  }
0x3d: {  	_ =	shalt  }
0x3e: {  	_ =	shalt  }
0x3f: {  	_ =	shalt  }
0x40: {  	_ =	shalt  }
0x41: {  	_ =	shalt  }
0x42: {  	_ =	shalt  }
0x43: {  	_ =	shalt  }
0x44: {  	_ =	shalt  }
0x45: {  	_ =	shalt  }
0x46: {  	_ =	shalt  }
0x47: {  	_ =	shalt  }
0x48: {  	_ =	shalt  }
0x49: {  	_ =	shalt  }
0x4a: {  	_ =	shalt  }
0x4b: {  	_ =	shalt  }
0x4c: {  	_ =	shalt  }
0x4d: {  	_ =	shalt  }
0x4e: {  	_ =	shalt  }
0x4f: {  	_ =	shalt  }
0x50: {  	_ =	shalt  }
0x51: {  	_ =	shalt  }
0x52: {  	_ =	shalt  }
0x53: {  	_ =	shalt  }
0x54: {  	_ =	shalt  }
0x55: {  	_ =	shalt  }
0x56: {  	_ =	shalt  }
0x57: {  	_ =	shalt  }
0x58: {  	_ =	shalt  }
0x59: {  	_ =	shalt  }
0x5a: {  	_ =	shalt  }
0x5b: {  	_ =	shalt  }
0x5c: {  	_ =	shalt  }
0x5d: {  	_ =	shalt  }
0x5e: {  	_ =	shalt  }
0x5f: {  	_ =	shalt  }
0x60: {  	_ =	shalt  }
0x61: {  	_ =	shalt  }
0x62: {  	_ =	shalt  }
0x63: {  	_ =	shalt  }
0x64: {  	_ =	shalt  }
0x65: {  	_ =	shalt  }
0x66: {  	_ =	shalt  }
0x67: {  	_ =	shalt  }
0x68: {  	_ =	shalt  }
0x69: {  	_ =	shalt  }
0x6a: {  	_ =	shalt  }
0x6b: {  	_ =	shalt  }
0x6c: {  	_ =	shalt  }
0x6d: {  	_ =	shalt  }
0x6e: {  	_ =	shalt  }
0x6f: {  	_ =	shalt  }
0x70: {  	_ =	shalt  }
0x71: {  	_ =	shalt  }
0x72: {  	_ =	shalt  }
0x73: {  	_ =	shalt  }
0x74: {  	_ =	shalt  }
0x75: {  	_ =	shalt  }
0x76: {  	_ =	shalt  }
0x77: {  	_ =	shalt  }
0x78: {  	_ =	shalt  }
0x79: {  	_ =	shalt  }
0x7a: {  	_ =	shalt  }
0x7b: {  	_ =	shalt  }
0x7c: {  	_ =	shalt  }
0x7d: {  	_ =	shalt  }
0x7e: {  	_ =	shalt  }
0x7f: {  	_ =	shalt  }
0x80: {  	_ =	shalt  }
0x81: {  	_ =	shalt  }
0x82: {  	_ =	shalt  }
0x83: {  	_ =	shalt  }
0x84: {  	_ =	shalt  }
0x85: {  	_ =	shalt  }
0x86: {  	_ =	shalt  }
0x87: {  	_ =	shalt  }
.Lfunc_end0:
.L_simem_size_0:
called_computation.1_lowered:
.L_overlay_start_0:
0x88: {  	s2 =	sld [smem:$0x3FD9]  }
0x89: {  	s3 =	sld [smem:$0x3FFE];
	_ =	sdelay $0x1  }
0x8a: {  	s1 =	srdreg.scid  }
0x8b: {  	s0 =	sand.u32 $0x1, s1  }
0x8c: {  	s17 =	sshll.u32 s0, $0xA;
	s2 =	sadd.s32 s3, s2  }
0x8d: {  	s2 =	sadd.s32 s2, s17  }
0x8e: {  	[smem:$0x3FBE] =	sst s2  }
0x8f: {  	_ = 	snop  }
0x90: {  	s2 =	sld [smem:$0x3FC8];
	(tm) =	ssettm $0x1  }
0x91: {  	s18 =	sld [smem:$0x3FFB];
	_ =	sdelay $0x3  }
0x92: {  	_ =	strace s18  }
0x93: {  	s3 =	sld [smem:$0x3FFC];
	_ =	sdelay $0x3  }
0x94: {  	_ =	strace s3  }
0x95: {  	s3 =	sld [smem:$0x3FFD];
	_ =	sdelay $0x3  }
0x96: {  	_ =	strace s3  }
0x97: {  	_ =	strace $0x8FFFFFFF  }
0x98: {  	s19 =	sld [smem:$0x3FDB];
	_ =	sdelay $0x1  }
0x99: {  	s4 =	simm.s32 $_scs_section_size  }
0x9a: {  	s5 =	simm.s32 $_size__tile_overlayer_lowered;
	s6 =	simm.s32 $_tile_overlayer_lowered  }
0x9b: {  	s22 =	simm.s32 $0x1BFF;
	s21 =	sshll.u32 s6, $0x1;
	s3 =	sadd.s32 s4, s19  }
0x9c: {  	s7 =	simm.s32 $0x0;
	s20 =	sshll.u32 s5, $0x1;
	s5 =	sadd.s32 s21, s3  }
0x9d: {  	[timem:s7], [sflag:s22] =	dma.local [hbm:s5], s20  }
0x9e: {  	_ =	swait.ge [sflag:s22], s20  }
0x9f: {  	s4 =	ssub.s32 $0x0, s20;
	[sflag:s22] =	ssyncset.done $0x0  }
0xa0: {  	[sflag:s22] =	ssyncadd.s32 s4;
	_ =	sdelay $0x1  }
0xa1: {  	s23 =	simm.s32 $0x1B8B  }
0xa2: {  	_ =	swait.ge [sflag:s23], $0x1  }
0xa3: {  	[sflag:s23] =	ssyncset.done $0x0  }
0xa4: {  	s25 =	simm.s32 $0x1B8E;
	s24 =	sld [smem:$0x3FFE];
	[sflag:s23] =	ssyncadd.s32 $0xFFFFFFFF  }
0xa5: {  	s26 =	simm.s32 $execute0_lowered;
	[smem:$0x3FD2] =	sst s25  }
0xa6: {  	s5 =	sshll.u32 s26, $0x1;
	_ =	strace $0x80000049;
	[dreg:$0x1] =	wrdreg $0xFFFFFFFF  }
0xa7: {  	s28 =	simm.s32 $_size_execute0_lowered;
	s3 =	sadd.s32 s3, s5;
	[dreg:$0x0] =	wrdreg $0x0  }
0xa8: {  	s5 =	sshll.u32 s28, $0x1;
	[dreg:$0x2] =	wrdreg s3  }
0xa9: {  	[dreg:$0x3] =	wrdreg s5  }
0xaa: {  	[dreg:$0x4] =	wrdreg $0xC0  }
0xab: {  	_ =	task [dreg:s7], $0x5FFFF  }
0xac: {  	[dreg:$0x1] =	wrdreg $0xFFFFFFFF  }
0xad: {  	[dreg:$0x0] =	wrdreg $0x60  }
0xae: {  	[dreg:$0x2] =	wrdreg s2  }
0xaf: {  	[dreg:$0x3] =	wrdreg s24  }
0xb0: {  	[dreg:$0x4] =	wrdreg $0x106800  }
0xb1: {  	[dreg:$0x5] =	wrdreg $0x109000  }
0xb2: {  	[dreg:$0x6] =	wrdreg $0x101800  }
0xb3: {  	[dreg:$0x7] =	wrdreg $0x104000  }
0xb4: {  	[dreg:$0x8] =	wrdreg $0x9  }
0xb5: {  	_ =	task.clear_ibuf [dreg:s7], $0x9FFFF;
	_ =	strace $0x90000049  }
0xb6: {  	s29 =	simm.s32 $0x9;
	_ =	strace $0x8000004B  }
0xb7: {  	_ =	swait.ge [sflag:s29], $0x1  }
0xb8: {  	[sflag:s29] =	ssyncadd.s32 $0xFFFFFFFF  }
0xb9: {  	_ =	strace $0x9000004B  }
0xba: {  	_ =	sfence  }
0xbb: {  	s30 =	sld [smem:$0x0];
	_ =	sdelay $0x2  }
0xbc: {  	s31 =	sshll.u32 s1, $0xD;
	s1 =	sshrl.u32 s1, $0x2  }
0xbd: {  	s3 =	sand.u32 $0x4000, s31;
	s1 =	sadd.s32 s1, s30  }
0xbe: {  	s0 =	sor.u32 s3, s0;
	s1 =	sshll.u32 s1, $0x11  }
0xbf: {  	s0 =	sor.u32 s1, s0  }
0xc0: {  	s0 =	sadd.s32 $0x8F2B, s0  }
0xc1: {  	[sflag:s0] =	ssyncadd.remote.s32 $0x1  }
0xc2: {  	_ =	sfence.sel $0xFFFF  }
0xc3: {  	[dreg:$0x0] =	wrdreg $0xFFFFFFFF;
	(pc) =	sbr.abs _section_cstart, $3  }
0xc4: {  	[dreg:$0x1] =	wrdreg $0xFFFFFFFF  }
0xc5: {  	_ =	task.clear_ibuf [dreg:s7], $0x2FFFF;
	_ =	strace $0x9FFFFFFF  }
0xc6: {  	(tm) =	ssettm $0x7FFFFFFF  }
0xc7: {  	_ =	shalt  }
tec
execute0_lowered:
.L_overlay_start_1:
0x0: {  	(tag) =	ssettag $0x1  }
0x1: {  	s0 =	rddreg [dreg:$0x0]  }
0x2: {  	s3 =	rddreg [dreg:$0x1]  }
0x3: {  	s1 =	rddreg [dreg:$0x2]  }
0x4: {  	s2 =	rddreg [dreg:$0x3]  }
0x5: {  	s20 =	rddreg [dreg:$0x4];
	s25 =	stileid.u32  }
0x6: {  	s4 =	srdreg.scid;
	s21 =	rddreg [dreg:$0x5];
	s6 =	simm.s32 $0x0  }
0x7: {  	s28 =	simm.s32 $0x1;
	s29 =	simm.s32 $0x0;
	s5 =	smul.u32 $0x280, s25  }
0x8: {  	s4 =	sand.u32 $0x1, s4;
	[smem:$0x7FF] =	sst s6;
	s9 =	sshll.u32 s25, $0x1  }
0x9: {  	p1 =	slt.u32 s25, $0xC;
	s18 =	sadd.s32 $0x13800, s0;
	s19 =	sadd.s32 $0x13810, s0  }
0xa: {  	s7 =	smul.u32 $0x5000, s4;
	_ =	strace $0x8000004A;
	s11 =	sor.u32 s4, s9  }
0xb: {  	s4 =	ssub.s32 $0x2, s4;
	s8 =	sshrl.u32 s5, $0x3;
	p0 =	seq.s32 s11, $0x18  }
0xc: {  	s26 =	sshrl.u32 s4, $0x1;
	s9 =	sadd.s32 s5, s2;
	s14 =	smul.u32 $0x900, s11  }
0xd: {  	s15 =	sshll.u32 s11, $0x8;
	s20 =	sadd.s32 s5, s20;
	s21 =	sadd.s32 s5, s21  }
0xe: {  	s7 =	sadd.s32 s5, s7;
	s10 =	sadd.s32 s8, s3;
	s4 =	ssub.s32 s4, s26  }
0xf: {  	s8 =	sadd.s32 s5, s1;
	s31 =	sadd.s32 s15, s0;
	s26 =	simm.s32 $0x2  }
0x10: {  	s7 =	sshrl.u32 s7, $0x3;
	s12 =	sadd.s32 $0x3200, s10;
	s30 =	sadd.s32 $0x3700, s10  }
0x11: {  	s13 =	sadd.s32 $0x2800, s10;
	s14 =	sadd.s32 s0, s14;
	s16 =	sadd.s32 $0x12000, s31  }
0x12: {  	s17 =	sadd.s32 $0x12010, s31;
	s24 =	smax.u32 s4, $0x1;
	s4 =	simm.s32 $0x100  }
0x13: {  	s3 =	sadd.s32 s7, s3;
	s7 =	simm.s32 $0x4C;
	[dreg:$0x7] =	wrdreg s12  }
0x14: {  	[dreg:$0x8] =	wrdreg s30;
	s12 =	sadd.s32 $0x1E00, s10;
	s15 =	sadd.s32 $0x10, s14  }
0x15: {  	s7 =	simm.s32 @!p0 $0x48;
	s22 =	sadd.s32 $0x3C00, s3;
	s23 =	sadd.s32 $0x4100, s3  }
0x16: {  	p0 =	sgt.u32 s25, $0xB;
	s7 =	simm.s32 @p1 $0x50;
	p1 =	sne.s32 s11, $0x18  }
.LBB2_1:
0x17: {  	v0 =	vimm.f32 $0.0e+00  }
0x18: {  	[tilespmem:$0xFF00] =	vst v0  }
0x19: {  	[tilespmem:$0xFF10] =	vst v0  }
0x1a: {  	[tilespmem:$0xFF20] =	vst v0  }
0x1b: {  	[tilespmem:$0xFF30] =	vst v0  }
0x1c: {  	[tilespmem:$0xFF40] =	vst v0  }
0x1d: {  	[tilespmem:$0xFF50] =	vst v0  }
0x1e: {  	[tilespmem:$0xFF60] =	vst v0  }
0x1f: {  	[tilespmem:$0xFF70] =	vst v0  }
0x20: {  	[tilespmem:$0xFF80] =	vst v0  }
0x21: {  	[tilespmem:$0xFF90] =	vst v0  }
0x22: {  	[tilespmem:$0xFFA0] =	vst v0  }
0x23: {  	[tilespmem:$0xFFB0] =	vst v0  }
0x24: {  	[tilespmem:$0xFFC0] =	vst v0  }
0x25: {  	[tilespmem:$0xFFD0] =	vst v0  }
0x26: {  	[tilespmem:$0xFFE0] =	vst v0  }
0x27: {  	[tilespmem:$0xFFF0] =	vst v0  }
0x28: {  	[tilespmem:$0x10000] =	vst v0  }
0x29: {  	[tilespmem:$0x10010] =	vst v0  }
0x2a: {  	[tilespmem:$0x10020] =	vst v0  }
0x2b: {  	[tilespmem:$0x10030] =	vst v0  }
0x2c: {  	[tilespmem:$0x10040] =	vst v0  }
0x2d: {  	[tilespmem:$0x10050] =	vst v0  }
0x2e: {  	[tilespmem:$0x10060] =	vst v0  }
0x2f: {  	[tilespmem:$0x10070] =	vst v0  }
0x30: {  	[tilespmem:$0x10080] =	vst v0  }
0x31: {  	[tilespmem:$0x10090] =	vst v0  }
0x32: {  	[tilespmem:$0x100A0] =	vst v0  }
0x33: {  	[tilespmem:$0x100B0] =	vst v0  }
0x34: {  	[tilespmem:$0x100C0] =	vst v0  }
0x35: {  	[tilespmem:$0x100D0] =	vst v0  }
0x36: {  	[tilespmem:$0x100E0] =	vst v0  }
0x37: {  	[tilespmem:$0x100F0] =	vst v0  }
0x38: {  	[tilespmem:$0x10100] =	vst v0  }
0x39: {  	[tilespmem:$0x10110] =	vst v0  }
0x3a: {  	[tilespmem:$0x10120] =	vst v0  }
0x3b: {  	[tilespmem:$0x10130] =	vst v0  }
0x3c: {  	[tilespmem:$0x10140] =	vst v0  }
0x3d: {  	[tilespmem:$0x10150] =	vst v0  }
0x3e: {  	[tilespmem:$0x10160] =	vst v0  }
0x3f: {  	s0 =	simm.s32 $0xFF00;
	[tilespmem:$0x10170] =	vst v0  }
0x40: {  	[spmem:s8] =	stream.linear.scatter [tilespmem:s0], [sflag:$0x2], $0x280, $0x38;
	[tilespmem:$0x10B80] =	vst v63  }
0x41: {  	_ =	swait.ge [sflag:s26], $0x280  }
0x42: {  	[sflag:s26] =	ssyncset.done $0x0  }
0x43: {  	[sflag:s26] =	ssyncadd.s32 $0xFFFFFD80  }
0x44: {  	[spmem:s9] =	stream.linear.scatter [tilespmem:s0], [sflag:$0x2], $0x280, $0x38;
	[tilespmem:$0x10B80] =	vst v63  }
0x45: {  	_ =	swait.ge [sflag:s26], $0x280  }
0x46: {  	[sflag:s26] =	ssyncset.done $0x0  }
0x47: {  	s3 =	simm.s32 $0xF000;
	s10 =	rddreg [dreg:$0x7];
	[sflag:s26] =	ssyncadd.s32 $0xFFFFFD80  }
0x48: {  	[tilespmem:s3], [sflag:$0x2] =	stream.linear.gather [hbm4b:s10+s6], $0x280, $0x38;
	[tilespmem:$0x10B80] =	vst v63  }
0x49: {  	_ =	swait.ge [sflag:s26], $0x280  }
0x4a: {  	[sflag:s26] =	ssyncset.done $0x0  }
0x4b: {  	s25 =	simm.s32 $0xF280;
	s11 =	rddreg [dreg:$0x8];
	[sflag:s26] =	ssyncadd.s32 $0xFFFFFD80  }
0x4c: {  	[tilespmem:s25], [sflag:$0x2] =	stream.linear.gather [hbm4b:s11+s6], $0x280, $0x38;
	[tilespmem:$0x10B80] =	vst v63  }
0x4d: {  	_ =	swait.ge [sflag:s26], $0x280  }
0x4e: {  	[sflag:s26] =	ssyncset.done $0x0  }
0x4f: {  	s3 =	simm.s32 $0xF500;
	[sflag:s26] =	ssyncadd.s32 $0xFFFFFD80  }
0x50: {  	[tilespmem:s3], [sflag:$0x2] =	stream.linear.gather [hbm4b:s12+s6], $0x280, $0x38;
	[tilespmem:$0x10B80] =	vst v63  }
0x51: {  	_ =	swait.ge [sflag:s26], $0x280  }
0x52: {  	[sflag:s26] =	ssyncset.done $0x0  }
0x53: {  	s5 =	simm.s32 $0xF780;
	[sflag:s26] =	ssyncadd.s32 $0xFFFFFD80  }
0x54: {  	[tilespmem:s5], [sflag:$0x2] =	stream.linear.gather [hbm4b:s13+s6], $0x280, $0x38;
	[tilespmem:$0x10B80] =	vst v63  }
0x55: {  	_ =	swait.ge [sflag:s26], $0x280  }
0x56: {  	[sflag:s26] =	ssyncset.done $0x0  }
0x57: {  	s10 =	simm.s32 $0x80;
	[sflag:s26] =	ssyncadd.s32 $0xFFFFFD80  }
0x58: {  	[tilespmem:s6], [sflag:$0x2] =	stream.strided.gather [hbm4b:s14+s10], $0x2400, s4, s10, $0x38;
	[tilespmem:$0x10B80] =	vst v63  }
0x59: {  	_ =	swait.ge [sflag:s26], $0x2400  }
0x5a: {  	[sflag:s26] =	ssyncset.done $0x0  }
0x5b: {  	s11 =	simm.s32 $0x2800;
	[sflag:s26] =	ssyncadd.s32 $0xFFFFDC00  }
0x5c: {  	[tilespmem:s11], [sflag:$0x2] =	stream.strided.gather [hbm4b:s15+s10], $0x2400, s4, s10, $0x38;
	[tilespmem:$0x10B80] =	vst v63  }
0x5d: {  	_ =	swait.ge [sflag:s26], $0x2400  }
0x5e: {  	s0 =	simm.s32 @!p0 $0x80;
	[sflag:s26] =	ssyncset.done $0x0  }
0x5f: {  	s3 =	simm.s32 @!p0 $0x100;
	s5 =	simm.s32 @!p0 $0x2400;
	[sflag:s26] =	ssyncadd.s32 $0xFFFFDC00  }
0x60: {  	[tilespmem:s5], [sflag:$0x2] =	stream.strided.gather @!p0 [hbm4b:s16+s0], $0x400, s3, s0, $0x38;
	[tilespmem:$0x10B80] =	vst v63  }
0x61: {  	s5 =	simm.s32 @!p0 $0x2  }
0x62: {  	_ =	swait.ge @!p0 [sflag:s5], $0x400  }
0x63: {  	[sflag:s5] =	ssyncset.done @!p0 $0x0  }
0x64: {  	s10 =	simm.s32 @!p0 $0x4C00;
	[sflag:s5] =	ssyncadd.s32 @!p0 $0xFFFFFC00  }
0x65: {  	[tilespmem:s10], [sflag:$0x2] =	stream.strided.gather @!p0 [hbm4b:s17+s0], $0x400, s3, s0, $0x38;
	[tilespmem:$0x10B80] =	vst v63  }
0x66: {  	_ =	swait.ge @!p0 [sflag:s5], $0x400  }
0x67: {  	s0 =	simm.s32 @!p1 $0x80;
	[sflag:s5] =	ssyncset.done @!p0 $0x0  }
0x68: {  	s3 =	simm.s32 @!p1 $0x100;
	[sflag:s5] =	ssyncadd.s32 @!p0 $0xFFFFFC00;
	s5 =	simm.s32 @!p1 $0x2400  }
0x69: {  	[tilespmem:s5], [sflag:$0x2] =	stream.strided.gather @!p1 [hbm4b:s18+s0], $0x200, s3, s0, $0x38;
	[tilespmem:$0x10B80] =	vst v63  }
0x6a: {  	s5 =	simm.s32 @!p1 $0x2  }
0x6b: {  	_ =	swait.ge @!p1 [sflag:s5], $0x200  }
0x6c: {  	[sflag:s5] =	ssyncset.done @!p1 $0x0  }
0x6d: {  	s10 =	simm.s32 @!p1 $0x4C00;
	[sflag:s5] =	ssyncadd.s32 @!p1 $0xFFFFFE00  }
0x6e: {  	[tilespmem:s10], [sflag:$0x2] =	stream.strided.gather @!p1 [hbm4b:s19+s0], $0x200, s3, s0, $0x38;
	[tilespmem:$0x10B80] =	vst v63  }
0x6f: {  	_ =	swait.ge @!p1 [sflag:s5], $0x200  }
0x70: {  	[sflag:s5] =	ssyncset.done @!p1 $0x0  }
0x71: {  	[sflag:s5] =	ssyncadd.s32 @!p1 $0xFFFFFE00  }
0x72: {  	v1 =	vld [tilespmem:$0xF500]  }
0x73: {  	v2 =	vld [tilespmem:$0xF780];
	_ =	sdelay $0x2  }
0x74: {  	v3 =	vld [tilespmem:$0xF510]  }
0x75: {  	v45 =	vld [tilespmem:$0xF790]  }
0x76: {  	v1 =	vadd.f32 v2, v1;
	_ =	sdelay $0x1  }
0x77: {  	v4 =	vmax.f32 v1, $1.000000000e+00  }
0x78: {  	v5 =	vshrl.u32 v4, $0x1;
	v4 =	vmul.f32 $5.000000000e-01, v4  }
0x79: {  	v3 =	vadd.f32 v45, v3;
	v5 =	vsub.s32 $0x5F3759DF, v5  }
0x7a: {  	v6 =	vmul.f32 v5, v4  }
0x7b: {  	v47 =	vmax.f32 v3, $1.000000000e+00  }
0x7c: {  	v7 =	vshrl.u32 v47, $0x1;
	v46 =	vmul.f32 v5, v6;
	v6 =	vmul.f32 $5.000000000e-01, v47  }
0x7d: {  	v7 =	vsub.s32 $0x5F3759DF, v7  }
0x7e: {  	v9 =	vld [tilespmem:$0xF520];
	v2 =	vsub.f32 $1.500000000e+00, v46;
	v8 =	vmul.f32 v7, v6  }
0x7f: {  	v48 =	vld [tilespmem:$0xF7A0]  }
0x80: {  	v2 =	vmul.f32 v5, v2;
	v8 =	vmul.f32 v7, v8;
	_ =	sdelay $0x1  }
0x81: {  	v10 =	vmul.f32 v2, v4;
	v8 =	vsub.f32 $1.500000000e+00, v8;
	_ =	sdelay $0x1  }
0x82: {  	v5 =	vadd.f32 v48, v9;
	v10 =	vmul.f32 v10, v2;
	v7 =	vmul.f32 v7, v8;
	_ =	sdelay $0x1  }
0x83: {  	v12 =	vld [tilespmem:$0xF530];
	v51 =	vmax.f32 v5, $1.000000000e+00;
	v49 =	vsub.f32 $1.500000000e+00, v10;
	v50 =	vmul.f32 v7, v6  }
0x84: {  	v13 =	vld [tilespmem:$0xF7B0];
	v52 =	vshrl.u32 v51, $0x1;
	v10 =	vmul.f32 $5.000000000e-01, v51  }
0x85: {  	v14 =	vld [tilespmem:$0xF540];
	v8 =	vsub.s32 $0x5F3759DF, v52;
	v2 =	vmul.f32 v49, v2;
	v9 =	vmul.f32 v50, v7  }
0x86: {  	v55 =	vld [tilespmem:$0xF7C0];
	v11 =	vmul.f32 v8, v10  }
0x87: {  	v61 =	vld [tilespmem:$0xF550];
	v4 =	vmul.f32 v2, v4;
	v9 =	vsub.f32 $1.500000000e+00, v9  }
0x88: {  	v63 =	vld [tilespmem:$0xF7D0];
	v11 =	vmul.f32 v8, v11  }
0x89: {  	v4 =	vmul.f32 v4, v2;
	v7 =	vmul.f32 v9, v7  }
0x8a: {  	vm0 =	vgt.f32 v1, $0.0e+00;
	vm14 =	vgt.f32 v3, $0.0e+00;
	v11 =	vsub.f32 $1.500000000e+00, v11  }
0x8b: {  	vm15 =	vgt.f32 v5, $0.0e+00;
	v4 =	vsub.f32 $1.500000000e+00, v4;
	v6 =	vmul.f32 v7, v6  }
0x8c: {  	v54 =	vmul.f32 v8, v11;
	v8 =	vadd.f32 v13, v12;
	v11 =	vadd.f32 v55, v14  }
0x8d: {  	v53 =	vld [tilespmem:$0xF000];
	v14 =	vadd.f32 v63, v61;
	v2 =	vmul.f32 v4, v2;
	v57 =	vmul.f32 v6, v7  }
0x8e: {  	v56 =	vld [tilespmem:$0xF280];
	v58 =	vmul.f32 v54, v10;
	v13 =	vmax.f32 v8, $1.000000000e+00;
	v29 =	vmax.f32 v11, $1.000000000e+00  }
0x8f: {  	v19 =	vld [tilespmem:$0xF560];
	v38 =	vmax.f32 v14, $1.000000000e+00;
	vm4 =	vgt.f32 v8, $0.0e+00;
	vm5 =	vgt.f32 v11, $0.0e+00  }
0x90: {  	v33 =	vld [tilespmem:$0xF7E0];
	vm6 =	vgt.f32 v14, $0.0e+00;
	v17 =	vshrl.u32 v13, $0x1;
	v13 =	vmul.f32 $5.000000000e-01, v13  }
0x91: {  	v15 =	vsub.f32 $1.500000000e+00, v57;
	v6 =	vmul.f32 v58, v54;
	v60 =	vsub.s32 $0x5F3759DF, v17  }
0x92: {  	v25 =	vld [tilespmem:$0xF290];
	v30 =	vshrl.u32 v29, $0x1;
	v2 =	vnsel vm0, $0x0, v2;
	v62 =	vmul.f32 v60, v13  }
0x93: {  	v59 =	vmul.f32 v2, v53;
	v7 =	vmul.f32 v15, v7;
	v26 =	vsub.f32 $1.500000000e+00, v6  }
0x94: {  	v32 =	vsub.s32 $0x5F3759DF, v30;
	v15 =	vmul.f32 $5.000000000e-01, v29;
	v28 =	vmul.f32 v60, v62  }
0x95: {  	v17 =	vadd.f32 v33, v19;
	v24 =	vmul.f32 v2, v56;
	v18 =	vmul.f32 v26, v54  }
0x96: {  	v16 =	vld [tilespmem:$0xF010];
	v27 =	vnsel vm14, $0x0, v7;
	v20 =	vmul.f32 v32, v15;
	v7 =	vsub.f32 $1.500000000e+00, v28  }
0x97: {  	v40 =	vshrl.u32 v38, $0x1;
	[tilespmem:$0x1FF40] =	vst v24;
	v24 =	vld [tilespmem:$0xF570];
	v34 =	vmul.f32 v27, v25;
	v10 =	vmul.f32 v18, v10  }
0x98: {  	v42 =	vmax.f32 v17, $1.000000000e+00;
	v25 =	vld [tilespmem:$0xF7F0];
	v37 =	vmul.f32 v32, v20;
	v35 =	vmul.f32 v60, v7  }
0x99: {  	vm7 =	vgt.f32 v17, $0.0e+00;
	v36 =	vmul.f32 v10, v18;
	v10 =	vmul.f32 $5.000000000e-01, v38  }
0x9a: {  	v20 =	vsub.s32 $0x5F3759DF, v40;
	v9 =	vsub.f32 $1.500000000e+00, v37;
	v39 =	vmul.f32 v35, v13  }
0x9b: {  	v43 =	vld [tilespmem:$0xF020];
	v31 =	vmul.f32 v27, v16;
	v7 =	vsub.f32 $1.500000000e+00, v36;
	v21 =	vmul.f32 v20, v10  }
0x9c: {  	v23 =	vld [tilespmem:$0xF2A0];
	v22 =	vshrl.u32 v42, $0x1;
	v9 =	vmul.f32 v32, v9;
	v12 =	vmul.f32 v39, v35  }
0x9d: {  	v33 =	vld [tilespmem:$0xF810];
	v19 =	vadd.f32 v25, v24;
	v7 =	vmul.f32 v7, v18;
	v41 =	vmul.f32 v20, v21  }
0x9e: {  	[tilespmem:$0x1FF30] =	vst v59;
	v46 =	vsub.s32 $0x5F3759DF, v22;
	v40 =	vld [tilespmem:$0xF5A0];
	v44 =	vmul.f32 v9, v15;
	v18 =	vmul.f32 $5.000000000e-01, v42  }
0x9f: {  	[tilespmem:$0x1FF50] =	vst v31;
	v31 =	vld [tilespmem:$0xF590];
	v59 =	vmax.f32 v19, $1.000000000e+00;
	v12 =	vsub.f32 $1.500000000e+00, v12;
	v45 =	vsub.f32 $1.500000000e+00, v41  }
0xa0: {  	v42 =	vld [tilespmem:$0xF820];
	v21 =	vmul.f32 v44, v9;
	v22 =	vmul.f32 v46, v18;
	v7 =	vnsel vm15, $0x0, v7  }
0xa1: {  	vm8 =	vgt.f32 v19, $0.0e+00;
	v12 =	vmul.f32 v12, v35;
	v50 =	vmul.f32 v7, v43  }
0xa2: {  	v61 =	vshrl.u32 v59, $0x1;
	v52 =	vmul.f32 v7, v23;
	v20 =	vmul.f32 v20, v45  }
0xa3: {  	v47 =	vsub.f32 $1.500000000e+00, v21;
	v48 =	vmul.f32 v46, v22;
	v21 =	vmul.f32 $5.000000000e-01, v59  }
0xa4: {  	v22 =	vadd.f32 v33, v31;
	v13 =	vmul.f32 v12, v13;
	v49 =	vmul.f32 v20, v10  }
0xa5: {  	v23 =	vadd.f32 v42, v40;
	v9 =	vmul.f32 v47, v9;
	v51 =	vsub.f32 $1.500000000e+00, v48  }
0xa6: {  	vm10 =	vgt.f32 v22, $0.0e+00;
	v13 =	vmul.f32 v13, v12;
	v54 =	vmul.f32 v49, v20  }
0xa7: {  	vm11 =	vgt.f32 v23, $0.0e+00;
	v15 =	vmul.f32 v9, v15;
	v16 =	vmul.f32 v46, v51  }
0xa8: {  	v55 =	vld [tilespmem:$0xF030];
	v46 =	vmax.f32 v22, $1.000000000e+00;
	v53 =	vsub.f32 $1.500000000e+00, v13;
	v56 =	vsub.f32 $1.500000000e+00, v54  }
0xa9: {  	v62 =	vld [tilespmem:$0xF040];
	v28 =	vshrl.u32 v46, $0x1;
	v57 =	vmul.f32 v15, v9;
	v58 =	vmul.f32 v16, v18  }
0xaa: {  	v26 =	vld [tilespmem:$0xF580];
	v7 =	vmul.f32 v53, v12;
	v12 =	vmul.f32 v56, v20;
	v20 =	vsub.s32 $0x5F3759DF, v61  }
0xab: {  	v60 =	vld [tilespmem:$0xF2B0];
	v13 =	vsub.f32 $1.500000000e+00, v57;
	v15 =	vmul.f32 v58, v16;
	v4 =	vmul.f32 v20, v21  }
0xac: {  	v53 =	vmax.f32 v23, $1.000000000e+00;
	v63 =	vnsel vm4, $0x0, v7;
	v7 =	vld [tilespmem:$0xF800];
	v10 =	vmul.f32 v12, v10  }
0xad: {  	v27 =	vld [tilespmem:$0xF2C0];
	v9 =	vmul.f32 v13, v9;
	v6 =	vsub.f32 $1.500000000e+00, v15;
	v25 =	vmul.f32 v20, v4  }
0xae: {  	v56 =	vshrl.u32 v53, $0x1;
	v5 =	vmul.f32 v63, v55;
	v10 =	vmul.f32 v10, v12  }
0xaf: {  	v13 =	vmul.f32 v6, v16;
	v11 =	vnsel vm5, $0x0, v9;
	v30 =	vsub.f32 $1.500000000e+00, v25  }
0xb0: {  	v29 =	vmul.f32 v63, v60;
	v32 =	vmul.f32 v11, v62;
	v10 =	vsub.f32 $1.500000000e+00, v10  }
0xb1: {  	v18 =	vmul.f32 v13, v18;
	v16 =	vmul.f32 v20, v30;
	v20 =	vadd.f32 v7, v26  }
0xb2: {  	[tilespmem:$0x1FF60] =	vst v34;
	v34 =	vld [tilespmem:$0xF050];
	v35 =	vmul.f32 v11, v27;
	v26 =	vmul.f32 $5.000000000e-01, v53;
	v30 =	vsub.s32 $0x5F3759DF, v56  }
0xb3: {  	v44 =	vld [tilespmem:$0xF2D0];
	v12 =	vmul.f32 v10, v12;
	v36 =	vmul.f32 v18, v13;
	v15 =	vmax.f32 v20, $1.000000000e+00  }
0xb4: {  	v31 =	vld [tilespmem:$0xF5B0];
	v37 =	vmul.f32 v16, v21;
	v38 =	vshrl.u32 v15, $0x1;
	v39 =	vmul.f32 $5.000000000e-01, v15  }
0xb5: {  	[tilespmem:$0x1FFB0] =	vst v32;
	v32 =	vld [tilespmem:$0xF830];
	v59 =	vmul.f32 v30, v26;
	v18 =	vsub.f32 $1.500000000e+00, v36;
	v41 =	vsub.s32 $0x5F3759DF, v38  }
0xb6: {  	v47 =	vsub.s32 $0x5F3759DF, v28;
	v14 =	vmul.f32 v37, v16;
	v45 =	vmul.f32 v41, v39  }
0xb7: {  	v48 =	vld [tilespmem:$0xF060];
	v12 =	vnsel vm6, $0x0, v12;
	v13 =	vmul.f32 v18, v13;
	v18 =	vmul.f32 $5.000000000e-01, v46  }
0xb8: {  	v54 =	vld [tilespmem:$0xF2E0];
	v43 =	vmul.f32 v12, v34;
	v14 =	vsub.f32 $1.500000000e+00, v14;
	v27 =	vmul.f32 v41, v45  }
0xb9: {  	v42 =	vld [tilespmem:$0xF5D0];
	vm9 =	vgt.f32 v20, $0.0e+00;
	v10 =	vmul.f32 v12, v44;
	v28 =	vmul.f32 v47, v18  }
0xba: {  	v44 =	vld [tilespmem:$0xF850];
	v2 =	vadd.f32 v32, v31;
	v14 =	vmul.f32 v14, v16;
	v27 =	vsub.f32 $1.500000000e+00, v27  }
0xbb: {  	[tilespmem:$0x1FF80] =	vst v52;
	v60 =	vmul.f32 v30, v59;
	v49 =	vnsel vm7, $0x0, v13;
	v52 =	vmul.f32 v47, v28  }
0xbc: {  	[tilespmem:$0x1FF70] =	vst v50;
	v4 =	vmax.f32 v2, $1.000000000e+00;
	v50 =	vmul.f32 v14, v21;
	v51 =	vmul.f32 v41, v27  }
0xbd: {  	v57 =	vmul.f32 v49, v48;
	v63 =	vmul.f32 v49, v54;
	v24 =	vsub.f32 $1.500000000e+00, v52  }
0xbe: {  	v3 =	vld [tilespmem:$0xF5C0];
	[tilespmem:$0x1FFA0] =	vst v29;
	vm12 =	vgt.f32 v2, $0.0e+00;
	v55 =	vmul.f32 v50, v14;
	v29 =	vmul.f32 v51, v39  }
0xbf: {  	[tilespmem:$0x1FF90] =	vst v5;
	v5 =	vld [tilespmem:$0xF840];
	v31 =	vadd.f32 v44, v42;
	v16 =	vmul.f32 v47, v24;
	v24 =	vsub.f32 $1.500000000e+00, v60  }
0xc0: {  	v33 =	vld [tilespmem:$0xF070];
	v7 =	vshrl.u32 v4, $0x1;
	v58 =	vsub.f32 $1.500000000e+00, v55;
	v29 =	vmul.f32 v29, v51  }
0xc1: {  	v53 =	vmax.f32 v31, $1.000000000e+00;
	v62 =	vmul.f32 v16, v18;
	v24 =	vmul.f32 v30, v24  }
0xc2: {  	v30 =	vmul.f32 $5.000000000e-01, v4;
	v17 =	vmul.f32 v58, v14;
	v61 =	vsub.f32 $1.500000000e+00, v29  }
0xc3: {  	vm14 =	vgt.f32 v31, $0.0e+00;
	v1 =	vmul.f32 v62, v16;
	v6 =	vmul.f32 v24, v26  }
0xc4: {  	v29 =	vadd.f32 v5, v3;
	v17 =	vnsel vm8, $0x0, v17;
	v19 =	vmul.f32 v61, v51  }
0xc5: {  	v0 =	vld [tilespmem:$0xF2F0];
	v15 =	vmul.f32 v17, v33;
	v21 =	vsub.f32 $1.500000000e+00, v1;
	v33 =	vsub.s32 $0x5F3759DF, v7  }
0xc6: {  	v36 =	vld [tilespmem:$0xF5E0];
	v54 =	vshrl.u32 v53, $0x1;
	v32 =	vmul.f32 v6, v24;
	v34 =	vmul.f32 v33, v30  }
0xc7: {  	v50 =	vld [tilespmem:$0xF860];
	v41 =	vmax.f32 v29, $1.000000000e+00;
	v25 =	vmul.f32 v19, v39;
	v21 =	vmul.f32 v21, v16  }
0xc8: {  	v27 =	vmul.f32 $5.000000000e-01, v41;
	v11 =	vsub.f32 $1.500000000e+00, v32;
	v12 =	vmul.f32 v33, v34  }
0xc9: {  	v56 =	vsub.s32 $0x5F3759DF, v54;
	v25 =	vmul.f32 v25, v19;
	v18 =	vmul.f32 v21, v18  }
0xca: {  	[tilespmem:$0x1FFD0] =	vst v43;
	v43 =	vshrl.u32 v41, $0x1;
	v16 =	vmul.f32 v17, v0;
	v14 =	vmul.f32 v11, v24  }
0xcb: {  	v9 =	vld [tilespmem:$0xF080];
	v40 =	vsub.f32 $1.500000000e+00, v12;
	v8 =	vsub.f32 $1.500000000e+00, v25;
	v18 =	vmul.f32 v18, v21  }
0xcc: {  	v13 =	vld [tilespmem:$0xF300];
	v32 =	vsub.s32 $0x5F3759DF, v43;
	v34 =	vadd.f32 v50, v36;
	v26 =	vmul.f32 v14, v26  }
0xcd: {  	[tilespmem:$0x1FFC0] =	vst v35;
	v35 =	vld [tilespmem:$0xF090];
	v24 =	vmul.f32 v33, v40;
	v17 =	vmul.f32 v8, v19;
	v18 =	vsub.f32 $1.500000000e+00, v18  }
0xce: {  	v51 =	vld [tilespmem:$0xF310];
	v46 =	vmul.f32 v32, v27;
	v62 =	vmax.f32 v34, $1.000000000e+00;
	v47 =	vmul.f32 v26, v14  }
0xcf: {  	v38 =	vld [tilespmem:$0xF5F0];
	v48 =	vmul.f32 v24, v30;
	v45 =	vnsel vm9, $0x0, v17;
	v18 =	vmul.f32 v18, v21  }
0xd0: {  	[tilespmem:$0x1FFE0] =	vst v57;
	v57 =	vld [tilespmem:$0xF0A0];
	v21 =	vmul.f32 v32, v46;
	v22 =	vsub.f32 $1.500000000e+00, v47;
	v17 =	vmul.f32 v45, v9  }
0xd1: {  	v40 =	vld [tilespmem:$0xF870];
	v26 =	vmul.f32 v48, v24;
	v19 =	vmul.f32 v45, v13;
	v49 =	vnsel vm10, $0x0, v18  }
0xd2: {  	[tilespmem:$0x1FFF0] =	vst v63;
	v63 =	vld [tilespmem:$0xF320];
	v21 =	vsub.f32 $1.500000000e+00, v21;
	v22 =	vmul.f32 v22, v14;
	v18 =	vmul.f32 v49, v35  }
0xd3: {  	v52 =	vsub.f32 $1.500000000e+00, v26;
	v26 =	vmul.f32 $5.000000000e-01, v53;
	v20 =	vmul.f32 v49, v51  }
0xd4: {  	vm13 =	vgt.f32 v29, $0.0e+00;
	v35 =	vmul.f32 $5.000000000e-01, v62;
	v32 =	vmul.f32 v32, v21  }
0xd5: {  	v22 =	vnsel vm11, $0x0, v22;
	v55 =	vmul.f32 v52, v24;
	v37 =	vmul.f32 v56, v26  }
0xd6: {  	v36 =	vadd.f32 v40, v38;
	v21 =	vmul.f32 v22, v57;
	v58 =	vmul.f32 v32, v27  }
0xd7: {  	v0 =	vshrl.u32 v62, $0x1;
	v51 =	vld [tilespmem:$0xF610];
	v22 =	vmul.f32 v22, v63;
	v61 =	vmul.f32 v56, v37  }
0xd8: {  	v53 =	vld [tilespmem:$0xF890];
	v38 =	vmax.f32 v36, $1.000000000e+00;
	v59 =	vmul.f32 v55, v30;
	v60 =	vmul.f32 v58, v32  }
0xd9: {  	v42 =	vshrl.u32 v38, $0x1;
	v37 =	vsub.s32 $0x5F3759DF, v0;
	v33 =	vsub.f32 $1.500000000e+00, v61  }
0xda: {  	v39 =	vmul.f32 v37, v35;
	v25 =	vmul.f32 v59, v55;
	v30 =	vsub.f32 $1.500000000e+00, v60  }
0xdb: {  	v38 =	vmul.f32 $5.000000000e-01, v38;
	v9 =	vsub.s32 $0x5F3759DF, v42;
	v24 =	vmul.f32 v56, v33  }
0xdc: {  	v1 =	vmul.f32 v37, v39;
	v25 =	vsub.f32 $1.500000000e+00, v25;
	v30 =	vmul.f32 v30, v32  }
0xdd: {  	v12 =	vmul.f32 v9, v38;
	v40 =	vadd.f32 v53, v51;
	v2 =	vmul.f32 v24, v26  }
0xde: {  	v5 =	vld [tilespmem:$0xF600];
	v23 =	vmul.f32 v25, v55;
	v25 =	vsub.f32 $1.500000000e+00, v1;
	v27 =	vmul.f32 v30, v27  }
0xdf: {  	v6 =	vld [tilespmem:$0xF880];
	vm15 =	vgt.f32 v34, $0.0e+00;
	v13 =	vmul.f32 v9, v12;
	v28 =	vmul.f32 v2, v24  }
0xe0: {  	v4 =	vld [tilespmem:$0xF330];
	v59 =	vmax.f32 v40, $1.000000000e+00;
	v37 =	vmul.f32 v37, v25;
	v27 =	vmul.f32 v27, v30  }
0xe1: {  	v41 =	vld [tilespmem:$0xF0B0];
	v60 =	vshrl.u32 v59, $0x1;
	v61 =	vmul.f32 $5.000000000e-01, v59;
	v28 =	vsub.f32 $1.500000000e+00, v28  }
0xe2: {  	v7 =	vld [tilespmem:$0xF0C0];
	v34 =	vsub.s32 $0x5F3759DF, v60;
	v8 =	vmul.f32 v37, v35;
	v27 =	vsub.f32 $1.500000000e+00, v27  }
0xe3: {  	v57 =	vld [tilespmem:$0xF8A0];
	v32 =	vsub.f32 $1.500000000e+00, v13;
	v0 =	vmul.f32 v34, v61;
	v28 =	vmul.f32 v28, v24  }
0xe4: {  	v33 =	vadd.f32 v6, v5;
	v56 =	vld [tilespmem:$0xF620];
	v11 =	vmul.f32 v8, v37;
	v27 =	vmul.f32 v27, v30  }
0xe5: {  	v3 =	vnsel vm12, $0x0, v23;
	v2 =	vld [tilespmem:$0xF630];
	v30 =	vmul.f32 v9, v32;
	v26 =	vmul.f32 v28, v26  }
0xe6: {  	v23 =	vmul.f32 v3, v41;
	v24 =	vmul.f32 v3, v4;
	v3 =	vld [tilespmem:$0xF8B0];
	v29 =	vsub.f32 $1.500000000e+00, v11  }
0xe7: {  	v49 =	vmax.f32 v33, $1.000000000e+00;
	v45 =	vmul.f32 v30, v38;
	v26 =	vmul.f32 v26, v28  }
0xe8: {  	v14 =	vld [tilespmem:$0xF340];
	v50 =	vshrl.u32 v49, $0x1;
	v29 =	vmul.f32 v29, v37;
	v37 =	vmul.f32 $5.000000000e-01, v49  }
0xe9: {  	v52 =	vsub.s32 $0x5F3759DF, v50;
	v41 =	vadd.f32 v57, v56;
	v27 =	vnsel vm13, $0x0, v27  }
0xea: {  	v48 =	vld [tilespmem:$0xF0D0];
	v55 =	vmul.f32 v45, v30;
	v26 =	vsub.f32 $1.500000000e+00, v26;
	v44 =	vmul.f32 v52, v37  }
0xeb: {  	v25 =	vmul.f32 v27, v7;
	v42 =	vadd.f32 v3, v2;
	v35 =	vmul.f32 v29, v35  }
0xec: {  	v43 =	vld [tilespmem:$0xF350];
	v39 =	vsub.f32 $1.500000000e+00, v55;
	v28 =	vmul.f32 v26, v28;
	v54 =	vmul.f32 v52, v44  }
0xed: {  	v45 =	vmax.f32 v42, $1.000000000e+00;
	v35 =	vmul.f32 v35, v29;
	v26 =	vmul.f32 v27, v14  }
0xee: {  	v30 =	vmul.f32 v39, v30;
	v28 =	vnsel vm14, $0x0, v28;
	v31 =	vsub.f32 $1.500000000e+00, v54  }
0xef: {  	v9 =	vshrl.u32 v45, $0x1;
	v45 =	vmul.f32 $5.000000000e-01, v45;
	v27 =	vmul.f32 v28, v48  }
0xf0: {  	v44 =	vmax.f32 v41, $1.000000000e+00;
	v38 =	vmul.f32 v30, v38;
	v31 =	vmul.f32 v52, v31  }
0xf1: {  	v46 =	vld [tilespmem:$0xF360];
	v47 =	vshrl.u32 v44, $0x1;
	v28 =	vmul.f32 v28, v43;
	v43 =	vmul.f32 v34, v0  }
0xf2: {  	v5 =	vld [tilespmem:$0xF8C0];
	v35 =	vsub.f32 $1.500000000e+00, v35;
	v38 =	vmul.f32 v38, v30;
	v63 =	vmul.f32 v31, v37  }
0xf3: {  	v44 =	vmul.f32 $5.000000000e-01, v44;
	v47 =	vsub.s32 $0x5F3759DF, v47;
	v48 =	vld [tilespmem:$0xF640];
	v43 =	vsub.f32 $1.500000000e+00, v43  }
0xf4: {  	v29 =	vmul.f32 v35, v29;
	v38 =	vsub.f32 $1.500000000e+00, v38;
	v1 =	vmul.f32 v63, v31  }
0xf5: {  	v58 =	vld [tilespmem:$0xF0E0];
	v4 =	vmul.f32 v47, v44;
	v34 =	vmul.f32 v34, v43  }
0xf6: {  	v62 =	vnsel vm15, $0x0, v29;
	v38 =	vmul.f32 v38, v30;
	v35 =	vsub.f32 $1.500000000e+00, v1  }
0xf7: {  	vm4 =	vgt.f32 v36, $0.0e+00;
	v30 =	vmul.f32 v62, v46;
	v8 =	vmul.f32 v34, v61  }
0xf8: {  	v48 =	vadd.f32 v5, v48;
	v35 =	vmul.f32 v35, v31;
	v31 =	vmul.f32 v47, v4  }
0xf9: {  	v46 =	vsub.s32 $0x5F3759DF, v9;
	v7 =	vnsel vm4, $0x0, v38;
	v38 =	vmul.f32 v8, v34  }
0xfa: {  	v29 =	vmul.f32 v62, v58;
	v12 =	vmul.f32 v46, v45;
	v31 =	vsub.f32 $1.500000000e+00, v31  }
0xfb: {  	v6 =	vld [tilespmem:$0xF0F0];
	v50 =	vmax.f32 v48, $1.000000000e+00;
	v38 =	vsub.f32 $1.500000000e+00, v38;
	v37 =	vmul.f32 v35, v37  }
0xfc: {  	v49 =	vld [tilespmem:$0xF370];
	v52 =	vshrl.u32 v50, $0x1;
	v50 =	vmul.f32 $5.000000000e-01, v50;
	v47 =	vmul.f32 v47, v31  }
0xfd: {  	v56 =	vsub.s32 $0x5F3759DF, v52;
	v38 =	vmul.f32 v38, v34;
	v37 =	vmul.f32 v37, v35  }
0xfe: {  	vm6 =	vgt.f32 v40, $0.0e+00;
	v57 =	vmul.f32 v56, v50;
	v13 =	vmul.f32 v47, v44  }
0xff: {  	v53 =	vld [tilespmem:$0xF380];
	v59 =	vmul.f32 v38, v61;
	v11 =	vsub.f32 $1.500000000e+00, v37;
	v37 =	vmul.f32 v46, v12  }
0x100: {  	v60 =	vld [tilespmem:$0xF8D0];
	vm5 =	vgt.f32 v33, $0.0e+00;
	v61 =	vmul.f32 v56, v57;
	v14 =	vmul.f32 v13, v47  }
0x101: {  	v58 =	vld [tilespmem:$0xF650];
	v32 =	vmul.f32 v7, v49;
	v31 =	vmul.f32 v7, v6;
	v37 =	vsub.f32 $1.500000000e+00, v37  }
0x102: {  	v51 =	vld [tilespmem:$0xF100];
	v49 =	vsub.f32 $1.500000000e+00, v61;
	v35 =	vmul.f32 v11, v35;
	v34 =	vsub.f32 $1.500000000e+00, v14  }
0x103: {  	vm7 =	vgt.f32 v41, $0.0e+00;
	v9 =	vld [tilespmem:$0xF8E0];
	v36 =	vmul.f32 v59, v38;
	v37 =	vmul.f32 v46, v37  }
0x104: {  	v7 =	vld [tilespmem:$0xF660];
	v43 =	vmul.f32 v56, v49;
	v35 =	vnsel vm5, $0x0, v35;
	v62 =	vmul.f32 v34, v47  }
0x105: {  	v0 =	vsub.f32 $1.500000000e+00, v36;
	v33 =	vmul.f32 v35, v53;
	v63 =	vmul.f32 v37, v45  }
0x106: {  	v49 =	vadd.f32 v60, v58;
	v5 =	vmul.f32 v43, v50;
	v1 =	vmul.f32 v62, v44  }
0x107: {  	vm8 =	vgt.f32 v42, $0.0e+00;
	v34 =	vmul.f32 v35, v51;
	v47 =	vmul.f32 v63, v37  }
0x108: {  	v2 =	vld [tilespmem:$0xF110];
	v6 =	vmax.f32 v49, $1.000000000e+00;
	v35 =	vmul.f32 v0, v38;
	v36 =	vmul.f32 v1, v62  }
0x109: {  	v3 =	vld [tilespmem:$0xF390];
	v8 =	vshrl.u32 v6, $0x1;
	v51 =	vadd.f32 v9, v7;
	v4 =	vsub.f32 $1.500000000e+00, v47  }
0x10a: {  	v54 =	vld [tilespmem:$0xF120];
	v11 =	vmul.f32 v5, v43;
	v47 =	vmul.f32 $5.000000000e-01, v6;
	v36 =	vsub.f32 $1.500000000e+00, v36  }
0x10b: {  	v58 =	vld [tilespmem:$0xF3A0];
	v12 =	vsub.s32 $0x5F3759DF, v8;
	v35 =	vnsel vm6, $0x0, v35;
	v39 =	vmul.f32 v4, v37  }
0x10c: {  	v7 =	vld [tilespmem:$0xF900];
	v52 =	vmul.f32 v12, v47;
	v37 =	vsub.f32 $1.500000000e+00, v11;
	v46 =	vmul.f32 v36, v62  }
0x10d: {  	vm9 =	vgt.f32 v48, $0.0e+00;
	v6 =	vld [tilespmem:$0xF680];
	v13 =	vmul.f32 v39, v45;
	v36 =	vmul.f32 v35, v2  }
0x10e: {  	v60 =	vld [tilespmem:$0xF670];
	v61 =	vmax.f32 v51, $1.000000000e+00;
	v57 =	vmul.f32 v12, v52;
	v43 =	vmul.f32 v37, v43  }
0x10f: {  	v0 =	vshrl.u32 v61, $0x1;
	v37 =	vmul.f32 v35, v3;
	v62 =	vld [tilespmem:$0xF8F0];
	v52 =	vmul.f32 $5.000000000e-01, v61  }
0x110: {  	v2 =	vsub.s32 $0x5F3759DF, v0;
	v41 =	vmul.f32 v13, v39;
	v59 =	vsub.f32 $1.500000000e+00, v57  }
0x111: {  	v14 =	vnsel vm7, $0x0, v46;
	v50 =	vmul.f32 v43, v50;
	v55 =	vmul.f32 v2, v52  }
0x112: {  	v57 =	vadd.f32 v7, v6;
	v35 =	vmul.f32 v14, v54;
	v40 =	vmul.f32 v12, v59  }
0x113: {  	v38 =	vmul.f32 v14, v58;
	v41 =	vsub.f32 $1.500000000e+00, v41;
	v1 =	vmul.f32 v50, v43  }
0x114: {  	v55 =	vmul.f32 v2, v55;
	v53 =	vadd.f32 v62, v60;
	v3 =	vmul.f32 v40, v47  }
0x115: {  	v63 =	vld [tilespmem:$0xF130];
	v62 =	vmax.f32 v57, $1.000000000e+00;
	v39 =	vmul.f32 v41, v39;
	v41 =	vsub.f32 $1.500000000e+00, v1  }
0x116: {  	v55 =	vsub.f32 $1.500000000e+00, v55;
	v56 =	vmax.f32 v53, $1.000000000e+00;
	v42 =	vmul.f32 v3, v40  }
0x117: {  	v54 =	vmul.f32 $5.000000000e-01, v62;
	v9 =	vshrl.u32 v56, $0x1;
	v56 =	vmul.f32 $5.000000000e-01, v56  }
0x118: {  	v8 =	vld [tilespmem:$0xF140];
	v41 =	vmul.f32 v41, v43;
	v48 =	vsub.s32 $0x5F3759DF, v9;
	v42 =	vsub.f32 $1.500000000e+00, v42  }
0x119: {  	v14 =	vld [tilespmem:$0xF690];
	v4 =	vnsel vm8, $0x0, v39;
	v50 =	vmul.f32 v2, v55;
	v12 =	vmul.f32 v48, v56  }
0x11a: {  	v59 =	vshrl.u32 v62, $0x1;
	v39 =	vmul.f32 v4, v63;
	v63 =	vld [tilespmem:$0xF910];
	v42 =	vmul.f32 v42, v40  }
0x11b: {  	v5 =	vld [tilespmem:$0xF3B0];
	v59 =	vsub.s32 $0x5F3759DF, v59;
	v55 =	vmul.f32 v50, v52;
	v13 =	vmul.f32 v48, v12  }
0x11c: {  	v0 =	vmul.f32 v59, v54;
	v47 =	vmul.f32 v42, v47  }
0x11d: {  	v11 =	vnsel vm9, $0x0, v41;
	v61 =	vmul.f32 v55, v50;
	v43 =	vsub.f32 $1.500000000e+00, v13  }
0x11e: {  	vm10 =	vgt.f32 v49, $0.0e+00;
	v41 =	vmul.f32 v11, v8;
	v60 =	vmul.f32 v47, v42  }
0x11f: {  	v58 =	vld [tilespmem:$0xF3C0];
	v55 =	vadd.f32 v63, v14;
	v47 =	vsub.f32 $1.500000000e+00, v61;
	v48 =	vmul.f32 v48, v43  }
0x120: {  	v40 =	vmul.f32 v4, v5;
	v43 =	vmul.f32 v59, v0;
	v46 =	vsub.f32 $1.500000000e+00, v60  }
0x121: {  	v1 =	vld [tilespmem:$0xF150];
	v6 =	vmax.f32 v55, $1.000000000e+00;
	v47 =	vmul.f32 v47, v50;
	v2 =	vmul.f32 v48, v56  }
0x122: {  	v61 =	vld [tilespmem:$0xF920];
	v43 =	vsub.f32 $1.500000000e+00, v43;
	v50 =	vmul.f32 $5.000000000e-01, v6;
	v46 =	vmul.f32 v46, v42  }
0x123: {  	v8 =	vshrl.u32 v6, $0x1;
	v60 =	vld [tilespmem:$0xF6A0];
	v4 =	vmul.f32 v47, v52;
	v5 =	vmul.f32 v2, v48  }
0x124: {  	v42 =	vmul.f32 v11, v58;
	v59 =	vmul.f32 v59, v43;
	v58 =	vsub.s32 $0x5F3759DF, v8  }
0x125: {  	v7 =	vld [tilespmem:$0xF3D0];
	v3 =	vnsel vm10, $0x0, v46;
	v45 =	vmul.f32 v4, v47;
	v46 =	vsub.f32 $1.500000000e+00, v5  }
0x126: {  	v9 =	vmul.f32 v58, v50;
	v11 =	vmul.f32 v59, v54  }
0x127: {  	v62 =	vld [tilespmem:$0xF160];
	v43 =	vmul.f32 v3, v1;
	v45 =	vsub.f32 $1.500000000e+00, v45;
	v46 =	vmul.f32 v46, v48  }
0x128: {  	v14 =	vld [tilespmem:$0xF3E0];
	v12 =	vmul.f32 v58, v9;
	v60 =	vadd.f32 v61, v60;
	v48 =	vmul.f32 v11, v59  }
0x129: {  	vm11 =	vgt.f32 v51, $0.0e+00;
	v6 =	vld [tilespmem:$0xF6B0];
	v45 =	vmul.f32 v45, v47;
	v13 =	vmul.f32 v46, v56  }
0x12a: {  	v8 =	vld [tilespmem:$0xF930];
	v44 =	vmul.f32 v3, v7;
	v5 =	vmax.f32 v60, $1.000000000e+00;
	v47 =	vsub.f32 $1.500000000e+00, v12  }
0x12b: {  	v9 =	vld [tilespmem:$0xF6C0];
	v48 =	vsub.f32 $1.500000000e+00, v48;
	v51 =	vnsel vm11, $0x0, v45;
	v49 =	vmul.f32 v13, v46  }
0x12c: {  	v63 =	vshrl.u32 v5, $0x1;
	v12 =	vld [tilespmem:$0xF940];
	v58 =	vmul.f32 v58, v47;
	v45 =	vmul.f32 v51, v62  }
0x12d: {  	v4 =	vsub.f32 $1.500000000e+00, v49;
	v49 =	vmul.f32 v48, v59;
	v48 =	vmul.f32 $5.000000000e-01, v5  }
0x12e: {  	v56 =	vld [tilespmem:$0xF170];
	v63 =	vsub.s32 $0x5F3759DF, v63;
	v47 =	vmul.f32 v51, v14;
	v7 =	vmul.f32 v58, v50  }
0x12f: {  	vm13 =	vgt.f32 v57, $0.0e+00;
	v61 =	vld [tilespmem:$0xF3F0];
	v46 =	vmul.f32 v4, v46;
	v11 =	vmul.f32 v63, v48  }
0x130: {  	vm12 =	vgt.f32 v53, $0.0e+00;
	v54 =	vmul.f32 v49, v54;
	v62 =	vmul.f32 v7, v58  }
0x131: {  	v7 =	vadd.f32 v8, v6;
	v8 =	vadd.f32 v12, v9;
	v0 =	vmul.f32 v63, v11  }
0x132: {  	v13 =	vmul.f32 v54, v49;
	v46 =	vnsel vm12, $0x0, v46;
	v14 =	vsub.f32 $1.500000000e+00, v62  }
0x133: {  	v2 =	vmax.f32 v7, $1.000000000e+00;
	v62 =	vmul.f32 v46, v56;
	v0 =	vsub.f32 $1.500000000e+00, v0  }
0x134: {  	v57 =	vld [tilespmem:$0xF950];
	v5 =	vmax.f32 v8, $1.000000000e+00;
	v46 =	vmul.f32 v46, v61;
	v56 =	vmul.f32 $5.000000000e-01, v2  }
0x135: {  	v53 =	vld [tilespmem:$0xF6D0];
	v6 =	vshrl.u32 v5, $0x1;
	v59 =	vmul.f32 $5.000000000e-01, v5;
	v0 =	vmul.f32 v63, v0  }
0x136: {  	v51 =	vsub.f32 $1.500000000e+00, v13;
	v52 =	vmul.f32 v14, v58;
	v58 =	vsub.s32 $0x5F3759DF, v6  }
0x137: {  	v9 =	vld [tilespmem:$0xF400];
	v14 =	vmul.f32 v58, v59;
	v13 =	vmul.f32 v0, v48  }
0x138: {  	v4 =	vshrl.u32 v2, $0x1;
	v49 =	vmul.f32 v51, v49;
	v61 =	vmul.f32 v52, v50  }
0x139: {  	v54 =	vsub.s32 $0x5F3759DF, v4;
	v51 =	vld [tilespmem:$0xF180];
	v2 =	vmul.f32 v58, v14;
	v1 =	vmul.f32 v13, v0  }
0x13a: {  	v57 =	vadd.f32 v57, v53;
	v11 =	vmul.f32 v54, v56;
	v3 =	vmul.f32 v61, v52  }
0x13b: {  	v12 =	vnsel vm13, $0x0, v49;
	v2 =	vsub.f32 $1.500000000e+00, v2;
	v1 =	vsub.f32 $1.500000000e+00, v1  }
0x13c: {  	v61 =	vmul.f32 v54, v11;
	v50 =	vmul.f32 v12, v9  }
0x13d: {  	v9 =	vmax.f32 v57, $1.000000000e+00;
	v0 =	vmul.f32 v1, v0;
	v1 =	vmul.f32 v58, v2  }
0x13e: {  	v3 =	vsub.f32 $1.500000000e+00, v3;
	v49 =	vmul.f32 v12, v51;
	v51 =	vsub.f32 $1.500000000e+00, v61  }
0x13f: {  	v11 =	vshrl.u32 v9, $0x1;
	v61 =	vmul.f32 $5.000000000e-01, v9;
	v9 =	vmul.f32 v1, v59  }
0x140: {  	v53 =	vmul.f32 v54, v51  }
0x141: {  	v5 =	vmul.f32 v3, v52;
	v3 =	vmul.f32 v9, v1  }
0x142: {  	v2 =	vsub.s32 $0x5F3759DF, v11;
	v12 =	vmul.f32 v53, v56  }
0x143: {  	v13 =	vmul.f32 v2, v61;
	v3 =	vsub.f32 $1.500000000e+00, v3  }
0x144: {  	vm1 =	vgt.f32 v8, $0.0e+00;
	v8 =	vld [tilespmem:$0xF980];
	v12 =	vmul.f32 v12, v53  }
0x145: {  	v14 =	vld [tilespmem:$0xF6E0];
	v58 =	vmul.f32 v2, v13;
	v1 =	vmul.f32 v3, v1  }
0x146: {  	vm14 =	vgt.f32 v55, $0.0e+00;
	v52 =	vld [tilespmem:$0xF190];
	v48 =	vmul.f32 v0, v48  }
0x147: {  	v11 =	vld [tilespmem:$0xF960];
	v55 =	vsub.f32 $1.500000000e+00, v12;
	v58 =	vsub.f32 $1.500000000e+00, v58;
	v12 =	vmul.f32 v1, v59  }
0x148: {  	v54 =	vld [tilespmem:$0xF410];
	v48 =	vmul.f32 v48, v0  }
0x149: {  	v4 =	vld [tilespmem:$0xF1A0];
	v2 =	vmul.f32 v2, v58;
	v58 =	vmul.f32 v12, v1  }
0x14a: {  	v6 =	vld [tilespmem:$0xF420];
	v5 =	vnsel vm14, $0x0, v5;
	v13 =	vsub.f32 $1.500000000e+00, v48;
	v48 =	vmul.f32 v55, v53  }
0x14b: {  	vm5 =	vgt.f32 v57, $0.0e+00;
	v63 =	vld [tilespmem:$0xF970];
	v51 =	vmul.f32 v5, v52;
	v12 =	vsub.f32 $1.500000000e+00, v58  }
0x14c: {  	v55 =	vadd.f32 v11, v14;
	v14 =	vmul.f32 v48, v56;
	v9 =	vmul.f32 v2, v61;
	v56 =	vld [tilespmem:$0xF6F0]  }
0x14d: {  	vm15 =	vgt.f32 v60, $0.0e+00;
	v52 =	vmul.f32 v5, v54;
	v1 =	vmul.f32 v12, v1;
	v12 =	vld [tilespmem:$0x1FF40]  }
0x14e: {  	v57 =	vld [tilespmem:$0x1FFD0];
	v11 =	vmax.f32 v55, $1.000000000e+00;
	v5 =	vmul.f32 v14, v48;
	v14 =	vmul.f32 v9, v2  }
0x14f: {  	v54 =	vld [tilespmem:$0xF1B0];
	v0 =	vmul.f32 v13, v0;
	v13 =	vshrl.u32 v11, $0x1;
	v60 =	vmul.f32 $5.000000000e-01, v11  }
0x150: {  	v59 =	vsub.s32 $0x5F3759DF, v13;
	v9 =	vsub.f32 $1.500000000e+00, v5;
	v11 =	vsub.f32 $1.500000000e+00, v14;
	v14 =	vld [tilespmem:$0x1FF30]  }
0x151: {  	v0 =	vnsel vm15, $0x0, v0;
	v3 =	vmul.f32 v59, v60;
	v58 =	vld [tilespmem:$0xF430]  }
0x152: {  	v53 =	vmul.f32 v0, v4;
	v4 =	vmul.f32 v9, v48;
	v48 =	vadd.f32 v63, v56;
	[tilespmem:$0xFC80] =	vst v12;
	v12 =	vld [tilespmem:$0x1FF60]  }
0x153: {  	v3 =	vmul.f32 v59, v3;
	v5 =	vmul.f32 v11, v2;
	v56 =	vld [tilespmem:$0xF1C0]  }
0x154: {  	v11 =	vld [tilespmem:$0x1FF50];
	v63 =	vmax.f32 v48, $1.000000000e+00  }
0x155: {  	v2 =	vsub.f32 $1.500000000e+00, v3;
	v3 =	vmul.f32 v5, v61;
	v61 =	vld [tilespmem:$0xF440];
	[tilespmem:$0xFA00] =	vst v14;
	v14 =	vshrl.u32 v63, $0x1  }
0x156: {  	v13 =	vmul.f32 v0, v6;
	v0 =	vsub.s32 $0x5F3759DF, v14;
	v14 =	vld [tilespmem:$0x1FF70]  }
0x157: {  	[tilespmem:$0xFC90] =	vst v12;
	v12 =	vld [tilespmem:$0x1FF80]  }
0x158: {  	vm4 =	vgt.f32 v7, $0.0e+00;
	v9 =	vld [tilespmem:$0xF700];
	v7 =	vmul.f32 $5.000000000e-01, v63  }
0x159: {  	v6 =	vld [tilespmem:$0xF710];
	v59 =	vmul.f32 v59, v2  }
0x15a: {  	v4 =	vnsel vm4, $0x0, v4;
	v63 =	vmul.f32 v3, v5;
	v3 =	vld [tilespmem:$0xF990];
	[tilespmem:$0xFA10] =	vst v11;
	v2 =	vmul.f32 v0, v7  }
0x15b: {  	v1 =	vnsel vm1, $0x0, v1;
	v11 =	vmul.f32 v4, v58;
	[tilespmem:$0xFA20] =	vst v14;
	v14 =	vld [tilespmem:$0x1FF90]  }
0x15c: {  	v2 =	vmul.f32 v0, v2;
	[tilespmem:$0xFCA0] =	vst v12;
	v12 =	vmul.f32 v1, v61;
	v61 =	vld [tilespmem:$0x1FFB0]  }
0x15d: {  	v58 =	vmul.f32 v1, v56;
	v56 =	vsub.f32 $1.500000000e+00, v63;
	v63 =	vadd.f32 v8, v9;
	v9 =	vld [tilespmem:$0x1FFA0]  }
0x15e: {  	[tilespmem:$0xFCD0] =	vst v10;
	v8 =	vmul.f32 v59, v60;
	v2 =	vsub.f32 $1.500000000e+00, v2  }
0x15f: {  	[tilespmem:$0xFA50] =	vst v57;
	v54 =	vmul.f32 v4, v54;
	v4 =	vmul.f32 v56, v5;
	v56 =	vadd.f32 v3, v6  }
0x160: {  	v5 =	vmul.f32 v8, v59;
	v6 =	vld [tilespmem:$0xF9A0];
	v0 =	vmul.f32 v0, v2;
	[tilespmem:$0xFA30] =	vst v14;
	v14 =	vmax.f32 v63, $1.000000000e+00  }
0x161: {  	v3 =	vshrl.u32 v14, $0x1;
	v1 =	vmax.f32 v56, $1.000000000e+00;
	[tilespmem:$0xFA40] =	vst v61;
	v61 =	vmul.f32 $5.000000000e-01, v14;
	v14 =	vld [tilespmem:$0x1FFC0]  }
0x162: {  	[tilespmem:$0xFCB0] =	vst v9;
	v9 =	vld [tilespmem:$0xF720];
	v10 =	vshrl.u32 v1, $0x1;
	v57 =	vmul.f32 $5.000000000e-01, v1;
	v1 =	vmul.f32 v0, v7  }
0x163: {  	v5 =	vsub.f32 $1.500000000e+00, v5;
	v2 =	vsub.s32 $0x5F3759DF, v3  }
0x164: {  	v1 =	vmul.f32 v1, v0;
	v8 =	vmul.f32 v2, v61  }
0x165: {  	[tilespmem:$0xFA70] =	vst v15;
	v59 =	vmul.f32 v5, v59  }
0x166: {  	v1 =	vsub.f32 $1.500000000e+00, v1;
	v5 =	vmul.f32 v2, v8;
	v8 =	vsub.s32 $0x5F3759DF, v10;
	[tilespmem:$0xFCC0] =	vst v14;
	v14 =	vld [tilespmem:$0x1FFE0]  }
0x167: {  	[tilespmem:$0xFCF0] =	vst v16;
	v3 =	vld [tilespmem:$0xF1D0];
	v6 =	vadd.f32 v6, v9;
	v9 =	vmul.f32 v8, v57  }
0x168: {  	[tilespmem:$0xFD00] =	vst v19;
	v0 =	vmul.f32 v1, v0  }
0x169: {  	[tilespmem:$0xFAA0] =	vst v21;
	v10 =	vmul.f32 v59, v60;
	v16 =	vmul.f32 v8, v9  }
0x16a: {  	[tilespmem:$0xFAB0] =	vst v23;
	v23 =	vld [tilespmem:$0xF9B0];
	vm6 =	vgt.f32 v55, $0.0e+00;
	v4 =	vnsel vm5, $0x0, v4;
	v60 =	vsub.f32 $1.500000000e+00, v5  }
0x16b: {  	v7 =	vmul.f32 v0, v7;
	v9 =	vmul.f32 v10, v59;
	v1 =	vsub.f32 $1.500000000e+00, v16;
	[tilespmem:$0xFA60] =	vst v14;
	v14 =	vld [tilespmem:$0x1FFF0]  }
0x16c: {  	[tilespmem:$0xFD20] =	vst v22;
	vm7 =	vgt.f32 v48, $0.0e+00;
	v5 =	vmul.f32 v4, v3;
	v10 =	vld [tilespmem:$0xF450];
	v2 =	vmul.f32 v2, v60  }
0x16d: {  	[tilespmem:$0xFD30] =	vst v24;
	v60 =	vmax.f32 v6, $1.000000000e+00;
	v16 =	vld [tilespmem:$0xF1E0];
	v9 =	vsub.f32 $1.500000000e+00, v9;
	v1 =	vmul.f32 v8, v1  }
0x16e: {  	[tilespmem:$0xFD40] =	vst v26;
	v7 =	vmul.f32 v7, v0;
	v19 =	vshrl.u32 v60, $0x1;
	v3 =	vmul.f32 $5.000000000e-01, v60;
	v60 =	vld [tilespmem:$0xF730]  }
0x16f: {  	v24 =	vld [tilespmem:$0xF460];
	[tilespmem:$0xFD60] =	vst v30;
	v15 =	vsub.s32 $0x5F3759DF, v19;
	v9 =	vmul.f32 v9, v59;
	v22 =	vmul.f32 v1, v57  }
0x170: {  	v30 =	vld [tilespmem:$0xF740];
	vm8 =	vgt.f32 v63, $0.0e+00;
	v21 =	vmul.f32 v15, v3;
	[tilespmem:$0xFCE0] =	vst v14;
	v14 =	vmul.f32 v2, v61  }
0x171: {  	[tilespmem:$0xFD70] =	vst v32;
	v32 =	vld [tilespmem:$0xF9C0];
	v8 =	vmul.f32 v4, v10;
	v26 =	vnsel vm6, $0x0, v9;
	v22 =	vmul.f32 v22, v1  }
0x172: {  	[tilespmem:$0xFD10] =	vst v20;
	v20 =	vmul.f32 v14, v2;
	v14 =	vmul.f32 v15, v21;
	v21 =	vsub.f32 $1.500000000e+00, v7  }
0x173: {  	[tilespmem:$0xFAC0] =	vst v25;
	v9 =	vmul.f32 v26, v16;
	v25 =	vsub.f32 $1.500000000e+00, v22;
	v7 =	vadd.f32 v23, v60  }
0x174: {  	[tilespmem:$0xFA90] =	vst v18;
	v55 =	vld [tilespmem:$0xF1F0];
	v10 =	vmul.f32 v26, v24;
	v18 =	vsub.f32 $1.500000000e+00, v20;
	v14 =	vsub.f32 $1.500000000e+00, v14  }
0x175: {  	[tilespmem:$0xFAE0] =	vst v29;
	v59 =	vld [tilespmem:$0xF470];
	v0 =	vmul.f32 v21, v0;
	v1 =	vmul.f32 v25, v1;
	v29 =	vmax.f32 v7, $1.000000000e+00  }
0x176: {  	[tilespmem:$0xFAF0] =	vst v31;
	v63 =	vld [tilespmem:$0xF760];
	v21 =	vadd.f32 v32, v30;
	v31 =	vshrl.u32 v29, $0x1;
	v2 =	vmul.f32 v18, v2  }
0x177: {  	[tilespmem:$0xFAD0] =	vst v27;
	v32 =	vld [tilespmem:$0xF9E0];
	v20 =	vmul.f32 $5.000000000e-01, v29;
	v14 =	vmul.f32 v15, v14;
	v0 =	vnsel vm7, $0x0, v0  }
0x178: {  	[tilespmem:$0xFD50] =	vst v28;
	v28 =	vmul.f32 v1, v57;
	v22 =	vsub.s32 $0x5F3759DF, v31;
	v27 =	vmul.f32 v2, v61  }
0x179: {  	[tilespmem:$0xFA80] =	vst v17;
	v4 =	vmul.f32 v0, v55;
	v55 =	vmul.f32 v22, v20  }
0x17a: {  	[tilespmem:$0xFD80] =	vst v33;
	vm9 =	vgt.f32 v56, $0.0e+00;
	v0 =	vmul.f32 v0, v59;
	v18 =	vmul.f32 v27, v2  }
0x17b: {  	[tilespmem:$0xFB00] =	vst v34;
	v31 =	vmax.f32 v21, $1.000000000e+00;
	v60 =	vmul.f32 v14, v3;
	v17 =	vmul.f32 v28, v1  }
0x17c: {  	[tilespmem:$0xFB10] =	vst v36;
	v33 =	vshrl.u32 v31, $0x1;
	v61 =	vld [tilespmem:$0xF200];
	v24 =	vadd.f32 v32, v63;
	v18 =	vsub.f32 $1.500000000e+00, v18  }
0x17d: {  	v34 =	vld [tilespmem:$0xF480];
	[tilespmem:$0xFD90] =	vst v37;
	v59 =	vmul.f32 v22, v55;
	v19 =	vmul.f32 v60, v14;
	v17 =	vsub.f32 $1.500000000e+00, v17  }
0x17e: {  	[tilespmem:$0xFDD0] =	vst v44;
	v48 =	vld [tilespmem:$0xF210];
	v25 =	vmul.f32 $5.000000000e-01, v31;
	v44 =	vmax.f32 v24, $1.000000000e+00;
	v2 =	vmul.f32 v18, v2  }
0x17f: {  	[tilespmem:$0xFB20] =	vst v35;
	v57 =	vld [tilespmem:$0xF490];
	v19 =	vsub.f32 $1.500000000e+00, v19;
	v1 =	vmul.f32 v17, v1;
	v17 =	vsub.f32 $1.500000000e+00, v59  }
0x180: {  	[tilespmem:$0xFB60] =	vst v45;
	v60 =	vld [tilespmem:$0xF750];
	v45 =	vshrl.u32 v44, $0x1;
	v29 =	vmul.f32 $5.000000000e-01, v44;
	v2 =	vnsel vm8, $0x0, v2  }
0x181: {  	[tilespmem:$0xFDA0] =	vst v38;
	v30 =	vsub.s32 $0x5F3759DF, v45;
	v14 =	vmul.f32 v19, v14;
	v15 =	vmul.f32 v2, v61;
	v61 =	vld [tilespmem:$0xF9D0]  }
0x182: {  	v35 =	vld [tilespmem:$0xF9F0];
	[tilespmem:$0xFB80] =	vst v49;
	v1 =	vnsel vm9, $0x0, v1;
	v17 =	vmul.f32 v22, v17;
	v49 =	vmul.f32 v30, v29  }
0x183: {  	[tilespmem:$0xFB30] =	vst v39;
	v22 =	vsub.s32 $0x5F3759DF, v33;
	v18 =	vmul.f32 v1, v48;
	v2 =	vmul.f32 v2, v34;
	v34 =	vld [tilespmem:$0xF770]  }
0x184: {  	[tilespmem:$0xFB40] =	vst v41;
	v37 =	vmul.f32 v22, v25;
	v1 =	vmul.f32 v1, v57  }
0x185: {  	[tilespmem:$0xFDB0] =	vst v40;
	v3 =	vmul.f32 v14, v3;
	v36 =	vmul.f32 v17, v20  }
0x186: {  	[tilespmem:$0xFE10] =	vst v52;
	v52 =	vmul.f32 v30, v49;
	v39 =	vmul.f32 v22, v37;
	v19 =	vadd.f32 v61, v60  }
0x187: {  	[tilespmem:$0xFDC0] =	vst v42;
	v3 =	vmul.f32 v3, v14;
	v38 =	vmul.f32 v36, v17  }
0x188: {  	[tilespmem:$0xFB50] =	vst v43;
	v56 =	vsub.f32 $1.500000000e+00, v52;
	v27 =	vadd.f32 v35, v34;
	v40 =	vmax.f32 v19, $1.000000000e+00  }
0x189: {  	[tilespmem:$0xFDE0] =	vst v47;
	v16 =	vsub.f32 $1.500000000e+00, v39;
	v41 =	vshrl.u32 v40, $0x1;
	v23 =	vmul.f32 $5.000000000e-01, v40  }
0x18a: {  	[tilespmem:$0xFDF0] =	vst v46;
	v3 =	vsub.f32 $1.500000000e+00, v3;
	v46 =	vmax.f32 v27, $1.000000000e+00;
	v42 =	vsub.s32 $0x5F3759DF, v41  }
0x18b: {  	[tilespmem:$0xFB70] =	vst v62;
	v47 =	vshrl.u32 v46, $0x1;
	v31 =	vmul.f32 $5.000000000e-01, v46;
	v43 =	vmul.f32 v42, v23  }
0x18c: {  	[tilespmem:$0xFE00] =	vst v50;
	v48 =	vld [tilespmem:$0xF220];
	v59 =	vmul.f32 v30, v56;
	v16 =	vmul.f32 v22, v16;
	v32 =	vsub.s32 $0x5F3759DF, v47  }
0x18d: {  	[tilespmem:$0xFB90] =	vst v51;
	vm10 =	vgt.f32 v6, $0.0e+00;
	v50 =	vmul.f32 v32, v31;
	v28 =	vmul.f32 v42, v43  }
0x18e: {  	[tilespmem:$0xFBA0] =	vst v53;
	v3 =	vmul.f32 v3, v14;
	v14 =	vsub.f32 $1.500000000e+00, v38;
	v63 =	vmul.f32 v59, v29  }
0x18f: {  	[tilespmem:$0xFE20] =	vst v13;
	v53 =	vmul.f32 v16, v25;
	v22 =	vmul.f32 v32, v50;
	v51 =	vsub.f32 $1.500000000e+00, v28  }
0x190: {  	[tilespmem:$0xFBB0] =	vst v54;
	v14 =	vmul.f32 v14, v17;
	v3 =	vnsel vm10, $0x0, v3;
	v34 =	vmul.f32 v63, v59  }
0x191: {  	[tilespmem:$0xFE30] =	vst v11;
	v57 =	vmul.f32 v3, v48;
	v22 =	vsub.f32 $1.500000000e+00, v22;
	v55 =	vmul.f32 v42, v51  }
0x192: {  	[tilespmem:$0xFBC0] =	vst v58;
	v6 =	vmul.f32 v53, v16;
	v20 =	vmul.f32 v14, v20;
	v37 =	vsub.f32 $1.500000000e+00, v34  }
0x193: {  	[tilespmem:$0xFE40] =	vst v12;
	v22 =	vmul.f32 v32, v22;
	v60 =	vmul.f32 v55, v23  }
0x194: {  	[tilespmem:$0xFBD0] =	vst v5;
	v6 =	vsub.f32 $1.500000000e+00, v6;
	v33 =	vmul.f32 v20, v14;
	v40 =	vmul.f32 v37, v59  }
0x195: {  	[tilespmem:$0xFE50] =	vst v8;
	v61 =	vld [tilespmem:$0xF4A0];
	v32 =	vmul.f32 v22, v31;
	v62 =	vmul.f32 v60, v55  }
0x196: {  	[tilespmem:$0xFBE0] =	vst v9;
	v30 =	vmul.f32 v6, v16;
	v46 =	vmul.f32 v40, v29  }
0x197: {  	[tilespmem:$0xFE60] =	vst v10;
	v39 =	vld [tilespmem:$0xF230];
	v38 =	vsub.f32 $1.500000000e+00, v33;
	v6 =	vmul.f32 v32, v22;
	v12 =	vsub.f32 $1.500000000e+00, v62  }
0x198: {  	vm11 =	vgt.f32 v7, $0.0e+00;
	[tilespmem:$0xFBF0] =	vst v4;
	v35 =	vmul.f32 v30, v25;
	v49 =	vmul.f32 v46, v40  }
0x199: {  	[tilespmem:$0xFE70] =	vst v0;
	v41 =	vld [tilespmem:$0xF4B0];
	v4 =	vmul.f32 v38, v14;
	v6 =	vsub.f32 $1.500000000e+00, v6;
	v36 =	vmul.f32 v12, v55  }
0x19a: {  	[tilespmem:$0xFC10] =	vst v18;
	v3 =	vmul.f32 v3, v61;
	v9 =	vmul.f32 v35, v30;
	v52 =	vsub.f32 $1.500000000e+00, v49  }
0x19b: {  	[tilespmem:$0xFE90] =	vst v1;
	v53 =	vld [tilespmem:$0xF260];
	v4 =	vnsel vm11, $0x0, v4;
	v6 =	vmul.f32 v6, v22;
	v42 =	vmul.f32 v36, v23  }
0x19c: {  	[tilespmem:$0xFC00] =	vst v15;
	v56 =	vld [tilespmem:$0xF4E0];
	v9 =	vsub.f32 $1.500000000e+00, v9;
	v8 =	vmul.f32 v4, v39;
	v0 =	vmul.f32 v52, v40  }
0x19d: {  	vm12 =	vgt.f32 v21, $0.0e+00;
	v44 =	vld [tilespmem:$0xF4C0];
	[tilespmem:$0xFE80] =	vst v2;
	v50 =	vmul.f32 v6, v31;
	v45 =	vmul.f32 v42, v36  }
0x19e: {  	vm14 =	vgt.f32 v24, $0.0e+00;
	[tilespmem:$0xFC20] =	vst v57;
	v43 =	vld [tilespmem:$0xF240];
	v4 =	vmul.f32 v4, v41;
	v5 =	vmul.f32 v9, v30  }
0x19f: {  	v48 =	vld [tilespmem:$0xF250];
	[tilespmem:$0xFEA0] =	vst v3;
	v0 =	vnsel vm14, $0x0, v0;
	v54 =	vmul.f32 v50, v6;
	v47 =	vsub.f32 $1.500000000e+00, v45  }
0x1a0: {  	v51 =	vld [tilespmem:$0xF4D0];
	[tilespmem:$0xFC30] =	vst v8;
	v5 =	vnsel vm12, $0x0, v5;
	v61 =	vmul.f32 v0, v53  }
0x1a1: {  	v58 =	vld [tilespmem:$0xF270];
	[tilespmem:$0xFEB0] =	vst v4;
	v0 =	vmul.f32 v0, v56;
	v57 =	vsub.f32 $1.500000000e+00, v54;
	v1 =	vmul.f32 v47, v36  }
0x1a2: {  	vm13 =	vgt.f32 v19, $0.0e+00;
	v59 =	vld [tilespmem:$0xF4F0];
	v2 =	vmul.f32 v5, v44;
	[tilespmem:$0xFC60] =	vst v61  }
0x1a3: {  	v55 =	vmul.f32 v5, v43;
	[tilespmem:$0xFEE0] =	vst v0;
	v60 =	vmul.f32 v57, v6;
	v1 =	vnsel vm13, $0x0, v1  }
0x1a4: {  	vm15 =	vgt.f32 v27, $0.0e+00;
	[tilespmem:$0xFEC0] =	vst v2;
	v7 =	vmul.f32 v1, v48  }
0x1a5: {  	[tilespmem:$0xFC40] =	vst v55;
	v62 =	vnsel vm15, $0x0, v60;
	v1 =	vmul.f32 v1, v51  }
0x1a6: {  	v2 =	vmul.f32 v62, v58;
	[tilespmem:$0xFC50] =	vst v7  }
0x1a7: {  	v63 =	vmul.f32 v62, v59;
	[tilespmem:$0xFED0] =	vst v1  }
0x1a8: {  	[tilespmem:$0xFC70] =	vst v2  }
0x1a9: {  	s25 =	simm.s32 $0xFA00;
	[tilespmem:$0xFEF0] =	vst v63  }
0x1aa: {  	[spmem:s20] =	stream.linear.scatter [tilespmem:s25], [sflag:$0x2], $0x280, $0x38;
	[tilespmem:$0x10B80] =	vst v63  }
0x1ab: {  	_ =	swait.ge [sflag:s26], $0x280  }
0x1ac: {  	[sflag:s26] =	ssyncset.done $0x0  }
0x1ad: {  	s3 =	simm.s32 $0xFC80;
	[sflag:s26] =	ssyncadd.s32 $0xFFFFFD80  }
0x1ae: {  	[spmem:s21] =	stream.linear.scatter [tilespmem:s3], [sflag:$0x2], $0x280, $0x38;
	[tilespmem:$0x10B80] =	vst v63  }
0x1af: {  	_ =	swait.ge [sflag:s26], $0x280  }
0x1b0: {  	[sflag:s26] =	ssyncset.done $0x0  }
0x1b1: {  	[sflag:s26] =	ssyncadd.s32 $0xFFFFFD80  }
0x1b2: {  	[bflag:$0x0] =	sbarrier.arrive $0xFFFF  }
0x1b3: {  	s10 =	simm.s32 $0xA000;
	s5 =	rddreg [dreg:$0x4]  }
0x1b4: {  	[tilespmem:s10], [sflag:$0x2] =	stream.linear.gather [spmem:s5], $0x2800, $0x38;
	[tilespmem:$0x10B80] =	vst v63  }
0x1b5: {  	_ =	swait.ge [sflag:s26], $0x2800  }
0x1b6: {  	[sflag:s26] =	ssyncset.done $0x0  }
0x1b7: {  	[sflag:s26] =	ssyncadd.s32 $0xFFFFD800  }
0x1b8: {  	s25 =	simm.s32 $0xC800;
	s11 =	rddreg [dreg:$0x5]  }
0x1b9: {  	[tilespmem:s25], [sflag:$0x2] =	stream.linear.gather [spmem:s11], $0x2800, $0x38;
	[tilespmem:$0x10B80] =	vst v63  }
0x1ba: {  	_ =	swait.ge [sflag:s26], $0x2800  }
0x1bb: {  	p2 =	sle.u32 s7, $0x0;
	[sflag:s26] =	ssyncset.done $0x0  }
0x1bc: {  	s0 =	simm.s32 @!p2 $0x0;
	[sflag:s26] =	ssyncadd.s32 $0xFFFFD800  }
0x1bd: {  	v0 =	vld @!p2 [tilespmem:s0+$0x0];
	_ =	sdelay $0x6  }
0x1be: {  	s3 =	simm.s32 @!p2 $0xA000  }
0x1bf: {  	v1 =	vld.idx.msk @!p2 [tilespmem:v0+s3+$0x0], $0xffff;
	_ =	sdelay $0x3  }
0x1c0: {  	v2 =	vld @!p2 [tilespmem:s0+$0x10]  }
0x1c1: {  	s5 =	simm.s32 @!p2 $0xC800;
	[tilespmem:s0+$0x5000] =	vst @!p2 v1  }
0x1c2: {  	v0 =	vld.idx.msk @!p2 [tilespmem:v0+s5+$0x0], $0xffff;
	_ =	sdelay $0x4  }
0x1c3: {  	[tilespmem:s0+$0x7800] =	vst @!p2 v0  }
0x1c4: {  	v0 =	vld.idx.msk @!p2 [tilespmem:v2+s3+$0x0], $0xffff;
	_ =	sdelay $0x3  }
0x1c5: {  	v1 =	vld @!p2 [tilespmem:s0+$0x20]  }
0x1c6: {  	[tilespmem:s0+$0x5010] =	vst @!p2 v0  }
0x1c7: {  	v0 =	vld.idx.msk @!p2 [tilespmem:v2+s5+$0x0], $0xffff;
	_ =	sdelay $0x4  }
0x1c8: {  	[tilespmem:s0+$0x7810] =	vst @!p2 v0  }
0x1c9: {  	v0 =	vld.idx.msk @!p2 [tilespmem:v1+s3+$0x0], $0xffff;
	_ =	sdelay $0x3  }
0x1ca: {  	v2 =	vld @!p2 [tilespmem:s0+$0x30]  }
0x1cb: {  	[tilespmem:s0+$0x5020] =	vst @!p2 v0  }
0x1cc: {  	v0 =	vld.idx.msk @!p2 [tilespmem:v1+s5+$0x0], $0xffff;
	_ =	sdelay $0x4  }
0x1cd: {  	[tilespmem:s0+$0x7820] =	vst @!p2 v0  }
0x1ce: {  	v0 =	vld.idx.msk @!p2 [tilespmem:v2+s3+$0x0], $0xffff;
	_ =	sdelay $0x3  }
0x1cf: {  	v1 =	vld @!p2 [tilespmem:s0+$0x40]  }
0x1d0: {  	[tilespmem:s0+$0x5030] =	vst @!p2 v0  }
0x1d1: {  	v0 =	vld.idx.msk @!p2 [tilespmem:v2+s5+$0x0], $0xffff;
	_ =	sdelay $0x4  }
0x1d2: {  	[tilespmem:s0+$0x7830] =	vst @!p2 v0  }
0x1d3: {  	v0 =	vld.idx.msk @!p2 [tilespmem:v1+s3+$0x0], $0xffff;
	_ =	sdelay $0x3  }
0x1d4: {  	v2 =	vld @!p2 [tilespmem:s0+$0x50]  }
0x1d5: {  	[tilespmem:s0+$0x5040] =	vst @!p2 v0  }
0x1d6: {  	v0 =	vld.idx.msk @!p2 [tilespmem:v1+s5+$0x0], $0xffff;
	_ =	sdelay $0x4  }
0x1d7: {  	[tilespmem:s0+$0x7840] =	vst @!p2 v0  }
0x1d8: {  	v0 =	vld.idx.msk @!p2 [tilespmem:v2+s3+$0x0], $0xffff;
	_ =	sdelay $0x3  }
0x1d9: {  	v1 =	vld @!p2 [tilespmem:s0+$0x60]  }
0x1da: {  	[tilespmem:s0+$0x5050] =	vst @!p2 v0  }
0x1db: {  	v0 =	vld.idx.msk @!p2 [tilespmem:v2+s5+$0x0], $0xffff;
	_ =	sdelay $0x4  }
0x1dc: {  	[tilespmem:s0+$0x7850] =	vst @!p2 v0  }
0x1dd: {  	v0 =	vld.idx.msk @!p2 [tilespmem:v1+s3+$0x0], $0xffff;
	_ =	sdelay $0x3  }
0x1de: {  	v2 =	vld @!p2 [tilespmem:s0+$0x70]  }
0x1df: {  	[tilespmem:s0+$0x5060] =	vst @!p2 v0  }
0x1e0: {  	v0 =	vld.idx.msk @!p2 [tilespmem:v1+s5+$0x0], $0xffff;
	_ =	sdelay $0x4  }
0x1e1: {  	[tilespmem:s0+$0x7860] =	vst @!p2 v0  }
0x1e2: {  	v0 =	vld.idx.msk @!p2 [tilespmem:v2+s3+$0x0], $0xffff;
	_ =	sdelay $0x4  }
0x1e3: {  	[tilespmem:s0+$0x5070] =	vst @!p2 v0  }
0x1e4: {  	v0 =	vld.idx.msk @!p2 [tilespmem:v2+s5+$0x0], $0xffff;
	_ =	sdelay $0x3  }
0x1e5: {  	p3 =	por @!p2 $0x1, $0x1  }
0x1e6: {  	s3 =	simm.s32 @!p2 $0x5000;
	s5 =	simm.s32 @!p2 $0x80;
	[tilespmem:s0+$0x7870] =	vst @!p2 v0;
	s0 =	simm.s32 @!p2 $0x2800  }
0x1e7: {  	[spmem:s1] =	stream.indirect.scatter.add.f32 @!p2 [tilespmem:s3], [sflag:$0x1], $0x1, s0, s5, $0xb8;
	[tilespmem:$0x10B80] =	vst v63  }
0x1e8: {  	p5 =	por p3, p2;
	s3 =	simm.s32 @!p2 $0x7800  }
0x1e9: {  	[spmem:s2] =	stream.indirect.scatter.add.f32 @!p2 [tilespmem:s3], [sflag:$0x1], $0x1, s0, s5, $0xb8;
	[tilespmem:$0x10B80] =	vst v63  }
0x1ea: {  	s3 =	simm.s32 @!p5 $0x1  }
0x1eb: {  	_ =	swait.ge @!p5 [sflag:s3], $0x80  }
0x1ec: {  	[sflag:s3] =	ssyncset.done @!p5 $0x0  }
0x1ed: {  	s31 =	simm.s32 $0x200;
	[sflag:s3] =	ssyncadd.s32 @!p5 $0xFFFFFF80  }
0x1ee: {  	s30 =	simm.s32 $0x400;
	s5 =	simm.s32 $0x1;
	_ =	swait.ge @!p5 [sflag:s3], $0x80  }
.LBB2_2:
0x1ef: {  	p3 =	sge.u32 s5, s7  }
0x1f0: {  	[sflag:s3] =	ssyncset.done @!p5 $0x0;
	s11 =	smov.u32 s30;
	s30 =	sadd.s32 $0x200, s30  }
0x1f1: {  	s0 =	sshra.s32 @!p3 s31, $0x2;
	p4 =	slt.u32 @!p3 s5, $0x8;
	[sflag:s3] =	ssyncadd.s32 @!p5 $0xFFFFFF80  }
0x1f2: {  	p2 =	sne.s32 s30, $0xA000;
	v0 =	vld @!p3 [tilespmem:s0+$0x0];
	s10 =	sadd.s32 @!p3 $0x5000, s0;
	s25 =	sadd.s32 @!p3 $0x7800, s0  }
0x1f3: {  	s31 =	smov.u32 s11;
	_ =	sdelay $0x5  }
0x1f4: {  	s3 =	simm.s32 @!p3 $0xA000  }
0x1f5: {  	v1 =	vld.idx.msk @!p3 [tilespmem:v0+s3+$0x0], $0xffff;
	_ =	sdelay $0x5  }
0x1f6: {  	s11 =	simm.s32 @!p3 $0xC800;
	[tilespmem:s0+$0x5000] =	vst @!p3 v1;
	v1 =	vld @!p3 [tilespmem:s0+$0x10]  }
0x1f7: {  	v0 =	vld.idx.msk @!p3 [tilespmem:v0+s11+$0x0], $0xffff;
	_ =	sdelay $0x5  }
0x1f8: {  	[tilespmem:s0+$0x7800] =	vst @!p3 v0  }
0x1f9: {  	v0 =	vld.idx.msk @!p3 [tilespmem:v1+s3+$0x0], $0xffff;
	_ =	sdelay $0x5  }
0x1fa: {  	[tilespmem:s0+$0x5010] =	vst @!p3 v0;
	v0 =	vld @!p3 [tilespmem:s0+$0x20]  }
0x1fb: {  	v1 =	vld.idx.msk @!p3 [tilespmem:v1+s11+$0x0], $0xffff;
	_ =	sdelay $0x5  }
0x1fc: {  	[tilespmem:s0+$0x7810] =	vst @!p3 v1  }
0x1fd: {  	v1 =	vld.idx.msk @!p3 [tilespmem:v0+s3+$0x0], $0xffff;
	_ =	sdelay $0x5  }
0x1fe: {  	[tilespmem:s0+$0x5020] =	vst @!p3 v1;
	v1 =	vld @!p3 [tilespmem:s0+$0x30]  }
0x1ff: {  	v0 =	vld.idx.msk @!p3 [tilespmem:v0+s11+$0x0], $0xffff;
	_ =	sdelay $0x5  }
0x200: {  	[tilespmem:s0+$0x7820] =	vst @!p3 v0  }
0x201: {  	v0 =	vld.idx.msk @!p3 [tilespmem:v1+s3+$0x0], $0xffff;
	_ =	sdelay $0x5  }
0x202: {  	[tilespmem:s0+$0x5030] =	vst @!p3 v0;
	v0 =	vld @!p3 [tilespmem:s0+$0x40]  }
0x203: {  	v1 =	vld.idx.msk @!p3 [tilespmem:v1+s11+$0x0], $0xffff;
	_ =	sdelay $0x5  }
0x204: {  	[tilespmem:s0+$0x7830] =	vst @!p3 v1  }
0x205: {  	v1 =	vld.idx.msk @!p3 [tilespmem:v0+s3+$0x0], $0xffff;
	_ =	sdelay $0x5  }
0x206: {  	[tilespmem:s0+$0x5040] =	vst @!p3 v1;
	v1 =	vld @!p3 [tilespmem:s0+$0x50]  }
0x207: {  	v0 =	vld.idx.msk @!p3 [tilespmem:v0+s11+$0x0], $0xffff;
	_ =	sdelay $0x5  }
0x208: {  	[tilespmem:s0+$0x7840] =	vst @!p3 v0  }
0x209: {  	v0 =	vld.idx.msk @!p3 [tilespmem:v1+s3+$0x0], $0xffff;
	_ =	sdelay $0x5  }
0x20a: {  	[tilespmem:s0+$0x5050] =	vst @!p3 v0;
	v0 =	vld @!p3 [tilespmem:s0+$0x60]  }
0x20b: {  	v1 =	vld.idx.msk @!p3 [tilespmem:v1+s11+$0x0], $0xffff;
	_ =	sdelay $0x5  }
0x20c: {  	[tilespmem:s0+$0x7850] =	vst @!p3 v1  }
0x20d: {  	v1 =	vld.idx.msk @!p3 [tilespmem:v0+s3+$0x0], $0xffff;
	_ =	sdelay $0x5  }
0x20e: {  	[tilespmem:s0+$0x5060] =	vst @!p3 v1;
	v1 =	vld @!p3 [tilespmem:s0+$0x70]  }
0x20f: {  	v0 =	vld.idx.msk @!p3 [tilespmem:v0+s11+$0x0], $0xffff;
	_ =	sdelay $0x5  }
0x210: {  	[tilespmem:s0+$0x7860] =	vst @!p3 v0  }
0x211: {  	v0 =	vld.idx.msk @!p3 [tilespmem:v1+s3+$0x0], $0xffff;
	_ =	sdelay $0x5  }
0x212: {  	[tilespmem:s0+$0x5070] =	vst @!p3 v0  }
0x213: {  	v0 =	vld.idx.msk @!p3 [tilespmem:v1+s11+$0x0], $0xffff;
	_ =	sdelay $0x5  }
0x214: {  	s3 =	simm.s32 @!p3 $0x80;
	[tilespmem:s0+$0x7870] =	vst @!p3 v0;
	s0 =	sadd.s32 @!p3 $0x2800, s0  }
0x215: {  	[spmem:s1] =	stream.indirect.scatter.add.f32 @!p3 [tilespmem:s10], [sflag:$0x1], $0x1, s0, s3, $0xb8;
	[tilespmem:$0x10B80] =	vst v63  }
0x216: {  	p5 =	por p4, p3  }
0x217: {  	[spmem:s2] =	stream.indirect.scatter.add.f32 @!p3 [tilespmem:s25], [sflag:$0x1], $0x1, s0, s3, $0xb8;
	[tilespmem:$0x10B80] =	vst v63  }
.Ltmp0:
0x218: {  	s3 =	simm.s32 @!p5 $0x1;
	(pc) =	sbr.rel @p2 .LBB2_2-.Ltmp0, $4  }
0x219: {  	_ =	swait.ge @!p5 [sflag:s3], $0x80  }
0x21a: {  	[sflag:s3] =	ssyncset.done @!p5 $0x0  }
0x21b: {  	[sflag:s3] =	ssyncadd.s32 @!p5 $0xFFFFFF80  }
0x21c: {  	s5 =	sadd.s32 $0x1, s5;
	_ =	swait.ge @!p5 [sflag:s3], $0x80  }
0x21d: {  	p2 =	sge.u32 s5, s7;
	[sflag:s3] =	ssyncset.done @!p5 $0x0  }
0x21e: {  	s0 =	sshra.s32 @!p2 s31, $0x2;
	[sflag:s3] =	ssyncadd.s32 @!p5 $0xFFFFFF80  }
0x21f: {  	v0 =	vld @!p2 [tilespmem:s0+$0x0];
	_ =	sdelay $0x6  }
0x220: {  	s3 =	simm.s32 @!p2 $0xA000  }
0x221: {  	v1 =	vld.idx.msk @!p2 [tilespmem:v0+s3+$0x0], $0xffff;
	_ =	sdelay $0x3  }
0x222: {  	v2 =	vld @!p2 [tilespmem:s0+$0x10]  }
0x223: {  	s10 =	simm.s32 @!p2 $0xC800;
	[tilespmem:s0+$0x5000] =	vst @!p2 v1  }
0x224: {  	v0 =	vld.idx.msk @!p2 [tilespmem:v0+s10+$0x0], $0xffff;
	_ =	sdelay $0x4  }
0x225: {  	[tilespmem:s0+$0x7800] =	vst @!p2 v0  }
0x226: {  	v0 =	vld.idx.msk @!p2 [tilespmem:v2+s3+$0x0], $0xffff;
	_ =	sdelay $0x3  }
0x227: {  	v1 =	vld @!p2 [tilespmem:s0+$0x20]  }
0x228: {  	[tilespmem:s0+$0x5010] =	vst @!p2 v0  }
0x229: {  	v0 =	vld.idx.msk @!p2 [tilespmem:v2+s10+$0x0], $0xffff;
	_ =	sdelay $0x4  }
0x22a: {  	[tilespmem:s0+$0x7810] =	vst @!p2 v0  }
0x22b: {  	v0 =	vld.idx.msk @!p2 [tilespmem:v1+s3+$0x0], $0xffff;
	_ =	sdelay $0x3  }
0x22c: {  	v2 =	vld @!p2 [tilespmem:s0+$0x30]  }
0x22d: {  	[tilespmem:s0+$0x5020] =	vst @!p2 v0  }
0x22e: {  	v0 =	vld.idx.msk @!p2 [tilespmem:v1+s10+$0x0], $0xffff;
	_ =	sdelay $0x4  }
0x22f: {  	[tilespmem:s0+$0x7820] =	vst @!p2 v0  }
0x230: {  	v0 =	vld.idx.msk @!p2 [tilespmem:v2+s3+$0x0], $0xffff;
	_ =	sdelay $0x3  }
0x231: {  	v1 =	vld @!p2 [tilespmem:s0+$0x40]  }
0x232: {  	[tilespmem:s0+$0x5030] =	vst @!p2 v0  }
0x233: {  	v0 =	vld.idx.msk @!p2 [tilespmem:v2+s10+$0x0], $0xffff;
	_ =	sdelay $0x4  }
0x234: {  	[tilespmem:s0+$0x7830] =	vst @!p2 v0  }
0x235: {  	v0 =	vld.idx.msk @!p2 [tilespmem:v1+s3+$0x0], $0xffff;
	_ =	sdelay $0x3  }
0x236: {  	v2 =	vld @!p2 [tilespmem:s0+$0x50]  }
0x237: {  	[tilespmem:s0+$0x5040] =	vst @!p2 v0  }
0x238: {  	v0 =	vld.idx.msk @!p2 [tilespmem:v1+s10+$0x0], $0xffff;
	_ =	sdelay $0x4  }
0x239: {  	[tilespmem:s0+$0x7840] =	vst @!p2 v0  }
0x23a: {  	v0 =	vld.idx.msk @!p2 [tilespmem:v2+s3+$0x0], $0xffff;
	_ =	sdelay $0x3  }
0x23b: {  	v1 =	vld @!p2 [tilespmem:s0+$0x60]  }
0x23c: {  	[tilespmem:s0+$0x5050] =	vst @!p2 v0  }
0x23d: {  	v0 =	vld.idx.msk @!p2 [tilespmem:v2+s10+$0x0], $0xffff;
	_ =	sdelay $0x4  }
0x23e: {  	[tilespmem:s0+$0x7850] =	vst @!p2 v0  }
0x23f: {  	v0 =	vld.idx.msk @!p2 [tilespmem:v1+s3+$0x0], $0xffff;
	_ =	sdelay $0x3  }
0x240: {  	v2 =	vld @!p2 [tilespmem:s0+$0x70]  }
0x241: {  	[tilespmem:s0+$0x5060] =	vst @!p2 v0  }
0x242: {  	v0 =	vld.idx.msk @!p2 [tilespmem:v1+s10+$0x0], $0xffff;
	_ =	sdelay $0x4  }
0x243: {  	[tilespmem:s0+$0x7860] =	vst @!p2 v0  }
0x244: {  	v0 =	vld.idx.msk @!p2 [tilespmem:v2+s3+$0x0], $0xffff;
	_ =	sdelay $0x4  }
0x245: {  	[tilespmem:s0+$0x5070] =	vst @!p2 v0  }
0x246: {  	v0 =	vld.idx.msk @!p2 [tilespmem:v2+s10+$0x0], $0xffff;
	_ =	sdelay $0x3  }
0x247: {  	p3 =	slt.u32 @!p2 s5, $0x8  }
0x248: {  	s5 =	sadd.s32 @!p2 $0x2800, s0;
	s3 =	sadd.s32 @!p2 $0x5000, s0;
	s10 =	simm.s32 @!p2 $0x80;
	[tilespmem:s0+$0x7870] =	vst @!p2 v0  }
0x249: {  	[spmem:s1] =	stream.indirect.scatter.add.f32 @!p2 [tilespmem:s3], [sflag:$0x1], $0x1, s5, s10, $0xb8;
	[tilespmem:$0x10B80] =	vst v63  }
0x24a: {  	p3 =	por p3, p2;
	s0 =	sadd.s32 @!p2 $0x7800, s0  }
0x24b: {  	[spmem:s2] =	stream.indirect.scatter.add.f32 @!p2 [tilespmem:s0], [sflag:$0x1], $0x1, s5, s10, $0xb8;
	[tilespmem:$0x10B80] =	vst v63  }
0x24c: {  	s0 =	simm.s32 @!p3 $0x1  }
0x24d: {  	_ =	swait.ge @!p3 [sflag:s0], $0x80  }
0x24e: {  	[sflag:s0] =	ssyncset.done @!p3 $0x0  }
0x24f: {  	[sflag:s0] =	ssyncadd.s32 @!p3 $0xFFFFFF80  }
0x250: {  	_ =	swait.ge @!p3 [sflag:s0], $0x80  }
0x251: {  	[sflag:s0] =	ssyncset.done @!p3 $0x0  }
0x252: {  	[sflag:s0] =	ssyncadd.s32 @!p3 $0xFFFFFF80  }
0x253: {  	_ =	swait.ge [sflag:s28], $0x80  }
0x254: {  	[sflag:s28] =	ssyncset.done $0x0  }
0x255: {  	[sflag:s28] =	ssyncadd.s32 $0xFFFFFF80  }
0x256: {  	_ =	swait.ge [sflag:s28], $0x80  }
0x257: {  	[sflag:s28] =	ssyncset.done $0x0  }
0x258: {  	[sflag:s28] =	ssyncadd.s32 $0xFFFFFF80  }
0x259: {  	_ =	swait.ge [sflag:s28], $0x80  }
0x25a: {  	[sflag:s28] =	ssyncset.done $0x0  }
0x25b: {  	[sflag:s28] =	ssyncadd.s32 $0xFFFFFF80  }
0x25c: {  	_ =	swait.ge [sflag:s28], $0x80  }
0x25d: {  	[sflag:s28] =	ssyncset.done $0x0  }
0x25e: {  	[sflag:s28] =	ssyncadd.s32 $0xFFFFFF80  }
0x25f: {  	_ =	swait.ge [sflag:s28], $0x80  }
0x260: {  	[sflag:s28] =	ssyncset.done $0x0  }
0x261: {  	[sflag:s28] =	ssyncadd.s32 $0xFFFFFF80  }
0x262: {  	_ =	swait.ge [sflag:s28], $0x80  }
0x263: {  	[sflag:s28] =	ssyncset.done $0x0  }
0x264: {  	[sflag:s28] =	ssyncadd.s32 $0xFFFFFF80  }
0x265: {  	_ =	swait.ge [sflag:s28], $0x80  }
0x266: {  	[sflag:s28] =	ssyncset.done $0x0  }
0x267: {  	[sflag:s28] =	ssyncadd.s32 $0xFFFFFF80  }
0x268: {  	_ =	swait.ge [sflag:s28], $0x80  }
0x269: {  	[sflag:s28] =	ssyncset.done $0x0  }
0x26a: {  	[sflag:s28] =	ssyncadd.s32 $0xFFFFFF80  }
0x26b: {  	_ =	swait.ge [sflag:s28], $0x80  }
0x26c: {  	[sflag:s28] =	ssyncset.done $0x0  }
0x26d: {  	[sflag:s28] =	ssyncadd.s32 $0xFFFFFF80  }
0x26e: {  	_ =	swait.ge [sflag:s28], $0x80  }
0x26f: {  	[sflag:s28] =	ssyncset.done $0x0  }
0x270: {  	[sflag:s28] =	ssyncadd.s32 $0xFFFFFF80  }
0x271: {  	_ =	swait.ge [sflag:s28], $0x80  }
0x272: {  	[sflag:s28] =	ssyncset.done $0x0  }
0x273: {  	[sflag:s28] =	ssyncadd.s32 $0xFFFFFF80  }
0x274: {  	_ =	swait.ge [sflag:s28], $0x80  }
0x275: {  	[sflag:s28] =	ssyncset.done $0x0  }
0x276: {  	[sflag:s28] =	ssyncadd.s32 $0xFFFFFF80  }
0x277: {  	_ =	swait.ge [sflag:s28], $0x80  }
0x278: {  	[sflag:s28] =	ssyncset.done $0x0  }
0x279: {  	[sflag:s28] =	ssyncadd.s32 $0xFFFFFF80  }
0x27a: {  	_ =	swait.ge [sflag:s28], $0x80  }
0x27b: {  	[sflag:s28] =	ssyncset.done $0x0  }
0x27c: {  	[sflag:s28] =	ssyncadd.s32 $0xFFFFFF80  }
0x27d: {  	_ =	swait.ge [sflag:s28], $0x80  }
0x27e: {  	[sflag:s28] =	ssyncset.done $0x0  }
0x27f: {  	[sflag:s28] =	ssyncadd.s32 $0xFFFFFF80  }
0x280: {  	_ =	swait.ge [sflag:s28], $0x80  }
0x281: {  	s25 =	stileid.u32;
	[sflag:s28] =	ssyncset.done $0x0  }
0x282: {  	s0 =	sshll.u32 s25, $0x6;
	[sflag:s28] =	ssyncadd.s32 $0xFFFFFF80  }
0x283: {  	s30 =	sshrl.u32 s8, $0x3;
	s0 =	sor.u32 $0x1C02, s0;
	[bflag:$0x0] =	sbarrier.arrive $0xFFFF  }
0x284: {  	[hbm:s22], [sflag:s0] =	dma.local [spmem:s30], $0x50  }
0x285: {  	s29 =	sadd.s32 $0x1, s29;
	_ =	swait.ge [sflag:s26], $0x50  }
0x286: {  	p2 =	sne.s32 s29, s24;
	[sflag:s26] =	ssyncset.done $0x0  }
.Ltmp1:
0x287: {  	s31 =	sshrl.u32 s9, $0x3;
	[sflag:s26] =	ssyncadd.s32 $0xFFFFFFB0;
	(pc) =	sbr.rel @p2 .LBB2_1-.Ltmp1, $4  }
0x288: {  	[hbm:s23], [sflag:s0] =	dma.local [spmem:s31], $0x50  }
0x289: {  	_ =	swait.ge [sflag:s26], $0x50  }
0x28a: {  	[sflag:s26] =	ssyncset.done $0x0  }
0x28b: {  	[sflag:s26] =	ssyncadd.s32 $0xFFFFFFB0  }
0x28c: {  	_ =	sfence.sel $0x180000  }
0x28d: {  	[bflag:$0x0] =	sbarrier.arrive $0xFFFF  }
0x28e: {  	_ =	strace $0x9000004A  }
0x28f: {  	s0 =	stileid.u32;
	[bflag:$0x2] =	sbarrier.arrive $0xFFFF  }
0x290: {  	p0 =	sne.s32 s0, $0x0;
	s0 =	rddreg [dreg:$0x6]  }
0x291: {  	s0 =	sadd.s32 @!p0 $0x100000, s0  }
0x292: {  	[sflag:s0] =	ssyncadd.tile.s32 @!p0 $0x1;
	_ =	shalt  }
.Lfunc_end2:
_tile_overlayer_lowered:
.L_overlay_start_2:
0x293: {  	(tag) =	ssettag $0x2  }
0x294: {  	s0 =	rddreg [dreg:$0x0];
	s2 =	stileid.u32  }
0x295: {  	s1 =	rddreg [dreg:$0x1];
	p0 =	sne.s32 s2, $0x0  }
0x296: {  	s3 =	rddreg [dreg:$0x2];
	[bflag:$0x3] =	sbarrier.arrive $0xFFFF;
	s2 =	simm.s32 @!p0 $0x1C02  }
0x297: {  	[timem:s3], [sflag:s2] =	dma.local @!p0 [hbm:s0], s1  }
0x298: {  	s0 =	simm.s32 @!p0 $0x2  }
0x299: {  	_ =	swait.ge @!p0 [sflag:s0], s1  }
0x29a: {  	s1 =	ssub.s32 @!p0 $0x0, s1;
	[sflag:s0] =	ssyncset.done @!p0 $0x0  }
0x29b: {  	[sflag:s0] =	ssyncadd.s32 @!p0 s1  }
0x29c: {  	[bflag:$0x3] =	sbarrier.arrive $0xFFFF  }
0x29d: {  	_ =	shalt  }

</sc_bundles>
